<compile_context>
chip_gen: v7x
topology: tpu7x:2x2x1
jax: 0.10.2.dev20260603
libtpu: 0.0.44.dev20260713+nightly
codegen_flags: <defaults>
</compile_context>

<pallas_src>
import functools

import jax
import jax.numpy as jnp
from jax import lax
from jax.experimental import pallas as pl
from jax.experimental.pallas import tpu as pltpu
from jax.experimental.pallas import tpu_sc as plsc

EMB = 64
NV = 10000
NCL = 10000
NE = 160000
NROUND = 4
NCORES = 2
NSUB = 16
NW = NCORES * NSUB
CHUNK = 128
NCHUNK_TILE = 40
NCB = 10
EPAD = NSUB * NCB * 8 * CHUNK
ACC_R = 10112
ZROWS = ACC_R // NSUB
BROW = 1000
HIGHEST = lax.Precision.HIGHEST


def _dot_t(a, w):
    return lax.dot_general(a, w, (((1,), (1,)), ((), ())),
                           precision=HIGHEST, preferred_element_type=jnp.float32)


def _mlp3(x, w0, b0, w1, b1, w2, b2):
    h = jnp.maximum(_dot_t(x, w0) + b0, 0.0)
    h = jnp.maximum(_dot_t(h, w1) + b1, 0.0)
    return _dot_t(h, w2) + b2


def _full_spec(shape):
    nd = len(shape)
    return pl.BlockSpec(shape, lambda i, _n=nd: (0,) * _n)


def _sc_pass(msg, gidx, sidx, zrows):
    tbl_rows = msg.shape[0]
    base = (tbl_rows // NSUB) // 8 * 8
    rem = tbl_rows - base * NSUB
    mesh = plsc.VectorSubcoreMesh(core_axis_name="c", subcore_axis_name="s")
    out_type = jax.ShapeDtypeStruct((NCORES, ACC_R, EMB), jnp.float32)
    scratch = [
        pltpu.VMEM_SHARED((tbl_rows, EMB), jnp.float32),
        pltpu.VMEM_SHARED((ACC_R, EMB), jnp.float32),
        pltpu.VMEM((8, CHUNK), jnp.int32),
        pltpu.VMEM((8, CHUNK), jnp.int32),
        pltpu.VMEM((CHUNK, EMB), jnp.float32),
        pltpu.SemaphoreType.DMA,
    ]

    @functools.partial(
        pl.kernel, out_type=out_type, mesh=mesh, scratch_types=scratch,
        compiler_params=pltpu.CompilerParams(use_tc_tiling_on_sc=False))
    def body(msg_hbm, g_hbm, s_hbm, z_hbm, out_hbm,
             tbl, acc, gv, sv, rowbuf, sem):
        cid = lax.axis_index("c")
        sid = lax.axis_index("s")

        t0 = sid * base
        pltpu.sync_copy(msg_hbm.at[pl.ds(t0, base)], tbl.at[pl.ds(t0, base)])
        if rem:
            @pl.when(sid == 0)
            def _():
                pltpu.sync_copy(msg_hbm.at[pl.ds(base * NSUB, rem)],
                                tbl.at[pl.ds(base * NSUB, rem)])
        z0 = sid * ZROWS
        pltpu.sync_copy(z_hbm.at[pl.ds(z0, ZROWS)], acc.at[pl.ds(z0, ZROWS)])
        plsc.subcore_barrier()

        @pl.loop(0, NCB)
        def _(hb):
            pltpu.sync_copy(g_hbm.at[cid, sid, hb], gv)
            pltpu.sync_copy(s_hbm.at[cid, sid, hb], sv)

            @pl.loop(0, 8)
            def _(j):
                pltpu.async_copy(tbl.at[gv.at[j]], rowbuf, sem).wait()
                pltpu.sync_copy(rowbuf, acc.at[sv.at[j]], add=True)

        plsc.subcore_barrier()
        pltpu.sync_copy(acc.at[pl.ds(z0, ZROWS)],
                        out_hbm.at[cid, pl.ds(z0, ZROWS)])

    return body(msg, gidx, sidx, zrows)


def _mlp_call(x, w0, b0, w1, b1, w2, b2):
    n = x.shape[0]
    nb = n // BROW
    ws = (w0, b0, w1, b1, w2, b2)

    def body(x_ref, w0r, b0r, w1r, b1r, w2r, b2r, o_ref):
        o_ref[...] = _mlp3(x_ref[...], w0r[...], b0r[...], w1r[...],
                           b1r[...], w2r[...], b2r[...])

    return pl.pallas_call(
        body,
        grid=(nb,),
        in_specs=[pl.BlockSpec((BROW, EMB), lambda i: (i, 0))]
        + [_full_spec(w.shape) for w in ws],
        out_specs=pl.BlockSpec((BROW, EMB), lambda i: (i, 0)),
        out_shape=jax.ShapeDtypeStruct((n, EMB), jnp.float32),
    )(x, *ws)


def _lstm_body(msg_in, h, hf_or_none, c_old, wih, whh, b, with_msg, mlp_ws):
    wa = wih[:, :EMB]
    gates = _dot_t(msg_in, wa) if hf_or_none is None else (
        _dot_t(msg_in, wa) + _dot_t(hf_or_none, wih[:, EMB:]))
    gates = gates + _dot_t(h, whh) + b
    ig = jax.nn.sigmoid(gates[:, :EMB])
    fg = jax.nn.sigmoid(gates[:, EMB:2 * EMB])
    gg = jnp.tanh(gates[:, 2 * EMB:3 * EMB])
    og = jax.nn.sigmoid(gates[:, 3 * EMB:])
    c_new = fg * c_old + ig * gg
    h_new = og * jnp.tanh(c_new)
    msg = _mlp3(h_new, *mlp_ws) if with_msg else None
    return h_new, c_new, msg


def _lstm_l_call(l_h, l_c, c2l, wih, whh, b, mlp_ws, with_msg):
    nb = NV // BROW

    def body(h_ref, c_ref, cl_ref, wih_r, whh_r, b_r, *rest):
        if with_msg:
            (w0, b0, w1, b1, w2, b2, h_out, c_out, m_out) = rest
            mws = (w0[...], b0[...], w1[...], b1[...], w2[...], b2[...])
        else:
            (h_out, c_out) = rest
            mws = None
        hp, hn = h_ref[0], h_ref[1]
        x1 = jnp.concatenate([cl_ref[0], cl_ref[1]], axis=0)
        flip = jnp.concatenate([hn, hp], axis=0)
        h = jnp.concatenate([hp, hn], axis=0)
        c = jnp.concatenate([c_ref[0], c_ref[1]], axis=0)
        h_new, c_new, msg = _lstm_body(x1, h, flip, c, wih_r[...], whh_r[...],
                                       b_r[...], with_msg, mws)
        h_out[0], h_out[1] = h_new[:BROW], h_new[BROW:]
        c_out[0], c_out[1] = c_new[:BROW], c_new[BROW:]
        if with_msg:
            m_out[0], m_out[1] = msg[:BROW], msg[BROW:]

    pair = pl.BlockSpec((2, BROW, EMB), lambda i: (0, i, 0))
    w_in = [wih, whh, b]
    if with_msg:
        w_in += list(mlp_ws)
    out_shape = [jax.ShapeDtypeStruct((2, NV, EMB), jnp.float32)] * (3 if with_msg else 2)
    out_specs = [pair] * len(out_shape)
    return pl.pallas_call(
        body,
        grid=(nb,),
        in_specs=[pair, pair, pair] + [_full_spec(w.shape) for w in w_in],
        out_specs=out_specs,
        out_shape=out_shape,
    )(l_h, l_c, c2l, *w_in)


def _lstm_c_call(c_h, c_c, l2c_p, wih, whh, b, mlp_ws, with_msg):
    n = NCL
    nb = n // BROW

    def body(h_ref, c_ref, p_ref, wih_r, whh_r, b_r, *rest):
        if with_msg:
            (w0, b0, w1, b1, w2, b2, h_out, c_out, m_out) = rest
            mws = (w0[...], b0[...], w1[...], b1[...], w2[...], b2[...])
        else:
            (h_out, c_out) = rest
            mws = None
        x1 = p_ref[0] + p_ref[1]
        h_new, c_new, msg = _lstm_body(x1, h_ref[...], None, c_ref[...],
                                       wih_r[...], whh_r[...], b_r[...],
                                       with_msg, mws)
        h_out[...] = h_new
        c_out[...] = c_new
        if with_msg:
            m_out[...] = msg

    row = pl.BlockSpec((BROW, EMB), lambda i: (i, 0))
    part = pl.BlockSpec((2, BROW, EMB), lambda i: (0, i, 0))
    w_in = [wih, whh, b]
    if with_msg:
        w_in += list(mlp_ws)
    out_shape = [jax.ShapeDtypeStruct((n, EMB), jnp.float32)] * (3 if with_msg else 2)
    out_specs = [row] * len(out_shape)
    return pl.pallas_call(
        body,
        grid=(nb,),
        in_specs=[row, row, part] + [_full_spec(w.shape) for w in w_in],
        out_specs=out_specs,
        out_shape=out_shape,
    )(c_h, c_c, l2c_p, *w_in)


def _prep_edges(pos_edge_index, neg_edge_index):
    pos_src = pos_edge_index[0].astype(jnp.int32)
    pos_dst = pos_edge_index[1].astype(jnp.int32)
    neg_src = neg_edge_index[0].astype(jnp.int32)
    neg_dst = neg_edge_index[1].astype(jnp.int32)
    pad = EPAD - NE
    iot = lax.iota(jnp.int32, pad)
    spad = NV + iot % (ACC_R - NV)

    shp = (NSUB, NCB, 8, CHUNK)

    def mk(g, s, tbl_rows):
        gpad = iot % tbl_rows
        g = jnp.concatenate([g, gpad]).reshape(shp)
        s = jnp.concatenate([s, spad]).reshape(shp)
        return g, s

    g0, s0 = mk(pos_src, pos_dst, 2 * NV)
    g1, s1 = mk(neg_src + NV, neg_dst, 2 * NV)
    g2, s2 = mk(pos_dst, pos_src, NCL)
    g3, s3 = mk(neg_dst, neg_src, NCL)
    return ((jnp.stack([g0, g1]), jnp.stack([s0, s1])),
            (jnp.stack([g2, g3]), jnp.stack([s2, s3])))


def kernel(pos_l_emb, neg_l_emb, c_emb, pos_edge_index, neg_edge_index,
           l_mlp_w0, l_mlp_b0, l_mlp_w1, l_mlp_b1, l_mlp_w2, l_mlp_b2,
           c_mlp_w0, c_mlp_b0, c_mlp_w1, c_mlp_b1, c_mlp_w2, c_mlp_b2,
           l_wih, l_bih, l_whh, l_bhh, c_wih, c_bih, c_whh, c_bhh):
    l_ws = (l_mlp_w0, l_mlp_b0.reshape(1, EMB), l_mlp_w1,
            l_mlp_b1.reshape(1, EMB), l_mlp_w2, l_mlp_b2.reshape(1, EMB))
    c_ws = (c_mlp_w0, c_mlp_b0.reshape(1, EMB), c_mlp_w1,
            c_mlp_b1.reshape(1, EMB), c_mlp_w2, c_mlp_b2.reshape(1, EMB))
    l_b = (l_bih + l_bhh).reshape(1, 4 * EMB)
    c_b = (c_bih + c_bhh).reshape(1, 4 * EMB)

    (GA, SA), (GB, SB) = _prep_edges(pos_edge_index, neg_edge_index)
    zrows = jnp.zeros((ACC_R, EMB), jnp.float32)

    l_h = jnp.stack([pos_l_emb, neg_l_emb])
    l_c = jnp.zeros_like(l_h)
    c_h = c_emb
    c_c = jnp.zeros_like(c_h)

    l_msg = _mlp_call(l_h.reshape(2 * NV, EMB), *l_ws)
    c_msg = _mlp_call(c_h, *c_ws)
    for r in range(NROUND):
        l2c_p = _sc_pass(l_msg, GA, SA, zrows)
        c2l = _sc_pass(c_msg, GB, SB, zrows)
        wm = r < NROUND - 1
        lres = _lstm_l_call(l_h, l_c, c2l, l_wih, l_whh, l_b, l_ws, wm)
        cres = _lstm_c_call(c_h, c_c, l2c_p, c_wih, c_whh, c_b, c_ws, wm)
        if wm:
            l_h, l_c, l_msg = lres
            c_h, c_c, c_msg = cres
            l_msg = l_msg.reshape(2 * NV, EMB)
        else:
            l_h, l_c = lres
            c_h, c_c = cres
    return jnp.concatenate([l_h.reshape(2 * NV, EMB), c_h], axis=0)

# --- scband reference (transcript-rebuilt; emitter-appended) ---
"""Pipeline reference for scband-neuro-sat-39264591020540 (READ-ONLY COPY).

The authoritative reference and input builder live on the scoring server;
editing this copy changes nothing except your own understanding.
"""

import jax, jax.numpy as jnp
import numpy as np

EMB = 64
NUM_FC = 3
NUM_ROUND = 4
N_VARS = 10000
N_CLAUSES = 10000
N_EDGES = 160000


def _init_linear(key, out_dim, in_dim):
    k1, k2 = jax.random.split(key)
    bound = 1.0 / np.sqrt(in_dim)
    W = jax.random.uniform(k1, (out_dim, in_dim), minval=-bound, maxval=bound, dtype=jnp.float32)
    b = jax.random.uniform(k2, (out_dim,), minval=-bound, maxval=bound, dtype=jnp.float32)
    return W, b


def setup_inputs(seed: int = 0):
    key = jax.random.key(seed)
    ks = jax.random.split(key, 20)
    inp = {}
    inp["pos_l_emb"] = jax.random.normal(ks[0], (N_VARS, EMB), dtype=jnp.float32)
    inp["neg_l_emb"] = jax.random.normal(ks[1], (N_VARS, EMB), dtype=jnp.float32)
    inp["c_emb"] = jax.random.normal(ks[2], (N_CLAUSES, EMB), dtype=jnp.float32)
    inp["pos_edge_index"] = jax.random.randint(ks[3], (2, N_EDGES), 0, N_VARS)
    inp["neg_edge_index"] = jax.random.randint(ks[4], (2, N_EDGES), 0, N_VARS)
    for i in range(NUM_FC):
        W, b = _init_linear(ks[5 + i], EMB, EMB)
        inp["l_mlp_w%d" % i] = W
        inp["l_mlp_b%d" % i] = b
        W, b = _init_linear(ks[8 + i], EMB, EMB)
        inp["c_mlp_w%d" % i] = W
        inp["c_mlp_b%d" % i] = b
    Wih, bih = _init_linear(ks[11], 4 * EMB, 2 * EMB)
    Whh, bhh = _init_linear(ks[12], 4 * EMB, EMB)
    inp["l_wih"], inp["l_bih"], inp["l_whh"], inp["l_bhh"] = Wih, bih, Whh, bhh
    Wih, bih = _init_linear(ks[13], 4 * EMB, EMB)
    Whh, bhh = _init_linear(ks[14], 4 * EMB, EMB)
    inp["c_wih"], inp["c_bih"], inp["c_whh"], inp["c_bhh"] = Wih, bih, Whh, bhh
    return inp


def _mlp(x, ws, bs):
    for i in range(len(ws)):
        x = x @ ws[i].T + bs[i]
        if i < len(ws) - 1:
            x = jax.nn.relu(x)
    return x


def _lstm_cell(x, h, c, wih, whh, bih, bhh):
    gates = x @ wih.T + bih + h @ whh.T + bhh
    i, f, g, o = jnp.split(gates, 4, axis=-1)
    i = jax.nn.sigmoid(i)
    f = jax.nn.sigmoid(f)
    g = jnp.tanh(g)
    o = jax.nn.sigmoid(o)
    c_new = f * c + i * g
    h_new = o * jnp.tanh(c_new)
    return h_new, c_new


def reference(pos_l_emb, neg_l_emb, c_emb, pos_edge_index, neg_edge_index,
              l_mlp_w0, l_mlp_b0, l_mlp_w1, l_mlp_b1, l_mlp_w2, l_mlp_b2,
              c_mlp_w0, c_mlp_b0, c_mlp_w1, c_mlp_b1, c_mlp_w2, c_mlp_b2,
              l_wih, l_bih, l_whh, l_bhh, c_wih, c_bih, c_whh, c_bhh):
    l_ws = [l_mlp_w0, l_mlp_w1, l_mlp_w2]
    l_bs = [l_mlp_b0, l_mlp_b1, l_mlp_b2]
    c_ws = [c_mlp_w0, c_mlp_w1, c_mlp_w2]
    c_bs = [c_mlp_b0, c_mlp_b1, c_mlp_b2]
    pos_src, pos_dst = pos_edge_index[0], pos_edge_index[1]
    neg_src, neg_dst = neg_edge_index[0], neg_edge_index[1]
    l_h = jnp.concatenate([pos_l_emb, neg_l_emb], axis=0)
    l_c = jnp.zeros_like(l_h)
    c_h = c_emb
    c_c = jnp.zeros_like(c_h)
    for _ in range(NUM_ROUND):
        l_msg = _mlp(l_h, l_ws, l_bs)
        pos_msg, neg_msg = jnp.split(l_msg, 2, axis=0)
        l2c = (jax.ops.segment_sum(pos_msg[pos_src], pos_dst, num_segments=N_CLAUSES)
               + jax.ops.segment_sum(neg_msg[neg_src], neg_dst, num_segments=N_CLAUSES))
        c_msg = _mlp(c_h, c_ws, c_bs)
        pos_c2l = jax.ops.segment_sum(c_msg[pos_dst], pos_src, num_segments=N_VARS)
        neg_c2l = jax.ops.segment_sum(c_msg[neg_dst], neg_src, num_segments=N_VARS)
        c2l = jnp.concatenate([pos_c2l, neg_c2l], axis=0)
        pos_h, neg_h = jnp.split(l_h, 2, axis=0)
        flip = jnp.concatenate([neg_h, pos_h], axis=0)
        l_h, l_c = _lstm_cell(jnp.concatenate([c2l, flip], axis=1), l_h, l_c, l_wih, l_whh, l_bih, l_bhh)
        c_h, c_c = _lstm_cell(l2c, c_h, c_c, c_wih, c_whh, c_bih, c_bhh)
    return jnp.concatenate([l_h, c_h], axis=0)

if __name__ == "__main__":
    import jax
    _d = setup_inputs()
    print(jax.jit(kernel)(*tuple(_d.values())))

</pallas_src>

<mosaic_0001>
#map = affine_map<(d0, d1) -> (0, 0)>
#map1 = affine_map<(d0, d1) -> (0, 0, 0, 0, 0)>
#map2 = affine_map<(d0, d1) -> (0, 0, 0)>
module attributes {stable_mosaic.version = 14 : i64} {
  func.func @body(%arg0: i32, %arg1: i32, %arg2: memref<10000x64xf32, #tpu.memory_space<hbm>>, %arg3: memref<2x16x10x8x128xi32, #tpu.memory_space<hbm>>, %arg4: memref<2x16x10x8x128xi32, #tpu.memory_space<hbm>>, %arg5: memref<10112x64xf32, #tpu.memory_space<hbm>>, %arg6: memref<2x10112x64xf32, #tpu.memory_space<hbm>>, %arg7: memref<10000x64xf32, #tpu.memory_space<vmem_shared>>, %arg8: memref<10112x64xf32, #tpu.memory_space<vmem_shared>>, %arg9: memref<8x128xi32, #tpu.memory_space<vmem>>, %arg10: memref<8x128xi32, #tpu.memory_space<vmem>>, %arg11: memref<128x64xf32, #tpu.memory_space<vmem>>, %arg12: memref<!tpu.dma_semaphore, #tpu.memory_space<semaphore_mem>>) attributes {dimension_semantics = [#tpu.dimension_semantics<core_parallel>, #tpu.dimension_semantics<subcore_parallel>], iteration_bounds = array<i64: 2, 16>, scalar_prefetch = 0 : i64, scratch_operands = 6 : i64, tpu.core_type = #tpu.core_type<sc_vector_subcore>, window_params = [{transform_indices = #map}, {transform_indices = #map1}, {transform_indices = #map1}, {transform_indices = #map}, {transform_indices = #map2}]} {
    %mul3A = arith.constant 624 : i32
    %mul3A_0 = arith.muli %arg1, %mul3A : i32
    "tpu.region"() ({
      %run_scoped3A = tpu.sem_alloc : memref<!tpu.dma_semaphore, #tpu.memory_space<semaphore_mem>>
      %dma_start3A = arith.constant 0 : i32
      %dma_start3A_10 = tpu.memref_slice %arg7[%mul3A_0, %dma_start3A] : memref<10000x64xf32, #tpu.memory_space<vmem_shared>> -> memref<624x64xf32, #tpu.memory_space<vmem_shared>>
      %dma_start3A_11 = arith.constant 0 : i32
      %dma_start3A_12 = tpu.memref_slice %arg2[%mul3A_0, %dma_start3A_11] : memref<10000x64xf32, #tpu.memory_space<hbm>> -> memref<624x64xf32, #tpu.memory_space<hbm>>
      tpu.enqueue_dma source(%dma_start3A_12 : memref<624x64xf32, #tpu.memory_space<hbm>>) target(%dma_start3A_10 : memref<624x64xf32, #tpu.memory_space<vmem_shared>>) target_semaphore(%run_scoped3A : memref<!tpu.dma_semaphore, #tpu.memory_space<semaphore_mem>>)
      %dma_wait3A = arith.constant 0 : i32
      %dma_wait3A_13 = tpu.memref_slice %arg7[%mul3A_0, %dma_wait3A] : memref<10000x64xf32, #tpu.memory_space<vmem_shared>> -> memref<624x64xf32, #tpu.memory_space<vmem_shared>>
      %dma_wait3A_14 = arith.constant 0 : i32
      %dma_wait3A_15 = tpu.memref_slice %arg2[%mul3A_0, %dma_wait3A_14] : memref<10000x64xf32, #tpu.memory_space<hbm>> -> memref<624x64xf32, #tpu.memory_space<hbm>>
      tpu.wait_dma2 semaphore(%run_scoped3A : memref<!tpu.dma_semaphore, #tpu.memory_space<semaphore_mem>>) src(%dma_wait3A_15 : memref<624x64xf32, #tpu.memory_space<hbm>>) dst(%dma_wait3A_13 : memref<624x64xf32, #tpu.memory_space<vmem_shared>>)
      tpu.yield
    }) : () -> ()
    %eq3A = arith.constant 0 : i32
    %eq3A_1 = arith.cmpi eq, %arg1, %eq3A : i32
    %convert_element_type3A = arith.extui %eq3A_1 : i1 to i32
    %cond3A = arith.constant 0 : i32
    %cond3A_2 = arith.cmpi ne, %convert_element_type3A, %cond3A : i32
    scf.if %cond3A_2 {
      "tpu.region"() ({
        %run_scoped3A = tpu.sem_alloc : memref<!tpu.dma_semaphore, #tpu.memory_space<semaphore_mem>>
        %dma_start3A = arith.constant 9984 : i32
        %dma_start3A_10 = arith.constant 0 : i32
        %dma_start3A_11 = tpu.memref_slice %arg7[%dma_start3A, %dma_start3A_10] : memref<10000x64xf32, #tpu.memory_space<vmem_shared>> -> memref<16x64xf32, #tpu.memory_space<vmem_shared>>
        %dma_start3A_12 = arith.constant 9984 : i32
        %dma_start3A_13 = arith.constant 0 : i32
        %dma_start3A_14 = tpu.memref_slice %arg2[%dma_start3A_12, %dma_start3A_13] : memref<10000x64xf32, #tpu.memory_space<hbm>> -> memref<16x64xf32, #tpu.memory_space<hbm>>
        tpu.enqueue_dma source(%dma_start3A_14 : memref<16x64xf32, #tpu.memory_space<hbm>>) target(%dma_start3A_11 : memref<16x64xf32, #tpu.memory_space<vmem_shared>>) target_semaphore(%run_scoped3A : memref<!tpu.dma_semaphore, #tpu.memory_space<semaphore_mem>>)
        %dma_wait3A = arith.constant 9984 : i32
        %dma_wait3A_15 = arith.constant 0 : i32
        %dma_wait3A_16 = tpu.memref_slice %arg7[%dma_wait3A, %dma_wait3A_15] : memref<10000x64xf32, #tpu.memory_space<vmem_shared>> -> memref<16x64xf32, #tpu.memory_space<vmem_shared>>
        %dma_wait3A_17 = arith.constant 9984 : i32
        %dma_wait3A_18 = arith.constant 0 : i32
        %dma_wait3A_19 = tpu.memref_slice %arg2[%dma_wait3A_17, %dma_wait3A_18] : memref<10000x64xf32, #tpu.memory_space<hbm>> -> memref<16x64xf32, #tpu.memory_space<hbm>>
        tpu.wait_dma2 semaphore(%run_scoped3A : memref<!tpu.dma_semaphore, #tpu.memory_space<semaphore_mem>>) src(%dma_wait3A_19 : memref<16x64xf32, #tpu.memory_space<hbm>>) dst(%dma_wait3A_16 : memref<16x64xf32, #tpu.memory_space<vmem_shared>>)
        tpu.yield
      }) : () -> ()
    } else {
    }
    %mul3A_3 = arith.constant 632 : i32
    %mul3A_4 = arith.muli %arg1, %mul3A_3 : i32
    "tpu.region"() ({
      %run_scoped3A = tpu.sem_alloc : memref<!tpu.dma_semaphore, #tpu.memory_space<semaphore_mem>>
      %dma_start3A = arith.constant 0 : i32
      %dma_start3A_10 = tpu.memref_slice %arg8[%mul3A_4, %dma_start3A] : memref<10112x64xf32, #tpu.memory_space<vmem_shared>> -> memref<632x64xf32, #tpu.memory_space<vmem_shared>>
      %dma_start3A_11 = arith.constant 0 : i32
      %dma_start3A_12 = tpu.memref_slice %arg5[%mul3A_4, %dma_start3A_11] : memref<10112x64xf32, #tpu.memory_space<hbm>> -> memref<632x64xf32, #tpu.memory_space<hbm>>
      tpu.enqueue_dma source(%dma_start3A_12 : memref<632x64xf32, #tpu.memory_space<hbm>>) target(%dma_start3A_10 : memref<632x64xf32, #tpu.memory_space<vmem_shared>>) target_semaphore(%run_scoped3A : memref<!tpu.dma_semaphore, #tpu.memory_space<semaphore_mem>>)
      %dma_wait3A = arith.constant 0 : i32
      %dma_wait3A_13 = tpu.memref_slice %arg8[%mul3A_4, %dma_wait3A] : memref<10112x64xf32, #tpu.memory_space<vmem_shared>> -> memref<632x64xf32, #tpu.memory_space<vmem_shared>>
      %dma_wait3A_14 = arith.constant 0 : i32
      %dma_wait3A_15 = tpu.memref_slice %arg5[%mul3A_4, %dma_wait3A_14] : memref<10112x64xf32, #tpu.memory_space<hbm>> -> memref<632x64xf32, #tpu.memory_space<hbm>>
      tpu.wait_dma2 semaphore(%run_scoped3A : memref<!tpu.dma_semaphore, #tpu.memory_space<semaphore_mem>>) src(%dma_wait3A_15 : memref<632x64xf32, #tpu.memory_space<hbm>>) dst(%dma_wait3A_13 : memref<632x64xf32, #tpu.memory_space<vmem_shared>>)
      tpu.yield
    }) : () -> ()
    %barrier3A = arith.constant 0 : index
    tpu.barrier barrier_id(%barrier3A)
    %scan3A = arith.constant 0 : i32
    %scan3A_5 = arith.constant 10 : i32
    %scan3A_6 = arith.addi %scan3A, %scan3A_5 : i32
    %scan3A_7 = arith.constant 1 : i32
    scf.for %scan3A_10 = %scan3A to %scan3A_6 step %scan3A_7  : i32 {
      %mul3A_11 = arith.constant 1 : i32
      %mul3A_12 = arith.muli %scan3A_10, %mul3A_11 : i32
      %add3A = arith.constant 0 : i32
      %add3A_13 = arith.addi %add3A, %mul3A_12 : i32
      "tpu.region"() ({
        %run_scoped3A = tpu.sem_alloc : memref<!tpu.dma_semaphore, #tpu.memory_space<semaphore_mem>>
        %dma_start3A = arith.constant 0 : i32
        %dma_start3A_19 = arith.constant 0 : i32
        %dma_start3A_20 = tpu.memref_slice %arg3[%arg0, %arg1, %add3A_13, %dma_start3A, %dma_start3A_19] : memref<2x16x10x8x128xi32, #tpu.memory_space<hbm>> -> memref<1x1x1x8x128xi32, #tpu.memory_space<hbm>>
        %dma_start3A_21 = tpu.memref_squeeze %dma_start3A_20 : memref<1x1x1x8x128xi32, #tpu.memory_space<hbm>> -> memref<8x128xi32, #tpu.memory_space<hbm>>
        %dma_start3A_22 = arith.constant 0 : i32
        %dma_start3A_23 = arith.constant 0 : i32
        %dma_start3A_24 = tpu.memref_slice %arg3[%arg0, %arg1, %add3A_13, %dma_start3A_22, %dma_start3A_23] : memref<2x16x10x8x128xi32, #tpu.memory_space<hbm>> -> memref<1x1x1x8x128xi32, #tpu.memory_space<hbm>>
        %dma_start3A_25 = tpu.memref_squeeze %dma_start3A_24 : memref<1x1x1x8x128xi32, #tpu.memory_space<hbm>> -> memref<8x128xi32, #tpu.memory_space<hbm>>
        tpu.enqueue_dma source(%dma_start3A_25 : memref<8x128xi32, #tpu.memory_space<hbm>>) target(%arg9 : memref<8x128xi32, #tpu.memory_space<vmem>>) target_semaphore(%run_scoped3A : memref<!tpu.dma_semaphore, #tpu.memory_space<semaphore_mem>>)
        %dma_wait3A = arith.constant 0 : i32
        %dma_wait3A_26 = arith.constant 0 : i32
        %dma_wait3A_27 = tpu.memref_slice %arg3[%arg0, %arg1, %add3A_13, %dma_wait3A, %dma_wait3A_26] : memref<2x16x10x8x128xi32, #tpu.memory_space<hbm>> -> memref<1x1x1x8x128xi32, #tpu.memory_space<hbm>>
        %dma_wait3A_28 = tpu.memref_squeeze %dma_wait3A_27 : memref<1x1x1x8x128xi32, #tpu.memory_space<hbm>> -> memref<8x128xi32, #tpu.memory_space<hbm>>
        %dma_wait3A_29 = arith.constant 0 : i32
        %dma_wait3A_30 = arith.constant 0 : i32
        %dma_wait3A_31 = tpu.memref_slice %arg3[%arg0, %arg1, %add3A_13, %dma_wait3A_29, %dma_wait3A_30] : memref<2x16x10x8x128xi32, #tpu.memory_space<hbm>> -> memref<1x1x1x8x128xi32, #tpu.memory_space<hbm>>
        %dma_wait3A_32 = tpu.memref_squeeze %dma_wait3A_31 : memref<1x1x1x8x128xi32, #tpu.memory_space<hbm>> -> memref<8x128xi32, #tpu.memory_space<hbm>>
        tpu.wait_dma2 semaphore(%run_scoped3A : memref<!tpu.dma_semaphore, #tpu.memory_space<semaphore_mem>>) src(%dma_wait3A_32 : memref<8x128xi32, #tpu.memory_space<hbm>>) dst(%arg9 : memref<8x128xi32, #tpu.memory_space<vmem>>)
        tpu.yield
      }) : () -> ()
      "tpu.region"() ({
        %run_scoped3A = tpu.sem_alloc : memref<!tpu.dma_semaphore, #tpu.memory_space<semaphore_mem>>
        %dma_start3A = arith.constant 0 : i32
        %dma_start3A_19 = arith.constant 0 : i32
        %dma_start3A_20 = tpu.memref_slice %arg4[%arg0, %arg1, %add3A_13, %dma_start3A, %dma_start3A_19] : memref<2x16x10x8x128xi32, #tpu.memory_space<hbm>> -> memref<1x1x1x8x128xi32, #tpu.memory_space<hbm>>
        %dma_start3A_21 = tpu.memref_squeeze %dma_start3A_20 : memref<1x1x1x8x128xi32, #tpu.memory_space<hbm>> -> memref<8x128xi32, #tpu.memory_space<hbm>>
        %dma_start3A_22 = arith.constant 0 : i32
        %dma_start3A_23 = arith.constant 0 : i32
        %dma_start3A_24 = tpu.memref_slice %arg4[%arg0, %arg1, %add3A_13, %dma_start3A_22, %dma_start3A_23] : memref<2x16x10x8x128xi32, #tpu.memory_space<hbm>> -> memref<1x1x1x8x128xi32, #tpu.memory_space<hbm>>
        %dma_start3A_25 = tpu.memref_squeeze %dma_start3A_24 : memref<1x1x1x8x128xi32, #tpu.memory_space<hbm>> -> memref<8x128xi32, #tpu.memory_space<hbm>>
        tpu.enqueue_dma source(%dma_start3A_25 : memref<8x128xi32, #tpu.memory_space<hbm>>) target(%arg10 : memref<8x128xi32, #tpu.memory_space<vmem>>) target_semaphore(%run_scoped3A : memref<!tpu.dma_semaphore, #tpu.memory_space<semaphore_mem>>)
        %dma_wait3A = arith.constant 0 : i32
        %dma_wait3A_26 = arith.constant 0 : i32
        %dma_wait3A_27 = tpu.memref_slice %arg4[%arg0, %arg1, %add3A_13, %dma_wait3A, %dma_wait3A_26] : memref<2x16x10x8x128xi32, #tpu.memory_space<hbm>> -> memref<1x1x1x8x128xi32, #tpu.memory_space<hbm>>
        %dma_wait3A_28 = tpu.memref_squeeze %dma_wait3A_27 : memref<1x1x1x8x128xi32, #tpu.memory_space<hbm>> -> memref<8x128xi32, #tpu.memory_space<hbm>>
        %dma_wait3A_29 = arith.constant 0 : i32
        %dma_wait3A_30 = arith.constant 0 : i32
        %dma_wait3A_31 = tpu.memref_slice %arg4[%arg0, %arg1, %add3A_13, %dma_wait3A_29, %dma_wait3A_30] : memref<2x16x10x8x128xi32, #tpu.memory_space<hbm>> -> memref<1x1x1x8x128xi32, #tpu.memory_space<hbm>>
        %dma_wait3A_32 = tpu.memref_squeeze %dma_wait3A_31 : memref<1x1x1x8x128xi32, #tpu.memory_space<hbm>> -> memref<8x128xi32, #tpu.memory_space<hbm>>
        tpu.wait_dma2 semaphore(%run_scoped3A : memref<!tpu.dma_semaphore, #tpu.memory_space<semaphore_mem>>) src(%dma_wait3A_32 : memref<8x128xi32, #tpu.memory_space<hbm>>) dst(%arg10 : memref<8x128xi32, #tpu.memory_space<vmem>>)
        tpu.yield
      }) : () -> ()
      %scan3A_14 = arith.constant 0 : i32
      %scan3A_15 = arith.constant 8 : i32
      %scan3A_16 = arith.addi %scan3A_14, %scan3A_15 : i32
      %scan3A_17 = arith.constant 1 : i32
      scf.for %scan3A_19 = %scan3A_14 to %scan3A_16 step %scan3A_17  : i32 {
        %mul3A_20 = arith.constant 1 : i32
        %mul3A_21 = arith.muli %scan3A_19, %mul3A_20 : i32
        %add3A_22 = arith.constant 0 : i32
        %add3A_23 = arith.addi %add3A_22, %mul3A_21 : i32
        %dma_start3A = arith.constant 0 : i32
        %dma_start3A_24 = tpu.memref_slice %arg9[%add3A_23, %dma_start3A] : memref<8x128xi32, #tpu.memory_space<vmem>> -> memref<1x128xi32, #tpu.memory_space<vmem>>
        %dma_start3A_25 = tpu.memref_squeeze %dma_start3A_24 : memref<1x128xi32, #tpu.memory_space<vmem>> -> memref<128xi32, #tpu.memory_space<vmem>>
        %dma_start3A_26 = arith.constant 0 : i32
        %dma_start3A_27 = arith.constant 0 : i32
        %dma_start3A_28 = tpu.memref_slice %arg7[%dma_start3A_26, %dma_start3A_27] : memref<10000x64xf32, #tpu.memory_space<vmem_shared>> -> memref<10000x64xf32, #tpu.memory_space<vmem_shared>>
        tpu.enqueue_indirect_dma source(%dma_start3A_28 : memref<10000x64xf32, #tpu.memory_space<vmem_shared>>) target(%arg11 : memref<128x64xf32, #tpu.memory_space<vmem>>) offsets(%dma_start3A_25 : memref<128xi32, #tpu.memory_space<vmem>>) semaphore(%arg12 : memref<!tpu.dma_semaphore, #tpu.memory_space<semaphore_mem>>)
        %dma_wait3A = arith.constant 0 : i32
        %dma_wait3A_29 = tpu.memref_slice %arg9[%add3A_23, %dma_wait3A] : memref<8x128xi32, #tpu.memory_space<vmem>> -> memref<1x128xi32, #tpu.memory_space<vmem>>
        %dma_wait3A_30 = tpu.memref_squeeze %dma_wait3A_29 : memref<1x128xi32, #tpu.memory_space<vmem>> -> memref<128xi32, #tpu.memory_space<vmem>>
        %dma_wait3A_31 = arith.constant 0 : i32
        %dma_wait3A_32 = arith.constant 0 : i32
        %dma_wait3A_33 = tpu.memref_slice %arg7[%dma_wait3A_31, %dma_wait3A_32] : memref<10000x64xf32, #tpu.memory_space<vmem_shared>> -> memref<10000x64xf32, #tpu.memory_space<vmem_shared>>
        tpu.wait_indirect_dma semaphore(%arg12 : memref<!tpu.dma_semaphore, #tpu.memory_space<semaphore_mem>>) src(%dma_wait3A_33 : memref<10000x64xf32, #tpu.memory_space<vmem_shared>>) dst(%arg11 : memref<128x64xf32, #tpu.memory_space<vmem>>)
        "tpu.region"() ({
          %run_scoped3A = tpu.sem_alloc : memref<!tpu.dma_semaphore, #tpu.memory_space<semaphore_mem>>
          %dma_start3A_34 = arith.constant 0 : i32
          %dma_start3A_35 = tpu.memref_slice %arg10[%add3A_23, %dma_start3A_34] : memref<8x128xi32, #tpu.memory_space<vmem>> -> memref<1x128xi32, #tpu.memory_space<vmem>>
          %dma_start3A_36 = tpu.memref_squeeze %dma_start3A_35 : memref<1x128xi32, #tpu.memory_space<vmem>> -> memref<128xi32, #tpu.memory_space<vmem>>
          %dma_start3A_37 = arith.constant 0 : i32
          %dma_start3A_38 = arith.constant 0 : i32
          %dma_start3A_39 = tpu.memref_slice %arg8[%dma_start3A_37, %dma_start3A_38] : memref<10112x64xf32, #tpu.memory_space<vmem_shared>> -> memref<10112x64xf32, #tpu.memory_space<vmem_shared>>
          tpu.enqueue_indirect_dma source(%arg11 : memref<128x64xf32, #tpu.memory_space<vmem>>) target(%dma_start3A_39 : memref<10112x64xf32, #tpu.memory_space<vmem_shared>>) offsets(%dma_start3A_36 : memref<128xi32, #tpu.memory_space<vmem>>) semaphore(%run_scoped3A : memref<!tpu.dma_semaphore, #tpu.memory_space<semaphore_mem>>) {add = true}
          %dma_wait3A_40 = arith.constant 0 : i32
          %dma_wait3A_41 = tpu.memref_slice %arg10[%add3A_23, %dma_wait3A_40] : memref<8x128xi32, #tpu.memory_space<vmem>> -> memref<1x128xi32, #tpu.memory_space<vmem>>
          %dma_wait3A_42 = tpu.memref_squeeze %dma_wait3A_41 : memref<1x128xi32, #tpu.memory_space<vmem>> -> memref<128xi32, #tpu.memory_space<vmem>>
          %dma_wait3A_43 = arith.constant 0 : i32
          %dma_wait3A_44 = arith.constant 0 : i32
          %dma_wait3A_45 = tpu.memref_slice %arg8[%dma_wait3A_43, %dma_wait3A_44] : memref<10112x64xf32, #tpu.memory_space<vmem_shared>> -> memref<10112x64xf32, #tpu.memory_space<vmem_shared>>
          tpu.wait_indirect_dma semaphore(%run_scoped3A : memref<!tpu.dma_semaphore, #tpu.memory_space<semaphore_mem>>) src(%arg11 : memref<128x64xf32, #tpu.memory_space<vmem>>) dst(%dma_wait3A_45 : memref<10112x64xf32, #tpu.memory_space<vmem_shared>>)
          tpu.yield
        }) : () -> ()
      }
      %scan3A_18 = arith.constant 8 : i32
    }
    %scan3A_8 = arith.constant 10 : i32
    %barrier3A_9 = arith.constant 0 : index
    tpu.barrier barrier_id(%barrier3A_9)
    "tpu.region"() ({
      %run_scoped3A = tpu.sem_alloc : memref<!tpu.dma_semaphore, #tpu.memory_space<semaphore_mem>>
      %dma_start3A = arith.constant 0 : i32
      %dma_start3A_10 = tpu.memref_slice %arg6[%arg0, %mul3A_4, %dma_start3A] : memref<2x10112x64xf32, #tpu.memory_space<hbm>> -> memref<1x632x64xf32, #tpu.memory_space<hbm>>
      %dma_start3A_11 = tpu.memref_squeeze %dma_start3A_10 : memref<1x632x64xf32, #tpu.memory_space<hbm>> -> memref<632x64xf32, #tpu.memory_space<hbm>>
      %dma_start3A_12 = arith.constant 0 : i32
      %dma_start3A_13 = tpu.memref_slice %arg8[%mul3A_4, %dma_start3A_12] : memref<10112x64xf32, #tpu.memory_space<vmem_shared>> -> memref<632x64xf32, #tpu.memory_space<vmem_shared>>
      tpu.enqueue_dma source(%dma_start3A_13 : memref<632x64xf32, #tpu.memory_space<vmem_shared>>) target(%dma_start3A_11 : memref<632x64xf32, #tpu.memory_space<hbm>>) target_semaphore(%run_scoped3A : memref<!tpu.dma_semaphore, #tpu.memory_space<semaphore_mem>>)
      %dma_wait3A = arith.constant 0 : i32
      %dma_wait3A_14 = tpu.memref_slice %arg6[%arg0, %mul3A_4, %dma_wait3A] : memref<2x10112x64xf32, #tpu.memory_space<hbm>> -> memref<1x632x64xf32, #tpu.memory_space<hbm>>
      %dma_wait3A_15 = tpu.memref_squeeze %dma_wait3A_14 : memref<1x632x64xf32, #tpu.memory_space<hbm>> -> memref<632x64xf32, #tpu.memory_space<hbm>>
      %dma_wait3A_16 = arith.constant 0 : i32
      %dma_wait3A_17 = tpu.memref_slice %arg8[%mul3A_4, %dma_wait3A_16] : memref<10112x64xf32, #tpu.memory_space<vmem_shared>> -> memref<632x64xf32, #tpu.memory_space<vmem_shared>>
      tpu.wait_dma2 semaphore(%run_scoped3A : memref<!tpu.dma_semaphore, #tpu.memory_space<semaphore_mem>>) src(%dma_wait3A_17 : memref<632x64xf32, #tpu.memory_space<vmem_shared>>) dst(%dma_wait3A_15 : memref<632x64xf32, #tpu.memory_space<hbm>>)
      tpu.yield
    }) : () -> ()
    return
  }
}

#map = affine_map<(d0, d1) -> (0, 0)>
#map1 = affine_map<(d0, d1) -> (0, 0, 0, 0, 0)>
#map2 = affine_map<(d0, d1) -> (0, 0, 0)>
module attributes {stable_mosaic.version = 14 : i64} {
  func.func @body(%arg0: i32, %arg1: i32, %arg2: memref<10000x64xf32, #tpu.memory_space<hbm>>, %arg3: memref<2x16x10x8x128xi32, #tpu.memory_space<hbm>>, %arg4: memref<2x16x10x8x128xi32, #tpu.memory_space<hbm>>, %arg5: memref<10112x64xf32, #tpu.memory_space<hbm>>, %arg6: memref<2x10112x64xf32, #tpu.memory_space<hbm>>, %arg7: memref<10000x64xf32, #tpu.memory_space<vmem_shared>>, %arg8: memref<10112x64xf32, #tpu.memory_space<vmem_shared>>, %arg9: memref<8x128xi32, #tpu.memory_space<vmem>>, %arg10: memref<8x128xi32, #tpu.memory_space<vmem>>, %arg11: memref<128x64xf32, #tpu.memory_space<vmem>>, %arg12: memref<!tpu.dma_semaphore, #tpu.memory_space<semaphore_mem>>) attributes {dimension_semantics = [#tpu.dimension_semantics<core_parallel>, #tpu.dimension_semantics<subcore_parallel>], iteration_bounds = array<i64: 2, 16>, scalar_prefetch = 0 : i64, scratch_operands = 6 : i64, tpu.core_type = #tpu.core_type<sc_vector_subcore>, window_params = [{transform_indices = #map}, {transform_indices = #map1}, {transform_indices = #map1}, {transform_indices = #map}, {transform_indices = #map2}]} {
    %mul3A = arith.constant 624 : i32
    %mul3A_0 = arith.muli %arg1, %mul3A : i32
    "tpu.region"() ({
      %run_scoped3A = tpu.sem_alloc : memref<!tpu.dma_semaphore, #tpu.memory_space<semaphore_mem>>
      %dma_start3A = arith.constant 0 : i32
      %dma_start3A_10 = tpu.memref_slice %arg7[%mul3A_0, %dma_start3A] : memref<10000x64xf32, #tpu.memory_space<vmem_shared>> -> memref<624x64xf32, #tpu.memory_space<vmem_shared>>
      %dma_start3A_11 = arith.constant 0 : i32
      %dma_start3A_12 = tpu.memref_slice %arg2[%mul3A_0, %dma_start3A_11] : memref<10000x64xf32, #tpu.memory_space<hbm>> -> memref<624x64xf32, #tpu.memory_space<hbm>>
      tpu.enqueue_dma source(%dma_start3A_12 : memref<624x64xf32, #tpu.memory_space<hbm>>) target(%dma_start3A_10 : memref<624x64xf32, #tpu.memory_space<vmem_shared>>) target_semaphore(%run_scoped3A : memref<!tpu.dma_semaphore, #tpu.memory_space<semaphore_mem>>)
      %dma_wait3A = arith.constant 0 : i32
      %dma_wait3A_13 = tpu.memref_slice %arg7[%mul3A_0, %dma_wait3A] : memref<10000x64xf32, #tpu.memory_space<vmem_shared>> -> memref<624x64xf32, #tpu.memory_space<vmem_shared>>
      %dma_wait3A_14 = arith.constant 0 : i32
      %dma_wait3A_15 = tpu.memref_slice %arg2[%mul3A_0, %dma_wait3A_14] : memref<10000x64xf32, #tpu.memory_space<hbm>> -> memref<624x64xf32, #tpu.memory_space<hbm>>
      tpu.wait_dma2 semaphore(%run_scoped3A : memref<!tpu.dma_semaphore, #tpu.memory_space<semaphore_mem>>) src(%dma_wait3A_15 : memref<624x64xf32, #tpu.memory_space<hbm>>) dst(%dma_wait3A_13 : memref<624x64xf32, #tpu.memory_space<vmem_shared>>)
      tpu.yield
    }) : () -> ()
    %eq3A = arith.constant 0 : i32
    %eq3A_1 = arith.cmpi eq, %arg1, %eq3A : i32
    %convert_element_type3A = arith.extui %eq3A_1 : i1 to i32
    %cond3A = arith.constant 0 : i32
    %cond3A_2 = arith.cmpi ne, %convert_element_type3A, %cond3A : i32
    scf.if %cond3A_2 {
      "tpu.region"() ({
        %run_scoped3A = tpu.sem_alloc : memref<!tpu.dma_semaphore, #tpu.memory_space<semaphore_mem>>
        %dma_start3A = arith.constant 9984 : i32
        %dma_start3A_10 = arith.constant 0 : i32
        %dma_start3A_11 = tpu.memref_slice %arg7[%dma_start3A, %dma_start3A_10] : memref<10000x64xf32, #tpu.memory_space<vmem_shared>> -> memref<16x64xf32, #tpu.memory_space<vmem_shared>>
        %dma_start3A_12 = arith.constant 9984 : i32
        %dma_start3A_13 = arith.constant 0 : i32
        %dma_start3A_14 = tpu.memref_slice %arg2[%dma_start3A_12, %dma_start3A_13] : memref<10000x64xf32, #tpu.memory_space<hbm>> -> memref<16x64xf32, #tpu.memory_space<hbm>>
        tpu.enqueue_dma source(%dma_start3A_14 : memref<16x64xf32, #tpu.memory_space<hbm>>) target(%dma_start3A_11 : memref<16x64xf32, #tpu.memory_space<vmem_shared>>) target_semaphore(%run_scoped3A : memref<!tpu.dma_semaphore, #tpu.memory_space<semaphore_mem>>)
        %dma_wait3A = arith.constant 9984 : i32
        %dma_wait3A_15 = arith.constant 0 : i32
        %dma_wait3A_16 = tpu.memref_slice %arg7[%dma_wait3A, %dma_wait3A_15] : memref<10000x64xf32, #tpu.memory_space<vmem_shared>> -> memref<16x64xf32, #tpu.memory_space<vmem_shared>>
        %dma_wait3A_17 = arith.constant 9984 : i32
        %dma_wait3A_18 = arith.constant 0 : i32
        %dma_wait3A_19 = tpu.memref_slice %arg2[%dma_wait3A_17, %dma_wait3A_18] : memref<10000x64xf32, #tpu.memory_space<hbm>> -> memref<16x64xf32, #tpu.memory_space<hbm>>
        tpu.wait_dma2 semaphore(%run_scoped3A : memref<!tpu.dma_semaphore, #tpu.memory_space<semaphore_mem>>) src(%dma_wait3A_19 : memref<16x64xf32, #tpu.memory_space<hbm>>) dst(%dma_wait3A_16 : memref<16x64xf32, #tpu.memory_space<vmem_shared>>)
        tpu.yield
      }) : () -> ()
    } else {
    }
    %mul3A_3 = arith.constant 632 : i32
    %mul3A_4 = arith.muli %arg1, %mul3A_3 : i32
    "tpu.region"() ({
      %run_scoped3A = tpu.sem_alloc : memref<!tpu.dma_semaphore, #tpu.memory_space<semaphore_mem>>
      %dma_start3A = arith.constant 0 : i32
      %dma_start3A_10 = tpu.memref_slice %arg8[%mul3A_4, %dma_start3A] : memref<10112x64xf32, #tpu.memory_space<vmem_shared>> -> memref<632x64xf32, #tpu.memory_space<vmem_shared>>
      %dma_start3A_11 = arith.constant 0 : i32
      %dma_start3A_12 = tpu.memref_slice %arg5[%mul3A_4, %dma_start3A_11] : memref<10112x64xf32, #tpu.memory_space<hbm>> -> memref<632x64xf32, #tpu.memory_space<hbm>>
      tpu.enqueue_dma source(%dma_start3A_12 : memref<632x64xf32, #tpu.memory_space<hbm>>) target(%dma_start3A_10 : memref<632x64xf32, #tpu.memory_space<vmem_shared>>) target_semaphore(%run_scoped3A : memref<!tpu.dma_semaphore, #tpu.memory_space<semaphore_mem>>)
      %dma_wait3A = arith.constant 0 : i32
      %dma_wait3A_13 = tpu.memref_slice %arg8[%mul3A_4, %dma_wait3A] : memref<10112x64xf32, #tpu.memory_space<vmem_shared>> -> memref<632x64xf32, #tpu.memory_space<vmem_shared>>
      %dma_wait3A_14 = arith.constant 0 : i32
      %dma_wait3A_15 = tpu.memref_slice %arg5[%mul3A_4, %dma_wait3A_14] : memref<10112x64xf32, #tpu.memory_space<hbm>> -> memref<632x64xf32, #tpu.memory_space<hbm>>
      tpu.wait_dma2 semaphore(%run_scoped3A : memref<!tpu.dma_semaphore, #tpu.memory_space<semaphore_mem>>) src(%dma_wait3A_15 : memref<632x64xf32, #tpu.memory_space<hbm>>) dst(%dma_wait3A_13 : memref<632x64xf32, #tpu.memory_space<vmem_shared>>)
      tpu.yield
    }) : () -> ()
    %barrier3A = arith.constant 0 : index
    tpu.barrier barrier_id(%barrier3A)
    %scan3A = arith.constant 0 : i32
    %scan3A_5 = arith.constant 10 : i32
    %scan3A_6 = arith.addi %scan3A, %scan3A_5 : i32
    %scan3A_7 = arith.constant 1 : i32
    scf.for %scan3A_10 = %scan3A to %scan3A_6 step %scan3A_7  : i32 {
      %mul3A_11 = arith.constant 1 : i32
      %mul3A_12 = arith.muli %scan3A_10, %mul3A_11 : i32
      %add3A = arith.constant 0 : i32
      %add3A_13 = arith.addi %add3A, %mul3A_12 : i32
      "tpu.region"() ({
        %run_scoped3A = tpu.sem_alloc : memref<!tpu.dma_semaphore, #tpu.memory_space<semaphore_mem>>
        %dma_start3A = arith.constant 0 : i32
        %dma_start3A_19 = arith.constant 0 : i32
        %dma_start3A_20 = tpu.memref_slice %arg3[%arg0, %arg1, %add3A_13, %dma_start3A, %dma_start3A_19] : memref<2x16x10x8x128xi32, #tpu.memory_space<hbm>> -> memref<1x1x1x8x128xi32, #tpu.memory_space<hbm>>
        %dma_start3A_21 = tpu.memref_squeeze %dma_start3A_20 : memref<1x1x1x8x128xi32, #tpu.memory_space<hbm>> -> memref<8x128xi32, #tpu.memory_space<hbm>>
        %dma_start3A_22 = arith.constant 0 : i32
        %dma_start3A_23 = arith.constant 0 : i32
        %dma_start3A_24 = tpu.memref_slice %arg3[%arg0, %arg1, %add3A_13, %dma_start3A_22, %dma_start3A_23] : memref<2x16x10x8x128xi32, #tpu.memory_space<hbm>> -> memref<1x1x1x8x128xi32, #tpu.memory_space<hbm>>
        %dma_start3A_25 = tpu.memref_squeeze %dma_start3A_24 : memref<1x1x1x8x128xi32, #tpu.memory_space<hbm>> -> memref<8x128xi32, #tpu.memory_space<hbm>>
        tpu.enqueue_dma source(%dma_start3A_25 : memref<8x128xi32, #tpu.memory_space<hbm>>) target(%arg9 : memref<8x128xi32, #tpu.memory_space<vmem>>) target_semaphore(%run_scoped3A : memref<!tpu.dma_semaphore, #tpu.memory_space<semaphore_mem>>)
        %dma_wait3A = arith.constant 0 : i32
        %dma_wait3A_26 = arith.constant 0 : i32
        %dma_wait3A_27 = tpu.memref_slice %arg3[%arg0, %arg1, %add3A_13, %dma_wait3A, %dma_wait3A_26] : memref<2x16x10x8x128xi32, #tpu.memory_space<hbm>> -> memref<1x1x1x8x128xi32, #tpu.memory_space<hbm>>
        %dma_wait3A_28 = tpu.memref_squeeze %dma_wait3A_27 : memref<1x1x1x8x128xi32, #tpu.memory_space<hbm>> -> memref<8x128xi32, #tpu.memory_space<hbm>>
        %dma_wait3A_29 = arith.constant 0 : i32
        %dma_wait3A_30 = arith.constant 0 : i32
        %dma_wait3A_31 = tpu.memref_slice %arg3[%arg0, %arg1, %add3A_13, %dma_wait3A_29, %dma_wait3A_30] : memref<2x16x10x8x128xi32, #tpu.memory_space<hbm>> -> memref<1x1x1x8x128xi32, #tpu.memory_space<hbm>>
        %dma_wait3A_32 = tpu.memref_squeeze %dma_wait3A_31 : memref<1x1x1x8x128xi32, #tpu.memory_space<hbm>> -> memref<8x128xi32, #tpu.memory_space<hbm>>
        tpu.wait_dma2 semaphore(%run_scoped3A : memref<!tpu.dma_semaphore, #tpu.memory_space<semaphore_mem>>) src(%dma_wait3A_32 : memref<8x128xi32, #tpu.memory_space<hbm>>) dst(%arg9 : memref<8x128xi32, #tpu.memory_space<vmem>>)
        tpu.yield
      }) : () -> ()
      "tpu.region"() ({
        %run_scoped3A = tpu.sem_alloc : memref<!tpu.dma_semaphore, #tpu.memory_space<semaphore_mem>>
        %dma_start3A = arith.constant 0 : i32
        %dma_start3A_19 = arith.constant 0 : i32
        %dma_start3A_20 = tpu.memref_slice %arg4[%arg0, %arg1, %add3A_13, %dma_start3A, %dma_start3A_19] : memref<2x16x10x8x128xi32, #tpu.memory_space<hbm>> -> memref<1x1x1x8x128xi32, #tpu.memory_space<hbm>>
        %dma_start3A_21 = tpu.memref_squeeze %dma_start3A_20 : memref<1x1x1x8x128xi32, #tpu.memory_space<hbm>> -> memref<8x128xi32, #tpu.memory_space<hbm>>
        %dma_start3A_22 = arith.constant 0 : i32
        %dma_start3A_23 = arith.constant 0 : i32
        %dma_start3A_24 = tpu.memref_slice %arg4[%arg0, %arg1, %add3A_13, %dma_start3A_22, %dma_start3A_23] : memref<2x16x10x8x128xi32, #tpu.memory_space<hbm>> -> memref<1x1x1x8x128xi32, #tpu.memory_space<hbm>>
        %dma_start3A_25 = tpu.memref_squeeze %dma_start3A_24 : memref<1x1x1x8x128xi32, #tpu.memory_space<hbm>> -> memref<8x128xi32, #tpu.memory_space<hbm>>
        tpu.enqueue_dma source(%dma_start3A_25 : memref<8x128xi32, #tpu.memory_space<hbm>>) target(%arg10 : memref<8x128xi32, #tpu.memory_space<vmem>>) target_semaphore(%run_scoped3A : memref<!tpu.dma_semaphore, #tpu.memory_space<semaphore_mem>>)
        %dma_wait3A = arith.constant 0 : i32
        %dma_wait3A_26 = arith.constant 0 : i32
        %dma_wait3A_27 = tpu.memref_slice %arg4[%arg0, %arg1, %add3A_13, %dma_wait3A, %dma_wait3A_26] : memref<2x16x10x8x128xi32, #tpu.memory_space<hbm>> -> memref<1x1x1x8x128xi32, #tpu.memory_space<hbm>>
        %dma_wait3A_28 = tpu.memref_squeeze %dma_wait3A_27 : memref<1x1x1x8x128xi32, #tpu.memory_space<hbm>> -> memref<8x128xi32, #tpu.memory_space<hbm>>
        %dma_wait3A_29 = arith.constant 0 : i32
        %dma_wait3A_30 = arith.constant 0 : i32
        %dma_wait3A_31 = tpu.memref_slice %arg4[%arg0, %arg1, %add3A_13, %dma_wait3A_29, %dma_wait3A_30] : memref<2x16x10x8x128xi32, #tpu.memory_space<hbm>> -> memref<1x1x1x8x128xi32, #tpu.memory_space<hbm>>
        %dma_wait3A_32 = tpu.memref_squeeze %dma_wait3A_31 : memref<1x1x1x8x128xi32, #tpu.memory_space<hbm>> -> memref<8x128xi32, #tpu.memory_space<hbm>>
        tpu.wait_dma2 semaphore(%run_scoped3A : memref<!tpu.dma_semaphore, #tpu.memory_space<semaphore_mem>>) src(%dma_wait3A_32 : memref<8x128xi32, #tpu.memory_space<hbm>>) dst(%arg10 : memref<8x128xi32, #tpu.memory_space<vmem>>)
        tpu.yield
      }) : () -> ()
      %scan3A_14 = arith.constant 0 : i32
      %scan3A_15 = arith.constant 8 : i32
      %scan3A_16 = arith.addi %scan3A_14, %scan3A_15 : i32
      %scan3A_17 = arith.constant 1 : i32
      scf.for %scan3A_19 = %scan3A_14 to %scan3A_16 step %scan3A_17  : i32 {
        %mul3A_20 = arith.constant 1 : i32
        %mul3A_21 = arith.muli %scan3A_19, %mul3A_20 : i32
        %add3A_22 = arith.constant 0 : i32
        %add3A_23 = arith.addi %add3A_22, %mul3A_21 : i32
        %dma_start3A = arith.constant 0 : i32
        %dma_start3A_24 = tpu.memref_slice %arg9[%add3A_23, %dma_start3A] : memref<8x128xi32, #tpu.memory_space<vmem>> -> memref<1x128xi32, #tpu.memory_space<vmem>>
        %dma_start3A_25 = tpu.memref_squeeze %dma_start3A_24 : memref<1x128xi32, #tpu.memory_space<vmem>> -> memref<128xi32, #tpu.memory_space<vmem>>
        %dma_start3A_26 = arith.constant 0 : i32
        %dma_start3A_27 = arith.constant 0 : i32
        %dma_start3A_28 = tpu.memref_slice %arg7[%dma_start3A_26, %dma_start3A_27] : memref<10000x64xf32, #tpu.memory_space<vmem_shared>> -> memref<10000x64xf32, #tpu.memory_space<vmem_shared>>
        tpu.enqueue_indirect_dma source(%dma_start3A_28 : memref<10000x64xf32, #tpu.memory_space<vmem_shared>>) target(%arg11 : memref<128x64xf32, #tpu.memory_space<vmem>>) offsets(%dma_start3A_25 : memref<128xi32, #tpu.memory_space<vmem>>) semaphore(%arg12 : memref<!tpu.dma_semaphore, #tpu.memory_space<semaphore_mem>>)
        %dma_wait3A = arith.constant 0 : i32
        %dma_wait3A_29 = tpu.memref_slice %arg9[%add3A_23, %dma_wait3A] : memref<8x128xi32, #tpu.memory_space<vmem>> -> memref<1x128xi32, #tpu.memory_space<vmem>>
        %dma_wait3A_30 = tpu.memref_squeeze %dma_wait3A_29 : memref<1x128xi32, #tpu.memory_space<vmem>> -> memref<128xi32, #tpu.memory_space<vmem>>
        %dma_wait3A_31 = arith.constant 0 : i32
        %dma_wait3A_32 = arith.constant 0 : i32
        %dma_wait3A_33 = tpu.memref_slice %arg7[%dma_wait3A_31, %dma_wait3A_32] : memref<10000x64xf32, #tpu.memory_space<vmem_shared>> -> memref<10000x64xf32, #tpu.memory_space<vmem_shared>>
        tpu.wait_indirect_dma semaphore(%arg12 : memref<!tpu.dma_semaphore, #tpu.memory_space<semaphore_mem>>) src(%dma_wait3A_33 : memref<10000x64xf32, #tpu.memory_space<vmem_shared>>) dst(%arg11 : memref<128x64xf32, #tpu.memory_space<vmem>>)
        "tpu.region"() ({
          %run_scoped3A = tpu.sem_alloc : memref<!tpu.dma_semaphore, #tpu.memory_space<semaphore_mem>>
          %dma_start3A_34 = arith.constant 0 : i32
          %dma_start3A_35 = tpu.memref_slice %arg10[%add3A_23, %dma_start3A_34] : memref<8x128xi32, #tpu.memory_space<vmem>> -> memref<1x128xi32, #tpu.memory_space<vmem>>
          %dma_start3A_36 = tpu.memref_squeeze %dma_start3A_35 : memref<1x128xi32, #tpu.memory_space<vmem>> -> memref<128xi32, #tpu.memory_space<vmem>>
          %dma_start3A_37 = arith.constant 0 : i32
          %dma_start3A_38 = arith.constant 0 : i32
          %dma_start3A_39 = tpu.memref_slice %arg8[%dma_start3A_37, %dma_start3A_38] : memref<10112x64xf32, #tpu.memory_space<vmem_shared>> -> memref<10112x64xf32, #tpu.memory_space<vmem_shared>>
          tpu.enqueue_indirect_dma source(%arg11 : memref<128x64xf32, #tpu.memory_space<vmem>>) target(%dma_start3A_39 : memref<10112x64xf32, #tpu.memory_space<vmem_shared>>) offsets(%dma_start3A_36 : memref<128xi32, #tpu.memory_space<vmem>>) semaphore(%run_scoped3A : memref<!tpu.dma_semaphore, #tpu.memory_space<semaphore_mem>>) {add = true}
          %dma_wait3A_40 = arith.constant 0 : i32
          %dma_wait3A_41 = tpu.memref_slice %arg10[%add3A_23, %dma_wait3A_40] : memref<8x128xi32, #tpu.memory_space<vmem>> -> memref<1x128xi32, #tpu.memory_space<vmem>>
          %dma_wait3A_42 = tpu.memref_squeeze %dma_wait3A_41 : memref<1x128xi32, #tpu.memory_space<vmem>> -> memref<128xi32, #tpu.memory_space<vmem>>
          %dma_wait3A_43 = arith.constant 0 : i32
          %dma_wait3A_44 = arith.constant 0 : i32
          %dma_wait3A_45 = tpu.memref_slice %arg8[%dma_wait3A_43, %dma_wait3A_44] : memref<10112x64xf32, #tpu.memory_space<vmem_shared>> -> memref<10112x64xf32, #tpu.memory_space<vmem_shared>>
          tpu.wait_indirect_dma semaphore(%run_scoped3A : memref<!tpu.dma_semaphore, #tpu.memory_space<semaphore_mem>>) src(%arg11 : memref<128x64xf32, #tpu.memory_space<vmem>>) dst(%dma_wait3A_45 : memref<10112x64xf32, #tpu.memory_space<vmem_shared>>)
          tpu.yield
        }) : () -> ()
      }
      %scan3A_18 = arith.constant 8 : i32
    }
    %scan3A_8 = arith.constant 10 : i32
    %barrier3A_9 = arith.constant 0 : index
    tpu.barrier barrier_id(%barrier3A_9)
    "tpu.region"() ({
      %run_scoped3A = tpu.sem_alloc : memref<!tpu.dma_semaphore, #tpu.memory_space<semaphore_mem>>
      %dma_start3A = arith.constant 0 : i32
      %dma_start3A_10 = tpu.memref_slice %arg6[%arg0, %mul3A_4, %dma_start3A] : memref<2x10112x64xf32, #tpu.memory_space<hbm>> -> memref<1x632x64xf32, #tpu.memory_space<hbm>>
      %dma_start3A_11 = tpu.memref_squeeze %dma_start3A_10 : memref<1x632x64xf32, #tpu.memory_space<hbm>> -> memref<632x64xf32, #tpu.memory_space<hbm>>
      %dma_start3A_12 = arith.constant 0 : i32
      %dma_start3A_13 = tpu.memref_slice %arg8[%mul3A_4, %dma_start3A_12] : memref<10112x64xf32, #tpu.memory_space<vmem_shared>> -> memref<632x64xf32, #tpu.memory_space<vmem_shared>>
      tpu.enqueue_dma source(%dma_start3A_13 : memref<632x64xf32, #tpu.memory_space<vmem_shared>>) target(%dma_start3A_11 : memref<632x64xf32, #tpu.memory_space<hbm>>) target_semaphore(%run_scoped3A : memref<!tpu.dma_semaphore, #tpu.memory_space<semaphore_mem>>)
      %dma_wait3A = arith.constant 0 : i32
      %dma_wait3A_14 = tpu.memref_slice %arg6[%arg0, %mul3A_4, %dma_wait3A] : memref<2x10112x64xf32, #tpu.memory_space<hbm>> -> memref<1x632x64xf32, #tpu.memory_space<hbm>>
      %dma_wait3A_15 = tpu.memref_squeeze %dma_wait3A_14 : memref<1x632x64xf32, #tpu.memory_space<hbm>> -> memref<632x64xf32, #tpu.memory_space<hbm>>
      %dma_wait3A_16 = arith.constant 0 : i32
      %dma_wait3A_17 = tpu.memref_slice %arg8[%mul3A_4, %dma_wait3A_16] : memref<10112x64xf32, #tpu.memory_space<vmem_shared>> -> memref<632x64xf32, #tpu.memory_space<vmem_shared>>
      tpu.wait_dma2 semaphore(%run_scoped3A : memref<!tpu.dma_semaphore, #tpu.memory_space<semaphore_mem>>) src(%dma_wait3A_17 : memref<632x64xf32, #tpu.memory_space<vmem_shared>>) dst(%dma_wait3A_15 : memref<632x64xf32, #tpu.memory_space<hbm>>)
      tpu.yield
    }) : () -> ()
    return
  }
}

#map = affine_map<(d0, d1) -> (0, 0)>
#map1 = affine_map<(d0, d1) -> (0, 0, 0, 0, 0)>
#map2 = affine_map<(d0, d1) -> (0, 0, 0)>
module attributes {stable_mosaic.version = 14 : i64} {
  func.func @body(%arg0: i32, %arg1: i32, %arg2: memref<20000x64xf32, #tpu.memory_space<hbm>>, %arg3: memref<2x16x10x8x128xi32, #tpu.memory_space<hbm>>, %arg4: memref<2x16x10x8x128xi32, #tpu.memory_space<hbm>>, %arg5: memref<10112x64xf32, #tpu.memory_space<hbm>>, %arg6: memref<2x10112x64xf32, #tpu.memory_space<hbm>>, %arg7: memref<20000x64xf32, #tpu.memory_space<vmem_shared>>, %arg8: memref<10112x64xf32, #tpu.memory_space<vmem_shared>>, %arg9: memref<8x128xi32, #tpu.memory_space<vmem>>, %arg10: memref<8x128xi32, #tpu.memory_space<vmem>>, %arg11: memref<128x64xf32, #tpu.memory_space<vmem>>, %arg12: memref<!tpu.dma_semaphore, #tpu.memory_space<semaphore_mem>>) attributes {dimension_semantics = [#tpu.dimension_semantics<core_parallel>, #tpu.dimension_semantics<subcore_parallel>], iteration_bounds = array<i64: 2, 16>, scalar_prefetch = 0 : i64, scratch_operands = 6 : i64, tpu.core_type = #tpu.core_type<sc_vector_subcore>, window_params = [{transform_indices = #map}, {transform_indices = #map1}, {transform_indices = #map1}, {transform_indices = #map}, {transform_indices = #map2}]} {
    %mul3A = arith.constant 1248 : i32
    %mul3A_0 = arith.muli %arg1, %mul3A : i32
    "tpu.region"() ({
      %run_scoped3A = tpu.sem_alloc : memref<!tpu.dma_semaphore, #tpu.memory_space<semaphore_mem>>
      %dma_start3A = arith.constant 0 : i32
      %dma_start3A_10 = tpu.memref_slice %arg7[%mul3A_0, %dma_start3A] : memref<20000x64xf32, #tpu.memory_space<vmem_shared>> -> memref<1248x64xf32, #tpu.memory_space<vmem_shared>>
      %dma_start3A_11 = arith.constant 0 : i32
      %dma_start3A_12 = tpu.memref_slice %arg2[%mul3A_0, %dma_start3A_11] : memref<20000x64xf32, #tpu.memory_space<hbm>> -> memref<1248x64xf32, #tpu.memory_space<hbm>>
      tpu.enqueue_dma source(%dma_start3A_12 : memref<1248x64xf32, #tpu.memory_space<hbm>>) target(%dma_start3A_10 : memref<1248x64xf32, #tpu.memory_space<vmem_shared>>) target_semaphore(%run_scoped3A : memref<!tpu.dma_semaphore, #tpu.memory_space<semaphore_mem>>)
      %dma_wait3A = arith.constant 0 : i32
      %dma_wait3A_13 = tpu.memref_slice %arg7[%mul3A_0, %dma_wait3A] : memref<20000x64xf32, #tpu.memory_space<vmem_shared>> -> memref<1248x64xf32, #tpu.memory_space<vmem_shared>>
      %dma_wait3A_14 = arith.constant 0 : i32
      %dma_wait3A_15 = tpu.memref_slice %arg2[%mul3A_0, %dma_wait3A_14] : memref<20000x64xf32, #tpu.memory_space<hbm>> -> memref<1248x64xf32, #tpu.memory_space<hbm>>
      tpu.wait_dma2 semaphore(%run_scoped3A : memref<!tpu.dma_semaphore, #tpu.memory_space<semaphore_mem>>) src(%dma_wait3A_15 : memref<1248x64xf32, #tpu.memory_space<hbm>>) dst(%dma_wait3A_13 : memref<1248x64xf32, #tpu.memory_space<vmem_shared>>)
      tpu.yield
    }) : () -> ()
    %eq3A = arith.constant 0 : i32
    %eq3A_1 = arith.cmpi eq, %arg1, %eq3A : i32
    %convert_element_type3A = arith.extui %eq3A_1 : i1 to i32
    %cond3A = arith.constant 0 : i32
    %cond3A_2 = arith.cmpi ne, %convert_element_type3A, %cond3A : i32
    scf.if %cond3A_2 {
      "tpu.region"() ({
        %run_scoped3A = tpu.sem_alloc : memref<!tpu.dma_semaphore, #tpu.memory_space<semaphore_mem>>
        %dma_start3A = arith.constant 19968 : i32
        %dma_start3A_10 = arith.constant 0 : i32
        %dma_start3A_11 = tpu.memref_slice %arg7[%dma_start3A, %dma_start3A_10] : memref<20000x64xf32, #tpu.memory_space<vmem_shared>> -> memref<32x64xf32, #tpu.memory_space<vmem_shared>>
        %dma_start3A_12 = arith.constant 19968 : i32
        %dma_start3A_13 = arith.constant 0 : i32
        %dma_start3A_14 = tpu.memref_slice %arg2[%dma_start3A_12, %dma_start3A_13] : memref<20000x64xf32, #tpu.memory_space<hbm>> -> memref<32x64xf32, #tpu.memory_space<hbm>>
        tpu.enqueue_dma source(%dma_start3A_14 : memref<32x64xf32, #tpu.memory_space<hbm>>) target(%dma_start3A_11 : memref<32x64xf32, #tpu.memory_space<vmem_shared>>) target_semaphore(%run_scoped3A : memref<!tpu.dma_semaphore, #tpu.memory_space<semaphore_mem>>)
        %dma_wait3A = arith.constant 19968 : i32
        %dma_wait3A_15 = arith.constant 0 : i32
        %dma_wait3A_16 = tpu.memref_slice %arg7[%dma_wait3A, %dma_wait3A_15] : memref<20000x64xf32, #tpu.memory_space<vmem_shared>> -> memref<32x64xf32, #tpu.memory_space<vmem_shared>>
        %dma_wait3A_17 = arith.constant 19968 : i32
        %dma_wait3A_18 = arith.constant 0 : i32
        %dma_wait3A_19 = tpu.memref_slice %arg2[%dma_wait3A_17, %dma_wait3A_18] : memref<20000x64xf32, #tpu.memory_space<hbm>> -> memref<32x64xf32, #tpu.memory_space<hbm>>
        tpu.wait_dma2 semaphore(%run_scoped3A : memref<!tpu.dma_semaphore, #tpu.memory_space<semaphore_mem>>) src(%dma_wait3A_19 : memref<32x64xf32, #tpu.memory_space<hbm>>) dst(%dma_wait3A_16 : memref<32x64xf32, #tpu.memory_space<vmem_shared>>)
        tpu.yield
      }) : () -> ()
    } else {
    }
    %mul3A_3 = arith.constant 632 : i32
    %mul3A_4 = arith.muli %arg1, %mul3A_3 : i32
    "tpu.region"() ({
      %run_scoped3A = tpu.sem_alloc : memref<!tpu.dma_semaphore, #tpu.memory_space<semaphore_mem>>
      %dma_start3A = arith.constant 0 : i32
      %dma_start3A_10 = tpu.memref_slice %arg8[%mul3A_4, %dma_start3A] : memref<10112x64xf32, #tpu.memory_space<vmem_shared>> -> memref<632x64xf32, #tpu.memory_space<vmem_shared>>
      %dma_start3A_11 = arith.constant 0 : i32
      %dma_start3A_12 = tpu.memref_slice %arg5[%mul3A_4, %dma_start3A_11] : memref<10112x64xf32, #tpu.memory_space<hbm>> -> memref<632x64xf32, #tpu.memory_space<hbm>>
      tpu.enqueue_dma source(%dma_start3A_12 : memref<632x64xf32, #tpu.memory_space<hbm>>) target(%dma_start3A_10 : memref<632x64xf32, #tpu.memory_space<vmem_shared>>) target_semaphore(%run_scoped3A : memref<!tpu.dma_semaphore, #tpu.memory_space<semaphore_mem>>)
      %dma_wait3A = arith.constant 0 : i32
      %dma_wait3A_13 = tpu.memref_slice %arg8[%mul3A_4, %dma_wait3A] : memref<10112x64xf32, #tpu.memory_space<vmem_shared>> -> memref<632x64xf32, #tpu.memory_space<vmem_shared>>
      %dma_wait3A_14 = arith.constant 0 : i32
      %dma_wait3A_15 = tpu.memref_slice %arg5[%mul3A_4, %dma_wait3A_14] : memref<10112x64xf32, #tpu.memory_space<hbm>> -> memref<632x64xf32, #tpu.memory_space<hbm>>
      tpu.wait_dma2 semaphore(%run_scoped3A : memref<!tpu.dma_semaphore, #tpu.memory_space<semaphore_mem>>) src(%dma_wait3A_15 : memref<632x64xf32, #tpu.memory_space<hbm>>) dst(%dma_wait3A_13 : memref<632x64xf32, #tpu.memory_space<vmem_shared>>)
      tpu.yield
    }) : () -> ()
    %barrier3A = arith.constant 0 : index
    tpu.barrier barrier_id(%barrier3A)
    %scan3A = arith.constant 0 : i32
    %scan3A_5 = arith.constant 10 : i32
    %scan3A_6 = arith.addi %scan3A, %scan3A_5 : i32
    %scan3A_7 = arith.constant 1 : i32
    scf.for %scan3A_10 = %scan3A to %scan3A_6 step %scan3A_7  : i32 {
      %mul3A_11 = arith.constant 1 : i32
      %mul3A_12 = arith.muli %scan3A_10, %mul3A_11 : i32
      %add3A = arith.constant 0 : i32
      %add3A_13 = arith.addi %add3A, %mul3A_12 : i32
      "tpu.region"() ({
        %run_scoped3A = tpu.sem_alloc : memref<!tpu.dma_semaphore, #tpu.memory_space<semaphore_mem>>
        %dma_start3A = arith.constant 0 : i32
        %dma_start3A_19 = arith.constant 0 : i32
        %dma_start3A_20 = tpu.memref_slice %arg3[%arg0, %arg1, %add3A_13, %dma_start3A, %dma_start3A_19] : memref<2x16x10x8x128xi32, #tpu.memory_space<hbm>> -> memref<1x1x1x8x128xi32, #tpu.memory_space<hbm>>
        %dma_start3A_21 = tpu.memref_squeeze %dma_start3A_20 : memref<1x1x1x8x128xi32, #tpu.memory_space<hbm>> -> memref<8x128xi32, #tpu.memory_space<hbm>>
        %dma_start3A_22 = arith.constant 0 : i32
        %dma_start3A_23 = arith.constant 0 : i32
        %dma_start3A_24 = tpu.memref_slice %arg3[%arg0, %arg1, %add3A_13, %dma_start3A_22, %dma_start3A_23] : memref<2x16x10x8x128xi32, #tpu.memory_space<hbm>> -> memref<1x1x1x8x128xi32, #tpu.memory_space<hbm>>
        %dma_start3A_25 = tpu.memref_squeeze %dma_start3A_24 : memref<1x1x1x8x128xi32, #tpu.memory_space<hbm>> -> memref<8x128xi32, #tpu.memory_space<hbm>>
        tpu.enqueue_dma source(%dma_start3A_25 : memref<8x128xi32, #tpu.memory_space<hbm>>) target(%arg9 : memref<8x128xi32, #tpu.memory_space<vmem>>) target_semaphore(%run_scoped3A : memref<!tpu.dma_semaphore, #tpu.memory_space<semaphore_mem>>)
        %dma_wait3A = arith.constant 0 : i32
        %dma_wait3A_26 = arith.constant 0 : i32
        %dma_wait3A_27 = tpu.memref_slice %arg3[%arg0, %arg1, %add3A_13, %dma_wait3A, %dma_wait3A_26] : memref<2x16x10x8x128xi32, #tpu.memory_space<hbm>> -> memref<1x1x1x8x128xi32, #tpu.memory_space<hbm>>
        %dma_wait3A_28 = tpu.memref_squeeze %dma_wait3A_27 : memref<1x1x1x8x128xi32, #tpu.memory_space<hbm>> -> memref<8x128xi32, #tpu.memory_space<hbm>>
        %dma_wait3A_29 = arith.constant 0 : i32
        %dma_wait3A_30 = arith.constant 0 : i32
        %dma_wait3A_31 = tpu.memref_slice %arg3[%arg0, %arg1, %add3A_13, %dma_wait3A_29, %dma_wait3A_30] : memref<2x16x10x8x128xi32, #tpu.memory_space<hbm>> -> memref<1x1x1x8x128xi32, #tpu.memory_space<hbm>>
        %dma_wait3A_32 = tpu.memref_squeeze %dma_wait3A_31 : memref<1x1x1x8x128xi32, #tpu.memory_space<hbm>> -> memref<8x128xi32, #tpu.memory_space<hbm>>
        tpu.wait_dma2 semaphore(%run_scoped3A : memref<!tpu.dma_semaphore, #tpu.memory_space<semaphore_mem>>) src(%dma_wait3A_32 : memref<8x128xi32, #tpu.memory_space<hbm>>) dst(%arg9 : memref<8x128xi32, #tpu.memory_space<vmem>>)
        tpu.yield
      }) : () -> ()
      "tpu.region"() ({
        %run_scoped3A = tpu.sem_alloc : memref<!tpu.dma_semaphore, #tpu.memory_space<semaphore_mem>>
        %dma_start3A = arith.constant 0 : i32
        %dma_start3A_19 = arith.constant 0 : i32
        %dma_start3A_20 = tpu.memref_slice %arg4[%arg0, %arg1, %add3A_13, %dma_start3A, %dma_start3A_19] : memref<2x16x10x8x128xi32, #tpu.memory_space<hbm>> -> memref<1x1x1x8x128xi32, #tpu.memory_space<hbm>>
        %dma_start3A_21 = tpu.memref_squeeze %dma_start3A_20 : memref<1x1x1x8x128xi32, #tpu.memory_space<hbm>> -> memref<8x128xi32, #tpu.memory_space<hbm>>
        %dma_start3A_22 = arith.constant 0 : i32
        %dma_start3A_23 = arith.constant 0 : i32
        %dma_start3A_24 = tpu.memref_slice %arg4[%arg0, %arg1, %add3A_13, %dma_start3A_22, %dma_start3A_23] : memref<2x16x10x8x128xi32, #tpu.memory_space<hbm>> -> memref<1x1x1x8x128xi32, #tpu.memory_space<hbm>>
        %dma_start3A_25 = tpu.memref_squeeze %dma_start3A_24 : memref<1x1x1x8x128xi32, #tpu.memory_space<hbm>> -> memref<8x128xi32, #tpu.memory_space<hbm>>
        tpu.enqueue_dma source(%dma_start3A_25 : memref<8x128xi32, #tpu.memory_space<hbm>>) target(%arg10 : memref<8x128xi32, #tpu.memory_space<vmem>>) target_semaphore(%run_scoped3A : memref<!tpu.dma_semaphore, #tpu.memory_space<semaphore_mem>>)
        %dma_wait3A = arith.constant 0 : i32
        %dma_wait3A_26 = arith.constant 0 : i32
        %dma_wait3A_27 = tpu.memref_slice %arg4[%arg0, %arg1, %add3A_13, %dma_wait3A, %dma_wait3A_26] : memref<2x16x10x8x128xi32, #tpu.memory_space<hbm>> -> memref<1x1x1x8x128xi32, #tpu.memory_space<hbm>>
        %dma_wait3A_28 = tpu.memref_squeeze %dma_wait3A_27 : memref<1x1x1x8x128xi32, #tpu.memory_space<hbm>> -> memref<8x128xi32, #tpu.memory_space<hbm>>
        %dma_wait3A_29 = arith.constant 0 : i32
        %dma_wait3A_30 = arith.constant 0 : i32
        %dma_wait3A_31 = tpu.memref_slice %arg4[%arg0, %arg1, %add3A_13, %dma_wait3A_29, %dma_wait3A_30] : memref<2x16x10x8x128xi32, #tpu.memory_space<hbm>> -> memref<1x1x1x8x128xi32, #tpu.memory_space<hbm>>
        %dma_wait3A_32 = tpu.memref_squeeze %dma_wait3A_31 : memref<1x1x1x8x128xi32, #tpu.memory_space<hbm>> -> memref<8x128xi32, #tpu.memory_space<hbm>>
        tpu.wait_dma2 semaphore(%run_scoped3A : memref<!tpu.dma_semaphore, #tpu.memory_space<semaphore_mem>>) src(%dma_wait3A_32 : memref<8x128xi32, #tpu.memory_space<hbm>>) dst(%arg10 : memref<8x128xi32, #tpu.memory_space<vmem>>)
        tpu.yield
      }) : () -> ()
      %scan3A_14 = arith.constant 0 : i32
      %scan3A_15 = arith.constant 8 : i32
      %scan3A_16 = arith.addi %scan3A_14, %scan3A_15 : i32
      %scan3A_17 = arith.constant 1 : i32
      scf.for %scan3A_19 = %scan3A_14 to %scan3A_16 step %scan3A_17  : i32 {
        %mul3A_20 = arith.constant 1 : i32
        %mul3A_21 = arith.muli %scan3A_19, %mul3A_20 : i32
        %add3A_22 = arith.constant 0 : i32
        %add3A_23 = arith.addi %add3A_22, %mul3A_21 : i32
        %dma_start3A = arith.constant 0 : i32
        %dma_start3A_24 = tpu.memref_slice %arg9[%add3A_23, %dma_start3A] : memref<8x128xi32, #tpu.memory_space<vmem>> -> memref<1x128xi32, #tpu.memory_space<vmem>>
        %dma_start3A_25 = tpu.memref_squeeze %dma_start3A_24 : memref<1x128xi32, #tpu.memory_space<vmem>> -> memref<128xi32, #tpu.memory_space<vmem>>
        %dma_start3A_26 = arith.constant 0 : i32
        %dma_start3A_27 = arith.constant 0 : i32
        %dma_start3A_28 = tpu.memref_slice %arg7[%dma_start3A_26, %dma_start3A_27] : memref<20000x64xf32, #tpu.memory_space<vmem_shared>> -> memref<20000x64xf32, #tpu.memory_space<vmem_shared>>
        tpu.enqueue_indirect_dma source(%dma_start3A_28 : memref<20000x64xf32, #tpu.memory_space<vmem_shared>>) target(%arg11 : memref<128x64xf32, #tpu.memory_space<vmem>>) offsets(%dma_start3A_25 : memref<128xi32, #tpu.memory_space<vmem>>) semaphore(%arg12 : memref<!tpu.dma_semaphore, #tpu.memory_space<semaphore_mem>>)
        %dma_wait3A = arith.constant 0 : i32
        %dma_wait3A_29 = tpu.memref_slice %arg9[%add3A_23, %dma_wait3A] : memref<8x128xi32, #tpu.memory_space<vmem>> -> memref<1x128xi32, #tpu.memory_space<vmem>>
        %dma_wait3A_30 = tpu.memref_squeeze %dma_wait3A_29 : memref<1x128xi32, #tpu.memory_space<vmem>> -> memref<128xi32, #tpu.memory_space<vmem>>
        %dma_wait3A_31 = arith.constant 0 : i32
        %dma_wait3A_32 = arith.constant 0 : i32
        %dma_wait3A_33 = tpu.memref_slice %arg7[%dma_wait3A_31, %dma_wait3A_32] : memref<20000x64xf32, #tpu.memory_space<vmem_shared>> -> memref<20000x64xf32, #tpu.memory_space<vmem_shared>>
        tpu.wait_indirect_dma semaphore(%arg12 : memref<!tpu.dma_semaphore, #tpu.memory_space<semaphore_mem>>) src(%dma_wait3A_33 : memref<20000x64xf32, #tpu.memory_space<vmem_shared>>) dst(%arg11 : memref<128x64xf32, #tpu.memory_space<vmem>>)
        "tpu.region"() ({
          %run_scoped3A = tpu.sem_alloc : memref<!tpu.dma_semaphore, #tpu.memory_space<semaphore_mem>>
          %dma_start3A_34 = arith.constant 0 : i32
          %dma_start3A_35 = tpu.memref_slice %arg10[%add3A_23, %dma_start3A_34] : memref<8x128xi32, #tpu.memory_space<vmem>> -> memref<1x128xi32, #tpu.memory_space<vmem>>
          %dma_start3A_36 = tpu.memref_squeeze %dma_start3A_35 : memref<1x128xi32, #tpu.memory_space<vmem>> -> memref<128xi32, #tpu.memory_space<vmem>>
          %dma_start3A_37 = arith.constant 0 : i32
          %dma_start3A_38 = arith.constant 0 : i32
          %dma_start3A_39 = tpu.memref_slice %arg8[%dma_start3A_37, %dma_start3A_38] : memref<10112x64xf32, #tpu.memory_space<vmem_shared>> -> memref<10112x64xf32, #tpu.memory_space<vmem_shared>>
          tpu.enqueue_indirect_dma source(%arg11 : memref<128x64xf32, #tpu.memory_space<vmem>>) target(%dma_start3A_39 : memref<10112x64xf32, #tpu.memory_space<vmem_shared>>) offsets(%dma_start3A_36 : memref<128xi32, #tpu.memory_space<vmem>>) semaphore(%run_scoped3A : memref<!tpu.dma_semaphore, #tpu.memory_space<semaphore_mem>>) {add = true}
          %dma_wait3A_40 = arith.constant 0 : i32
          %dma_wait3A_41 = tpu.memref_slice %arg10[%add3A_23, %dma_wait3A_40] : memref<8x128xi32, #tpu.memory_space<vmem>> -> memref<1x128xi32, #tpu.memory_space<vmem>>
          %dma_wait3A_42 = tpu.memref_squeeze %dma_wait3A_41 : memref<1x128xi32, #tpu.memory_space<vmem>> -> memref<128xi32, #tpu.memory_space<vmem>>
          %dma_wait3A_43 = arith.constant 0 : i32
          %dma_wait3A_44 = arith.constant 0 : i32
          %dma_wait3A_45 = tpu.memref_slice %arg8[%dma_wait3A_43, %dma_wait3A_44] : memref<10112x64xf32, #tpu.memory_space<vmem_shared>> -> memref<10112x64xf32, #tpu.memory_space<vmem_shared>>
          tpu.wait_indirect_dma semaphore(%run_scoped3A : memref<!tpu.dma_semaphore, #tpu.memory_space<semaphore_mem>>) src(%arg11 : memref<128x64xf32, #tpu.memory_space<vmem>>) dst(%dma_wait3A_45 : memref<10112x64xf32, #tpu.memory_space<vmem_shared>>)
          tpu.yield
        }) : () -> ()
      }
      %scan3A_18 = arith.constant 8 : i32
    }
    %scan3A_8 = arith.constant 10 : i32
    %barrier3A_9 = arith.constant 0 : index
    tpu.barrier barrier_id(%barrier3A_9)
    "tpu.region"() ({
      %run_scoped3A = tpu.sem_alloc : memref<!tpu.dma_semaphore, #tpu.memory_space<semaphore_mem>>
      %dma_start3A = arith.constant 0 : i32
      %dma_start3A_10 = tpu.memref_slice %arg6[%arg0, %mul3A_4, %dma_start3A] : memref<2x10112x64xf32, #tpu.memory_space<hbm>> -> memref<1x632x64xf32, #tpu.memory_space<hbm>>
      %dma_start3A_11 = tpu.memref_squeeze %dma_start3A_10 : memref<1x632x64xf32, #tpu.memory_space<hbm>> -> memref<632x64xf32, #tpu.memory_space<hbm>>
      %dma_start3A_12 = arith.constant 0 : i32
      %dma_start3A_13 = tpu.memref_slice %arg8[%mul3A_4, %dma_start3A_12] : memref<10112x64xf32, #tpu.memory_space<vmem_shared>> -> memref<632x64xf32, #tpu.memory_space<vmem_shared>>
      tpu.enqueue_dma source(%dma_start3A_13 : memref<632x64xf32, #tpu.memory_space<vmem_shared>>) target(%dma_start3A_11 : memref<632x64xf32, #tpu.memory_space<hbm>>) target_semaphore(%run_scoped3A : memref<!tpu.dma_semaphore, #tpu.memory_space<semaphore_mem>>)
      %dma_wait3A = arith.constant 0 : i32
      %dma_wait3A_14 = tpu.memref_slice %arg6[%arg0, %mul3A_4, %dma_wait3A] : memref<2x10112x64xf32, #tpu.memory_space<hbm>> -> memref<1x632x64xf32, #tpu.memory_space<hbm>>
      %dma_wait3A_15 = tpu.memref_squeeze %dma_wait3A_14 : memref<1x632x64xf32, #tpu.memory_space<hbm>> -> memref<632x64xf32, #tpu.memory_space<hbm>>
      %dma_wait3A_16 = arith.constant 0 : i32
      %dma_wait3A_17 = tpu.memref_slice %arg8[%mul3A_4, %dma_wait3A_16] : memref<10112x64xf32, #tpu.memory_space<vmem_shared>> -> memref<632x64xf32, #tpu.memory_space<vmem_shared>>
      tpu.wait_dma2 semaphore(%run_scoped3A : memref<!tpu.dma_semaphore, #tpu.memory_space<semaphore_mem>>) src(%dma_wait3A_17 : memref<632x64xf32, #tpu.memory_space<vmem_shared>>) dst(%dma_wait3A_15 : memref<632x64xf32, #tpu.memory_space<hbm>>)
      tpu.yield
    }) : () -> ()
    return
  }
}

#map = affine_map<(d0, d1) -> (0, 0)>
#map1 = affine_map<(d0, d1) -> (0, 0, 0, 0, 0)>
#map2 = affine_map<(d0, d1) -> (0, 0, 0)>
module attributes {stable_mosaic.version = 14 : i64} {
  func.func @body(%arg0: i32, %arg1: i32, %arg2: memref<20000x64xf32, #tpu.memory_space<hbm>>, %arg3: memref<2x16x10x8x128xi32, #tpu.memory_space<hbm>>, %arg4: memref<2x16x10x8x128xi32, #tpu.memory_space<hbm>>, %arg5: memref<10112x64xf32, #tpu.memory_space<hbm>>, %arg6: memref<2x10112x64xf32, #tpu.memory_space<hbm>>, %arg7: memref<20000x64xf32, #tpu.memory_space<vmem_shared>>, %arg8: memref<10112x64xf32, #tpu.memory_space<vmem_shared>>, %arg9: memref<8x128xi32, #tpu.memory_space<vmem>>, %arg10: memref<8x128xi32, #tpu.memory_space<vmem>>, %arg11: memref<128x64xf32, #tpu.memory_space<vmem>>, %arg12: memref<!tpu.dma_semaphore, #tpu.memory_space<semaphore_mem>>) attributes {dimension_semantics = [#tpu.dimension_semantics<core_parallel>, #tpu.dimension_semantics<subcore_parallel>], iteration_bounds = array<i64: 2, 16>, scalar_prefetch = 0 : i64, scratch_operands = 6 : i64, tpu.core_type = #tpu.core_type<sc_vector_subcore>, window_params = [{transform_indices = #map}, {transform_indices = #map1}, {transform_indices = #map1}, {transform_indices = #map}, {transform_indices = #map2}]} {
    %mul3A = arith.constant 1248 : i32
    %mul3A_0 = arith.muli %arg1, %mul3A : i32
    "tpu.region"() ({
      %run_scoped3A = tpu.sem_alloc : memref<!tpu.dma_semaphore, #tpu.memory_space<semaphore_mem>>
      %dma_start3A = arith.constant 0 : i32
      %dma_start3A_10 = tpu.memref_slice %arg7[%mul3A_0, %dma_start3A] : memref<20000x64xf32, #tpu.memory_space<vmem_shared>> -> memref<1248x64xf32, #tpu.memory_space<vmem_shared>>
      %dma_start3A_11 = arith.constant 0 : i32
      %dma_start3A_12 = tpu.memref_slice %arg2[%mul3A_0, %dma_start3A_11] : memref<20000x64xf32, #tpu.memory_space<hbm>> -> memref<1248x64xf32, #tpu.memory_space<hbm>>
      tpu.enqueue_dma source(%dma_start3A_12 : memref<1248x64xf32, #tpu.memory_space<hbm>>) target(%dma_start3A_10 : memref<1248x64xf32, #tpu.memory_space<vmem_shared>>) target_semaphore(%run_scoped3A : memref<!tpu.dma_semaphore, #tpu.memory_space<semaphore_mem>>)
      %dma_wait3A = arith.constant 0 : i32
      %dma_wait3A_13 = tpu.memref_slice %arg7[%mul3A_0, %dma_wait3A] : memref<20000x64xf32, #tpu.memory_space<vmem_shared>> -> memref<1248x64xf32, #tpu.memory_space<vmem_shared>>
      %dma_wait3A_14 = arith.constant 0 : i32
      %dma_wait3A_15 = tpu.memref_slice %arg2[%mul3A_0, %dma_wait3A_14] : memref<20000x64xf32, #tpu.memory_space<hbm>> -> memref<1248x64xf32, #tpu.memory_space<hbm>>
      tpu.wait_dma2 semaphore(%run_scoped3A : memref<!tpu.dma_semaphore, #tpu.memory_space<semaphore_mem>>) src(%dma_wait3A_15 : memref<1248x64xf32, #tpu.memory_space<hbm>>) dst(%dma_wait3A_13 : memref<1248x64xf32, #tpu.memory_space<vmem_shared>>)
      tpu.yield
    }) : () -> ()
    %eq3A = arith.constant 0 : i32
    %eq3A_1 = arith.cmpi eq, %arg1, %eq3A : i32
    %convert_element_type3A = arith.extui %eq3A_1 : i1 to i32
    %cond3A = arith.constant 0 : i32
    %cond3A_2 = arith.cmpi ne, %convert_element_type3A, %cond3A : i32
    scf.if %cond3A_2 {
      "tpu.region"() ({
        %run_scoped3A = tpu.sem_alloc : memref<!tpu.dma_semaphore, #tpu.memory_space<semaphore_mem>>
        %dma_start3A = arith.constant 19968 : i32
        %dma_start3A_10 = arith.constant 0 : i32
        %dma_start3A_11 = tpu.memref_slice %arg7[%dma_start3A, %dma_start3A_10] : memref<20000x64xf32, #tpu.memory_space<vmem_shared>> -> memref<32x64xf32, #tpu.memory_space<vmem_shared>>
        %dma_start3A_12 = arith.constant 19968 : i32
        %dma_start3A_13 = arith.constant 0 : i32
        %dma_start3A_14 = tpu.memref_slice %arg2[%dma_start3A_12, %dma_start3A_13] : memref<20000x64xf32, #tpu.memory_space<hbm>> -> memref<32x64xf32, #tpu.memory_space<hbm>>
        tpu.enqueue_dma source(%dma_start3A_14 : memref<32x64xf32, #tpu.memory_space<hbm>>) target(%dma_start3A_11 : memref<32x64xf32, #tpu.memory_space<vmem_shared>>) target_semaphore(%run_scoped3A : memref<!tpu.dma_semaphore, #tpu.memory_space<semaphore_mem>>)
        %dma_wait3A = arith.constant 19968 : i32
        %dma_wait3A_15 = arith.constant 0 : i32
        %dma_wait3A_16 = tpu.memref_slice %arg7[%dma_wait3A, %dma_wait3A_15] : memref<20000x64xf32, #tpu.memory_space<vmem_shared>> -> memref<32x64xf32, #tpu.memory_space<vmem_shared>>
        %dma_wait3A_17 = arith.constant 19968 : i32
        %dma_wait3A_18 = arith.constant 0 : i32
        %dma_wait3A_19 = tpu.memref_slice %arg2[%dma_wait3A_17, %dma_wait3A_18] : memref<20000x64xf32, #tpu.memory_space<hbm>> -> memref<32x64xf32, #tpu.memory_space<hbm>>
        tpu.wait_dma2 semaphore(%run_scoped3A : memref<!tpu.dma_semaphore, #tpu.memory_space<semaphore_mem>>) src(%dma_wait3A_19 : memref<32x64xf32, #tpu.memory_space<hbm>>) dst(%dma_wait3A_16 : memref<32x64xf32, #tpu.memory_space<vmem_shared>>)
        tpu.yield
      }) : () -> ()
    } else {
    }
    %mul3A_3 = arith.constant 632 : i32
    %mul3A_4 = arith.muli %arg1, %mul3A_3 : i32
    "tpu.region"() ({
      %run_scoped3A = tpu.sem_alloc : memref<!tpu.dma_semaphore, #tpu.memory_space<semaphore_mem>>
      %dma_start3A = arith.constant 0 : i32
      %dma_start3A_10 = tpu.memref_slice %arg8[%mul3A_4, %dma_start3A] : memref<10112x64xf32, #tpu.memory_space<vmem_shared>> -> memref<632x64xf32, #tpu.memory_space<vmem_shared>>
      %dma_start3A_11 = arith.constant 0 : i32
      %dma_start3A_12 = tpu.memref_slice %arg5[%mul3A_4, %dma_start3A_11] : memref<10112x64xf32, #tpu.memory_space<hbm>> -> memref<632x64xf32, #tpu.memory_space<hbm>>
      tpu.enqueue_dma source(%dma_start3A_12 : memref<632x64xf32, #tpu.memory_space<hbm>>) target(%dma_start3A_10 : memref<632x64xf32, #tpu.memory_space<vmem_shared>>) target_semaphore(%run_scoped3A : memref<!tpu.dma_semaphore, #tpu.memory_space<semaphore_mem>>)
      %dma_wait3A = arith.constant 0 : i32
      %dma_wait3A_13 = tpu.memref_slice %arg8[%mul3A_4, %dma_wait3A] : memref<10112x64xf32, #tpu.memory_space<vmem_shared>> -> memref<632x64xf32, #tpu.memory_space<vmem_shared>>
      %dma_wait3A_14 = arith.constant 0 : i32
      %dma_wait3A_15 = tpu.memref_slice %arg5[%mul3A_4, %dma_wait3A_14] : memref<10112x64xf32, #tpu.memory_space<hbm>> -> memref<632x64xf32, #tpu.memory_space<hbm>>
      tpu.wait_dma2 semaphore(%run_scoped3A : memref<!tpu.dma_semaphore, #tpu.memory_space<semaphore_mem>>) src(%dma_wait3A_15 : memref<632x64xf32, #tpu.memory_space<hbm>>) dst(%dma_wait3A_13 : memref<632x64xf32, #tpu.memory_space<vmem_shared>>)
      tpu.yield
    }) : () -> ()
    %barrier3A = arith.constant 0 : index
    tpu.barrier barrier_id(%barrier3A)
    %scan3A = arith.constant 0 : i32
    %scan3A_5 = arith.constant 10 : i32
    %scan3A_6 = arith.addi %scan3A, %scan3A_5 : i32
    %scan3A_7 = arith.constant 1 : i32
    scf.for %scan3A_10 = %scan3A to %scan3A_6 step %scan3A_7  : i32 {
      %mul3A_11 = arith.constant 1 : i32
      %mul3A_12 = arith.muli %scan3A_10, %mul3A_11 : i32
      %add3A = arith.constant 0 : i32
      %add3A_13 = arith.addi %add3A, %mul3A_12 : i32
      "tpu.region"() ({
        %run_scoped3A = tpu.sem_alloc : memref<!tpu.dma_semaphore, #tpu.memory_space<semaphore_mem>>
        %dma_start3A = arith.constant 0 : i32
        %dma_start3A_19 = arith.constant 0 : i32
        %dma_start3A_20 = tpu.memref_slice %arg3[%arg0, %arg1, %add3A_13, %dma_start3A, %dma_start3A_19] : memref<2x16x10x8x128xi32, #tpu.memory_space<hbm>> -> memref<1x1x1x8x128xi32, #tpu.memory_space<hbm>>
        %dma_start3A_21 = tpu.memref_squeeze %dma_start3A_20 : memref<1x1x1x8x128xi32, #tpu.memory_space<hbm>> -> memref<8x128xi32, #tpu.memory_space<hbm>>
        %dma_start3A_22 = arith.constant 0 : i32
        %dma_start3A_23 = arith.constant 0 : i32
        %dma_start3A_24 = tpu.memref_slice %arg3[%arg0, %arg1, %add3A_13, %dma_start3A_22, %dma_start3A_23] : memref<2x16x10x8x128xi32, #tpu.memory_space<hbm>> -> memref<1x1x1x8x128xi32, #tpu.memory_space<hbm>>
        %dma_start3A_25 = tpu.memref_squeeze %dma_start3A_24 : memref<1x1x1x8x128xi32, #tpu.memory_space<hbm>> -> memref<8x128xi32, #tpu.memory_space<hbm>>
        tpu.enqueue_dma source(%dma_start3A_25 : memref<8x128xi32, #tpu.memory_space<hbm>>) target(%arg9 : memref<8x128xi32, #tpu.memory_space<vmem>>) target_semaphore(%run_scoped3A : memref<!tpu.dma_semaphore, #tpu.memory_space<semaphore_mem>>)
        %dma_wait3A = arith.constant 0 : i32
        %dma_wait3A_26 = arith.constant 0 : i32
        %dma_wait3A_27 = tpu.memref_slice %arg3[%arg0, %arg1, %add3A_13, %dma_wait3A, %dma_wait3A_26] : memref<2x16x10x8x128xi32, #tpu.memory_space<hbm>> -> memref<1x1x1x8x128xi32, #tpu.memory_space<hbm>>
        %dma_wait3A_28 = tpu.memref_squeeze %dma_wait3A_27 : memref<1x1x1x8x128xi32, #tpu.memory_space<hbm>> -> memref<8x128xi32, #tpu.memory_space<hbm>>
        %dma_wait3A_29 = arith.constant 0 : i32
        %dma_wait3A_30 = arith.constant 0 : i32
        %dma_wait3A_31 = tpu.memref_slice %arg3[%arg0, %arg1, %add3A_13, %dma_wait3A_29, %dma_wait3A_30] : memref<2x16x10x8x128xi32, #tpu.memory_space<hbm>> -> memref<1x1x1x8x128xi32, #tpu.memory_space<hbm>>
        %dma_wait3A_32 = tpu.memref_squeeze %dma_wait3A_31 : memref<1x1x1x8x128xi32, #tpu.memory_space<hbm>> -> memref<8x128xi32, #tpu.memory_space<hbm>>
        tpu.wait_dma2 semaphore(%run_scoped3A : memref<!tpu.dma_semaphore, #tpu.memory_space<semaphore_mem>>) src(%dma_wait3A_32 : memref<8x128xi32, #tpu.memory_space<hbm>>) dst(%arg9 : memref<8x128xi32, #tpu.memory_space<vmem>>)
        tpu.yield
      }) : () -> ()
      "tpu.region"() ({
        %run_scoped3A = tpu.sem_alloc : memref<!tpu.dma_semaphore, #tpu.memory_space<semaphore_mem>>
        %dma_start3A = arith.constant 0 : i32
        %dma_start3A_19 = arith.constant 0 : i32
        %dma_start3A_20 = tpu.memref_slice %arg4[%arg0, %arg1, %add3A_13, %dma_start3A, %dma_start3A_19] : memref<2x16x10x8x128xi32, #tpu.memory_space<hbm>> -> memref<1x1x1x8x128xi32, #tpu.memory_space<hbm>>
        %dma_start3A_21 = tpu.memref_squeeze %dma_start3A_20 : memref<1x1x1x8x128xi32, #tpu.memory_space<hbm>> -> memref<8x128xi32, #tpu.memory_space<hbm>>
        %dma_start3A_22 = arith.constant 0 : i32
        %dma_start3A_23 = arith.constant 0 : i32
        %dma_start3A_24 = tpu.memref_slice %arg4[%arg0, %arg1, %add3A_13, %dma_start3A_22, %dma_start3A_23] : memref<2x16x10x8x128xi32, #tpu.memory_space<hbm>> -> memref<1x1x1x8x128xi32, #tpu.memory_space<hbm>>
        %dma_start3A_25 = tpu.memref_squeeze %dma_start3A_24 : memref<1x1x1x8x128xi32, #tpu.memory_space<hbm>> -> memref<8x128xi32, #tpu.memory_space<hbm>>
        tpu.enqueue_dma source(%dma_start3A_25 : memref<8x128xi32, #tpu.memory_space<hbm>>) target(%arg10 : memref<8x128xi32, #tpu.memory_space<vmem>>) target_semaphore(%run_scoped3A : memref<!tpu.dma_semaphore, #tpu.memory_space<semaphore_mem>>)
        %dma_wait3A = arith.constant 0 : i32
        %dma_wait3A_26 = arith.constant 0 : i32
        %dma_wait3A_27 = tpu.memref_slice %arg4[%arg0, %arg1, %add3A_13, %dma_wait3A, %dma_wait3A_26] : memref<2x16x10x8x128xi32, #tpu.memory_space<hbm>> -> memref<1x1x1x8x128xi32, #tpu.memory_space<hbm>>
        %dma_wait3A_28 = tpu.memref_squeeze %dma_wait3A_27 : memref<1x1x1x8x128xi32, #tpu.memory_space<hbm>> -> memref<8x128xi32, #tpu.memory_space<hbm>>
        %dma_wait3A_29 = arith.constant 0 : i32
        %dma_wait3A_30 = arith.constant 0 : i32
        %dma_wait3A_31 = tpu.memref_slice %arg4[%arg0, %arg1, %add3A_13, %dma_wait3A_29, %dma_wait3A_30] : memref<2x16x10x8x128xi32, #tpu.memory_space<hbm>> -> memref<1x1x1x8x128xi32, #tpu.memory_space<hbm>>
        %dma_wait3A_32 = tpu.memref_squeeze %dma_wait3A_31 : memref<1x1x1x8x128xi32, #tpu.memory_space<hbm>> -> memref<8x128xi32, #tpu.memory_space<hbm>>
        tpu.wait_dma2 semaphore(%run_scoped3A : memref<!tpu.dma_semaphore, #tpu.memory_space<semaphore_mem>>) src(%dma_wait3A_32 : memref<8x128xi32, #tpu.memory_space<hbm>>) dst(%arg10 : memref<8x128xi32, #tpu.memory_space<vmem>>)
        tpu.yield
      }) : () -> ()
      %scan3A_14 = arith.constant 0 : i32
      %scan3A_15 = arith.constant 8 : i32
      %scan3A_16 = arith.addi %scan3A_14, %scan3A_15 : i32
      %scan3A_17 = arith.constant 1 : i32
      scf.for %scan3A_19 = %scan3A_14 to %scan3A_16 step %scan3A_17  : i32 {
        %mul3A_20 = arith.constant 1 : i32
        %mul3A_21 = arith.muli %scan3A_19, %mul3A_20 : i32
        %add3A_22 = arith.constant 0 : i32
        %add3A_23 = arith.addi %add3A_22, %mul3A_21 : i32
        %dma_start3A = arith.constant 0 : i32
        %dma_start3A_24 = tpu.memref_slice %arg9[%add3A_23, %dma_start3A] : memref<8x128xi32, #tpu.memory_space<vmem>> -> memref<1x128xi32, #tpu.memory_space<vmem>>
        %dma_start3A_25 = tpu.memref_squeeze %dma_start3A_24 : memref<1x128xi32, #tpu.memory_space<vmem>> -> memref<128xi32, #tpu.memory_space<vmem>>
        %dma_start3A_26 = arith.constant 0 : i32
        %dma_start3A_27 = arith.constant 0 : i32
        %dma_start3A_28 = tpu.memref_slice %arg7[%dma_start3A_26, %dma_start3A_27] : memref<20000x64xf32, #tpu.memory_space<vmem_shared>> -> memref<20000x64xf32, #tpu.memory_space<vmem_shared>>
        tpu.enqueue_indirect_dma source(%dma_start3A_28 : memref<20000x64xf32, #tpu.memory_space<vmem_shared>>) target(%arg11 : memref<128x64xf32, #tpu.memory_space<vmem>>) offsets(%dma_start3A_25 : memref<128xi32, #tpu.memory_space<vmem>>) semaphore(%arg12 : memref<!tpu.dma_semaphore, #tpu.memory_space<semaphore_mem>>)
        %dma_wait3A = arith.constant 0 : i32
        %dma_wait3A_29 = tpu.memref_slice %arg9[%add3A_23, %dma_wait3A] : memref<8x128xi32, #tpu.memory_space<vmem>> -> memref<1x128xi32, #tpu.memory_space<vmem>>
        %dma_wait3A_30 = tpu.memref_squeeze %dma_wait3A_29 : memref<1x128xi32, #tpu.memory_space<vmem>> -> memref<128xi32, #tpu.memory_space<vmem>>
        %dma_wait3A_31 = arith.constant 0 : i32
        %dma_wait3A_32 = arith.constant 0 : i32
        %dma_wait3A_33 = tpu.memref_slice %arg7[%dma_wait3A_31, %dma_wait3A_32] : memref<20000x64xf32, #tpu.memory_space<vmem_shared>> -> memref<20000x64xf32, #tpu.memory_space<vmem_shared>>
        tpu.wait_indirect_dma semaphore(%arg12 : memref<!tpu.dma_semaphore, #tpu.memory_space<semaphore_mem>>) src(%dma_wait3A_33 : memref<20000x64xf32, #tpu.memory_space<vmem_shared>>) dst(%arg11 : memref<128x64xf32, #tpu.memory_space<vmem>>)
        "tpu.region"() ({
          %run_scoped3A = tpu.sem_alloc : memref<!tpu.dma_semaphore, #tpu.memory_space<semaphore_mem>>
          %dma_start3A_34 = arith.constant 0 : i32
          %dma_start3A_35 = tpu.memref_slice %arg10[%add3A_23, %dma_start3A_34] : memref<8x128xi32, #tpu.memory_space<vmem>> -> memref<1x128xi32, #tpu.memory_space<vmem>>
          %dma_start3A_36 = tpu.memref_squeeze %dma_start3A_35 : memref<1x128xi32, #tpu.memory_space<vmem>> -> memref<128xi32, #tpu.memory_space<vmem>>
          %dma_start3A_37 = arith.constant 0 : i32
          %dma_start3A_38 = arith.constant 0 : i32
          %dma_start3A_39 = tpu.memref_slice %arg8[%dma_start3A_37, %dma_start3A_38] : memref<10112x64xf32, #tpu.memory_space<vmem_shared>> -> memref<10112x64xf32, #tpu.memory_space<vmem_shared>>
          tpu.enqueue_indirect_dma source(%arg11 : memref<128x64xf32, #tpu.memory_space<vmem>>) target(%dma_start3A_39 : memref<10112x64xf32, #tpu.memory_space<vmem_shared>>) offsets(%dma_start3A_36 : memref<128xi32, #tpu.memory_space<vmem>>) semaphore(%run_scoped3A : memref<!tpu.dma_semaphore, #tpu.memory_space<semaphore_mem>>) {add = true}
          %dma_wait3A_40 = arith.constant 0 : i32
          %dma_wait3A_41 = tpu.memref_slice %arg10[%add3A_23, %dma_wait3A_40] : memref<8x128xi32, #tpu.memory_space<vmem>> -> memref<1x128xi32, #tpu.memory_space<vmem>>
          %dma_wait3A_42 = tpu.memref_squeeze %dma_wait3A_41 : memref<1x128xi32, #tpu.memory_space<vmem>> -> memref<128xi32, #tpu.memory_space<vmem>>
          %dma_wait3A_43 = arith.constant 0 : i32
          %dma_wait3A_44 = arith.constant 0 : i32
          %dma_wait3A_45 = tpu.memref_slice %arg8[%dma_wait3A_43, %dma_wait3A_44] : memref<10112x64xf32, #tpu.memory_space<vmem_shared>> -> memref<10112x64xf32, #tpu.memory_space<vmem_shared>>
          tpu.wait_indirect_dma semaphore(%run_scoped3A : memref<!tpu.dma_semaphore, #tpu.memory_space<semaphore_mem>>) src(%arg11 : memref<128x64xf32, #tpu.memory_space<vmem>>) dst(%dma_wait3A_45 : memref<10112x64xf32, #tpu.memory_space<vmem_shared>>)
          tpu.yield
        }) : () -> ()
      }
      %scan3A_18 = arith.constant 8 : i32
    }
    %scan3A_8 = arith.constant 10 : i32
    %barrier3A_9 = arith.constant 0 : index
    tpu.barrier barrier_id(%barrier3A_9)
    "tpu.region"() ({
      %run_scoped3A = tpu.sem_alloc : memref<!tpu.dma_semaphore, #tpu.memory_space<semaphore_mem>>
      %dma_start3A = arith.constant 0 : i32
      %dma_start3A_10 = tpu.memref_slice %arg6[%arg0, %mul3A_4, %dma_start3A] : memref<2x10112x64xf32, #tpu.memory_space<hbm>> -> memref<1x632x64xf32, #tpu.memory_space<hbm>>
      %dma_start3A_11 = tpu.memref_squeeze %dma_start3A_10 : memref<1x632x64xf32, #tpu.memory_space<hbm>> -> memref<632x64xf32, #tpu.memory_space<hbm>>
      %dma_start3A_12 = arith.constant 0 : i32
      %dma_start3A_13 = tpu.memref_slice %arg8[%mul3A_4, %dma_start3A_12] : memref<10112x64xf32, #tpu.memory_space<vmem_shared>> -> memref<632x64xf32, #tpu.memory_space<vmem_shared>>
      tpu.enqueue_dma source(%dma_start3A_13 : memref<632x64xf32, #tpu.memory_space<vmem_shared>>) target(%dma_start3A_11 : memref<632x64xf32, #tpu.memory_space<hbm>>) target_semaphore(%run_scoped3A : memref<!tpu.dma_semaphore, #tpu.memory_space<semaphore_mem>>)
      %dma_wait3A = arith.constant 0 : i32
      %dma_wait3A_14 = tpu.memref_slice %arg6[%arg0, %mul3A_4, %dma_wait3A] : memref<2x10112x64xf32, #tpu.memory_space<hbm>> -> memref<1x632x64xf32, #tpu.memory_space<hbm>>
      %dma_wait3A_15 = tpu.memref_squeeze %dma_wait3A_14 : memref<1x632x64xf32, #tpu.memory_space<hbm>> -> memref<632x64xf32, #tpu.memory_space<hbm>>
      %dma_wait3A_16 = arith.constant 0 : i32
      %dma_wait3A_17 = tpu.memref_slice %arg8[%mul3A_4, %dma_wait3A_16] : memref<10112x64xf32, #tpu.memory_space<vmem_shared>> -> memref<632x64xf32, #tpu.memory_space<vmem_shared>>
      tpu.wait_dma2 semaphore(%run_scoped3A : memref<!tpu.dma_semaphore, #tpu.memory_space<semaphore_mem>>) src(%dma_wait3A_17 : memref<632x64xf32, #tpu.memory_space<vmem_shared>>) dst(%dma_wait3A_15 : memref<632x64xf32, #tpu.memory_space<hbm>>)
      tpu.yield
    }) : () -> ()
    return
  }
}

#map = affine_map<(d0, d1) -> (0, 0)>
#map1 = affine_map<(d0, d1) -> (0, 0, 0, 0, 0)>
#map2 = affine_map<(d0, d1) -> (0, 0, 0)>
module attributes {stable_mosaic.version = 14 : i64} {
  func.func @body(%arg0: i32, %arg1: i32, %arg2: memref<10000x64xf32, #tpu.memory_space<hbm>>, %arg3: memref<2x16x10x8x128xi32, #tpu.memory_space<hbm>>, %arg4: memref<2x16x10x8x128xi32, #tpu.memory_space<hbm>>, %arg5: memref<10112x64xf32, #tpu.memory_space<hbm>>, %arg6: memref<2x10112x64xf32, #tpu.memory_space<hbm>>, %arg7: memref<10000x64xf32, #tpu.memory_space<vmem_shared>>, %arg8: memref<10112x64xf32, #tpu.memory_space<vmem_shared>>, %arg9: memref<8x128xi32, #tpu.memory_space<vmem>>, %arg10: memref<8x128xi32, #tpu.memory_space<vmem>>, %arg11: memref<128x64xf32, #tpu.memory_space<vmem>>, %arg12: memref<!tpu.dma_semaphore, #tpu.memory_space<semaphore_mem>>) attributes {dimension_semantics = [#tpu.dimension_semantics<core_parallel>, #tpu.dimension_semantics<subcore_parallel>], iteration_bounds = array<i64: 2, 16>, scalar_prefetch = 0 : i64, scratch_operands = 6 : i64, tpu.core_type = #tpu.core_type<sc_vector_subcore>, window_params = [{transform_indices = #map}, {transform_indices = #map1}, {transform_indices = #map1}, {transform_indices = #map}, {transform_indices = #map2}]} {
    %mul3A = arith.constant 624 : i32
    %mul3A_0 = arith.muli %arg1, %mul3A : i32
    "tpu.region"() ({
      %run_scoped3A = tpu.sem_alloc : memref<!tpu.dma_semaphore, #tpu.memory_space<semaphore_mem>>
      %dma_start3A = arith.constant 0 : i32
      %dma_start3A_10 = tpu.memref_slice %arg7[%mul3A_0, %dma_start3A] : memref<10000x64xf32, #tpu.memory_space<vmem_shared>> -> memref<624x64xf32, #tpu.memory_space<vmem_shared>>
      %dma_start3A_11 = arith.constant 0 : i32
      %dma_start3A_12 = tpu.memref_slice %arg2[%mul3A_0, %dma_start3A_11] : memref<10000x64xf32, #tpu.memory_space<hbm>> -> memref<624x64xf32, #tpu.memory_space<hbm>>
      tpu.enqueue_dma source(%dma_start3A_12 : memref<624x64xf32, #tpu.memory_space<hbm>>) target(%dma_start3A_10 : memref<624x64xf32, #tpu.memory_space<vmem_shared>>) target_semaphore(%run_scoped3A : memref<!tpu.dma_semaphore, #tpu.memory_space<semaphore_mem>>)
      %dma_wait3A = arith.constant 0 : i32
      %dma_wait3A_13 = tpu.memref_slice %arg7[%mul3A_0, %dma_wait3A] : memref<10000x64xf32, #tpu.memory_space<vmem_shared>> -> memref<624x64xf32, #tpu.memory_space<vmem_shared>>
      %dma_wait3A_14 = arith.constant 0 : i32
      %dma_wait3A_15 = tpu.memref_slice %arg2[%mul3A_0, %dma_wait3A_14] : memref<10000x64xf32, #tpu.memory_space<hbm>> -> memref<624x64xf32, #tpu.memory_space<hbm>>
      tpu.wait_dma2 semaphore(%run_scoped3A : memref<!tpu.dma_semaphore, #tpu.memory_space<semaphore_mem>>) src(%dma_wait3A_15 : memref<624x64xf32, #tpu.memory_space<hbm>>) dst(%dma_wait3A_13 : memref<624x64xf32, #tpu.memory_space<vmem_shared>>)
      tpu.yield
    }) : () -> ()
    %eq3A = arith.constant 0 : i32
    %eq3A_1 = arith.cmpi eq, %arg1, %eq3A : i32
    %convert_element_type3A = arith.extui %eq3A_1 : i1 to i32
    %cond3A = arith.constant 0 : i32
    %cond3A_2 = arith.cmpi ne, %convert_element_type3A, %cond3A : i32
    scf.if %cond3A_2 {
      "tpu.region"() ({
        %run_scoped3A = tpu.sem_alloc : memref<!tpu.dma_semaphore, #tpu.memory_space<semaphore_mem>>
        %dma_start3A = arith.constant 9984 : i32
        %dma_start3A_10 = arith.constant 0 : i32
        %dma_start3A_11 = tpu.memref_slice %arg7[%dma_start3A, %dma_start3A_10] : memref<10000x64xf32, #tpu.memory_space<vmem_shared>> -> memref<16x64xf32, #tpu.memory_space<vmem_shared>>
        %dma_start3A_12 = arith.constant 9984 : i32
        %dma_start3A_13 = arith.constant 0 : i32
        %dma_start3A_14 = tpu.memref_slice %arg2[%dma_start3A_12, %dma_start3A_13] : memref<10000x64xf32, #tpu.memory_space<hbm>> -> memref<16x64xf32, #tpu.memory_space<hbm>>
        tpu.enqueue_dma source(%dma_start3A_14 : memref<16x64xf32, #tpu.memory_space<hbm>>) target(%dma_start3A_11 : memref<16x64xf32, #tpu.memory_space<vmem_shared>>) target_semaphore(%run_scoped3A : memref<!tpu.dma_semaphore, #tpu.memory_space<semaphore_mem>>)
        %dma_wait3A = arith.constant 9984 : i32
        %dma_wait3A_15 = arith.constant 0 : i32
        %dma_wait3A_16 = tpu.memref_slice %arg7[%dma_wait3A, %dma_wait3A_15] : memref<10000x64xf32, #tpu.memory_space<vmem_shared>> -> memref<16x64xf32, #tpu.memory_space<vmem_shared>>
        %dma_wait3A_17 = arith.constant 9984 : i32
        %dma_wait3A_18 = arith.constant 0 : i32
        %dma_wait3A_19 = tpu.memref_slice %arg2[%dma_wait3A_17, %dma_wait3A_18] : memref<10000x64xf32, #tpu.memory_space<hbm>> -> memref<16x64xf32, #tpu.memory_space<hbm>>
        tpu.wait_dma2 semaphore(%run_scoped3A : memref<!tpu.dma_semaphore, #tpu.memory_space<semaphore_mem>>) src(%dma_wait3A_19 : memref<16x64xf32, #tpu.memory_space<hbm>>) dst(%dma_wait3A_16 : memref<16x64xf32, #tpu.memory_space<vmem_shared>>)
        tpu.yield
      }) : () -> ()
    } else {
    }
    %mul3A_3 = arith.constant 632 : i32
    %mul3A_4 = arith.muli %arg1, %mul3A_3 : i32
    "tpu.region"() ({
      %run_scoped3A = tpu.sem_alloc : memref<!tpu.dma_semaphore, #tpu.memory_space<semaphore_mem>>
      %dma_start3A = arith.constant 0 : i32
      %dma_start3A_10 = tpu.memref_slice %arg8[%mul3A_4, %dma_start3A] : memref<10112x64xf32, #tpu.memory_space<vmem_shared>> -> memref<632x64xf32, #tpu.memory_space<vmem_shared>>
      %dma_start3A_11 = arith.constant 0 : i32
      %dma_start3A_12 = tpu.memref_slice %arg5[%mul3A_4, %dma_start3A_11] : memref<10112x64xf32, #tpu.memory_space<hbm>> -> memref<632x64xf32, #tpu.memory_space<hbm>>
      tpu.enqueue_dma source(%dma_start3A_12 : memref<632x64xf32, #tpu.memory_space<hbm>>) target(%dma_start3A_10 : memref<632x64xf32, #tpu.memory_space<vmem_shared>>) target_semaphore(%run_scoped3A : memref<!tpu.dma_semaphore, #tpu.memory_space<semaphore_mem>>)
      %dma_wait3A = arith.constant 0 : i32
      %dma_wait3A_13 = tpu.memref_slice %arg8[%mul3A_4, %dma_wait3A] : memref<10112x64xf32, #tpu.memory_space<vmem_shared>> -> memref<632x64xf32, #tpu.memory_space<vmem_shared>>
      %dma_wait3A_14 = arith.constant 0 : i32
      %dma_wait3A_15 = tpu.memref_slice %arg5[%mul3A_4, %dma_wait3A_14] : memref<10112x64xf32, #tpu.memory_space<hbm>> -> memref<632x64xf32, #tpu.memory_space<hbm>>
      tpu.wait_dma2 semaphore(%run_scoped3A : memref<!tpu.dma_semaphore, #tpu.memory_space<semaphore_mem>>) src(%dma_wait3A_15 : memref<632x64xf32, #tpu.memory_space<hbm>>) dst(%dma_wait3A_13 : memref<632x64xf32, #tpu.memory_space<vmem_shared>>)
      tpu.yield
    }) : () -> ()
    %barrier3A = arith.constant 0 : index
    tpu.barrier barrier_id(%barrier3A)
    %scan3A = arith.constant 0 : i32
    %scan3A_5 = arith.constant 10 : i32
    %scan3A_6 = arith.addi %scan3A, %scan3A_5 : i32
    %scan3A_7 = arith.constant 1 : i32
    scf.for %scan3A_10 = %scan3A to %scan3A_6 step %scan3A_7  : i32 {
      %mul3A_11 = arith.constant 1 : i32
      %mul3A_12 = arith.muli %scan3A_10, %mul3A_11 : i32
      %add3A = arith.constant 0 : i32
      %add3A_13 = arith.addi %add3A, %mul3A_12 : i32
      "tpu.region"() ({
        %run_scoped3A = tpu.sem_alloc : memref<!tpu.dma_semaphore, #tpu.memory_space<semaphore_mem>>
        %dma_start3A = arith.constant 0 : i32
        %dma_start3A_19 = arith.constant 0 : i32
        %dma_start3A_20 = tpu.memref_slice %arg3[%arg0, %arg1, %add3A_13, %dma_start3A, %dma_start3A_19] : memref<2x16x10x8x128xi32, #tpu.memory_space<hbm>> -> memref<1x1x1x8x128xi32, #tpu.memory_space<hbm>>
        %dma_start3A_21 = tpu.memref_squeeze %dma_start3A_20 : memref<1x1x1x8x128xi32, #tpu.memory_space<hbm>> -> memref<8x128xi32, #tpu.memory_space<hbm>>
        %dma_start3A_22 = arith.constant 0 : i32
        %dma_start3A_23 = arith.constant 0 : i32
        %dma_start3A_24 = tpu.memref_slice %arg3[%arg0, %arg1, %add3A_13, %dma_start3A_22, %dma_start3A_23] : memref<2x16x10x8x128xi32, #tpu.memory_space<hbm>> -> memref<1x1x1x8x128xi32, #tpu.memory_space<hbm>>
        %dma_start3A_25 = tpu.memref_squeeze %dma_start3A_24 : memref<1x1x1x8x128xi32, #tpu.memory_space<hbm>> -> memref<8x128xi32, #tpu.memory_space<hbm>>
        tpu.enqueue_dma source(%dma_start3A_25 : memref<8x128xi32, #tpu.memory_space<hbm>>) target(%arg9 : memref<8x128xi32, #tpu.memory_space<vmem>>) target_semaphore(%run_scoped3A : memref<!tpu.dma_semaphore, #tpu.memory_space<semaphore_mem>>)
        %dma_wait3A = arith.constant 0 : i32
        %dma_wait3A_26 = arith.constant 0 : i32
        %dma_wait3A_27 = tpu.memref_slice %arg3[%arg0, %arg1, %add3A_13, %dma_wait3A, %dma_wait3A_26] : memref<2x16x10x8x128xi32, #tpu.memory_space<hbm>> -> memref<1x1x1x8x128xi32, #tpu.memory_space<hbm>>
        %dma_wait3A_28 = tpu.memref_squeeze %dma_wait3A_27 : memref<1x1x1x8x128xi32, #tpu.memory_space<hbm>> -> memref<8x128xi32, #tpu.memory_space<hbm>>
        %dma_wait3A_29 = arith.constant 0 : i32
        %dma_wait3A_30 = arith.constant 0 : i32
        %dma_wait3A_31 = tpu.memref_slice %arg3[%arg0, %arg1, %add3A_13, %dma_wait3A_29, %dma_wait3A_30] : memref<2x16x10x8x128xi32, #tpu.memory_space<hbm>> -> memref<1x1x1x8x128xi32, #tpu.memory_space<hbm>>
        %dma_wait3A_32 = tpu.memref_squeeze %dma_wait3A_31 : memref<1x1x1x8x128xi32, #tpu.memory_space<hbm>> -> memref<8x128xi32, #tpu.memory_space<hbm>>
        tpu.wait_dma2 semaphore(%run_scoped3A : memref<!tpu.dma_semaphore, #tpu.memory_space<semaphore_mem>>) src(%dma_wait3A_32 : memref<8x128xi32, #tpu.memory_space<hbm>>) dst(%arg9 : memref<8x128xi32, #tpu.memory_space<vmem>>)
        tpu.yield
      }) : () -> ()
      "tpu.region"() ({
        %run_scoped3A = tpu.sem_alloc : memref<!tpu.dma_semaphore, #tpu.memory_space<semaphore_mem>>
        %dma_start3A = arith.constant 0 : i32
        %dma_start3A_19 = arith.constant 0 : i32
        %dma_start3A_20 = tpu.memref_slice %arg4[%arg0, %arg1, %add3A_13, %dma_start3A, %dma_start3A_19] : memref<2x16x10x8x128xi32, #tpu.memory_space<hbm>> -> memref<1x1x1x8x128xi32, #tpu.memory_space<hbm>>
        %dma_start3A_21 = tpu.memref_squeeze %dma_start3A_20 : memref<1x1x1x8x128xi32, #tpu.memory_space<hbm>> -> memref<8x128xi32, #tpu.memory_space<hbm>>
        %dma_start3A_22 = arith.constant 0 : i32
        %dma_start3A_23 = arith.constant 0 : i32
        %dma_start3A_24 = tpu.memref_slice %arg4[%arg0, %arg1, %add3A_13, %dma_start3A_22, %dma_start3A_23] : memref<2x16x10x8x128xi32, #tpu.memory_space<hbm>> -> memref<1x1x1x8x128xi32, #tpu.memory_space<hbm>>
        %dma_start3A_25 = tpu.memref_squeeze %dma_start3A_24 : memref<1x1x1x8x128xi32, #tpu.memory_space<hbm>> -> memref<8x128xi32, #tpu.memory_space<hbm>>
        tpu.enqueue_dma source(%dma_start3A_25 : memref<8x128xi32, #tpu.memory_space<hbm>>) target(%arg10 : memref<8x128xi32, #tpu.memory_space<vmem>>) target_semaphore(%run_scoped3A : memref<!tpu.dma_semaphore, #tpu.memory_space<semaphore_mem>>)
        %dma_wait3A = arith.constant 0 : i32
        %dma_wait3A_26 = arith.constant 0 : i32
        %dma_wait3A_27 = tpu.memref_slice %arg4[%arg0, %arg1, %add3A_13, %dma_wait3A, %dma_wait3A_26] : memref<2x16x10x8x128xi32, #tpu.memory_space<hbm>> -> memref<1x1x1x8x128xi32, #tpu.memory_space<hbm>>
        %dma_wait3A_28 = tpu.memref_squeeze %dma_wait3A_27 : memref<1x1x1x8x128xi32, #tpu.memory_space<hbm>> -> memref<8x128xi32, #tpu.memory_space<hbm>>
        %dma_wait3A_29 = arith.constant 0 : i32
        %dma_wait3A_30 = arith.constant 0 : i32
        %dma_wait3A_31 = tpu.memref_slice %arg4[%arg0, %arg1, %add3A_13, %dma_wait3A_29, %dma_wait3A_30] : memref<2x16x10x8x128xi32, #tpu.memory_space<hbm>> -> memref<1x1x1x8x128xi32, #tpu.memory_space<hbm>>
        %dma_wait3A_32 = tpu.memref_squeeze %dma_wait3A_31 : memref<1x1x1x8x128xi32, #tpu.memory_space<hbm>> -> memref<8x128xi32, #tpu.memory_space<hbm>>
        tpu.wait_dma2 semaphore(%run_scoped3A : memref<!tpu.dma_semaphore, #tpu.memory_space<semaphore_mem>>) src(%dma_wait3A_32 : memref<8x128xi32, #tpu.memory_space<hbm>>) dst(%arg10 : memref<8x128xi32, #tpu.memory_space<vmem>>)
        tpu.yield
      }) : () -> ()
      %scan3A_14 = arith.constant 0 : i32
      %scan3A_15 = arith.constant 8 : i32
      %scan3A_16 = arith.addi %scan3A_14, %scan3A_15 : i32
      %scan3A_17 = arith.constant 1 : i32
      scf.for %scan3A_19 = %scan3A_14 to %scan3A_16 step %scan3A_17  : i32 {
        %mul3A_20 = arith.constant 1 : i32
        %mul3A_21 = arith.muli %scan3A_19, %mul3A_20 : i32
        %add3A_22 = arith.constant 0 : i32
        %add3A_23 = arith.addi %add3A_22, %mul3A_21 : i32
        %dma_start3A = arith.constant 0 : i32
        %dma_start3A_24 = tpu.memref_slice %arg9[%add3A_23, %dma_start3A] : memref<8x128xi32, #tpu.memory_space<vmem>> -> memref<1x128xi32, #tpu.memory_space<vmem>>
        %dma_start3A_25 = tpu.memref_squeeze %dma_start3A_24 : memref<1x128xi32, #tpu.memory_space<vmem>> -> memref<128xi32, #tpu.memory_space<vmem>>
        %dma_start3A_26 = arith.constant 0 : i32
        %dma_start3A_27 = arith.constant 0 : i32
        %dma_start3A_28 = tpu.memref_slice %arg7[%dma_start3A_26, %dma_start3A_27] : memref<10000x64xf32, #tpu.memory_space<vmem_shared>> -> memref<10000x64xf32, #tpu.memory_space<vmem_shared>>
        tpu.enqueue_indirect_dma source(%dma_start3A_28 : memref<10000x64xf32, #tpu.memory_space<vmem_shared>>) target(%arg11 : memref<128x64xf32, #tpu.memory_space<vmem>>) offsets(%dma_start3A_25 : memref<128xi32, #tpu.memory_space<vmem>>) semaphore(%arg12 : memref<!tpu.dma_semaphore, #tpu.memory_space<semaphore_mem>>)
        %dma_wait3A = arith.constant 0 : i32
        %dma_wait3A_29 = tpu.memref_slice %arg9[%add3A_23, %dma_wait3A] : memref<8x128xi32, #tpu.memory_space<vmem>> -> memref<1x128xi32, #tpu.memory_space<vmem>>
        %dma_wait3A_30 = tpu.memref_squeeze %dma_wait3A_29 : memref<1x128xi32, #tpu.memory_space<vmem>> -> memref<128xi32, #tpu.memory_space<vmem>>
        %dma_wait3A_31 = arith.constant 0 : i32
        %dma_wait3A_32 = arith.constant 0 : i32
        %dma_wait3A_33 = tpu.memref_slice %arg7[%dma_wait3A_31, %dma_wait3A_32] : memref<10000x64xf32, #tpu.memory_space<vmem_shared>> -> memref<10000x64xf32, #tpu.memory_space<vmem_shared>>
        tpu.wait_indirect_dma semaphore(%arg12 : memref<!tpu.dma_semaphore, #tpu.memory_space<semaphore_mem>>) src(%dma_wait3A_33 : memref<10000x64xf32, #tpu.memory_space<vmem_shared>>) dst(%arg11 : memref<128x64xf32, #tpu.memory_space<vmem>>)
        "tpu.region"() ({
          %run_scoped3A = tpu.sem_alloc : memref<!tpu.dma_semaphore, #tpu.memory_space<semaphore_mem>>
          %dma_start3A_34 = arith.constant 0 : i32
          %dma_start3A_35 = tpu.memref_slice %arg10[%add3A_23, %dma_start3A_34] : memref<8x128xi32, #tpu.memory_space<vmem>> -> memref<1x128xi32, #tpu.memory_space<vmem>>
          %dma_start3A_36 = tpu.memref_squeeze %dma_start3A_35 : memref<1x128xi32, #tpu.memory_space<vmem>> -> memref<128xi32, #tpu.memory_space<vmem>>
          %dma_start3A_37 = arith.constant 0 : i32
          %dma_start3A_38 = arith.constant 0 : i32
          %dma_start3A_39 = tpu.memref_slice %arg8[%dma_start3A_37, %dma_start3A_38] : memref<10112x64xf32, #tpu.memory_space<vmem_shared>> -> memref<10112x64xf32, #tpu.memory_space<vmem_shared>>
          tpu.enqueue_indirect_dma source(%arg11 : memref<128x64xf32, #tpu.memory_space<vmem>>) target(%dma_start3A_39 : memref<10112x64xf32, #tpu.memory_space<vmem_shared>>) offsets(%dma_start3A_36 : memref<128xi32, #tpu.memory_space<vmem>>) semaphore(%run_scoped3A : memref<!tpu.dma_semaphore, #tpu.memory_space<semaphore_mem>>) {add = true}
          %dma_wait3A_40 = arith.constant 0 : i32
          %dma_wait3A_41 = tpu.memref_slice %arg10[%add3A_23, %dma_wait3A_40] : memref<8x128xi32, #tpu.memory_space<vmem>> -> memref<1x128xi32, #tpu.memory_space<vmem>>
          %dma_wait3A_42 = tpu.memref_squeeze %dma_wait3A_41 : memref<1x128xi32, #tpu.memory_space<vmem>> -> memref<128xi32, #tpu.memory_space<vmem>>
          %dma_wait3A_43 = arith.constant 0 : i32
          %dma_wait3A_44 = arith.constant 0 : i32
          %dma_wait3A_45 = tpu.memref_slice %arg8[%dma_wait3A_43, %dma_wait3A_44] : memref<10112x64xf32, #tpu.memory_space<vmem_shared>> -> memref<10112x64xf32, #tpu.memory_space<vmem_shared>>
          tpu.wait_indirect_dma semaphore(%run_scoped3A : memref<!tpu.dma_semaphore, #tpu.memory_space<semaphore_mem>>) src(%arg11 : memref<128x64xf32, #tpu.memory_space<vmem>>) dst(%dma_wait3A_45 : memref<10112x64xf32, #tpu.memory_space<vmem_shared>>)
          tpu.yield
        }) : () -> ()
      }
      %scan3A_18 = arith.constant 8 : i32
    }
    %scan3A_8 = arith.constant 10 : i32
    %barrier3A_9 = arith.constant 0 : index
    tpu.barrier barrier_id(%barrier3A_9)
    "tpu.region"() ({
      %run_scoped3A = tpu.sem_alloc : memref<!tpu.dma_semaphore, #tpu.memory_space<semaphore_mem>>
      %dma_start3A = arith.constant 0 : i32
      %dma_start3A_10 = tpu.memref_slice %arg6[%arg0, %mul3A_4, %dma_start3A] : memref<2x10112x64xf32, #tpu.memory_space<hbm>> -> memref<1x632x64xf32, #tpu.memory_space<hbm>>
      %dma_start3A_11 = tpu.memref_squeeze %dma_start3A_10 : memref<1x632x64xf32, #tpu.memory_space<hbm>> -> memref<632x64xf32, #tpu.memory_space<hbm>>
      %dma_start3A_12 = arith.constant 0 : i32
      %dma_start3A_13 = tpu.memref_slice %arg8[%mul3A_4, %dma_start3A_12] : memref<10112x64xf32, #tpu.memory_space<vmem_shared>> -> memref<632x64xf32, #tpu.memory_space<vmem_shared>>
      tpu.enqueue_dma source(%dma_start3A_13 : memref<632x64xf32, #tpu.memory_space<vmem_shared>>) target(%dma_start3A_11 : memref<632x64xf32, #tpu.memory_space<hbm>>) target_semaphore(%run_scoped3A : memref<!tpu.dma_semaphore, #tpu.memory_space<semaphore_mem>>)
      %dma_wait3A = arith.constant 0 : i32
      %dma_wait3A_14 = tpu.memref_slice %arg6[%arg0, %mul3A_4, %dma_wait3A] : memref<2x10112x64xf32, #tpu.memory_space<hbm>> -> memref<1x632x64xf32, #tpu.memory_space<hbm>>
      %dma_wait3A_15 = tpu.memref_squeeze %dma_wait3A_14 : memref<1x632x64xf32, #tpu.memory_space<hbm>> -> memref<632x64xf32, #tpu.memory_space<hbm>>
      %dma_wait3A_16 = arith.constant 0 : i32
      %dma_wait3A_17 = tpu.memref_slice %arg8[%mul3A_4, %dma_wait3A_16] : memref<10112x64xf32, #tpu.memory_space<vmem_shared>> -> memref<632x64xf32, #tpu.memory_space<vmem_shared>>
      tpu.wait_dma2 semaphore(%run_scoped3A : memref<!tpu.dma_semaphore, #tpu.memory_space<semaphore_mem>>) src(%dma_wait3A_17 : memref<632x64xf32, #tpu.memory_space<vmem_shared>>) dst(%dma_wait3A_15 : memref<632x64xf32, #tpu.memory_space<hbm>>)
      tpu.yield
    }) : () -> ()
    return
  }
}

#map = affine_map<(d0, d1) -> (0, 0)>
#map1 = affine_map<(d0, d1) -> (0, 0, 0, 0, 0)>
#map2 = affine_map<(d0, d1) -> (0, 0, 0)>
module attributes {stable_mosaic.version = 14 : i64} {
  func.func @body(%arg0: i32, %arg1: i32, %arg2: memref<20000x64xf32, #tpu.memory_space<hbm>>, %arg3: memref<2x16x10x8x128xi32, #tpu.memory_space<hbm>>, %arg4: memref<2x16x10x8x128xi32, #tpu.memory_space<hbm>>, %arg5: memref<10112x64xf32, #tpu.memory_space<hbm>>, %arg6: memref<2x10112x64xf32, #tpu.memory_space<hbm>>, %arg7: memref<20000x64xf32, #tpu.memory_space<vmem_shared>>, %arg8: memref<10112x64xf32, #tpu.memory_space<vmem_shared>>, %arg9: memref<8x128xi32, #tpu.memory_space<vmem>>, %arg10: memref<8x128xi32, #tpu.memory_space<vmem>>, %arg11: memref<128x64xf32, #tpu.memory_space<vmem>>, %arg12: memref<!tpu.dma_semaphore, #tpu.memory_space<semaphore_mem>>) attributes {dimension_semantics = [#tpu.dimension_semantics<core_parallel>, #tpu.dimension_semantics<subcore_parallel>], iteration_bounds = array<i64: 2, 16>, scalar_prefetch = 0 : i64, scratch_operands = 6 : i64, tpu.core_type = #tpu.core_type<sc_vector_subcore>, window_params = [{transform_indices = #map}, {transform_indices = #map1}, {transform_indices = #map1}, {transform_indices = #map}, {transform_indices = #map2}]} {
    %mul3A = arith.constant 1248 : i32
    %mul3A_0 = arith.muli %arg1, %mul3A : i32
    "tpu.region"() ({
      %run_scoped3A = tpu.sem_alloc : memref<!tpu.dma_semaphore, #tpu.memory_space<semaphore_mem>>
      %dma_start3A = arith.constant 0 : i32
      %dma_start3A_10 = tpu.memref_slice %arg7[%mul3A_0, %dma_start3A] : memref<20000x64xf32, #tpu.memory_space<vmem_shared>> -> memref<1248x64xf32, #tpu.memory_space<vmem_shared>>
      %dma_start3A_11 = arith.constant 0 : i32
      %dma_start3A_12 = tpu.memref_slice %arg2[%mul3A_0, %dma_start3A_11] : memref<20000x64xf32, #tpu.memory_space<hbm>> -> memref<1248x64xf32, #tpu.memory_space<hbm>>
      tpu.enqueue_dma source(%dma_start3A_12 : memref<1248x64xf32, #tpu.memory_space<hbm>>) target(%dma_start3A_10 : memref<1248x64xf32, #tpu.memory_space<vmem_shared>>) target_semaphore(%run_scoped3A : memref<!tpu.dma_semaphore, #tpu.memory_space<semaphore_mem>>)
      %dma_wait3A = arith.constant 0 : i32
      %dma_wait3A_13 = tpu.memref_slice %arg7[%mul3A_0, %dma_wait3A] : memref<20000x64xf32, #tpu.memory_space<vmem_shared>> -> memref<1248x64xf32, #tpu.memory_space<vmem_shared>>
      %dma_wait3A_14 = arith.constant 0 : i32
      %dma_wait3A_15 = tpu.memref_slice %arg2[%mul3A_0, %dma_wait3A_14] : memref<20000x64xf32, #tpu.memory_space<hbm>> -> memref<1248x64xf32, #tpu.memory_space<hbm>>
      tpu.wait_dma2 semaphore(%run_scoped3A : memref<!tpu.dma_semaphore, #tpu.memory_space<semaphore_mem>>) src(%dma_wait3A_15 : memref<1248x64xf32, #tpu.memory_space<hbm>>) dst(%dma_wait3A_13 : memref<1248x64xf32, #tpu.memory_space<vmem_shared>>)
      tpu.yield
    }) : () -> ()
    %eq3A = arith.constant 0 : i32
    %eq3A_1 = arith.cmpi eq, %arg1, %eq3A : i32
    %convert_element_type3A = arith.extui %eq3A_1 : i1 to i32
    %cond3A = arith.constant 0 : i32
    %cond3A_2 = arith.cmpi ne, %convert_element_type3A, %cond3A : i32
    scf.if %cond3A_2 {
      "tpu.region"() ({
        %run_scoped3A = tpu.sem_alloc : memref<!tpu.dma_semaphore, #tpu.memory_space<semaphore_mem>>
        %dma_start3A = arith.constant 19968 : i32
        %dma_start3A_10 = arith.constant 0 : i32
        %dma_start3A_11 = tpu.memref_slice %arg7[%dma_start3A, %dma_start3A_10] : memref<20000x64xf32, #tpu.memory_space<vmem_shared>> -> memref<32x64xf32, #tpu.memory_space<vmem_shared>>
        %dma_start3A_12 = arith.constant 19968 : i32
        %dma_start3A_13 = arith.constant 0 : i32
        %dma_start3A_14 = tpu.memref_slice %arg2[%dma_start3A_12, %dma_start3A_13] : memref<20000x64xf32, #tpu.memory_space<hbm>> -> memref<32x64xf32, #tpu.memory_space<hbm>>
        tpu.enqueue_dma source(%dma_start3A_14 : memref<32x64xf32, #tpu.memory_space<hbm>>) target(%dma_start3A_11 : memref<32x64xf32, #tpu.memory_space<vmem_shared>>) target_semaphore(%run_scoped3A : memref<!tpu.dma_semaphore, #tpu.memory_space<semaphore_mem>>)
        %dma_wait3A = arith.constant 19968 : i32
        %dma_wait3A_15 = arith.constant 0 : i32
        %dma_wait3A_16 = tpu.memref_slice %arg7[%dma_wait3A, %dma_wait3A_15] : memref<20000x64xf32, #tpu.memory_space<vmem_shared>> -> memref<32x64xf32, #tpu.memory_space<vmem_shared>>
        %dma_wait3A_17 = arith.constant 19968 : i32
        %dma_wait3A_18 = arith.constant 0 : i32
        %dma_wait3A_19 = tpu.memref_slice %arg2[%dma_wait3A_17, %dma_wait3A_18] : memref<20000x64xf32, #tpu.memory_space<hbm>> -> memref<32x64xf32, #tpu.memory_space<hbm>>
        tpu.wait_dma2 semaphore(%run_scoped3A : memref<!tpu.dma_semaphore, #tpu.memory_space<semaphore_mem>>) src(%dma_wait3A_19 : memref<32x64xf32, #tpu.memory_space<hbm>>) dst(%dma_wait3A_16 : memref<32x64xf32, #tpu.memory_space<vmem_shared>>)
        tpu.yield
      }) : () -> ()
    } else {
    }
    %mul3A_3 = arith.constant 632 : i32
    %mul3A_4 = arith.muli %arg1, %mul3A_3 : i32
    "tpu.region"() ({
      %run_scoped3A = tpu.sem_alloc : memref<!tpu.dma_semaphore, #tpu.memory_space<semaphore_mem>>
      %dma_start3A = arith.constant 0 : i32
      %dma_start3A_10 = tpu.memref_slice %arg8[%mul3A_4, %dma_start3A] : memref<10112x64xf32, #tpu.memory_space<vmem_shared>> -> memref<632x64xf32, #tpu.memory_space<vmem_shared>>
      %dma_start3A_11 = arith.constant 0 : i32
      %dma_start3A_12 = tpu.memref_slice %arg5[%mul3A_4, %dma_start3A_11] : memref<10112x64xf32, #tpu.memory_space<hbm>> -> memref<632x64xf32, #tpu.memory_space<hbm>>
      tpu.enqueue_dma source(%dma_start3A_12 : memref<632x64xf32, #tpu.memory_space<hbm>>) target(%dma_start3A_10 : memref<632x64xf32, #tpu.memory_space<vmem_shared>>) target_semaphore(%run_scoped3A : memref<!tpu.dma_semaphore, #tpu.memory_space<semaphore_mem>>)
      %dma_wait3A = arith.constant 0 : i32
      %dma_wait3A_13 = tpu.memref_slice %arg8[%mul3A_4, %dma_wait3A] : memref<10112x64xf32, #tpu.memory_space<vmem_shared>> -> memref<632x64xf32, #tpu.memory_space<vmem_shared>>
      %dma_wait3A_14 = arith.constant 0 : i32
      %dma_wait3A_15 = tpu.memref_slice %arg5[%mul3A_4, %dma_wait3A_14] : memref<10112x64xf32, #tpu.memory_space<hbm>> -> memref<632x64xf32, #tpu.memory_space<hbm>>
      tpu.wait_dma2 semaphore(%run_scoped3A : memref<!tpu.dma_semaphore, #tpu.memory_space<semaphore_mem>>) src(%dma_wait3A_15 : memref<632x64xf32, #tpu.memory_space<hbm>>) dst(%dma_wait3A_13 : memref<632x64xf32, #tpu.memory_space<vmem_shared>>)
      tpu.yield
    }) : () -> ()
    %barrier3A = arith.constant 0 : index
    tpu.barrier barrier_id(%barrier3A)
    %scan3A = arith.constant 0 : i32
    %scan3A_5 = arith.constant 10 : i32
    %scan3A_6 = arith.addi %scan3A, %scan3A_5 : i32
    %scan3A_7 = arith.constant 1 : i32
    scf.for %scan3A_10 = %scan3A to %scan3A_6 step %scan3A_7  : i32 {
      %mul3A_11 = arith.constant 1 : i32
      %mul3A_12 = arith.muli %scan3A_10, %mul3A_11 : i32
      %add3A = arith.constant 0 : i32
      %add3A_13 = arith.addi %add3A, %mul3A_12 : i32
      "tpu.region"() ({
        %run_scoped3A = tpu.sem_alloc : memref<!tpu.dma_semaphore, #tpu.memory_space<semaphore_mem>>
        %dma_start3A = arith.constant 0 : i32
        %dma_start3A_19 = arith.constant 0 : i32
        %dma_start3A_20 = tpu.memref_slice %arg3[%arg0, %arg1, %add3A_13, %dma_start3A, %dma_start3A_19] : memref<2x16x10x8x128xi32, #tpu.memory_space<hbm>> -> memref<1x1x1x8x128xi32, #tpu.memory_space<hbm>>
        %dma_start3A_21 = tpu.memref_squeeze %dma_start3A_20 : memref<1x1x1x8x128xi32, #tpu.memory_space<hbm>> -> memref<8x128xi32, #tpu.memory_space<hbm>>
        %dma_start3A_22 = arith.constant 0 : i32
        %dma_start3A_23 = arith.constant 0 : i32
        %dma_start3A_24 = tpu.memref_slice %arg3[%arg0, %arg1, %add3A_13, %dma_start3A_22, %dma_start3A_23] : memref<2x16x10x8x128xi32, #tpu.memory_space<hbm>> -> memref<1x1x1x8x128xi32, #tpu.memory_space<hbm>>
        %dma_start3A_25 = tpu.memref_squeeze %dma_start3A_24 : memref<1x1x1x8x128xi32, #tpu.memory_space<hbm>> -> memref<8x128xi32, #tpu.memory_space<hbm>>
        tpu.enqueue_dma source(%dma_start3A_25 : memref<8x128xi32, #tpu.memory_space<hbm>>) target(%arg9 : memref<8x128xi32, #tpu.memory_space<vmem>>) target_semaphore(%run_scoped3A : memref<!tpu.dma_semaphore, #tpu.memory_space<semaphore_mem>>)
        %dma_wait3A = arith.constant 0 : i32
        %dma_wait3A_26 = arith.constant 0 : i32
        %dma_wait3A_27 = tpu.memref_slice %arg3[%arg0, %arg1, %add3A_13, %dma_wait3A, %dma_wait3A_26] : memref<2x16x10x8x128xi32, #tpu.memory_space<hbm>> -> memref<1x1x1x8x128xi32, #tpu.memory_space<hbm>>
        %dma_wait3A_28 = tpu.memref_squeeze %dma_wait3A_27 : memref<1x1x1x8x128xi32, #tpu.memory_space<hbm>> -> memref<8x128xi32, #tpu.memory_space<hbm>>
        %dma_wait3A_29 = arith.constant 0 : i32
        %dma_wait3A_30 = arith.constant 0 : i32
        %dma_wait3A_31 = tpu.memref_slice %arg3[%arg0, %arg1, %add3A_13, %dma_wait3A_29, %dma_wait3A_30] : memref<2x16x10x8x128xi32, #tpu.memory_space<hbm>> -> memref<1x1x1x8x128xi32, #tpu.memory_space<hbm>>
        %dma_wait3A_32 = tpu.memref_squeeze %dma_wait3A_31 : memref<1x1x1x8x128xi32, #tpu.memory_space<hbm>> -> memref<8x128xi32, #tpu.memory_space<hbm>>
        tpu.wait_dma2 semaphore(%run_scoped3A : memref<!tpu.dma_semaphore, #tpu.memory_space<semaphore_mem>>) src(%dma_wait3A_32 : memref<8x128xi32, #tpu.memory_space<hbm>>) dst(%arg9 : memref<8x128xi32, #tpu.memory_space<vmem>>)
        tpu.yield
      }) : () -> ()
      "tpu.region"() ({
        %run_scoped3A = tpu.sem_alloc : memref<!tpu.dma_semaphore, #tpu.memory_space<semaphore_mem>>
        %dma_start3A = arith.constant 0 : i32
        %dma_start3A_19 = arith.constant 0 : i32
        %dma_start3A_20 = tpu.memref_slice %arg4[%arg0, %arg1, %add3A_13, %dma_start3A, %dma_start3A_19] : memref<2x16x10x8x128xi32, #tpu.memory_space<hbm>> -> memref<1x1x1x8x128xi32, #tpu.memory_space<hbm>>
        %dma_start3A_21 = tpu.memref_squeeze %dma_start3A_20 : memref<1x1x1x8x128xi32, #tpu.memory_space<hbm>> -> memref<8x128xi32, #tpu.memory_space<hbm>>
        %dma_start3A_22 = arith.constant 0 : i32
        %dma_start3A_23 = arith.constant 0 : i32
        %dma_start3A_24 = tpu.memref_slice %arg4[%arg0, %arg1, %add3A_13, %dma_start3A_22, %dma_start3A_23] : memref<2x16x10x8x128xi32, #tpu.memory_space<hbm>> -> memref<1x1x1x8x128xi32, #tpu.memory_space<hbm>>
        %dma_start3A_25 = tpu.memref_squeeze %dma_start3A_24 : memref<1x1x1x8x128xi32, #tpu.memory_space<hbm>> -> memref<8x128xi32, #tpu.memory_space<hbm>>
        tpu.enqueue_dma source(%dma_start3A_25 : memref<8x128xi32, #tpu.memory_space<hbm>>) target(%arg10 : memref<8x128xi32, #tpu.memory_space<vmem>>) target_semaphore(%run_scoped3A : memref<!tpu.dma_semaphore, #tpu.memory_space<semaphore_mem>>)
        %dma_wait3A = arith.constant 0 : i32
        %dma_wait3A_26 = arith.constant 0 : i32
        %dma_wait3A_27 = tpu.memref_slice %arg4[%arg0, %arg1, %add3A_13, %dma_wait3A, %dma_wait3A_26] : memref<2x16x10x8x128xi32, #tpu.memory_space<hbm>> -> memref<1x1x1x8x128xi32, #tpu.memory_space<hbm>>
        %dma_wait3A_28 = tpu.memref_squeeze %dma_wait3A_27 : memref<1x1x1x8x128xi32, #tpu.memory_space<hbm>> -> memref<8x128xi32, #tpu.memory_space<hbm>>
        %dma_wait3A_29 = arith.constant 0 : i32
        %dma_wait3A_30 = arith.constant 0 : i32
        %dma_wait3A_31 = tpu.memref_slice %arg4[%arg0, %arg1, %add3A_13, %dma_wait3A_29, %dma_wait3A_30] : memref<2x16x10x8x128xi32, #tpu.memory_space<hbm>> -> memref<1x1x1x8x128xi32, #tpu.memory_space<hbm>>
        %dma_wait3A_32 = tpu.memref_squeeze %dma_wait3A_31 : memref<1x1x1x8x128xi32, #tpu.memory_space<hbm>> -> memref<8x128xi32, #tpu.memory_space<hbm>>
        tpu.wait_dma2 semaphore(%run_scoped3A : memref<!tpu.dma_semaphore, #tpu.memory_space<semaphore_mem>>) src(%dma_wait3A_32 : memref<8x128xi32, #tpu.memory_space<hbm>>) dst(%arg10 : memref<8x128xi32, #tpu.memory_space<vmem>>)
        tpu.yield
      }) : () -> ()
      %scan3A_14 = arith.constant 0 : i32
      %scan3A_15 = arith.constant 8 : i32
      %scan3A_16 = arith.addi %scan3A_14, %scan3A_15 : i32
      %scan3A_17 = arith.constant 1 : i32
      scf.for %scan3A_19 = %scan3A_14 to %scan3A_16 step %scan3A_17  : i32 {
        %mul3A_20 = arith.constant 1 : i32
        %mul3A_21 = arith.muli %scan3A_19, %mul3A_20 : i32
        %add3A_22 = arith.constant 0 : i32
        %add3A_23 = arith.addi %add3A_22, %mul3A_21 : i32
        %dma_start3A = arith.constant 0 : i32
        %dma_start3A_24 = tpu.memref_slice %arg9[%add3A_23, %dma_start3A] : memref<8x128xi32, #tpu.memory_space<vmem>> -> memref<1x128xi32, #tpu.memory_space<vmem>>
        %dma_start3A_25 = tpu.memref_squeeze %dma_start3A_24 : memref<1x128xi32, #tpu.memory_space<vmem>> -> memref<128xi32, #tpu.memory_space<vmem>>
        %dma_start3A_26 = arith.constant 0 : i32
        %dma_start3A_27 = arith.constant 0 : i32
        %dma_start3A_28 = tpu.memref_slice %arg7[%dma_start3A_26, %dma_start3A_27] : memref<20000x64xf32, #tpu.memory_space<vmem_shared>> -> memref<20000x64xf32, #tpu.memory_space<vmem_shared>>
        tpu.enqueue_indirect_dma source(%dma_start3A_28 : memref<20000x64xf32, #tpu.memory_space<vmem_shared>>) target(%arg11 : memref<128x64xf32, #tpu.memory_space<vmem>>) offsets(%dma_start3A_25 : memref<128xi32, #tpu.memory_space<vmem>>) semaphore(%arg12 : memref<!tpu.dma_semaphore, #tpu.memory_space<semaphore_mem>>)
        %dma_wait3A = arith.constant 0 : i32
        %dma_wait3A_29 = tpu.memref_slice %arg9[%add3A_23, %dma_wait3A] : memref<8x128xi32, #tpu.memory_space<vmem>> -> memref<1x128xi32, #tpu.memory_space<vmem>>
        %dma_wait3A_30 = tpu.memref_squeeze %dma_wait3A_29 : memref<1x128xi32, #tpu.memory_space<vmem>> -> memref<128xi32, #tpu.memory_space<vmem>>
        %dma_wait3A_31 = arith.constant 0 : i32
        %dma_wait3A_32 = arith.constant 0 : i32
        %dma_wait3A_33 = tpu.memref_slice %arg7[%dma_wait3A_31, %dma_wait3A_32] : memref<20000x64xf32, #tpu.memory_space<vmem_shared>> -> memref<20000x64xf32, #tpu.memory_space<vmem_shared>>
        tpu.wait_indirect_dma semaphore(%arg12 : memref<!tpu.dma_semaphore, #tpu.memory_space<semaphore_mem>>) src(%dma_wait3A_33 : memref<20000x64xf32, #tpu.memory_space<vmem_shared>>) dst(%arg11 : memref<128x64xf32, #tpu.memory_space<vmem>>)
        "tpu.region"() ({
          %run_scoped3A = tpu.sem_alloc : memref<!tpu.dma_semaphore, #tpu.memory_space<semaphore_mem>>
          %dma_start3A_34 = arith.constant 0 : i32
          %dma_start3A_35 = tpu.memref_slice %arg10[%add3A_23, %dma_start3A_34] : memref<8x128xi32, #tpu.memory_space<vmem>> -> memref<1x128xi32, #tpu.memory_space<vmem>>
          %dma_start3A_36 = tpu.memref_squeeze %dma_start3A_35 : memref<1x128xi32, #tpu.memory_space<vmem>> -> memref<128xi32, #tpu.memory_space<vmem>>
          %dma_start3A_37 = arith.constant 0 : i32
          %dma_start3A_38 = arith.constant 0 : i32
          %dma_start3A_39 = tpu.memref_slice %arg8[%dma_start3A_37, %dma_start3A_38] : memref<10112x64xf32, #tpu.memory_space<vmem_shared>> -> memref<10112x64xf32, #tpu.memory_space<vmem_shared>>
          tpu.enqueue_indirect_dma source(%arg11 : memref<128x64xf32, #tpu.memory_space<vmem>>) target(%dma_start3A_39 : memref<10112x64xf32, #tpu.memory_space<vmem_shared>>) offsets(%dma_start3A_36 : memref<128xi32, #tpu.memory_space<vmem>>) semaphore(%run_scoped3A : memref<!tpu.dma_semaphore, #tpu.memory_space<semaphore_mem>>) {add = true}
          %dma_wait3A_40 = arith.constant 0 : i32
          %dma_wait3A_41 = tpu.memref_slice %arg10[%add3A_23, %dma_wait3A_40] : memref<8x128xi32, #tpu.memory_space<vmem>> -> memref<1x128xi32, #tpu.memory_space<vmem>>
          %dma_wait3A_42 = tpu.memref_squeeze %dma_wait3A_41 : memref<1x128xi32, #tpu.memory_space<vmem>> -> memref<128xi32, #tpu.memory_space<vmem>>
          %dma_wait3A_43 = arith.constant 0 : i32
          %dma_wait3A_44 = arith.constant 0 : i32
          %dma_wait3A_45 = tpu.memref_slice %arg8[%dma_wait3A_43, %dma_wait3A_44] : memref<10112x64xf32, #tpu.memory_space<vmem_shared>> -> memref<10112x64xf32, #tpu.memory_space<vmem_shared>>
          tpu.wait_indirect_dma semaphore(%run_scoped3A : memref<!tpu.dma_semaphore, #tpu.memory_space<semaphore_mem>>) src(%arg11 : memref<128x64xf32, #tpu.memory_space<vmem>>) dst(%dma_wait3A_45 : memref<10112x64xf32, #tpu.memory_space<vmem_shared>>)
          tpu.yield
        }) : () -> ()
      }
      %scan3A_18 = arith.constant 8 : i32
    }
    %scan3A_8 = arith.constant 10 : i32
    %barrier3A_9 = arith.constant 0 : index
    tpu.barrier barrier_id(%barrier3A_9)
    "tpu.region"() ({
      %run_scoped3A = tpu.sem_alloc : memref<!tpu.dma_semaphore, #tpu.memory_space<semaphore_mem>>
      %dma_start3A = arith.constant 0 : i32
      %dma_start3A_10 = tpu.memref_slice %arg6[%arg0, %mul3A_4, %dma_start3A] : memref<2x10112x64xf32, #tpu.memory_space<hbm>> -> memref<1x632x64xf32, #tpu.memory_space<hbm>>
      %dma_start3A_11 = tpu.memref_squeeze %dma_start3A_10 : memref<1x632x64xf32, #tpu.memory_space<hbm>> -> memref<632x64xf32, #tpu.memory_space<hbm>>
      %dma_start3A_12 = arith.constant 0 : i32
      %dma_start3A_13 = tpu.memref_slice %arg8[%mul3A_4, %dma_start3A_12] : memref<10112x64xf32, #tpu.memory_space<vmem_shared>> -> memref<632x64xf32, #tpu.memory_space<vmem_shared>>
      tpu.enqueue_dma source(%dma_start3A_13 : memref<632x64xf32, #tpu.memory_space<vmem_shared>>) target(%dma_start3A_11 : memref<632x64xf32, #tpu.memory_space<hbm>>) target_semaphore(%run_scoped3A : memref<!tpu.dma_semaphore, #tpu.memory_space<semaphore_mem>>)
      %dma_wait3A = arith.constant 0 : i32
      %dma_wait3A_14 = tpu.memref_slice %arg6[%arg0, %mul3A_4, %dma_wait3A] : memref<2x10112x64xf32, #tpu.memory_space<hbm>> -> memref<1x632x64xf32, #tpu.memory_space<hbm>>
      %dma_wait3A_15 = tpu.memref_squeeze %dma_wait3A_14 : memref<1x632x64xf32, #tpu.memory_space<hbm>> -> memref<632x64xf32, #tpu.memory_space<hbm>>
      %dma_wait3A_16 = arith.constant 0 : i32
      %dma_wait3A_17 = tpu.memref_slice %arg8[%mul3A_4, %dma_wait3A_16] : memref<10112x64xf32, #tpu.memory_space<vmem_shared>> -> memref<632x64xf32, #tpu.memory_space<vmem_shared>>
      tpu.wait_dma2 semaphore(%run_scoped3A : memref<!tpu.dma_semaphore, #tpu.memory_space<semaphore_mem>>) src(%dma_wait3A_17 : memref<632x64xf32, #tpu.memory_space<vmem_shared>>) dst(%dma_wait3A_15 : memref<632x64xf32, #tpu.memory_space<hbm>>)
      tpu.yield
    }) : () -> ()
    return
  }
}

#map = affine_map<(d0, d1) -> (0, 0)>
#map1 = affine_map<(d0, d1) -> (0, 0, 0, 0, 0)>
#map2 = affine_map<(d0, d1) -> (0, 0, 0)>
module attributes {stable_mosaic.version = 14 : i64} {
  func.func @body(%arg0: i32, %arg1: i32, %arg2: memref<20000x64xf32, #tpu.memory_space<hbm>>, %arg3: memref<2x16x10x8x128xi32, #tpu.memory_space<hbm>>, %arg4: memref<2x16x10x8x128xi32, #tpu.memory_space<hbm>>, %arg5: memref<10112x64xf32, #tpu.memory_space<hbm>>, %arg6: memref<2x10112x64xf32, #tpu.memory_space<hbm>>, %arg7: memref<20000x64xf32, #tpu.memory_space<vmem_shared>>, %arg8: memref<10112x64xf32, #tpu.memory_space<vmem_shared>>, %arg9: memref<8x128xi32, #tpu.memory_space<vmem>>, %arg10: memref<8x128xi32, #tpu.memory_space<vmem>>, %arg11: memref<128x64xf32, #tpu.memory_space<vmem>>, %arg12: memref<!tpu.dma_semaphore, #tpu.memory_space<semaphore_mem>>) attributes {dimension_semantics = [#tpu.dimension_semantics<core_parallel>, #tpu.dimension_semantics<subcore_parallel>], iteration_bounds = array<i64: 2, 16>, scalar_prefetch = 0 : i64, scratch_operands = 6 : i64, tpu.core_type = #tpu.core_type<sc_vector_subcore>, window_params = [{transform_indices = #map}, {transform_indices = #map1}, {transform_indices = #map1}, {transform_indices = #map}, {transform_indices = #map2}]} {
    %mul3A = arith.constant 1248 : i32
    %mul3A_0 = arith.muli %arg1, %mul3A : i32
    "tpu.region"() ({
      %run_scoped3A = tpu.sem_alloc : memref<!tpu.dma_semaphore, #tpu.memory_space<semaphore_mem>>
      %dma_start3A = arith.constant 0 : i32
      %dma_start3A_10 = tpu.memref_slice %arg7[%mul3A_0, %dma_start3A] : memref<20000x64xf32, #tpu.memory_space<vmem_shared>> -> memref<1248x64xf32, #tpu.memory_space<vmem_shared>>
      %dma_start3A_11 = arith.constant 0 : i32
      %dma_start3A_12 = tpu.memref_slice %arg2[%mul3A_0, %dma_start3A_11] : memref<20000x64xf32, #tpu.memory_space<hbm>> -> memref<1248x64xf32, #tpu.memory_space<hbm>>
      tpu.enqueue_dma source(%dma_start3A_12 : memref<1248x64xf32, #tpu.memory_space<hbm>>) target(%dma_start3A_10 : memref<1248x64xf32, #tpu.memory_space<vmem_shared>>) target_semaphore(%run_scoped3A : memref<!tpu.dma_semaphore, #tpu.memory_space<semaphore_mem>>)
      %dma_wait3A = arith.constant 0 : i32
      %dma_wait3A_13 = tpu.memref_slice %arg7[%mul3A_0, %dma_wait3A] : memref<20000x64xf32, #tpu.memory_space<vmem_shared>> -> memref<1248x64xf32, #tpu.memory_space<vmem_shared>>
      %dma_wait3A_14 = arith.constant 0 : i32
      %dma_wait3A_15 = tpu.memref_slice %arg2[%mul3A_0, %dma_wait3A_14] : memref<20000x64xf32, #tpu.memory_space<hbm>> -> memref<1248x64xf32, #tpu.memory_space<hbm>>
      tpu.wait_dma2 semaphore(%run_scoped3A : memref<!tpu.dma_semaphore, #tpu.memory_space<semaphore_mem>>) src(%dma_wait3A_15 : memref<1248x64xf32, #tpu.memory_space<hbm>>) dst(%dma_wait3A_13 : memref<1248x64xf32, #tpu.memory_space<vmem_shared>>)
      tpu.yield
    }) : () -> ()
    %eq3A = arith.constant 0 : i32
    %eq3A_1 = arith.cmpi eq, %arg1, %eq3A : i32
    %convert_element_type3A = arith.extui %eq3A_1 : i1 to i32
    %cond3A = arith.constant 0 : i32
    %cond3A_2 = arith.cmpi ne, %convert_element_type3A, %cond3A : i32
    scf.if %cond3A_2 {
      "tpu.region"() ({
        %run_scoped3A = tpu.sem_alloc : memref<!tpu.dma_semaphore, #tpu.memory_space<semaphore_mem>>
        %dma_start3A = arith.constant 19968 : i32
        %dma_start3A_10 = arith.constant 0 : i32
        %dma_start3A_11 = tpu.memref_slice %arg7[%dma_start3A, %dma_start3A_10] : memref<20000x64xf32, #tpu.memory_space<vmem_shared>> -> memref<32x64xf32, #tpu.memory_space<vmem_shared>>
        %dma_start3A_12 = arith.constant 19968 : i32
        %dma_start3A_13 = arith.constant 0 : i32
        %dma_start3A_14 = tpu.memref_slice %arg2[%dma_start3A_12, %dma_start3A_13] : memref<20000x64xf32, #tpu.memory_space<hbm>> -> memref<32x64xf32, #tpu.memory_space<hbm>>
        tpu.enqueue_dma source(%dma_start3A_14 : memref<32x64xf32, #tpu.memory_space<hbm>>) target(%dma_start3A_11 : memref<32x64xf32, #tpu.memory_space<vmem_shared>>) target_semaphore(%run_scoped3A : memref<!tpu.dma_semaphore, #tpu.memory_space<semaphore_mem>>)
        %dma_wait3A = arith.constant 19968 : i32
        %dma_wait3A_15 = arith.constant 0 : i32
        %dma_wait3A_16 = tpu.memref_slice %arg7[%dma_wait3A, %dma_wait3A_15] : memref<20000x64xf32, #tpu.memory_space<vmem_shared>> -> memref<32x64xf32, #tpu.memory_space<vmem_shared>>
        %dma_wait3A_17 = arith.constant 19968 : i32
        %dma_wait3A_18 = arith.constant 0 : i32
        %dma_wait3A_19 = tpu.memref_slice %arg2[%dma_wait3A_17, %dma_wait3A_18] : memref<20000x64xf32, #tpu.memory_space<hbm>> -> memref<32x64xf32, #tpu.memory_space<hbm>>
        tpu.wait_dma2 semaphore(%run_scoped3A : memref<!tpu.dma_semaphore, #tpu.memory_space<semaphore_mem>>) src(%dma_wait3A_19 : memref<32x64xf32, #tpu.memory_space<hbm>>) dst(%dma_wait3A_16 : memref<32x64xf32, #tpu.memory_space<vmem_shared>>)
        tpu.yield
      }) : () -> ()
    } else {
    }
    %mul3A_3 = arith.constant 632 : i32
    %mul3A_4 = arith.muli %arg1, %mul3A_3 : i32
    "tpu.region"() ({
      %run_scoped3A = tpu.sem_alloc : memref<!tpu.dma_semaphore, #tpu.memory_space<semaphore_mem>>
      %dma_start3A = arith.constant 0 : i32
      %dma_start3A_10 = tpu.memref_slice %arg8[%mul3A_4, %dma_start3A] : memref<10112x64xf32, #tpu.memory_space<vmem_shared>> -> memref<632x64xf32, #tpu.memory_space<vmem_shared>>
      %dma_start3A_11 = arith.constant 0 : i32
      %dma_start3A_12 = tpu.memref_slice %arg5[%mul3A_4, %dma_start3A_11] : memref<10112x64xf32, #tpu.memory_space<hbm>> -> memref<632x64xf32, #tpu.memory_space<hbm>>
      tpu.enqueue_dma source(%dma_start3A_12 : memref<632x64xf32, #tpu.memory_space<hbm>>) target(%dma_start3A_10 : memref<632x64xf32, #tpu.memory_space<vmem_shared>>) target_semaphore(%run_scoped3A : memref<!tpu.dma_semaphore, #tpu.memory_space<semaphore_mem>>)
      %dma_wait3A = arith.constant 0 : i32
      %dma_wait3A_13 = tpu.memref_slice %arg8[%mul3A_4, %dma_wait3A] : memref<10112x64xf32, #tpu.memory_space<vmem_shared>> -> memref<632x64xf32, #tpu.memory_space<vmem_shared>>
      %dma_wait3A_14 = arith.constant 0 : i32
      %dma_wait3A_15 = tpu.memref_slice %arg5[%mul3A_4, %dma_wait3A_14] : memref<10112x64xf32, #tpu.memory_space<hbm>> -> memref<632x64xf32, #tpu.memory_space<hbm>>
      tpu.wait_dma2 semaphore(%run_scoped3A : memref<!tpu.dma_semaphore, #tpu.memory_space<semaphore_mem>>) src(%dma_wait3A_15 : memref<632x64xf32, #tpu.memory_space<hbm>>) dst(%dma_wait3A_13 : memref<632x64xf32, #tpu.memory_space<vmem_shared>>)
      tpu.yield
    }) : () -> ()
    %barrier3A = arith.constant 0 : index
    tpu.barrier barrier_id(%barrier3A)
    %scan3A = arith.constant 0 : i32
    %scan3A_5 = arith.constant 10 : i32
    %scan3A_6 = arith.addi %scan3A, %scan3A_5 : i32
    %scan3A_7 = arith.constant 1 : i32
    scf.for %scan3A_10 = %scan3A to %scan3A_6 step %scan3A_7  : i32 {
      %mul3A_11 = arith.constant 1 : i32
      %mul3A_12 = arith.muli %scan3A_10, %mul3A_11 : i32
      %add3A = arith.constant 0 : i32
      %add3A_13 = arith.addi %add3A, %mul3A_12 : i32
      "tpu.region"() ({
        %run_scoped3A = tpu.sem_alloc : memref<!tpu.dma_semaphore, #tpu.memory_space<semaphore_mem>>
        %dma_start3A = arith.constant 0 : i32
        %dma_start3A_19 = arith.constant 0 : i32
        %dma_start3A_20 = tpu.memref_slice %arg3[%arg0, %arg1, %add3A_13, %dma_start3A, %dma_start3A_19] : memref<2x16x10x8x128xi32, #tpu.memory_space<hbm>> -> memref<1x1x1x8x128xi32, #tpu.memory_space<hbm>>
        %dma_start3A_21 = tpu.memref_squeeze %dma_start3A_20 : memref<1x1x1x8x128xi32, #tpu.memory_space<hbm>> -> memref<8x128xi32, #tpu.memory_space<hbm>>
        %dma_start3A_22 = arith.constant 0 : i32
        %dma_start3A_23 = arith.constant 0 : i32
        %dma_start3A_24 = tpu.memref_slice %arg3[%arg0, %arg1, %add3A_13, %dma_start3A_22, %dma_start3A_23] : memref<2x16x10x8x128xi32, #tpu.memory_space<hbm>> -> memref<1x1x1x8x128xi32, #tpu.memory_space<hbm>>
        %dma_start3A_25 = tpu.memref_squeeze %dma_start3A_24 : memref<1x1x1x8x128xi32, #tpu.memory_space<hbm>> -> memref<8x128xi32, #tpu.memory_space<hbm>>
        tpu.enqueue_dma source(%dma_start3A_25 : memref<8x128xi32, #tpu.memory_space<hbm>>) target(%arg9 : memref<8x128xi32, #tpu.memory_space<vmem>>) target_semaphore(%run_scoped3A : memref<!tpu.dma_semaphore, #tpu.memory_space<semaphore_mem>>)
        %dma_wait3A = arith.constant 0 : i32
        %dma_wait3A_26 = arith.constant 0 : i32
        %dma_wait3A_27 = tpu.memref_slice %arg3[%arg0, %arg1, %add3A_13, %dma_wait3A, %dma_wait3A_26] : memref<2x16x10x8x128xi32, #tpu.memory_space<hbm>> -> memref<1x1x1x8x128xi32, #tpu.memory_space<hbm>>
        %dma_wait3A_28 = tpu.memref_squeeze %dma_wait3A_27 : memref<1x1x1x8x128xi32, #tpu.memory_space<hbm>> -> memref<8x128xi32, #tpu.memory_space<hbm>>
        %dma_wait3A_29 = arith.constant 0 : i32
        %dma_wait3A_30 = arith.constant 0 : i32
        %dma_wait3A_31 = tpu.memref_slice %arg3[%arg0, %arg1, %add3A_13, %dma_wait3A_29, %dma_wait3A_30] : memref<2x16x10x8x128xi32, #tpu.memory_space<hbm>> -> memref<1x1x1x8x128xi32, #tpu.memory_space<hbm>>
        %dma_wait3A_32 = tpu.memref_squeeze %dma_wait3A_31 : memref<1x1x1x8x128xi32, #tpu.memory_space<hbm>> -> memref<8x128xi32, #tpu.memory_space<hbm>>
        tpu.wait_dma2 semaphore(%run_scoped3A : memref<!tpu.dma_semaphore, #tpu.memory_space<semaphore_mem>>) src(%dma_wait3A_32 : memref<8x128xi32, #tpu.memory_space<hbm>>) dst(%arg9 : memref<8x128xi32, #tpu.memory_space<vmem>>)
        tpu.yield
      }) : () -> ()
      "tpu.region"() ({
        %run_scoped3A = tpu.sem_alloc : memref<!tpu.dma_semaphore, #tpu.memory_space<semaphore_mem>>
        %dma_start3A = arith.constant 0 : i32
        %dma_start3A_19 = arith.constant 0 : i32
        %dma_start3A_20 = tpu.memref_slice %arg4[%arg0, %arg1, %add3A_13, %dma_start3A, %dma_start3A_19] : memref<2x16x10x8x128xi32, #tpu.memory_space<hbm>> -> memref<1x1x1x8x128xi32, #tpu.memory_space<hbm>>
        %dma_start3A_21 = tpu.memref_squeeze %dma_start3A_20 : memref<1x1x1x8x128xi32, #tpu.memory_space<hbm>> -> memref<8x128xi32, #tpu.memory_space<hbm>>
        %dma_start3A_22 = arith.constant 0 : i32
        %dma_start3A_23 = arith.constant 0 : i32
        %dma_start3A_24 = tpu.memref_slice %arg4[%arg0, %arg1, %add3A_13, %dma_start3A_22, %dma_start3A_23] : memref<2x16x10x8x128xi32, #tpu.memory_space<hbm>> -> memref<1x1x1x8x128xi32, #tpu.memory_space<hbm>>
        %dma_start3A_25 = tpu.memref_squeeze %dma_start3A_24 : memref<1x1x1x8x128xi32, #tpu.memory_space<hbm>> -> memref<8x128xi32, #tpu.memory_space<hbm>>
        tpu.enqueue_dma source(%dma_start3A_25 : memref<8x128xi32, #tpu.memory_space<hbm>>) target(%arg10 : memref<8x128xi32, #tpu.memory_space<vmem>>) target_semaphore(%run_scoped3A : memref<!tpu.dma_semaphore, #tpu.memory_space<semaphore_mem>>)
        %dma_wait3A = arith.constant 0 : i32
        %dma_wait3A_26 = arith.constant 0 : i32
        %dma_wait3A_27 = tpu.memref_slice %arg4[%arg0, %arg1, %add3A_13, %dma_wait3A, %dma_wait3A_26] : memref<2x16x10x8x128xi32, #tpu.memory_space<hbm>> -> memref<1x1x1x8x128xi32, #tpu.memory_space<hbm>>
        %dma_wait3A_28 = tpu.memref_squeeze %dma_wait3A_27 : memref<1x1x1x8x128xi32, #tpu.memory_space<hbm>> -> memref<8x128xi32, #tpu.memory_space<hbm>>
        %dma_wait3A_29 = arith.constant 0 : i32
        %dma_wait3A_30 = arith.constant 0 : i32
        %dma_wait3A_31 = tpu.memref_slice %arg4[%arg0, %arg1, %add3A_13, %dma_wait3A_29, %dma_wait3A_30] : memref<2x16x10x8x128xi32, #tpu.memory_space<hbm>> -> memref<1x1x1x8x128xi32, #tpu.memory_space<hbm>>
        %dma_wait3A_32 = tpu.memref_squeeze %dma_wait3A_31 : memref<1x1x1x8x128xi32, #tpu.memory_space<hbm>> -> memref<8x128xi32, #tpu.memory_space<hbm>>
        tpu.wait_dma2 semaphore(%run_scoped3A : memref<!tpu.dma_semaphore, #tpu.memory_space<semaphore_mem>>) src(%dma_wait3A_32 : memref<8x128xi32, #tpu.memory_space<hbm>>) dst(%arg10 : memref<8x128xi32, #tpu.memory_space<vmem>>)
        tpu.yield
      }) : () -> ()
      %scan3A_14 = arith.constant 0 : i32
      %scan3A_15 = arith.constant 8 : i32
      %scan3A_16 = arith.addi %scan3A_14, %scan3A_15 : i32
      %scan3A_17 = arith.constant 1 : i32
      scf.for %scan3A_19 = %scan3A_14 to %scan3A_16 step %scan3A_17  : i32 {
        %mul3A_20 = arith.constant 1 : i32
        %mul3A_21 = arith.muli %scan3A_19, %mul3A_20 : i32
        %add3A_22 = arith.constant 0 : i32
        %add3A_23 = arith.addi %add3A_22, %mul3A_21 : i32
        %dma_start3A = arith.constant 0 : i32
        %dma_start3A_24 = tpu.memref_slice %arg9[%add3A_23, %dma_start3A] : memref<8x128xi32, #tpu.memory_space<vmem>> -> memref<1x128xi32, #tpu.memory_space<vmem>>
        %dma_start3A_25 = tpu.memref_squeeze %dma_start3A_24 : memref<1x128xi32, #tpu.memory_space<vmem>> -> memref<128xi32, #tpu.memory_space<vmem>>
        %dma_start3A_26 = arith.constant 0 : i32
        %dma_start3A_27 = arith.constant 0 : i32
        %dma_start3A_28 = tpu.memref_slice %arg7[%dma_start3A_26, %dma_start3A_27] : memref<20000x64xf32, #tpu.memory_space<vmem_shared>> -> memref<20000x64xf32, #tpu.memory_space<vmem_shared>>
        tpu.enqueue_indirect_dma source(%dma_start3A_28 : memref<20000x64xf32, #tpu.memory_space<vmem_shared>>) target(%arg11 : memref<128x64xf32, #tpu.memory_space<vmem>>) offsets(%dma_start3A_25 : memref<128xi32, #tpu.memory_space<vmem>>) semaphore(%arg12 : memref<!tpu.dma_semaphore, #tpu.memory_space<semaphore_mem>>)
        %dma_wait3A = arith.constant 0 : i32
        %dma_wait3A_29 = tpu.memref_slice %arg9[%add3A_23, %dma_wait3A] : memref<8x128xi32, #tpu.memory_space<vmem>> -> memref<1x128xi32, #tpu.memory_space<vmem>>
        %dma_wait3A_30 = tpu.memref_squeeze %dma_wait3A_29 : memref<1x128xi32, #tpu.memory_space<vmem>> -> memref<128xi32, #tpu.memory_space<vmem>>
        %dma_wait3A_31 = arith.constant 0 : i32
        %dma_wait3A_32 = arith.constant 0 : i32
        %dma_wait3A_33 = tpu.memref_slice %arg7[%dma_wait3A_31, %dma_wait3A_32] : memref<20000x64xf32, #tpu.memory_space<vmem_shared>> -> memref<20000x64xf32, #tpu.memory_space<vmem_shared>>
        tpu.wait_indirect_dma semaphore(%arg12 : memref<!tpu.dma_semaphore, #tpu.memory_space<semaphore_mem>>) src(%dma_wait3A_33 : memref<20000x64xf32, #tpu.memory_space<vmem_shared>>) dst(%arg11 : memref<128x64xf32, #tpu.memory_space<vmem>>)
        "tpu.region"() ({
          %run_scoped3A = tpu.sem_alloc : memref<!tpu.dma_semaphore, #tpu.memory_space<semaphore_mem>>
          %dma_start3A_34 = arith.constant 0 : i32
          %dma_start3A_35 = tpu.memref_slice %arg10[%add3A_23, %dma_start3A_34] : memref<8x128xi32, #tpu.memory_space<vmem>> -> memref<1x128xi32, #tpu.memory_space<vmem>>
          %dma_start3A_36 = tpu.memref_squeeze %dma_start3A_35 : memref<1x128xi32, #tpu.memory_space<vmem>> -> memref<128xi32, #tpu.memory_space<vmem>>
          %dma_start3A_37 = arith.constant 0 : i32
          %dma_start3A_38 = arith.constant 0 : i32
          %dma_start3A_39 = tpu.memref_slice %arg8[%dma_start3A_37, %dma_start3A_38] : memref<10112x64xf32, #tpu.memory_space<vmem_shared>> -> memref<10112x64xf32, #tpu.memory_space<vmem_shared>>
          tpu.enqueue_indirect_dma source(%arg11 : memref<128x64xf32, #tpu.memory_space<vmem>>) target(%dma_start3A_39 : memref<10112x64xf32, #tpu.memory_space<vmem_shared>>) offsets(%dma_start3A_36 : memref<128xi32, #tpu.memory_space<vmem>>) semaphore(%run_scoped3A : memref<!tpu.dma_semaphore, #tpu.memory_space<semaphore_mem>>) {add = true}
          %dma_wait3A_40 = arith.constant 0 : i32
          %dma_wait3A_41 = tpu.memref_slice %arg10[%add3A_23, %dma_wait3A_40] : memref<8x128xi32, #tpu.memory_space<vmem>> -> memref<1x128xi32, #tpu.memory_space<vmem>>
          %dma_wait3A_42 = tpu.memref_squeeze %dma_wait3A_41 : memref<1x128xi32, #tpu.memory_space<vmem>> -> memref<128xi32, #tpu.memory_space<vmem>>
          %dma_wait3A_43 = arith.constant 0 : i32
          %dma_wait3A_44 = arith.constant 0 : i32
          %dma_wait3A_45 = tpu.memref_slice %arg8[%dma_wait3A_43, %dma_wait3A_44] : memref<10112x64xf32, #tpu.memory_space<vmem_shared>> -> memref<10112x64xf32, #tpu.memory_space<vmem_shared>>
          tpu.wait_indirect_dma semaphore(%run_scoped3A : memref<!tpu.dma_semaphore, #tpu.memory_space<semaphore_mem>>) src(%arg11 : memref<128x64xf32, #tpu.memory_space<vmem>>) dst(%dma_wait3A_45 : memref<10112x64xf32, #tpu.memory_space<vmem_shared>>)
          tpu.yield
        }) : () -> ()
      }
      %scan3A_18 = arith.constant 8 : i32
    }
    %scan3A_8 = arith.constant 10 : i32
    %barrier3A_9 = arith.constant 0 : index
    tpu.barrier barrier_id(%barrier3A_9)
    "tpu.region"() ({
      %run_scoped3A = tpu.sem_alloc : memref<!tpu.dma_semaphore, #tpu.memory_space<semaphore_mem>>
      %dma_start3A = arith.constant 0 : i32
      %dma_start3A_10 = tpu.memref_slice %arg6[%arg0, %mul3A_4, %dma_start3A] : memref<2x10112x64xf32, #tpu.memory_space<hbm>> -> memref<1x632x64xf32, #tpu.memory_space<hbm>>
      %dma_start3A_11 = tpu.memref_squeeze %dma_start3A_10 : memref<1x632x64xf32, #tpu.memory_space<hbm>> -> memref<632x64xf32, #tpu.memory_space<hbm>>
      %dma_start3A_12 = arith.constant 0 : i32
      %dma_start3A_13 = tpu.memref_slice %arg8[%mul3A_4, %dma_start3A_12] : memref<10112x64xf32, #tpu.memory_space<vmem_shared>> -> memref<632x64xf32, #tpu.memory_space<vmem_shared>>
      tpu.enqueue_dma source(%dma_start3A_13 : memref<632x64xf32, #tpu.memory_space<vmem_shared>>) target(%dma_start3A_11 : memref<632x64xf32, #tpu.memory_space<hbm>>) target_semaphore(%run_scoped3A : memref<!tpu.dma_semaphore, #tpu.memory_space<semaphore_mem>>)
      %dma_wait3A = arith.constant 0 : i32
      %dma_wait3A_14 = tpu.memref_slice %arg6[%arg0, %mul3A_4, %dma_wait3A] : memref<2x10112x64xf32, #tpu.memory_space<hbm>> -> memref<1x632x64xf32, #tpu.memory_space<hbm>>
      %dma_wait3A_15 = tpu.memref_squeeze %dma_wait3A_14 : memref<1x632x64xf32, #tpu.memory_space<hbm>> -> memref<632x64xf32, #tpu.memory_space<hbm>>
      %dma_wait3A_16 = arith.constant 0 : i32
      %dma_wait3A_17 = tpu.memref_slice %arg8[%mul3A_4, %dma_wait3A_16] : memref<10112x64xf32, #tpu.memory_space<vmem_shared>> -> memref<632x64xf32, #tpu.memory_space<vmem_shared>>
      tpu.wait_dma2 semaphore(%run_scoped3A : memref<!tpu.dma_semaphore, #tpu.memory_space<semaphore_mem>>) src(%dma_wait3A_17 : memref<632x64xf32, #tpu.memory_space<vmem_shared>>) dst(%dma_wait3A_15 : memref<632x64xf32, #tpu.memory_space<hbm>>)
      tpu.yield
    }) : () -> ()
    return
  }
}

#map = affine_map<(d0, d1) -> (0, 0)>
#map1 = affine_map<(d0, d1) -> (0, 0, 0, 0, 0)>
#map2 = affine_map<(d0, d1) -> (0, 0, 0)>
module attributes {stable_mosaic.version = 14 : i64} {
  func.func @body(%arg0: i32, %arg1: i32, %arg2: memref<10000x64xf32, #tpu.memory_space<hbm>>, %arg3: memref<2x16x10x8x128xi32, #tpu.memory_space<hbm>>, %arg4: memref<2x16x10x8x128xi32, #tpu.memory_space<hbm>>, %arg5: memref<10112x64xf32, #tpu.memory_space<hbm>>, %arg6: memref<2x10112x64xf32, #tpu.memory_space<hbm>>, %arg7: memref<10000x64xf32, #tpu.memory_space<vmem_shared>>, %arg8: memref<10112x64xf32, #tpu.memory_space<vmem_shared>>, %arg9: memref<8x128xi32, #tpu.memory_space<vmem>>, %arg10: memref<8x128xi32, #tpu.memory_space<vmem>>, %arg11: memref<128x64xf32, #tpu.memory_space<vmem>>, %arg12: memref<!tpu.dma_semaphore, #tpu.memory_space<semaphore_mem>>) attributes {dimension_semantics = [#tpu.dimension_semantics<core_parallel>, #tpu.dimension_semantics<subcore_parallel>], iteration_bounds = array<i64: 2, 16>, scalar_prefetch = 0 : i64, scratch_operands = 6 : i64, tpu.core_type = #tpu.core_type<sc_vector_subcore>, window_params = [{transform_indices = #map}, {transform_indices = #map1}, {transform_indices = #map1}, {transform_indices = #map}, {transform_indices = #map2}]} {
    %mul3A = arith.constant 624 : i32
    %mul3A_0 = arith.muli %arg1, %mul3A : i32
    "tpu.region"() ({
      %run_scoped3A = tpu.sem_alloc : memref<!tpu.dma_semaphore, #tpu.memory_space<semaphore_mem>>
      %dma_start3A = arith.constant 0 : i32
      %dma_start3A_10 = tpu.memref_slice %arg7[%mul3A_0, %dma_start3A] : memref<10000x64xf32, #tpu.memory_space<vmem_shared>> -> memref<624x64xf32, #tpu.memory_space<vmem_shared>>
      %dma_start3A_11 = arith.constant 0 : i32
      %dma_start3A_12 = tpu.memref_slice %arg2[%mul3A_0, %dma_start3A_11] : memref<10000x64xf32, #tpu.memory_space<hbm>> -> memref<624x64xf32, #tpu.memory_space<hbm>>
      tpu.enqueue_dma source(%dma_start3A_12 : memref<624x64xf32, #tpu.memory_space<hbm>>) target(%dma_start3A_10 : memref<624x64xf32, #tpu.memory_space<vmem_shared>>) target_semaphore(%run_scoped3A : memref<!tpu.dma_semaphore, #tpu.memory_space<semaphore_mem>>)
      %dma_wait3A = arith.constant 0 : i32
      %dma_wait3A_13 = tpu.memref_slice %arg7[%mul3A_0, %dma_wait3A] : memref<10000x64xf32, #tpu.memory_space<vmem_shared>> -> memref<624x64xf32, #tpu.memory_space<vmem_shared>>
      %dma_wait3A_14 = arith.constant 0 : i32
      %dma_wait3A_15 = tpu.memref_slice %arg2[%mul3A_0, %dma_wait3A_14] : memref<10000x64xf32, #tpu.memory_space<hbm>> -> memref<624x64xf32, #tpu.memory_space<hbm>>
      tpu.wait_dma2 semaphore(%run_scoped3A : memref<!tpu.dma_semaphore, #tpu.memory_space<semaphore_mem>>) src(%dma_wait3A_15 : memref<624x64xf32, #tpu.memory_space<hbm>>) dst(%dma_wait3A_13 : memref<624x64xf32, #tpu.memory_space<vmem_shared>>)
      tpu.yield
    }) : () -> ()
    %eq3A = arith.constant 0 : i32
    %eq3A_1 = arith.cmpi eq, %arg1, %eq3A : i32
    %convert_element_type3A = arith.extui %eq3A_1 : i1 to i32
    %cond3A = arith.constant 0 : i32
    %cond3A_2 = arith.cmpi ne, %convert_element_type3A, %cond3A : i32
    scf.if %cond3A_2 {
      "tpu.region"() ({
        %run_scoped3A = tpu.sem_alloc : memref<!tpu.dma_semaphore, #tpu.memory_space<semaphore_mem>>
        %dma_start3A = arith.constant 9984 : i32
        %dma_start3A_10 = arith.constant 0 : i32
        %dma_start3A_11 = tpu.memref_slice %arg7[%dma_start3A, %dma_start3A_10] : memref<10000x64xf32, #tpu.memory_space<vmem_shared>> -> memref<16x64xf32, #tpu.memory_space<vmem_shared>>
        %dma_start3A_12 = arith.constant 9984 : i32
        %dma_start3A_13 = arith.constant 0 : i32
        %dma_start3A_14 = tpu.memref_slice %arg2[%dma_start3A_12, %dma_start3A_13] : memref<10000x64xf32, #tpu.memory_space<hbm>> -> memref<16x64xf32, #tpu.memory_space<hbm>>
        tpu.enqueue_dma source(%dma_start3A_14 : memref<16x64xf32, #tpu.memory_space<hbm>>) target(%dma_start3A_11 : memref<16x64xf32, #tpu.memory_space<vmem_shared>>) target_semaphore(%run_scoped3A : memref<!tpu.dma_semaphore, #tpu.memory_space<semaphore_mem>>)
        %dma_wait3A = arith.constant 9984 : i32
        %dma_wait3A_15 = arith.constant 0 : i32
        %dma_wait3A_16 = tpu.memref_slice %arg7[%dma_wait3A, %dma_wait3A_15] : memref<10000x64xf32, #tpu.memory_space<vmem_shared>> -> memref<16x64xf32, #tpu.memory_space<vmem_shared>>
        %dma_wait3A_17 = arith.constant 9984 : i32
        %dma_wait3A_18 = arith.constant 0 : i32
        %dma_wait3A_19 = tpu.memref_slice %arg2[%dma_wait3A_17, %dma_wait3A_18] : memref<10000x64xf32, #tpu.memory_space<hbm>> -> memref<16x64xf32, #tpu.memory_space<hbm>>
        tpu.wait_dma2 semaphore(%run_scoped3A : memref<!tpu.dma_semaphore, #tpu.memory_space<semaphore_mem>>) src(%dma_wait3A_19 : memref<16x64xf32, #tpu.memory_space<hbm>>) dst(%dma_wait3A_16 : memref<16x64xf32, #tpu.memory_space<vmem_shared>>)
        tpu.yield
      }) : () -> ()
    } else {
    }
    %mul3A_3 = arith.constant 632 : i32
    %mul3A_4 = arith.muli %arg1, %mul3A_3 : i32
    "tpu.region"() ({
      %run_scoped3A = tpu.sem_alloc : memref<!tpu.dma_semaphore, #tpu.memory_space<semaphore_mem>>
      %dma_start3A = arith.constant 0 : i32
      %dma_start3A_10 = tpu.memref_slice %arg8[%mul3A_4, %dma_start3A] : memref<10112x64xf32, #tpu.memory_space<vmem_shared>> -> memref<632x64xf32, #tpu.memory_space<vmem_shared>>
      %dma_start3A_11 = arith.constant 0 : i32
      %dma_start3A_12 = tpu.memref_slice %arg5[%mul3A_4, %dma_start3A_11] : memref<10112x64xf32, #tpu.memory_space<hbm>> -> memref<632x64xf32, #tpu.memory_space<hbm>>
      tpu.enqueue_dma source(%dma_start3A_12 : memref<632x64xf32, #tpu.memory_space<hbm>>) target(%dma_start3A_10 : memref<632x64xf32, #tpu.memory_space<vmem_shared>>) target_semaphore(%run_scoped3A : memref<!tpu.dma_semaphore, #tpu.memory_space<semaphore_mem>>)
      %dma_wait3A = arith.constant 0 : i32
      %dma_wait3A_13 = tpu.memref_slice %arg8[%mul3A_4, %dma_wait3A] : memref<10112x64xf32, #tpu.memory_space<vmem_shared>> -> memref<632x64xf32, #tpu.memory_space<vmem_shared>>
      %dma_wait3A_14 = arith.constant 0 : i32
      %dma_wait3A_15 = tpu.memref_slice %arg5[%mul3A_4, %dma_wait3A_14] : memref<10112x64xf32, #tpu.memory_space<hbm>> -> memref<632x64xf32, #tpu.memory_space<hbm>>
      tpu.wait_dma2 semaphore(%run_scoped3A : memref<!tpu.dma_semaphore, #tpu.memory_space<semaphore_mem>>) src(%dma_wait3A_15 : memref<632x64xf32, #tpu.memory_space<hbm>>) dst(%dma_wait3A_13 : memref<632x64xf32, #tpu.memory_space<vmem_shared>>)
      tpu.yield
    }) : () -> ()
    %barrier3A = arith.constant 0 : index
    tpu.barrier barrier_id(%barrier3A)
    %scan3A = arith.constant 0 : i32
    %scan3A_5 = arith.constant 10 : i32
    %scan3A_6 = arith.addi %scan3A, %scan3A_5 : i32
    %scan3A_7 = arith.constant 1 : i32
    scf.for %scan3A_10 = %scan3A to %scan3A_6 step %scan3A_7  : i32 {
      %mul3A_11 = arith.constant 1 : i32
      %mul3A_12 = arith.muli %scan3A_10, %mul3A_11 : i32
      %add3A = arith.constant 0 : i32
      %add3A_13 = arith.addi %add3A, %mul3A_12 : i32
      "tpu.region"() ({
        %run_scoped3A = tpu.sem_alloc : memref<!tpu.dma_semaphore, #tpu.memory_space<semaphore_mem>>
        %dma_start3A = arith.constant 0 : i32
        %dma_start3A_19 = arith.constant 0 : i32
        %dma_start3A_20 = tpu.memref_slice %arg3[%arg0, %arg1, %add3A_13, %dma_start3A, %dma_start3A_19] : memref<2x16x10x8x128xi32, #tpu.memory_space<hbm>> -> memref<1x1x1x8x128xi32, #tpu.memory_space<hbm>>
        %dma_start3A_21 = tpu.memref_squeeze %dma_start3A_20 : memref<1x1x1x8x128xi32, #tpu.memory_space<hbm>> -> memref<8x128xi32, #tpu.memory_space<hbm>>
        %dma_start3A_22 = arith.constant 0 : i32
        %dma_start3A_23 = arith.constant 0 : i32
        %dma_start3A_24 = tpu.memref_slice %arg3[%arg0, %arg1, %add3A_13, %dma_start3A_22, %dma_start3A_23] : memref<2x16x10x8x128xi32, #tpu.memory_space<hbm>> -> memref<1x1x1x8x128xi32, #tpu.memory_space<hbm>>
        %dma_start3A_25 = tpu.memref_squeeze %dma_start3A_24 : memref<1x1x1x8x128xi32, #tpu.memory_space<hbm>> -> memref<8x128xi32, #tpu.memory_space<hbm>>
        tpu.enqueue_dma source(%dma_start3A_25 : memref<8x128xi32, #tpu.memory_space<hbm>>) target(%arg9 : memref<8x128xi32, #tpu.memory_space<vmem>>) target_semaphore(%run_scoped3A : memref<!tpu.dma_semaphore, #tpu.memory_space<semaphore_mem>>)
        %dma_wait3A = arith.constant 0 : i32
        %dma_wait3A_26 = arith.constant 0 : i32
        %dma_wait3A_27 = tpu.memref_slice %arg3[%arg0, %arg1, %add3A_13, %dma_wait3A, %dma_wait3A_26] : memref<2x16x10x8x128xi32, #tpu.memory_space<hbm>> -> memref<1x1x1x8x128xi32, #tpu.memory_space<hbm>>
        %dma_wait3A_28 = tpu.memref_squeeze %dma_wait3A_27 : memref<1x1x1x8x128xi32, #tpu.memory_space<hbm>> -> memref<8x128xi32, #tpu.memory_space<hbm>>
        %dma_wait3A_29 = arith.constant 0 : i32
        %dma_wait3A_30 = arith.constant 0 : i32
        %dma_wait3A_31 = tpu.memref_slice %arg3[%arg0, %arg1, %add3A_13, %dma_wait3A_29, %dma_wait3A_30] : memref<2x16x10x8x128xi32, #tpu.memory_space<hbm>> -> memref<1x1x1x8x128xi32, #tpu.memory_space<hbm>>
        %dma_wait3A_32 = tpu.memref_squeeze %dma_wait3A_31 : memref<1x1x1x8x128xi32, #tpu.memory_space<hbm>> -> memref<8x128xi32, #tpu.memory_space<hbm>>
        tpu.wait_dma2 semaphore(%run_scoped3A : memref<!tpu.dma_semaphore, #tpu.memory_space<semaphore_mem>>) src(%dma_wait3A_32 : memref<8x128xi32, #tpu.memory_space<hbm>>) dst(%arg9 : memref<8x128xi32, #tpu.memory_space<vmem>>)
        tpu.yield
      }) : () -> ()
      "tpu.region"() ({
        %run_scoped3A = tpu.sem_alloc : memref<!tpu.dma_semaphore, #tpu.memory_space<semaphore_mem>>
        %dma_start3A = arith.constant 0 : i32
        %dma_start3A_19 = arith.constant 0 : i32
        %dma_start3A_20 = tpu.memref_slice %arg4[%arg0, %arg1, %add3A_13, %dma_start3A, %dma_start3A_19] : memref<2x16x10x8x128xi32, #tpu.memory_space<hbm>> -> memref<1x1x1x8x128xi32, #tpu.memory_space<hbm>>
        %dma_start3A_21 = tpu.memref_squeeze %dma_start3A_20 : memref<1x1x1x8x128xi32, #tpu.memory_space<hbm>> -> memref<8x128xi32, #tpu.memory_space<hbm>>
        %dma_start3A_22 = arith.constant 0 : i32
        %dma_start3A_23 = arith.constant 0 : i32
        %dma_start3A_24 = tpu.memref_slice %arg4[%arg0, %arg1, %add3A_13, %dma_start3A_22, %dma_start3A_23] : memref<2x16x10x8x128xi32, #tpu.memory_space<hbm>> -> memref<1x1x1x8x128xi32, #tpu.memory_space<hbm>>
        %dma_start3A_25 = tpu.memref_squeeze %dma_start3A_24 : memref<1x1x1x8x128xi32, #tpu.memory_space<hbm>> -> memref<8x128xi32, #tpu.memory_space<hbm>>
        tpu.enqueue_dma source(%dma_start3A_25 : memref<8x128xi32, #tpu.memory_space<hbm>>) target(%arg10 : memref<8x128xi32, #tpu.memory_space<vmem>>) target_semaphore(%run_scoped3A : memref<!tpu.dma_semaphore, #tpu.memory_space<semaphore_mem>>)
        %dma_wait3A = arith.constant 0 : i32
        %dma_wait3A_26 = arith.constant 0 : i32
        %dma_wait3A_27 = tpu.memref_slice %arg4[%arg0, %arg1, %add3A_13, %dma_wait3A, %dma_wait3A_26] : memref<2x16x10x8x128xi32, #tpu.memory_space<hbm>> -> memref<1x1x1x8x128xi32, #tpu.memory_space<hbm>>
        %dma_wait3A_28 = tpu.memref_squeeze %dma_wait3A_27 : memref<1x1x1x8x128xi32, #tpu.memory_space<hbm>> -> memref<8x128xi32, #tpu.memory_space<hbm>>
        %dma_wait3A_29 = arith.constant 0 : i32
        %dma_wait3A_30 = arith.constant 0 : i32
        %dma_wait3A_31 = tpu.memref_slice %arg4[%arg0, %arg1, %add3A_13, %dma_wait3A_29, %dma_wait3A_30] : memref<2x16x10x8x128xi32, #tpu.memory_space<hbm>> -> memref<1x1x1x8x128xi32, #tpu.memory_space<hbm>>
        %dma_wait3A_32 = tpu.memref_squeeze %dma_wait3A_31 : memref<1x1x1x8x128xi32, #tpu.memory_space<hbm>> -> memref<8x128xi32, #tpu.memory_space<hbm>>
        tpu.wait_dma2 semaphore(%run_scoped3A : memref<!tpu.dma_semaphore, #tpu.memory_space<semaphore_mem>>) src(%dma_wait3A_32 : memref<8x128xi32, #tpu.memory_space<hbm>>) dst(%arg10 : memref<8x128xi32, #tpu.memory_space<vmem>>)
        tpu.yield
      }) : () -> ()
      %scan3A_14 = arith.constant 0 : i32
      %scan3A_15 = arith.constant 8 : i32
      %scan3A_16 = arith.addi %scan3A_14, %scan3A_15 : i32
      %scan3A_17 = arith.constant 1 : i32
      scf.for %scan3A_19 = %scan3A_14 to %scan3A_16 step %scan3A_17  : i32 {
        %mul3A_20 = arith.constant 1 : i32
        %mul3A_21 = arith.muli %scan3A_19, %mul3A_20 : i32
        %add3A_22 = arith.constant 0 : i32
        %add3A_23 = arith.addi %add3A_22, %mul3A_21 : i32
        %dma_start3A = arith.constant 0 : i32
        %dma_start3A_24 = tpu.memref_slice %arg9[%add3A_23, %dma_start3A] : memref<8x128xi32, #tpu.memory_space<vmem>> -> memref<1x128xi32, #tpu.memory_space<vmem>>
        %dma_start3A_25 = tpu.memref_squeeze %dma_start3A_24 : memref<1x128xi32, #tpu.memory_space<vmem>> -> memref<128xi32, #tpu.memory_space<vmem>>
        %dma_start3A_26 = arith.constant 0 : i32
        %dma_start3A_27 = arith.constant 0 : i32
        %dma_start3A_28 = tpu.memref_slice %arg7[%dma_start3A_26, %dma_start3A_27] : memref<10000x64xf32, #tpu.memory_space<vmem_shared>> -> memref<10000x64xf32, #tpu.memory_space<vmem_shared>>
        tpu.enqueue_indirect_dma source(%dma_start3A_28 : memref<10000x64xf32, #tpu.memory_space<vmem_shared>>) target(%arg11 : memref<128x64xf32, #tpu.memory_space<vmem>>) offsets(%dma_start3A_25 : memref<128xi32, #tpu.memory_space<vmem>>) semaphore(%arg12 : memref<!tpu.dma_semaphore, #tpu.memory_space<semaphore_mem>>)
        %dma_wait3A = arith.constant 0 : i32
        %dma_wait3A_29 = tpu.memref_slice %arg9[%add3A_23, %dma_wait3A] : memref<8x128xi32, #tpu.memory_space<vmem>> -> memref<1x128xi32, #tpu.memory_space<vmem>>
        %dma_wait3A_30 = tpu.memref_squeeze %dma_wait3A_29 : memref<1x128xi32, #tpu.memory_space<vmem>> -> memref<128xi32, #tpu.memory_space<vmem>>
        %dma_wait3A_31 = arith.constant 0 : i32
        %dma_wait3A_32 = arith.constant 0 : i32
        %dma_wait3A_33 = tpu.memref_slice %arg7[%dma_wait3A_31, %dma_wait3A_32] : memref<10000x64xf32, #tpu.memory_space<vmem_shared>> -> memref<10000x64xf32, #tpu.memory_space<vmem_shared>>
        tpu.wait_indirect_dma semaphore(%arg12 : memref<!tpu.dma_semaphore, #tpu.memory_space<semaphore_mem>>) src(%dma_wait3A_33 : memref<10000x64xf32, #tpu.memory_space<vmem_shared>>) dst(%arg11 : memref<128x64xf32, #tpu.memory_space<vmem>>)
        "tpu.region"() ({
          %run_scoped3A = tpu.sem_alloc : memref<!tpu.dma_semaphore, #tpu.memory_space<semaphore_mem>>
          %dma_start3A_34 = arith.constant 0 : i32
          %dma_start3A_35 = tpu.memref_slice %arg10[%add3A_23, %dma_start3A_34] : memref<8x128xi32, #tpu.memory_space<vmem>> -> memref<1x128xi32, #tpu.memory_space<vmem>>
          %dma_start3A_36 = tpu.memref_squeeze %dma_start3A_35 : memref<1x128xi32, #tpu.memory_space<vmem>> -> memref<128xi32, #tpu.memory_space<vmem>>
          %dma_start3A_37 = arith.constant 0 : i32
          %dma_start3A_38 = arith.constant 0 : i32
          %dma_start3A_39 = tpu.memref_slice %arg8[%dma_start3A_37, %dma_start3A_38] : memref<10112x64xf32, #tpu.memory_space<vmem_shared>> -> memref<10112x64xf32, #tpu.memory_space<vmem_shared>>
          tpu.enqueue_indirect_dma source(%arg11 : memref<128x64xf32, #tpu.memory_space<vmem>>) target(%dma_start3A_39 : memref<10112x64xf32, #tpu.memory_space<vmem_shared>>) offsets(%dma_start3A_36 : memref<128xi32, #tpu.memory_space<vmem>>) semaphore(%run_scoped3A : memref<!tpu.dma_semaphore, #tpu.memory_space<semaphore_mem>>) {add = true}
          %dma_wait3A_40 = arith.constant 0 : i32
          %dma_wait3A_41 = tpu.memref_slice %arg10[%add3A_23, %dma_wait3A_40] : memref<8x128xi32, #tpu.memory_space<vmem>> -> memref<1x128xi32, #tpu.memory_space<vmem>>
          %dma_wait3A_42 = tpu.memref_squeeze %dma_wait3A_41 : memref<1x128xi32, #tpu.memory_space<vmem>> -> memref<128xi32, #tpu.memory_space<vmem>>
          %dma_wait3A_43 = arith.constant 0 : i32
          %dma_wait3A_44 = arith.constant 0 : i32
          %dma_wait3A_45 = tpu.memref_slice %arg8[%dma_wait3A_43, %dma_wait3A_44] : memref<10112x64xf32, #tpu.memory_space<vmem_shared>> -> memref<10112x64xf32, #tpu.memory_space<vmem_shared>>
          tpu.wait_indirect_dma semaphore(%run_scoped3A : memref<!tpu.dma_semaphore, #tpu.memory_space<semaphore_mem>>) src(%arg11 : memref<128x64xf32, #tpu.memory_space<vmem>>) dst(%dma_wait3A_45 : memref<10112x64xf32, #tpu.memory_space<vmem_shared>>)
          tpu.yield
        }) : () -> ()
      }
      %scan3A_18 = arith.constant 8 : i32
    }
    %scan3A_8 = arith.constant 10 : i32
    %barrier3A_9 = arith.constant 0 : index
    tpu.barrier barrier_id(%barrier3A_9)
    "tpu.region"() ({
      %run_scoped3A = tpu.sem_alloc : memref<!tpu.dma_semaphore, #tpu.memory_space<semaphore_mem>>
      %dma_start3A = arith.constant 0 : i32
      %dma_start3A_10 = tpu.memref_slice %arg6[%arg0, %mul3A_4, %dma_start3A] : memref<2x10112x64xf32, #tpu.memory_space<hbm>> -> memref<1x632x64xf32, #tpu.memory_space<hbm>>
      %dma_start3A_11 = tpu.memref_squeeze %dma_start3A_10 : memref<1x632x64xf32, #tpu.memory_space<hbm>> -> memref<632x64xf32, #tpu.memory_space<hbm>>
      %dma_start3A_12 = arith.constant 0 : i32
      %dma_start3A_13 = tpu.memref_slice %arg8[%mul3A_4, %dma_start3A_12] : memref<10112x64xf32, #tpu.memory_space<vmem_shared>> -> memref<632x64xf32, #tpu.memory_space<vmem_shared>>
      tpu.enqueue_dma source(%dma_start3A_13 : memref<632x64xf32, #tpu.memory_space<vmem_shared>>) target(%dma_start3A_11 : memref<632x64xf32, #tpu.memory_space<hbm>>) target_semaphore(%run_scoped3A : memref<!tpu.dma_semaphore, #tpu.memory_space<semaphore_mem>>)
      %dma_wait3A = arith.constant 0 : i32
      %dma_wait3A_14 = tpu.memref_slice %arg6[%arg0, %mul3A_4, %dma_wait3A] : memref<2x10112x64xf32, #tpu.memory_space<hbm>> -> memref<1x632x64xf32, #tpu.memory_space<hbm>>
      %dma_wait3A_15 = tpu.memref_squeeze %dma_wait3A_14 : memref<1x632x64xf32, #tpu.memory_space<hbm>> -> memref<632x64xf32, #tpu.memory_space<hbm>>
      %dma_wait3A_16 = arith.constant 0 : i32
      %dma_wait3A_17 = tpu.memref_slice %arg8[%mul3A_4, %dma_wait3A_16] : memref<10112x64xf32, #tpu.memory_space<vmem_shared>> -> memref<632x64xf32, #tpu.memory_space<vmem_shared>>
      tpu.wait_dma2 semaphore(%run_scoped3A : memref<!tpu.dma_semaphore, #tpu.memory_space<semaphore_mem>>) src(%dma_wait3A_17 : memref<632x64xf32, #tpu.memory_space<vmem_shared>>) dst(%dma_wait3A_15 : memref<632x64xf32, #tpu.memory_space<hbm>>)
      tpu.yield
    }) : () -> ()
    return
  }
}

module attributes {stable_mosaic.version = 14 : i64} {
  func.func @body(%arg0: i32, %arg1: memref<1000x64xf32, #tpu.memory_space<vmem>>, %arg2: memref<64x64xf32, #tpu.memory_space<vmem>>, %arg3: memref<1x64xf32, #tpu.memory_space<vmem>>, %arg4: memref<64x64xf32, #tpu.memory_space<vmem>>, %arg5: memref<1x64xf32, #tpu.memory_space<vmem>>, %arg6: memref<64x64xf32, #tpu.memory_space<vmem>>, %arg7: memref<1x64xf32, #tpu.memory_space<vmem>>, %arg8: memref<1000x64xf32, #tpu.memory_space<vmem>>) attributes {dimension_semantics = [#tpu.dimension_semantics<arbitrary>], iteration_bounds = array<i64: 10>, scalar_prefetch = 0 : i64, scratch_operands = 0 : i64, tpu.core_type = #tpu.core_type<tc>, window_params = [{transform_indices = @transform_0, window_bounds = array<i64: 1000, 64>}, {pipeline_mode = #tpu.pipeline_mode<synchronous>, transform_indices = @transform_1, window_bounds = array<i64: 64, 64>}, {pipeline_mode = #tpu.pipeline_mode<synchronous>, transform_indices = @transform_2, window_bounds = array<i64: 1, 64>}, {pipeline_mode = #tpu.pipeline_mode<synchronous>, transform_indices = @transform_3, window_bounds = array<i64: 64, 64>}, {pipeline_mode = #tpu.pipeline_mode<synchronous>, transform_indices = @transform_4, window_bounds = array<i64: 1, 64>}, {pipeline_mode = #tpu.pipeline_mode<synchronous>, transform_indices = @transform_5, window_bounds = array<i64: 64, 64>}, {pipeline_mode = #tpu.pipeline_mode<synchronous>, transform_indices = @transform_6, window_bounds = array<i64: 1, 64>}, {transform_indices = @transform_7, window_bounds = array<i64: 1000, 64>}]} {
    %get3A = arith.constant 0 : index
    %get3A_0 = arith.constant 0 : index
    %get3A_1 = vector.load %arg1[%get3A, %get3A_0] : memref<1000x64xf32, #tpu.memory_space<vmem>>, vector<1000x64xf32>
    %get3A_2 = arith.constant 0 : index
    %get3A_3 = arith.constant 0 : index
    %get3A_4 = vector.load %arg2[%get3A_2, %get3A_3] : memref<64x64xf32, #tpu.memory_space<vmem>>, vector<64x64xf32>
    %get3A_5 = arith.constant 0 : index
    %get3A_6 = arith.constant 0 : index
    %get3A_7 = vector.load %arg3[%get3A_5, %get3A_6] : memref<1x64xf32, #tpu.memory_space<vmem>>, vector<1x64xf32>
    %get3A_8 = arith.constant 0 : index
    %get3A_9 = arith.constant 0 : index
    %get3A_10 = vector.load %arg4[%get3A_8, %get3A_9] : memref<64x64xf32, #tpu.memory_space<vmem>>, vector<64x64xf32>
    %get3A_11 = arith.constant 0 : index
    %get3A_12 = arith.constant 0 : index
    %get3A_13 = vector.load %arg5[%get3A_11, %get3A_12] : memref<1x64xf32, #tpu.memory_space<vmem>>, vector<1x64xf32>
    %get3A_14 = arith.constant 0 : index
    %get3A_15 = arith.constant 0 : index
    %get3A_16 = vector.load %arg6[%get3A_14, %get3A_15] : memref<64x64xf32, #tpu.memory_space<vmem>>, vector<64x64xf32>
    %get3A_17 = arith.constant 0 : index
    %get3A_18 = arith.constant 0 : index
    %get3A_19 = vector.load %arg7[%get3A_17, %get3A_18] : memref<1x64xf32, #tpu.memory_space<vmem>>, vector<1x64xf32>
    %dot_general3A = arith.constant dense<0.000000e+00> : vector<1000x64xf32>
    %dot_general3A_20 = tpu.matmul %get3A_1, %get3A_4, %dot_general3A {dimension_numbers = #tpu.dot_dimension_numbers<[1], [1], [0], [0], [0, 0, 1, 0], [], []>, precision = #tpu.contract_precision<fp32>, transpose_lhs_hint = false} : vector<1000x64xf32>, vector<64x64xf32>, vector<1000x64xf32> -> vector<1000x64xf32>
    %add3A = vector.broadcast %get3A_7 : vector<1x64xf32> to vector<1000x64xf32>
    %add3A_21 = arith.addf %dot_general3A_20, %add3A : vector<1000x64xf32>
    %max3A = arith.constant 0.000000e+00 : f32
    %max3A_22 = vector.broadcast %max3A : f32 to vector<1000x64xf32>
    %max3A_23 = arith.maximumf %add3A_21, %max3A_22 : vector<1000x64xf32>
    %dot_general3A_24 = arith.constant dense<0.000000e+00> : vector<1000x64xf32>
    %dot_general3A_25 = tpu.matmul %max3A_23, %get3A_10, %dot_general3A_24 {dimension_numbers = #tpu.dot_dimension_numbers<[1], [1], [0], [0], [0, 0, 1, 0], [], []>, precision = #tpu.contract_precision<fp32>, transpose_lhs_hint = false} : vector<1000x64xf32>, vector<64x64xf32>, vector<1000x64xf32> -> vector<1000x64xf32>
    %add3A_26 = vector.broadcast %get3A_13 : vector<1x64xf32> to vector<1000x64xf32>
    %add3A_27 = arith.addf %dot_general3A_25, %add3A_26 : vector<1000x64xf32>
    %max3A_28 = arith.constant 0.000000e+00 : f32
    %max3A_29 = vector.broadcast %max3A_28 : f32 to vector<1000x64xf32>
    %max3A_30 = arith.maximumf %add3A_27, %max3A_29 : vector<1000x64xf32>
    %dot_general3A_31 = arith.constant dense<0.000000e+00> : vector<1000x64xf32>
    %dot_general3A_32 = tpu.matmul %max3A_30, %get3A_16, %dot_general3A_31 {dimension_numbers = #tpu.dot_dimension_numbers<[1], [1], [0], [0], [0, 0, 1, 0], [], []>, precision = #tpu.contract_precision<fp32>, transpose_lhs_hint = false} : vector<1000x64xf32>, vector<64x64xf32>, vector<1000x64xf32> -> vector<1000x64xf32>
    %add3A_33 = vector.broadcast %get3A_19 : vector<1x64xf32> to vector<1000x64xf32>
    %add3A_34 = arith.addf %dot_general3A_32, %add3A_33 : vector<1000x64xf32>
    %swap3A = arith.constant 0 : index
    %swap3A_35 = arith.constant 0 : index
    %swap3A_36 = vector.load %arg8[%swap3A, %swap3A_35] : memref<1000x64xf32, #tpu.memory_space<vmem>>, vector<1000x64xf32>
    tpu.vector_store %arg8[%swap3A, %swap3A_35], %add3A_34 {strides = array<i32>} : memref<1000x64xf32, #tpu.memory_space<vmem>>, vector<1000x64xf32>,
    return
  }
  func.func @transform_0(%arg0: i32) -> (i32, i32) {
    %c0_i32 = arith.constant 0 : i32
    %c0_i32_0 = arith.constant 0 : i32
    return %arg0, %c0_i32 : i32, i32
  }
  func.func @transform_1(%arg0: i32) -> (i32, i32) {
    %c0_i32 = arith.constant 0 : i32
    %c0_i32_0 = arith.constant 0 : i32
    %c0_i32_1 = arith.constant 0 : i32
    return %c0_i32, %c0_i32_0 : i32, i32
  }
  func.func @transform_2(%arg0: i32) -> (i32, i32) {
    %c0_i32 = arith.constant 0 : i32
    %c0_i32_0 = arith.constant 0 : i32
    %c0_i32_1 = arith.constant 0 : i32
    return %c0_i32, %c0_i32_0 : i32, i32
  }
  func.func @transform_3(%arg0: i32) -> (i32, i32) {
    %c0_i32 = arith.constant 0 : i32
    %c0_i32_0 = arith.constant 0 : i32
    %c0_i32_1 = arith.constant 0 : i32
    return %c0_i32, %c0_i32_0 : i32, i32
  }
  func.func @transform_4(%arg0: i32) -> (i32, i32) {
    %c0_i32 = arith.constant 0 : i32
    %c0_i32_0 = arith.constant 0 : i32
    %c0_i32_1 = arith.constant 0 : i32
    return %c0_i32, %c0_i32_0 : i32, i32
  }
  func.func @transform_5(%arg0: i32) -> (i32, i32) {
    %c0_i32 = arith.constant 0 : i32
    %c0_i32_0 = arith.constant 0 : i32
    %c0_i32_1 = arith.constant 0 : i32
    return %c0_i32, %c0_i32_0 : i32, i32
  }
  func.func @transform_6(%arg0: i32) -> (i32, i32) {
    %c0_i32 = arith.constant 0 : i32
    %c0_i32_0 = arith.constant 0 : i32
    %c0_i32_1 = arith.constant 0 : i32
    return %c0_i32, %c0_i32_0 : i32, i32
  }
  func.func @transform_7(%arg0: i32) -> (i32, i32) {
    %c0_i32 = arith.constant 0 : i32
    %c0_i32_0 = arith.constant 0 : i32
    return %arg0, %c0_i32 : i32, i32
  }
}

module attributes {stable_mosaic.version = 14 : i64} {
  func.func @body(%arg0: i32, %arg1: memref<1000x64xf32, #tpu.memory_space<vmem>>, %arg2: memref<64x64xf32, #tpu.memory_space<vmem>>, %arg3: memref<1x64xf32, #tpu.memory_space<vmem>>, %arg4: memref<64x64xf32, #tpu.memory_space<vmem>>, %arg5: memref<1x64xf32, #tpu.memory_space<vmem>>, %arg6: memref<64x64xf32, #tpu.memory_space<vmem>>, %arg7: memref<1x64xf32, #tpu.memory_space<vmem>>, %arg8: memref<1000x64xf32, #tpu.memory_space<vmem>>) attributes {dimension_semantics = [#tpu.dimension_semantics<arbitrary>], iteration_bounds = array<i64: 20>, scalar_prefetch = 0 : i64, scratch_operands = 0 : i64, tpu.core_type = #tpu.core_type<tc>, window_params = [{transform_indices = @transform_0, window_bounds = array<i64: 1000, 64>}, {pipeline_mode = #tpu.pipeline_mode<synchronous>, transform_indices = @transform_1, window_bounds = array<i64: 64, 64>}, {pipeline_mode = #tpu.pipeline_mode<synchronous>, transform_indices = @transform_2, window_bounds = array<i64: 1, 64>}, {pipeline_mode = #tpu.pipeline_mode<synchronous>, transform_indices = @transform_3, window_bounds = array<i64: 64, 64>}, {pipeline_mode = #tpu.pipeline_mode<synchronous>, transform_indices = @transform_4, window_bounds = array<i64: 1, 64>}, {pipeline_mode = #tpu.pipeline_mode<synchronous>, transform_indices = @transform_5, window_bounds = array<i64: 64, 64>}, {pipeline_mode = #tpu.pipeline_mode<synchronous>, transform_indices = @transform_6, window_bounds = array<i64: 1, 64>}, {transform_indices = @transform_7, window_bounds = array<i64: 1000, 64>}]} {
    %get3A = arith.constant 0 : index
    %get3A_0 = arith.constant 0 : index
    %get3A_1 = vector.load %arg1[%get3A, %get3A_0] : memref<1000x64xf32, #tpu.memory_space<vmem>>, vector<1000x64xf32>
    %get3A_2 = arith.constant 0 : index
    %get3A_3 = arith.constant 0 : index
    %get3A_4 = vector.load %arg2[%get3A_2, %get3A_3] : memref<64x64xf32, #tpu.memory_space<vmem>>, vector<64x64xf32>
    %get3A_5 = arith.constant 0 : index
    %get3A_6 = arith.constant 0 : index
    %get3A_7 = vector.load %arg3[%get3A_5, %get3A_6] : memref<1x64xf32, #tpu.memory_space<vmem>>, vector<1x64xf32>
    %get3A_8 = arith.constant 0 : index
    %get3A_9 = arith.constant 0 : index
    %get3A_10 = vector.load %arg4[%get3A_8, %get3A_9] : memref<64x64xf32, #tpu.memory_space<vmem>>, vector<64x64xf32>
    %get3A_11 = arith.constant 0 : index
    %get3A_12 = arith.constant 0 : index
    %get3A_13 = vector.load %arg5[%get3A_11, %get3A_12] : memref<1x64xf32, #tpu.memory_space<vmem>>, vector<1x64xf32>
    %get3A_14 = arith.constant 0 : index
    %get3A_15 = arith.constant 0 : index
    %get3A_16 = vector.load %arg6[%get3A_14, %get3A_15] : memref<64x64xf32, #tpu.memory_space<vmem>>, vector<64x64xf32>
    %get3A_17 = arith.constant 0 : index
    %get3A_18 = arith.constant 0 : index
    %get3A_19 = vector.load %arg7[%get3A_17, %get3A_18] : memref<1x64xf32, #tpu.memory_space<vmem>>, vector<1x64xf32>
    %dot_general3A = arith.constant dense<0.000000e+00> : vector<1000x64xf32>
    %dot_general3A_20 = tpu.matmul %get3A_1, %get3A_4, %dot_general3A {dimension_numbers = #tpu.dot_dimension_numbers<[1], [1], [0], [0], [0, 0, 1, 0], [], []>, precision = #tpu.contract_precision<fp32>, transpose_lhs_hint = false} : vector<1000x64xf32>, vector<64x64xf32>, vector<1000x64xf32> -> vector<1000x64xf32>
    %add3A = vector.broadcast %get3A_7 : vector<1x64xf32> to vector<1000x64xf32>
    %add3A_21 = arith.addf %dot_general3A_20, %add3A : vector<1000x64xf32>
    %max3A = arith.constant 0.000000e+00 : f32
    %max3A_22 = vector.broadcast %max3A : f32 to vector<1000x64xf32>
    %max3A_23 = arith.maximumf %add3A_21, %max3A_22 : vector<1000x64xf32>
    %dot_general3A_24 = arith.constant dense<0.000000e+00> : vector<1000x64xf32>
    %dot_general3A_25 = tpu.matmul %max3A_23, %get3A_10, %dot_general3A_24 {dimension_numbers = #tpu.dot_dimension_numbers<[1], [1], [0], [0], [0, 0, 1, 0], [], []>, precision = #tpu.contract_precision<fp32>, transpose_lhs_hint = false} : vector<1000x64xf32>, vector<64x64xf32>, vector<1000x64xf32> -> vector<1000x64xf32>
    %add3A_26 = vector.broadcast %get3A_13 : vector<1x64xf32> to vector<1000x64xf32>
    %add3A_27 = arith.addf %dot_general3A_25, %add3A_26 : vector<1000x64xf32>
    %max3A_28 = arith.constant 0.000000e+00 : f32
    %max3A_29 = vector.broadcast %max3A_28 : f32 to vector<1000x64xf32>
    %max3A_30 = arith.maximumf %add3A_27, %max3A_29 : vector<1000x64xf32>
    %dot_general3A_31 = arith.constant dense<0.000000e+00> : vector<1000x64xf32>
    %dot_general3A_32 = tpu.matmul %max3A_30, %get3A_16, %dot_general3A_31 {dimension_numbers = #tpu.dot_dimension_numbers<[1], [1], [0], [0], [0, 0, 1, 0], [], []>, precision = #tpu.contract_precision<fp32>, transpose_lhs_hint = false} : vector<1000x64xf32>, vector<64x64xf32>, vector<1000x64xf32> -> vector<1000x64xf32>
    %add3A_33 = vector.broadcast %get3A_19 : vector<1x64xf32> to vector<1000x64xf32>
    %add3A_34 = arith.addf %dot_general3A_32, %add3A_33 : vector<1000x64xf32>
    %swap3A = arith.constant 0 : index
    %swap3A_35 = arith.constant 0 : index
    %swap3A_36 = vector.load %arg8[%swap3A, %swap3A_35] : memref<1000x64xf32, #tpu.memory_space<vmem>>, vector<1000x64xf32>
    tpu.vector_store %arg8[%swap3A, %swap3A_35], %add3A_34 {strides = array<i32>} : memref<1000x64xf32, #tpu.memory_space<vmem>>, vector<1000x64xf32>,
    return
  }
  func.func @transform_0(%arg0: i32) -> (i32, i32) {
    %c0_i32 = arith.constant 0 : i32
    %c0_i32_0 = arith.constant 0 : i32
    return %arg0, %c0_i32 : i32, i32
  }
  func.func @transform_1(%arg0: i32) -> (i32, i32) {
    %c0_i32 = arith.constant 0 : i32
    %c0_i32_0 = arith.constant 0 : i32
    %c0_i32_1 = arith.constant 0 : i32
    return %c0_i32, %c0_i32_0 : i32, i32
  }
  func.func @transform_2(%arg0: i32) -> (i32, i32) {
    %c0_i32 = arith.constant 0 : i32
    %c0_i32_0 = arith.constant 0 : i32
    %c0_i32_1 = arith.constant 0 : i32
    return %c0_i32, %c0_i32_0 : i32, i32
  }
  func.func @transform_3(%arg0: i32) -> (i32, i32) {
    %c0_i32 = arith.constant 0 : i32
    %c0_i32_0 = arith.constant 0 : i32
    %c0_i32_1 = arith.constant 0 : i32
    return %c0_i32, %c0_i32_0 : i32, i32
  }
  func.func @transform_4(%arg0: i32) -> (i32, i32) {
    %c0_i32 = arith.constant 0 : i32
    %c0_i32_0 = arith.constant 0 : i32
    %c0_i32_1 = arith.constant 0 : i32
    return %c0_i32, %c0_i32_0 : i32, i32
  }
  func.func @transform_5(%arg0: i32) -> (i32, i32) {
    %c0_i32 = arith.constant 0 : i32
    %c0_i32_0 = arith.constant 0 : i32
    %c0_i32_1 = arith.constant 0 : i32
    return %c0_i32, %c0_i32_0 : i32, i32
  }
  func.func @transform_6(%arg0: i32) -> (i32, i32) {
    %c0_i32 = arith.constant 0 : i32
    %c0_i32_0 = arith.constant 0 : i32
    %c0_i32_1 = arith.constant 0 : i32
    return %c0_i32, %c0_i32_0 : i32, i32
  }
  func.func @transform_7(%arg0: i32) -> (i32, i32) {
    %c0_i32 = arith.constant 0 : i32
    %c0_i32_0 = arith.constant 0 : i32
    return %arg0, %c0_i32 : i32, i32
  }
}

module attributes {stable_mosaic.version = 14 : i64} {
  func.func @body(%arg0: i32, %arg1: memref<2x1000x64xf32, #tpu.memory_space<vmem>>, %arg2: memref<2x1000x64xf32, #tpu.memory_space<vmem>>, %arg3: memref<2x1000x64xf32, #tpu.memory_space<vmem>>, %arg4: memref<256x128xf32, #tpu.memory_space<vmem>>, %arg5: memref<256x64xf32, #tpu.memory_space<vmem>>, %arg6: memref<1x256xf32, #tpu.memory_space<vmem>>, %arg7: memref<64x64xf32, #tpu.memory_space<vmem>>, %arg8: memref<1x64xf32, #tpu.memory_space<vmem>>, %arg9: memref<64x64xf32, #tpu.memory_space<vmem>>, %arg10: memref<1x64xf32, #tpu.memory_space<vmem>>, %arg11: memref<64x64xf32, #tpu.memory_space<vmem>>, %arg12: memref<1x64xf32, #tpu.memory_space<vmem>>, %arg13: memref<2x1000x64xf32, #tpu.memory_space<vmem>>, %arg14: memref<2x1000x64xf32, #tpu.memory_space<vmem>>, %arg15: memref<2x1000x64xf32, #tpu.memory_space<vmem>>) attributes {dimension_semantics = [#tpu.dimension_semantics<arbitrary>], iteration_bounds = array<i64: 10>, scalar_prefetch = 0 : i64, scratch_operands = 0 : i64, tpu.core_type = #tpu.core_type<tc>, window_params = [{transform_indices = @transform_0, window_bounds = array<i64: 2, 1000, 64>}, {transform_indices = @transform_1, window_bounds = array<i64: 2, 1000, 64>}, {transform_indices = @transform_2, window_bounds = array<i64: 2, 1000, 64>}, {pipeline_mode = #tpu.pipeline_mode<synchronous>, transform_indices = @transform_3, window_bounds = array<i64: 256, 128>}, {pipeline_mode = #tpu.pipeline_mode<synchronous>, transform_indices = @transform_4, window_bounds = array<i64: 256, 64>}, {pipeline_mode = #tpu.pipeline_mode<synchronous>, transform_indices = @transform_5, window_bounds = array<i64: 1, 256>}, {pipeline_mode = #tpu.pipeline_mode<synchronous>, transform_indices = @transform_6, window_bounds = array<i64: 64, 64>}, {pipeline_mode = #tpu.pipeline_mode<synchronous>, transform_indices = @transform_7, window_bounds = array<i64: 1, 64>}, {pipeline_mode = #tpu.pipeline_mode<synchronous>, transform_indices = @transform_8, window_bounds = array<i64: 64, 64>}, {pipeline_mode = #tpu.pipeline_mode<synchronous>, transform_indices = @transform_9, window_bounds = array<i64: 1, 64>}, {pipeline_mode = #tpu.pipeline_mode<synchronous>, transform_indices = @transform_10, window_bounds = array<i64: 64, 64>}, {pipeline_mode = #tpu.pipeline_mode<synchronous>, transform_indices = @transform_11, window_bounds = array<i64: 1, 64>}, {transform_indices = @transform_12, window_bounds = array<i64: 2, 1000, 64>}, {transform_indices = @transform_13, window_bounds = array<i64: 2, 1000, 64>}, {transform_indices = @transform_14, window_bounds = array<i64: 2, 1000, 64>}]} {
    %get3A = arith.constant 0 : index
    %get3A_0 = arith.constant 0 : index
    %get3A_1 = vector.load %arg7[%get3A, %get3A_0] : memref<64x64xf32, #tpu.memory_space<vmem>>, vector<64x64xf32>
    %get3A_2 = arith.constant 0 : index
    %get3A_3 = arith.constant 0 : index
    %get3A_4 = vector.load %arg8[%get3A_2, %get3A_3] : memref<1x64xf32, #tpu.memory_space<vmem>>, vector<1x64xf32>
    %get3A_5 = arith.constant 0 : index
    %get3A_6 = arith.constant 0 : index
    %get3A_7 = vector.load %arg9[%get3A_5, %get3A_6] : memref<64x64xf32, #tpu.memory_space<vmem>>, vector<64x64xf32>
    %get3A_8 = arith.constant 0 : index
    %get3A_9 = arith.constant 0 : index
    %get3A_10 = vector.load %arg10[%get3A_8, %get3A_9] : memref<1x64xf32, #tpu.memory_space<vmem>>, vector<1x64xf32>
    %get3A_11 = arith.constant 0 : index
    %get3A_12 = arith.constant 0 : index
    %get3A_13 = vector.load %arg11[%get3A_11, %get3A_12] : memref<64x64xf32, #tpu.memory_space<vmem>>, vector<64x64xf32>
    %get3A_14 = arith.constant 0 : index
    %get3A_15 = arith.constant 0 : index
    %get3A_16 = vector.load %arg12[%get3A_14, %get3A_15] : memref<1x64xf32, #tpu.memory_space<vmem>>, vector<1x64xf32>
    %get3A_17 = arith.constant 0 : index
    %get3A_18 = arith.constant 0 : index
    %get3A_19 = arith.constant 0 : index
    %get3A_20 = vector.load %arg1[%get3A_17, %get3A_18, %get3A_19] : memref<2x1000x64xf32, #tpu.memory_space<vmem>>, vector<1x1000x64xf32>
    %get3A_21 = vector.shape_cast %get3A_20 : vector<1x1000x64xf32> to vector<1000x64xf32>
    %get3A_22 = arith.constant 1 : index
    %get3A_23 = arith.constant 0 : index
    %get3A_24 = arith.constant 0 : index
    %get3A_25 = vector.load %arg1[%get3A_22, %get3A_23, %get3A_24] : memref<2x1000x64xf32, #tpu.memory_space<vmem>>, vector<1x1000x64xf32>
    %get3A_26 = vector.shape_cast %get3A_25 : vector<1x1000x64xf32> to vector<1000x64xf32>
    %get3A_27 = arith.constant 0 : index
    %get3A_28 = arith.constant 0 : index
    %get3A_29 = arith.constant 0 : index
    %get3A_30 = vector.load %arg3[%get3A_27, %get3A_28, %get3A_29] : memref<2x1000x64xf32, #tpu.memory_space<vmem>>, vector<1x1000x64xf32>
    %get3A_31 = vector.shape_cast %get3A_30 : vector<1x1000x64xf32> to vector<1000x64xf32>
    %get3A_32 = arith.constant 1 : index
    %get3A_33 = arith.constant 0 : index
    %get3A_34 = arith.constant 0 : index
    %get3A_35 = vector.load %arg3[%get3A_32, %get3A_33, %get3A_34] : memref<2x1000x64xf32, #tpu.memory_space<vmem>>, vector<1x1000x64xf32>
    %get3A_36 = vector.shape_cast %get3A_35 : vector<1x1000x64xf32> to vector<1000x64xf32>
    %concatenate3A = tpu.concatenate %get3A_31, %get3A_36 in 0 : vector<1000x64xf32>, vector<1000x64xf32> -> vector<2000x64xf32>
    %concatenate3A_37 = tpu.concatenate %get3A_26, %get3A_21 in 0 : vector<1000x64xf32>, vector<1000x64xf32> -> vector<2000x64xf32>
    %concatenate3A_38 = tpu.concatenate %get3A_21, %get3A_26 in 0 : vector<1000x64xf32>, vector<1000x64xf32> -> vector<2000x64xf32>
    %get3A_39 = arith.constant 0 : index
    %get3A_40 = arith.constant 0 : index
    %get3A_41 = arith.constant 0 : index
    %get3A_42 = vector.load %arg2[%get3A_39, %get3A_40, %get3A_41] : memref<2x1000x64xf32, #tpu.memory_space<vmem>>, vector<1x1000x64xf32>
    %get3A_43 = vector.shape_cast %get3A_42 : vector<1x1000x64xf32> to vector<1000x64xf32>
    %get3A_44 = arith.constant 1 : index
    %get3A_45 = arith.constant 0 : index
    %get3A_46 = arith.constant 0 : index
    %get3A_47 = vector.load %arg2[%get3A_44, %get3A_45, %get3A_46] : memref<2x1000x64xf32, #tpu.memory_space<vmem>>, vector<1x1000x64xf32>
    %get3A_48 = vector.shape_cast %get3A_47 : vector<1x1000x64xf32> to vector<1000x64xf32>
    %concatenate3A_49 = tpu.concatenate %get3A_43, %get3A_48 in 0 : vector<1000x64xf32>, vector<1000x64xf32> -> vector<2000x64xf32>
    %get3A_50 = arith.constant 0 : index
    %get3A_51 = arith.constant 0 : index
    %get3A_52 = vector.load %arg4[%get3A_50, %get3A_51] : memref<256x128xf32, #tpu.memory_space<vmem>>, vector<256x128xf32>
    %get3A_53 = arith.constant 0 : index
    %get3A_54 = arith.constant 0 : index
    %get3A_55 = vector.load %arg5[%get3A_53, %get3A_54] : memref<256x64xf32, #tpu.memory_space<vmem>>, vector<256x64xf32>
    %get3A_56 = arith.constant 0 : index
    %get3A_57 = arith.constant 0 : index
    %get3A_58 = vector.load %arg6[%get3A_56, %get3A_57] : memref<1x256xf32, #tpu.memory_space<vmem>>, vector<1x256xf32>
    %slice3A = vector.extract_strided_slice %get3A_52 {offsets = [0, 0], sizes = [256, 64], strides = [1, 1]} : vector<256x128xf32> to vector<256x64xf32>
    %dot_general3A = arith.constant dense<0.000000e+00> : vector<2000x256xf32>
    %dot_general3A_59 = tpu.matmul %concatenate3A, %slice3A, %dot_general3A {dimension_numbers = #tpu.dot_dimension_numbers<[1], [1], [0], [0], [0, 0, 1, 0], [], []>, precision = #tpu.contract_precision<fp32>, transpose_lhs_hint = false} : vector<2000x64xf32>, vector<256x64xf32>, vector<2000x256xf32> -> vector<2000x256xf32>
    %slice3A_60 = vector.extract_strided_slice %get3A_52 {offsets = [0, 64], sizes = [256, 64], strides = [1, 1]} : vector<256x128xf32> to vector<256x64xf32>
    %dot_general3A_61 = arith.constant dense<0.000000e+00> : vector<2000x256xf32>
    %dot_general3A_62 = tpu.matmul %concatenate3A_37, %slice3A_60, %dot_general3A_61 {dimension_numbers = #tpu.dot_dimension_numbers<[1], [1], [0], [0], [0, 0, 1, 0], [], []>, precision = #tpu.contract_precision<fp32>, transpose_lhs_hint = false} : vector<2000x64xf32>, vector<256x64xf32>, vector<2000x256xf32> -> vector<2000x256xf32>
    %add3A = arith.addf %dot_general3A_59, %dot_general3A_62 : vector<2000x256xf32>
    %dot_general3A_63 = arith.constant dense<0.000000e+00> : vector<2000x256xf32>
    %dot_general3A_64 = tpu.matmul %concatenate3A_38, %get3A_55, %dot_general3A_63 {dimension_numbers = #tpu.dot_dimension_numbers<[1], [1], [0], [0], [0, 0, 1, 0], [], []>, precision = #tpu.contract_precision<fp32>, transpose_lhs_hint = false} : vector<2000x64xf32>, vector<256x64xf32>, vector<2000x256xf32> -> vector<2000x256xf32>
    %add3A_65 = arith.addf %add3A, %dot_general3A_64 : vector<2000x256xf32>
    %add3A_66 = vector.broadcast %get3A_58 : vector<1x256xf32> to vector<2000x256xf32>
    %add3A_67 = arith.addf %add3A_65, %add3A_66 : vector<2000x256xf32>
    %slice3A_68 = vector.extract_strided_slice %add3A_67 {offsets = [0, 0], sizes = [2000, 64], strides = [1, 1]} : vector<2000x256xf32> to vector<2000x64xf32>
    %logistic3A = arith.negf %slice3A_68 : vector<2000x64xf32>
    %logistic3A_69 = math.exp %logistic3A : vector<2000x64xf32>
    %logistic3A_70 = arith.constant 1.000000e+00 : f32
    %logistic3A_71 = vector.broadcast %logistic3A_70 : f32 to vector<2000x64xf32>
    %logistic3A_72 = arith.addf %logistic3A_71, %logistic3A_69 : vector<2000x64xf32>
    %logistic3A_73 = arith.divf %logistic3A_71, %logistic3A_72 : vector<2000x64xf32>
    %slice3A_74 = vector.extract_strided_slice %add3A_67 {offsets = [0, 64], sizes = [2000, 64], strides = [1, 1]} : vector<2000x256xf32> to vector<2000x64xf32>
    %logistic3A_75 = arith.negf %slice3A_74 : vector<2000x64xf32>
    %logistic3A_76 = math.exp %logistic3A_75 : vector<2000x64xf32>
    %logistic3A_77 = arith.constant 1.000000e+00 : f32
    %logistic3A_78 = vector.broadcast %logistic3A_77 : f32 to vector<2000x64xf32>
    %logistic3A_79 = arith.addf %logistic3A_78, %logistic3A_76 : vector<2000x64xf32>
    %logistic3A_80 = arith.divf %logistic3A_78, %logistic3A_79 : vector<2000x64xf32>
    %slice3A_81 = vector.extract_strided_slice %add3A_67 {offsets = [0, 128], sizes = [2000, 64], strides = [1, 1]} : vector<2000x256xf32> to vector<2000x64xf32>
    %tanh3A = math.tanh %slice3A_81 : vector<2000x64xf32>
    %slice3A_82 = vector.extract_strided_slice %add3A_67 {offsets = [0, 192], sizes = [2000, 64], strides = [1, 1]} : vector<2000x256xf32> to vector<2000x64xf32>
    %logistic3A_83 = arith.negf %slice3A_82 : vector<2000x64xf32>
    %logistic3A_84 = math.exp %logistic3A_83 : vector<2000x64xf32>
    %logistic3A_85 = arith.constant 1.000000e+00 : f32
    %logistic3A_86 = vector.broadcast %logistic3A_85 : f32 to vector<2000x64xf32>
    %logistic3A_87 = arith.addf %logistic3A_86, %logistic3A_84 : vector<2000x64xf32>
    %logistic3A_88 = arith.divf %logistic3A_86, %logistic3A_87 : vector<2000x64xf32>
    %mul3A = arith.mulf %logistic3A_80, %concatenate3A_49 : vector<2000x64xf32>
    %mul3A_89 = arith.mulf %logistic3A_73, %tanh3A : vector<2000x64xf32>
    %add3A_90 = arith.addf %mul3A, %mul3A_89 : vector<2000x64xf32>
    %tanh3A_91 = math.tanh %add3A_90 : vector<2000x64xf32>
    %mul3A_92 = arith.mulf %logistic3A_88, %tanh3A_91 : vector<2000x64xf32>
    %dot_general3A_93 = arith.constant dense<0.000000e+00> : vector<2000x64xf32>
    %dot_general3A_94 = tpu.matmul %mul3A_92, %get3A_1, %dot_general3A_93 {dimension_numbers = #tpu.dot_dimension_numbers<[1], [1], [0], [0], [0, 0, 1, 0], [], []>, precision = #tpu.contract_precision<fp32>, transpose_lhs_hint = false} : vector<2000x64xf32>, vector<64x64xf32>, vector<2000x64xf32> -> vector<2000x64xf32>
    %add3A_95 = vector.broadcast %get3A_4 : vector<1x64xf32> to vector<2000x64xf32>
    %add3A_96 = arith.addf %dot_general3A_94, %add3A_95 : vector<2000x64xf32>
    %max3A = arith.constant 0.000000e+00 : f32
    %max3A_97 = vector.broadcast %max3A : f32 to vector<2000x64xf32>
    %max3A_98 = arith.maximumf %add3A_96, %max3A_97 : vector<2000x64xf32>
    %dot_general3A_99 = arith.constant dense<0.000000e+00> : vector<2000x64xf32>
    %dot_general3A_100 = tpu.matmul %max3A_98, %get3A_7, %dot_general3A_99 {dimension_numbers = #tpu.dot_dimension_numbers<[1], [1], [0], [0], [0, 0, 1, 0], [], []>, precision = #tpu.contract_precision<fp32>, transpose_lhs_hint = false} : vector<2000x64xf32>, vector<64x64xf32>, vector<2000x64xf32> -> vector<2000x64xf32>
    %add3A_101 = vector.broadcast %get3A_10 : vector<1x64xf32> to vector<2000x64xf32>
    %add3A_102 = arith.addf %dot_general3A_100, %add3A_101 : vector<2000x64xf32>
    %max3A_103 = arith.constant 0.000000e+00 : f32
    %max3A_104 = vector.broadcast %max3A_103 : f32 to vector<2000x64xf32>
    %max3A_105 = arith.maximumf %add3A_102, %max3A_104 : vector<2000x64xf32>
    %dot_general3A_106 = arith.constant dense<0.000000e+00> : vector<2000x64xf32>
    %dot_general3A_107 = tpu.matmul %max3A_105, %get3A_13, %dot_general3A_106 {dimension_numbers = #tpu.dot_dimension_numbers<[1], [1], [0], [0], [0, 0, 1, 0], [], []>, precision = #tpu.contract_precision<fp32>, transpose_lhs_hint = false} : vector<2000x64xf32>, vector<64x64xf32>, vector<2000x64xf32> -> vector<2000x64xf32>
    %add3A_108 = vector.broadcast %get3A_16 : vector<1x64xf32> to vector<2000x64xf32>
    %add3A_109 = arith.addf %dot_general3A_107, %add3A_108 : vector<2000x64xf32>
    %slice3A_110 = vector.extract_strided_slice %mul3A_92 {offsets = [0, 0], sizes = [1000, 64], strides = [1, 1]} : vector<2000x64xf32> to vector<1000x64xf32>
    %slice3A_111 = vector.extract_strided_slice %mul3A_92 {offsets = [1000, 0], sizes = [1000, 64], strides = [1, 1]} : vector<2000x64xf32> to vector<1000x64xf32>
    %swap3A = arith.constant 0 : index
    %swap3A_112 = arith.constant 0 : index
    %swap3A_113 = arith.constant 0 : index
    %swap3A_114 = vector.load %arg13[%swap3A, %swap3A_112, %swap3A_113] : memref<2x1000x64xf32, #tpu.memory_space<vmem>>, vector<1x1000x64xf32>
    %swap3A_115 = vector.shape_cast %swap3A_114 : vector<1x1000x64xf32> to vector<1000x64xf32>
    %swap3A_116 = vector.shape_cast %slice3A_110 : vector<1000x64xf32> to vector<1x1000x64xf32>
    tpu.vector_store %arg13[%swap3A, %swap3A_112, %swap3A_113], %swap3A_116 {strides = array<i32>} : memref<2x1000x64xf32, #tpu.memory_space<vmem>>, vector<1x1000x64xf32>,
    %swap3A_117 = arith.constant 1 : index
    %swap3A_118 = arith.constant 0 : index
    %swap3A_119 = arith.constant 0 : index
    %swap3A_120 = vector.load %arg13[%swap3A_117, %swap3A_118, %swap3A_119] : memref<2x1000x64xf32, #tpu.memory_space<vmem>>, vector<1x1000x64xf32>
    %swap3A_121 = vector.shape_cast %swap3A_120 : vector<1x1000x64xf32> to vector<1000x64xf32>
    %swap3A_122 = vector.shape_cast %slice3A_111 : vector<1000x64xf32> to vector<1x1000x64xf32>
    tpu.vector_store %arg13[%swap3A_117, %swap3A_118, %swap3A_119], %swap3A_122 {strides = array<i32>} : memref<2x1000x64xf32, #tpu.memory_space<vmem>>, vector<1x1000x64xf32>,
    %slice3A_123 = vector.extract_strided_slice %add3A_90 {offsets = [0, 0], sizes = [1000, 64], strides = [1, 1]} : vector<2000x64xf32> to vector<1000x64xf32>
    %slice3A_124 = vector.extract_strided_slice %add3A_90 {offsets = [1000, 0], sizes = [1000, 64], strides = [1, 1]} : vector<2000x64xf32> to vector<1000x64xf32>
    %swap3A_125 = arith.constant 0 : index
    %swap3A_126 = arith.constant 0 : index
    %swap3A_127 = arith.constant 0 : index
    %swap3A_128 = vector.load %arg14[%swap3A_125, %swap3A_126, %swap3A_127] : memref<2x1000x64xf32, #tpu.memory_space<vmem>>, vector<1x1000x64xf32>
    %swap3A_129 = vector.shape_cast %swap3A_128 : vector<1x1000x64xf32> to vector<1000x64xf32>
    %swap3A_130 = vector.shape_cast %slice3A_123 : vector<1000x64xf32> to vector<1x1000x64xf32>
    tpu.vector_store %arg14[%swap3A_125, %swap3A_126, %swap3A_127], %swap3A_130 {strides = array<i32>} : memref<2x1000x64xf32, #tpu.memory_space<vmem>>, vector<1x1000x64xf32>,
    %swap3A_131 = arith.constant 1 : index
    %swap3A_132 = arith.constant 0 : index
    %swap3A_133 = arith.constant 0 : index
    %swap3A_134 = vector.load %arg14[%swap3A_131, %swap3A_132, %swap3A_133] : memref<2x1000x64xf32, #tpu.memory_space<vmem>>, vector<1x1000x64xf32>
    %swap3A_135 = vector.shape_cast %swap3A_134 : vector<1x1000x64xf32> to vector<1000x64xf32>
    %swap3A_136 = vector.shape_cast %slice3A_124 : vector<1000x64xf32> to vector<1x1000x64xf32>
    tpu.vector_store %arg14[%swap3A_131, %swap3A_132, %swap3A_133], %swap3A_136 {strides = array<i32>} : memref<2x1000x64xf32, #tpu.memory_space<vmem>>, vector<1x1000x64xf32>,
    %slice3A_137 = vector.extract_strided_slice %add3A_109 {offsets = [0, 0], sizes = [1000, 64], strides = [1, 1]} : vector<2000x64xf32> to vector<1000x64xf32>
    %slice3A_138 = vector.extract_strided_slice %add3A_109 {offsets = [1000, 0], sizes = [1000, 64], strides = [1, 1]} : vector<2000x64xf32> to vector<1000x64xf32>
    %swap3A_139 = arith.constant 0 : index
    %swap3A_140 = arith.constant 0 : index
    %swap3A_141 = arith.constant 0 : index
    %swap3A_142 = vector.load %arg15[%swap3A_139, %swap3A_140, %swap3A_141] : memref<2x1000x64xf32, #tpu.memory_space<vmem>>, vector<1x1000x64xf32>
    %swap3A_143 = vector.shape_cast %swap3A_142 : vector<1x1000x64xf32> to vector<1000x64xf32>
    %swap3A_144 = vector.shape_cast %slice3A_137 : vector<1000x64xf32> to vector<1x1000x64xf32>
    tpu.vector_store %arg15[%swap3A_139, %swap3A_140, %swap3A_141], %swap3A_144 {strides = array<i32>} : memref<2x1000x64xf32, #tpu.memory_space<vmem>>, vector<1x1000x64xf32>,
    %swap3A_145 = arith.constant 1 : index
    %swap3A_146 = arith.constant 0 : index
    %swap3A_147 = arith.constant 0 : index
    %swap3A_148 = vector.load %arg15[%swap3A_145, %swap3A_146, %swap3A_147] : memref<2x1000x64xf32, #tpu.memory_space<vmem>>, vector<1x1000x64xf32>
    %swap3A_149 = vector.shape_cast %swap3A_148 : vector<1x1000x64xf32> to vector<1000x64xf32>
    %swap3A_150 = vector.shape_cast %slice3A_138 : vector<1000x64xf32> to vector<1x1000x64xf32>
    tpu.vector_store %arg15[%swap3A_145, %swap3A_146, %swap3A_147], %swap3A_150 {strides = array<i32>} : memref<2x1000x64xf32, #tpu.memory_space<vmem>>, vector<1x1000x64xf32>,
    return
  }
  func.func @transform_0(%arg0: i32) -> (i32, i32, i32) {
    %c0_i32 = arith.constant 0 : i32
    %c0_i32_0 = arith.constant 0 : i32
    %c0_i32_1 = arith.constant 0 : i32
    return %c0_i32, %arg0, %c0_i32_0 : i32, i32, i32
  }
  func.func @transform_1(%arg0: i32) -> (i32, i32, i32) {
    %c0_i32 = arith.constant 0 : i32
    %c0_i32_0 = arith.constant 0 : i32
    %c0_i32_1 = arith.constant 0 : i32
    return %c0_i32, %arg0, %c0_i32_0 : i32, i32, i32
  }
  func.func @transform_2(%arg0: i32) -> (i32, i32, i32) {
    %c0_i32 = arith.constant 0 : i32
    %c0_i32_0 = arith.constant 0 : i32
    %c0_i32_1 = arith.constant 0 : i32
    return %c0_i32, %arg0, %c0_i32_0 : i32, i32, i32
  }
  func.func @transform_3(%arg0: i32) -> (i32, i32) {
    %c0_i32 = arith.constant 0 : i32
    %c0_i32_0 = arith.constant 0 : i32
    %c0_i32_1 = arith.constant 0 : i32
    return %c0_i32, %c0_i32_0 : i32, i32
  }
  func.func @transform_4(%arg0: i32) -> (i32, i32) {
    %c0_i32 = arith.constant 0 : i32
    %c0_i32_0 = arith.constant 0 : i32
    %c0_i32_1 = arith.constant 0 : i32
    return %c0_i32, %c0_i32_0 : i32, i32
  }
  func.func @transform_5(%arg0: i32) -> (i32, i32) {
    %c0_i32 = arith.constant 0 : i32
    %c0_i32_0 = arith.constant 0 : i32
    %c0_i32_1 = arith.constant 0 : i32
    return %c0_i32, %c0_i32_0 : i32, i32
  }
  func.func @transform_6(%arg0: i32) -> (i32, i32) {
    %c0_i32 = arith.constant 0 : i32
    %c0_i32_0 = arith.constant 0 : i32
    %c0_i32_1 = arith.constant 0 : i32
    return %c0_i32, %c0_i32_0 : i32, i32
  }
  func.func @transform_7(%arg0: i32) -> (i32, i32) {
    %c0_i32 = arith.constant 0 : i32
    %c0_i32_0 = arith.constant 0 : i32
    %c0_i32_1 = arith.constant 0 : i32
    return %c0_i32, %c0_i32_0 : i32, i32
  }
  func.func @transform_8(%arg0: i32) -> (i32, i32) {
    %c0_i32 = arith.constant 0 : i32
    %c0_i32_0 = arith.constant 0 : i32
    %c0_i32_1 = arith.constant 0 : i32
    return %c0_i32, %c0_i32_0 : i32, i32
  }
  func.func @transform_9(%arg0: i32) -> (i32, i32) {
    %c0_i32 = arith.constant 0 : i32
    %c0_i32_0 = arith.constant 0 : i32
    %c0_i32_1 = arith.constant 0 : i32
    return %c0_i32, %c0_i32_0 : i32, i32
  }
  func.func @transform_10(%arg0: i32) -> (i32, i32) {
    %c0_i32 = arith.constant 0 : i32
    %c0_i32_0 = arith.constant 0 : i32
    %c0_i32_1 = arith.constant 0 : i32
    return %c0_i32, %c0_i32_0 : i32, i32
  }
  func.func @transform_11(%arg0: i32) -> (i32, i32) {
    %c0_i32 = arith.constant 0 : i32
    %c0_i32_0 = arith.constant 0 : i32
    %c0_i32_1 = arith.constant 0 : i32
    return %c0_i32, %c0_i32_0 : i32, i32
  }
  func.func @transform_12(%arg0: i32) -> (i32, i32, i32) {
    %c0_i32 = arith.constant 0 : i32
    %c0_i32_0 = arith.constant 0 : i32
    %c0_i32_1 = arith.constant 0 : i32
    return %c0_i32, %arg0, %c0_i32_0 : i32, i32, i32
  }
  func.func @transform_13(%arg0: i32) -> (i32, i32, i32) {
    %c0_i32 = arith.constant 0 : i32
    %c0_i32_0 = arith.constant 0 : i32
    %c0_i32_1 = arith.constant 0 : i32
    return %c0_i32, %arg0, %c0_i32_0 : i32, i32, i32
  }
  func.func @transform_14(%arg0: i32) -> (i32, i32, i32) {
    %c0_i32 = arith.constant 0 : i32
    %c0_i32_0 = arith.constant 0 : i32
    %c0_i32_1 = arith.constant 0 : i32
    return %c0_i32, %arg0, %c0_i32_0 : i32, i32, i32
  }
}

module attributes {stable_mosaic.version = 14 : i64} {
  func.func @body(%arg0: i32, %arg1: memref<1000x64xf32, #tpu.memory_space<vmem>>, %arg2: memref<1000x64xf32, #tpu.memory_space<vmem>>, %arg3: memref<2x1000x64xf32, #tpu.memory_space<vmem>>, %arg4: memref<256x64xf32, #tpu.memory_space<vmem>>, %arg5: memref<256x64xf32, #tpu.memory_space<vmem>>, %arg6: memref<1x256xf32, #tpu.memory_space<vmem>>, %arg7: memref<64x64xf32, #tpu.memory_space<vmem>>, %arg8: memref<1x64xf32, #tpu.memory_space<vmem>>, %arg9: memref<64x64xf32, #tpu.memory_space<vmem>>, %arg10: memref<1x64xf32, #tpu.memory_space<vmem>>, %arg11: memref<64x64xf32, #tpu.memory_space<vmem>>, %arg12: memref<1x64xf32, #tpu.memory_space<vmem>>, %arg13: memref<1000x64xf32, #tpu.memory_space<vmem>>, %arg14: memref<1000x64xf32, #tpu.memory_space<vmem>>, %arg15: memref<1000x64xf32, #tpu.memory_space<vmem>>) attributes {dimension_semantics = [#tpu.dimension_semantics<arbitrary>], iteration_bounds = array<i64: 10>, scalar_prefetch = 0 : i64, scratch_operands = 0 : i64, tpu.core_type = #tpu.core_type<tc>, window_params = [{transform_indices = @transform_0, window_bounds = array<i64: 1000, 64>}, {transform_indices = @transform_1, window_bounds = array<i64: 1000, 64>}, {transform_indices = @transform_2, window_bounds = array<i64: 2, 1000, 64>}, {pipeline_mode = #tpu.pipeline_mode<synchronous>, transform_indices = @transform_3, window_bounds = array<i64: 256, 64>}, {pipeline_mode = #tpu.pipeline_mode<synchronous>, transform_indices = @transform_4, window_bounds = array<i64: 256, 64>}, {pipeline_mode = #tpu.pipeline_mode<synchronous>, transform_indices = @transform_5, window_bounds = array<i64: 1, 256>}, {pipeline_mode = #tpu.pipeline_mode<synchronous>, transform_indices = @transform_6, window_bounds = array<i64: 64, 64>}, {pipeline_mode = #tpu.pipeline_mode<synchronous>, transform_indices = @transform_7, window_bounds = array<i64: 1, 64>}, {pipeline_mode = #tpu.pipeline_mode<synchronous>, transform_indices = @transform_8, window_bounds = array<i64: 64, 64>}, {pipeline_mode = #tpu.pipeline_mode<synchronous>, transform_indices = @transform_9, window_bounds = array<i64: 1, 64>}, {pipeline_mode = #tpu.pipeline_mode<synchronous>, transform_indices = @transform_10, window_bounds = array<i64: 64, 64>}, {pipeline_mode = #tpu.pipeline_mode<synchronous>, transform_indices = @transform_11, window_bounds = array<i64: 1, 64>}, {transform_indices = @transform_12, window_bounds = array<i64: 1000, 64>}, {transform_indices = @transform_13, window_bounds = array<i64: 1000, 64>}, {transform_indices = @transform_14, window_bounds = array<i64: 1000, 64>}]} {
    %get3A = arith.constant 0 : index
    %get3A_0 = arith.constant 0 : index
    %get3A_1 = vector.load %arg7[%get3A, %get3A_0] : memref<64x64xf32, #tpu.memory_space<vmem>>, vector<64x64xf32>
    %get3A_2 = arith.constant 0 : index
    %get3A_3 = arith.constant 0 : index
    %get3A_4 = vector.load %arg8[%get3A_2, %get3A_3] : memref<1x64xf32, #tpu.memory_space<vmem>>, vector<1x64xf32>
    %get3A_5 = arith.constant 0 : index
    %get3A_6 = arith.constant 0 : index
    %get3A_7 = vector.load %arg9[%get3A_5, %get3A_6] : memref<64x64xf32, #tpu.memory_space<vmem>>, vector<64x64xf32>
    %get3A_8 = arith.constant 0 : index
    %get3A_9 = arith.constant 0 : index
    %get3A_10 = vector.load %arg10[%get3A_8, %get3A_9] : memref<1x64xf32, #tpu.memory_space<vmem>>, vector<1x64xf32>
    %get3A_11 = arith.constant 0 : index
    %get3A_12 = arith.constant 0 : index
    %get3A_13 = vector.load %arg11[%get3A_11, %get3A_12] : memref<64x64xf32, #tpu.memory_space<vmem>>, vector<64x64xf32>
    %get3A_14 = arith.constant 0 : index
    %get3A_15 = arith.constant 0 : index
    %get3A_16 = vector.load %arg12[%get3A_14, %get3A_15] : memref<1x64xf32, #tpu.memory_space<vmem>>, vector<1x64xf32>
    %get3A_17 = arith.constant 0 : index
    %get3A_18 = arith.constant 0 : index
    %get3A_19 = arith.constant 0 : index
    %get3A_20 = vector.load %arg3[%get3A_17, %get3A_18, %get3A_19] : memref<2x1000x64xf32, #tpu.memory_space<vmem>>, vector<1x1000x64xf32>
    %get3A_21 = vector.shape_cast %get3A_20 : vector<1x1000x64xf32> to vector<1000x64xf32>
    %get3A_22 = arith.constant 1 : index
    %get3A_23 = arith.constant 0 : index
    %get3A_24 = arith.constant 0 : index
    %get3A_25 = vector.load %arg3[%get3A_22, %get3A_23, %get3A_24] : memref<2x1000x64xf32, #tpu.memory_space<vmem>>, vector<1x1000x64xf32>
    %get3A_26 = vector.shape_cast %get3A_25 : vector<1x1000x64xf32> to vector<1000x64xf32>
    %add3A = arith.addf %get3A_21, %get3A_26 : vector<1000x64xf32>
    %get3A_27 = arith.constant 0 : index
    %get3A_28 = arith.constant 0 : index
    %get3A_29 = vector.load %arg1[%get3A_27, %get3A_28] : memref<1000x64xf32, #tpu.memory_space<vmem>>, vector<1000x64xf32>
    %get3A_30 = arith.constant 0 : index
    %get3A_31 = arith.constant 0 : index
    %get3A_32 = vector.load %arg2[%get3A_30, %get3A_31] : memref<1000x64xf32, #tpu.memory_space<vmem>>, vector<1000x64xf32>
    %get3A_33 = arith.constant 0 : index
    %get3A_34 = arith.constant 0 : index
    %get3A_35 = vector.load %arg4[%get3A_33, %get3A_34] : memref<256x64xf32, #tpu.memory_space<vmem>>, vector<256x64xf32>
    %get3A_36 = arith.constant 0 : index
    %get3A_37 = arith.constant 0 : index
    %get3A_38 = vector.load %arg5[%get3A_36, %get3A_37] : memref<256x64xf32, #tpu.memory_space<vmem>>, vector<256x64xf32>
    %get3A_39 = arith.constant 0 : index
    %get3A_40 = arith.constant 0 : index
    %get3A_41 = vector.load %arg6[%get3A_39, %get3A_40] : memref<1x256xf32, #tpu.memory_space<vmem>>, vector<1x256xf32>
    %dot_general3A = arith.constant dense<0.000000e+00> : vector<1000x256xf32>
    %dot_general3A_42 = tpu.matmul %add3A, %get3A_35, %dot_general3A {dimension_numbers = #tpu.dot_dimension_numbers<[1], [1], [0], [0], [0, 0, 1, 0], [], []>, precision = #tpu.contract_precision<fp32>, transpose_lhs_hint = false} : vector<1000x64xf32>, vector<256x64xf32>, vector<1000x256xf32> -> vector<1000x256xf32>
    %dot_general3A_43 = arith.constant dense<0.000000e+00> : vector<1000x256xf32>
    %dot_general3A_44 = tpu.matmul %get3A_29, %get3A_38, %dot_general3A_43 {dimension_numbers = #tpu.dot_dimension_numbers<[1], [1], [0], [0], [0, 0, 1, 0], [], []>, precision = #tpu.contract_precision<fp32>, transpose_lhs_hint = false} : vector<1000x64xf32>, vector<256x64xf32>, vector<1000x256xf32> -> vector<1000x256xf32>
    %add3A_45 = arith.addf %dot_general3A_42, %dot_general3A_44 : vector<1000x256xf32>
    %add3A_46 = vector.broadcast %get3A_41 : vector<1x256xf32> to vector<1000x256xf32>
    %add3A_47 = arith.addf %add3A_45, %add3A_46 : vector<1000x256xf32>
    %slice3A = vector.extract_strided_slice %add3A_47 {offsets = [0, 0], sizes = [1000, 64], strides = [1, 1]} : vector<1000x256xf32> to vector<1000x64xf32>
    %logistic3A = arith.negf %slice3A : vector<1000x64xf32>
    %logistic3A_48 = math.exp %logistic3A : vector<1000x64xf32>
    %logistic3A_49 = arith.constant 1.000000e+00 : f32
    %logistic3A_50 = vector.broadcast %logistic3A_49 : f32 to vector<1000x64xf32>
    %logistic3A_51 = arith.addf %logistic3A_50, %logistic3A_48 : vector<1000x64xf32>
    %logistic3A_52 = arith.divf %logistic3A_50, %logistic3A_51 : vector<1000x64xf32>
    %slice3A_53 = vector.extract_strided_slice %add3A_47 {offsets = [0, 64], sizes = [1000, 64], strides = [1, 1]} : vector<1000x256xf32> to vector<1000x64xf32>
    %logistic3A_54 = arith.negf %slice3A_53 : vector<1000x64xf32>
    %logistic3A_55 = math.exp %logistic3A_54 : vector<1000x64xf32>
    %logistic3A_56 = arith.constant 1.000000e+00 : f32
    %logistic3A_57 = vector.broadcast %logistic3A_56 : f32 to vector<1000x64xf32>
    %logistic3A_58 = arith.addf %logistic3A_57, %logistic3A_55 : vector<1000x64xf32>
    %logistic3A_59 = arith.divf %logistic3A_57, %logistic3A_58 : vector<1000x64xf32>
    %slice3A_60 = vector.extract_strided_slice %add3A_47 {offsets = [0, 128], sizes = [1000, 64], strides = [1, 1]} : vector<1000x256xf32> to vector<1000x64xf32>
    %tanh3A = math.tanh %slice3A_60 : vector<1000x64xf32>
    %slice3A_61 = vector.extract_strided_slice %add3A_47 {offsets = [0, 192], sizes = [1000, 64], strides = [1, 1]} : vector<1000x256xf32> to vector<1000x64xf32>
    %logistic3A_62 = arith.negf %slice3A_61 : vector<1000x64xf32>
    %logistic3A_63 = math.exp %logistic3A_62 : vector<1000x64xf32>
    %logistic3A_64 = arith.constant 1.000000e+00 : f32
    %logistic3A_65 = vector.broadcast %logistic3A_64 : f32 to vector<1000x64xf32>
    %logistic3A_66 = arith.addf %logistic3A_65, %logistic3A_63 : vector<1000x64xf32>
    %logistic3A_67 = arith.divf %logistic3A_65, %logistic3A_66 : vector<1000x64xf32>
    %mul3A = arith.mulf %logistic3A_59, %get3A_32 : vector<1000x64xf32>
    %mul3A_68 = arith.mulf %logistic3A_52, %tanh3A : vector<1000x64xf32>
    %add3A_69 = arith.addf %mul3A, %mul3A_68 : vector<1000x64xf32>
    %tanh3A_70 = math.tanh %add3A_69 : vector<1000x64xf32>
    %mul3A_71 = arith.mulf %logistic3A_67, %tanh3A_70 : vector<1000x64xf32>
    %dot_general3A_72 = arith.constant dense<0.000000e+00> : vector<1000x64xf32>
    %dot_general3A_73 = tpu.matmul %mul3A_71, %get3A_1, %dot_general3A_72 {dimension_numbers = #tpu.dot_dimension_numbers<[1], [1], [0], [0], [0, 0, 1, 0], [], []>, precision = #tpu.contract_precision<fp32>, transpose_lhs_hint = false} : vector<1000x64xf32>, vector<64x64xf32>, vector<1000x64xf32> -> vector<1000x64xf32>
    %add3A_74 = vector.broadcast %get3A_4 : vector<1x64xf32> to vector<1000x64xf32>
    %add3A_75 = arith.addf %dot_general3A_73, %add3A_74 : vector<1000x64xf32>
    %max3A = arith.constant 0.000000e+00 : f32
    %max3A_76 = vector.broadcast %max3A : f32 to vector<1000x64xf32>
    %max3A_77 = arith.maximumf %add3A_75, %max3A_76 : vector<1000x64xf32>
    %dot_general3A_78 = arith.constant dense<0.000000e+00> : vector<1000x64xf32>
    %dot_general3A_79 = tpu.matmul %max3A_77, %get3A_7, %dot_general3A_78 {dimension_numbers = #tpu.dot_dimension_numbers<[1], [1], [0], [0], [0, 0, 1, 0], [], []>, precision = #tpu.contract_precision<fp32>, transpose_lhs_hint = false} : vector<1000x64xf32>, vector<64x64xf32>, vector<1000x64xf32> -> vector<1000x64xf32>
    %add3A_80 = vector.broadcast %get3A_10 : vector<1x64xf32> to vector<1000x64xf32>
    %add3A_81 = arith.addf %dot_general3A_79, %add3A_80 : vector<1000x64xf32>
    %max3A_82 = arith.constant 0.000000e+00 : f32
    %max3A_83 = vector.broadcast %max3A_82 : f32 to vector<1000x64xf32>
    %max3A_84 = arith.maximumf %add3A_81, %max3A_83 : vector<1000x64xf32>
    %dot_general3A_85 = arith.constant dense<0.000000e+00> : vector<1000x64xf32>
    %dot_general3A_86 = tpu.matmul %max3A_84, %get3A_13, %dot_general3A_85 {dimension_numbers = #tpu.dot_dimension_numbers<[1], [1], [0], [0], [0, 0, 1, 0], [], []>, precision = #tpu.contract_precision<fp32>, transpose_lhs_hint = false} : vector<1000x64xf32>, vector<64x64xf32>, vector<1000x64xf32> -> vector<1000x64xf32>
    %add3A_87 = vector.broadcast %get3A_16 : vector<1x64xf32> to vector<1000x64xf32>
    %add3A_88 = arith.addf %dot_general3A_86, %add3A_87 : vector<1000x64xf32>
    %swap3A = arith.constant 0 : index
    %swap3A_89 = arith.constant 0 : index
    %swap3A_90 = vector.load %arg13[%swap3A, %swap3A_89] : memref<1000x64xf32, #tpu.memory_space<vmem>>, vector<1000x64xf32>
    tpu.vector_store %arg13[%swap3A, %swap3A_89], %mul3A_71 {strides = array<i32>} : memref<1000x64xf32, #tpu.memory_space<vmem>>, vector<1000x64xf32>,
    %swap3A_91 = arith.constant 0 : index
    %swap3A_92 = arith.constant 0 : index
    %swap3A_93 = vector.load %arg14[%swap3A_91, %swap3A_92] : memref<1000x64xf32, #tpu.memory_space<vmem>>, vector<1000x64xf32>
    tpu.vector_store %arg14[%swap3A_91, %swap3A_92], %add3A_69 {strides = array<i32>} : memref<1000x64xf32, #tpu.memory_space<vmem>>, vector<1000x64xf32>,
    %swap3A_94 = arith.constant 0 : index
    %swap3A_95 = arith.constant 0 : index
    %swap3A_96 = vector.load %arg15[%swap3A_94, %swap3A_95] : memref<1000x64xf32, #tpu.memory_space<vmem>>, vector<1000x64xf32>
    tpu.vector_store %arg15[%swap3A_94, %swap3A_95], %add3A_88 {strides = array<i32>} : memref<1000x64xf32, #tpu.memory_space<vmem>>, vector<1000x64xf32>,
    return
  }
  func.func @transform_0(%arg0: i32) -> (i32, i32) {
    %c0_i32 = arith.constant 0 : i32
    %c0_i32_0 = arith.constant 0 : i32
    return %arg0, %c0_i32 : i32, i32
  }
  func.func @transform_1(%arg0: i32) -> (i32, i32) {
    %c0_i32 = arith.constant 0 : i32
    %c0_i32_0 = arith.constant 0 : i32
    return %arg0, %c0_i32 : i32, i32
  }
  func.func @transform_2(%arg0: i32) -> (i32, i32, i32) {
    %c0_i32 = arith.constant 0 : i32
    %c0_i32_0 = arith.constant 0 : i32
    %c0_i32_1 = arith.constant 0 : i32
    return %c0_i32, %arg0, %c0_i32_0 : i32, i32, i32
  }
  func.func @transform_3(%arg0: i32) -> (i32, i32) {
    %c0_i32 = arith.constant 0 : i32
    %c0_i32_0 = arith.constant 0 : i32
    %c0_i32_1 = arith.constant 0 : i32
    return %c0_i32, %c0_i32_0 : i32, i32
  }
  func.func @transform_4(%arg0: i32) -> (i32, i32) {
    %c0_i32 = arith.constant 0 : i32
    %c0_i32_0 = arith.constant 0 : i32
    %c0_i32_1 = arith.constant 0 : i32
    return %c0_i32, %c0_i32_0 : i32, i32
  }
  func.func @transform_5(%arg0: i32) -> (i32, i32) {
    %c0_i32 = arith.constant 0 : i32
    %c0_i32_0 = arith.constant 0 : i32
    %c0_i32_1 = arith.constant 0 : i32
    return %c0_i32, %c0_i32_0 : i32, i32
  }
  func.func @transform_6(%arg0: i32) -> (i32, i32) {
    %c0_i32 = arith.constant 0 : i32
    %c0_i32_0 = arith.constant 0 : i32
    %c0_i32_1 = arith.constant 0 : i32
    return %c0_i32, %c0_i32_0 : i32, i32
  }
  func.func @transform_7(%arg0: i32) -> (i32, i32) {
    %c0_i32 = arith.constant 0 : i32
    %c0_i32_0 = arith.constant 0 : i32
    %c0_i32_1 = arith.constant 0 : i32
    return %c0_i32, %c0_i32_0 : i32, i32
  }
  func.func @transform_8(%arg0: i32) -> (i32, i32) {
    %c0_i32 = arith.constant 0 : i32
    %c0_i32_0 = arith.constant 0 : i32
    %c0_i32_1 = arith.constant 0 : i32
    return %c0_i32, %c0_i32_0 : i32, i32
  }
  func.func @transform_9(%arg0: i32) -> (i32, i32) {
    %c0_i32 = arith.constant 0 : i32
    %c0_i32_0 = arith.constant 0 : i32
    %c0_i32_1 = arith.constant 0 : i32
    return %c0_i32, %c0_i32_0 : i32, i32
  }
  func.func @transform_10(%arg0: i32) -> (i32, i32) {
    %c0_i32 = arith.constant 0 : i32
    %c0_i32_0 = arith.constant 0 : i32
    %c0_i32_1 = arith.constant 0 : i32
    return %c0_i32, %c0_i32_0 : i32, i32
  }
  func.func @transform_11(%arg0: i32) -> (i32, i32) {
    %c0_i32 = arith.constant 0 : i32
    %c0_i32_0 = arith.constant 0 : i32
    %c0_i32_1 = arith.constant 0 : i32
    return %c0_i32, %c0_i32_0 : i32, i32
  }
  func.func @transform_12(%arg0: i32) -> (i32, i32) {
    %c0_i32 = arith.constant 0 : i32
    %c0_i32_0 = arith.constant 0 : i32
    return %arg0, %c0_i32 : i32, i32
  }
  func.func @transform_13(%arg0: i32) -> (i32, i32) {
    %c0_i32 = arith.constant 0 : i32
    %c0_i32_0 = arith.constant 0 : i32
    return %arg0, %c0_i32 : i32, i32
  }
  func.func @transform_14(%arg0: i32) -> (i32, i32) {
    %c0_i32 = arith.constant 0 : i32
    %c0_i32_0 = arith.constant 0 : i32
    return %arg0, %c0_i32 : i32, i32
  }
}

module attributes {stable_mosaic.version = 14 : i64} {
  func.func @body(%arg0: i32, %arg1: memref<1000x64xf32, #tpu.memory_space<vmem>>, %arg2: memref<1000x64xf32, #tpu.memory_space<vmem>>, %arg3: memref<2x1000x64xf32, #tpu.memory_space<vmem>>, %arg4: memref<256x64xf32, #tpu.memory_space<vmem>>, %arg5: memref<256x64xf32, #tpu.memory_space<vmem>>, %arg6: memref<1x256xf32, #tpu.memory_space<vmem>>, %arg7: memref<1000x64xf32, #tpu.memory_space<vmem>>, %arg8: memref<1000x64xf32, #tpu.memory_space<vmem>>) attributes {dimension_semantics = [#tpu.dimension_semantics<arbitrary>], iteration_bounds = array<i64: 10>, scalar_prefetch = 0 : i64, scratch_operands = 0 : i64, tpu.core_type = #tpu.core_type<tc>, window_params = [{transform_indices = @transform_0, window_bounds = array<i64: 1000, 64>}, {transform_indices = @transform_1, window_bounds = array<i64: 1000, 64>}, {transform_indices = @transform_2, window_bounds = array<i64: 2, 1000, 64>}, {pipeline_mode = #tpu.pipeline_mode<synchronous>, transform_indices = @transform_3, window_bounds = array<i64: 256, 64>}, {pipeline_mode = #tpu.pipeline_mode<synchronous>, transform_indices = @transform_4, window_bounds = array<i64: 256, 64>}, {pipeline_mode = #tpu.pipeline_mode<synchronous>, transform_indices = @transform_5, window_bounds = array<i64: 1, 256>}, {transform_indices = @transform_6, window_bounds = array<i64: 1000, 64>}, {transform_indices = @transform_7, window_bounds = array<i64: 1000, 64>}]} {
    %get3A = arith.constant 0 : index
    %get3A_0 = arith.constant 0 : index
    %get3A_1 = arith.constant 0 : index
    %get3A_2 = vector.load %arg3[%get3A, %get3A_0, %get3A_1] : memref<2x1000x64xf32, #tpu.memory_space<vmem>>, vector<1x1000x64xf32>
    %get3A_3 = vector.shape_cast %get3A_2 : vector<1x1000x64xf32> to vector<1000x64xf32>
    %get3A_4 = arith.constant 1 : index
    %get3A_5 = arith.constant 0 : index
    %get3A_6 = arith.constant 0 : index
    %get3A_7 = vector.load %arg3[%get3A_4, %get3A_5, %get3A_6] : memref<2x1000x64xf32, #tpu.memory_space<vmem>>, vector<1x1000x64xf32>
    %get3A_8 = vector.shape_cast %get3A_7 : vector<1x1000x64xf32> to vector<1000x64xf32>
    %add3A = arith.addf %get3A_3, %get3A_8 : vector<1000x64xf32>
    %get3A_9 = arith.constant 0 : index
    %get3A_10 = arith.constant 0 : index
    %get3A_11 = vector.load %arg1[%get3A_9, %get3A_10] : memref<1000x64xf32, #tpu.memory_space<vmem>>, vector<1000x64xf32>
    %get3A_12 = arith.constant 0 : index
    %get3A_13 = arith.constant 0 : index
    %get3A_14 = vector.load %arg2[%get3A_12, %get3A_13] : memref<1000x64xf32, #tpu.memory_space<vmem>>, vector<1000x64xf32>
    %get3A_15 = arith.constant 0 : index
    %get3A_16 = arith.constant 0 : index
    %get3A_17 = vector.load %arg4[%get3A_15, %get3A_16] : memref<256x64xf32, #tpu.memory_space<vmem>>, vector<256x64xf32>
    %get3A_18 = arith.constant 0 : index
    %get3A_19 = arith.constant 0 : index
    %get3A_20 = vector.load %arg5[%get3A_18, %get3A_19] : memref<256x64xf32, #tpu.memory_space<vmem>>, vector<256x64xf32>
    %get3A_21 = arith.constant 0 : index
    %get3A_22 = arith.constant 0 : index
    %get3A_23 = vector.load %arg6[%get3A_21, %get3A_22] : memref<1x256xf32, #tpu.memory_space<vmem>>, vector<1x256xf32>
    %dot_general3A = arith.constant dense<0.000000e+00> : vector<1000x256xf32>
    %dot_general3A_24 = tpu.matmul %add3A, %get3A_17, %dot_general3A {dimension_numbers = #tpu.dot_dimension_numbers<[1], [1], [0], [0], [0, 0, 1, 0], [], []>, precision = #tpu.contract_precision<fp32>, transpose_lhs_hint = false} : vector<1000x64xf32>, vector<256x64xf32>, vector<1000x256xf32> -> vector<1000x256xf32>
    %dot_general3A_25 = arith.constant dense<0.000000e+00> : vector<1000x256xf32>
    %dot_general3A_26 = tpu.matmul %get3A_11, %get3A_20, %dot_general3A_25 {dimension_numbers = #tpu.dot_dimension_numbers<[1], [1], [0], [0], [0, 0, 1, 0], [], []>, precision = #tpu.contract_precision<fp32>, transpose_lhs_hint = false} : vector<1000x64xf32>, vector<256x64xf32>, vector<1000x256xf32> -> vector<1000x256xf32>
    %add3A_27 = arith.addf %dot_general3A_24, %dot_general3A_26 : vector<1000x256xf32>
    %add3A_28 = vector.broadcast %get3A_23 : vector<1x256xf32> to vector<1000x256xf32>
    %add3A_29 = arith.addf %add3A_27, %add3A_28 : vector<1000x256xf32>
    %slice3A = vector.extract_strided_slice %add3A_29 {offsets = [0, 0], sizes = [1000, 64], strides = [1, 1]} : vector<1000x256xf32> to vector<1000x64xf32>
    %logistic3A = arith.negf %slice3A : vector<1000x64xf32>
    %logistic3A_30 = math.exp %logistic3A : vector<1000x64xf32>
    %logistic3A_31 = arith.constant 1.000000e+00 : f32
    %logistic3A_32 = vector.broadcast %logistic3A_31 : f32 to vector<1000x64xf32>
    %logistic3A_33 = arith.addf %logistic3A_32, %logistic3A_30 : vector<1000x64xf32>
    %logistic3A_34 = arith.divf %logistic3A_32, %logistic3A_33 : vector<1000x64xf32>
    %slice3A_35 = vector.extract_strided_slice %add3A_29 {offsets = [0, 64], sizes = [1000, 64], strides = [1, 1]} : vector<1000x256xf32> to vector<1000x64xf32>
    %logistic3A_36 = arith.negf %slice3A_35 : vector<1000x64xf32>
    %logistic3A_37 = math.exp %logistic3A_36 : vector<1000x64xf32>
    %logistic3A_38 = arith.constant 1.000000e+00 : f32
    %logistic3A_39 = vector.broadcast %logistic3A_38 : f32 to vector<1000x64xf32>
    %logistic3A_40 = arith.addf %logistic3A_39, %logistic3A_37 : vector<1000x64xf32>
    %logistic3A_41 = arith.divf %logistic3A_39, %logistic3A_40 : vector<1000x64xf32>
    %slice3A_42 = vector.extract_strided_slice %add3A_29 {offsets = [0, 128], sizes = [1000, 64], strides = [1, 1]} : vector<1000x256xf32> to vector<1000x64xf32>
    %tanh3A = math.tanh %slice3A_42 : vector<1000x64xf32>
    %slice3A_43 = vector.extract_strided_slice %add3A_29 {offsets = [0, 192], sizes = [1000, 64], strides = [1, 1]} : vector<1000x256xf32> to vector<1000x64xf32>
    %logistic3A_44 = arith.negf %slice3A_43 : vector<1000x64xf32>
    %logistic3A_45 = math.exp %logistic3A_44 : vector<1000x64xf32>
    %logistic3A_46 = arith.constant 1.000000e+00 : f32
    %logistic3A_47 = vector.broadcast %logistic3A_46 : f32 to vector<1000x64xf32>
    %logistic3A_48 = arith.addf %logistic3A_47, %logistic3A_45 : vector<1000x64xf32>
    %logistic3A_49 = arith.divf %logistic3A_47, %logistic3A_48 : vector<1000x64xf32>
    %mul3A = arith.mulf %logistic3A_41, %get3A_14 : vector<1000x64xf32>
    %mul3A_50 = arith.mulf %logistic3A_34, %tanh3A : vector<1000x64xf32>
    %add3A_51 = arith.addf %mul3A, %mul3A_50 : vector<1000x64xf32>
    %tanh3A_52 = math.tanh %add3A_51 : vector<1000x64xf32>
    %mul3A_53 = arith.mulf %logistic3A_49, %tanh3A_52 : vector<1000x64xf32>
    %swap3A = arith.constant 0 : index
    %swap3A_54 = arith.constant 0 : index
    %swap3A_55 = vector.load %arg7[%swap3A, %swap3A_54] : memref<1000x64xf32, #tpu.memory_space<vmem>>, vector<1000x64xf32>
    tpu.vector_store %arg7[%swap3A, %swap3A_54], %mul3A_53 {strides = array<i32>} : memref<1000x64xf32, #tpu.memory_space<vmem>>, vector<1000x64xf32>,
    %swap3A_56 = arith.constant 0 : index
    %swap3A_57 = arith.constant 0 : index
    %swap3A_58 = vector.load %arg8[%swap3A_56, %swap3A_57] : memref<1000x64xf32, #tpu.memory_space<vmem>>, vector<1000x64xf32>
    tpu.vector_store %arg8[%swap3A_56, %swap3A_57], %add3A_51 {strides = array<i32>} : memref<1000x64xf32, #tpu.memory_space<vmem>>, vector<1000x64xf32>,
    return
  }
  func.func @transform_0(%arg0: i32) -> (i32, i32) {
    %c0_i32 = arith.constant 0 : i32
    %c0_i32_0 = arith.constant 0 : i32
    return %arg0, %c0_i32 : i32, i32
  }
  func.func @transform_1(%arg0: i32) -> (i32, i32) {
    %c0_i32 = arith.constant 0 : i32
    %c0_i32_0 = arith.constant 0 : i32
    return %arg0, %c0_i32 : i32, i32
  }
  func.func @transform_2(%arg0: i32) -> (i32, i32, i32) {
    %c0_i32 = arith.constant 0 : i32
    %c0_i32_0 = arith.constant 0 : i32
    %c0_i32_1 = arith.constant 0 : i32
    return %c0_i32, %arg0, %c0_i32_0 : i32, i32, i32
  }
  func.func @transform_3(%arg0: i32) -> (i32, i32) {
    %c0_i32 = arith.constant 0 : i32
    %c0_i32_0 = arith.constant 0 : i32
    %c0_i32_1 = arith.constant 0 : i32
    return %c0_i32, %c0_i32_0 : i32, i32
  }
  func.func @transform_4(%arg0: i32) -> (i32, i32) {
    %c0_i32 = arith.constant 0 : i32
    %c0_i32_0 = arith.constant 0 : i32
    %c0_i32_1 = arith.constant 0 : i32
    return %c0_i32, %c0_i32_0 : i32, i32
  }
  func.func @transform_5(%arg0: i32) -> (i32, i32) {
    %c0_i32 = arith.constant 0 : i32
    %c0_i32_0 = arith.constant 0 : i32
    %c0_i32_1 = arith.constant 0 : i32
    return %c0_i32, %c0_i32_0 : i32, i32
  }
  func.func @transform_6(%arg0: i32) -> (i32, i32) {
    %c0_i32 = arith.constant 0 : i32
    %c0_i32_0 = arith.constant 0 : i32
    return %arg0, %c0_i32 : i32, i32
  }
  func.func @transform_7(%arg0: i32) -> (i32, i32) {
    %c0_i32 = arith.constant 0 : i32
    %c0_i32_0 = arith.constant 0 : i32
    return %arg0, %c0_i32 : i32, i32
  }
}

module attributes {stable_mosaic.version = 14 : i64} {
  func.func @body(%arg0: i32, %arg1: memref<2x1000x64xf32, #tpu.memory_space<vmem>>, %arg2: memref<2x1000x64xf32, #tpu.memory_space<vmem>>, %arg3: memref<2x1000x64xf32, #tpu.memory_space<vmem>>, %arg4: memref<256x128xf32, #tpu.memory_space<vmem>>, %arg5: memref<256x64xf32, #tpu.memory_space<vmem>>, %arg6: memref<1x256xf32, #tpu.memory_space<vmem>>, %arg7: memref<2x1000x64xf32, #tpu.memory_space<vmem>>, %arg8: memref<2x1000x64xf32, #tpu.memory_space<vmem>>) attributes {dimension_semantics = [#tpu.dimension_semantics<arbitrary>], iteration_bounds = array<i64: 10>, scalar_prefetch = 0 : i64, scratch_operands = 0 : i64, tpu.core_type = #tpu.core_type<tc>, window_params = [{transform_indices = @transform_0, window_bounds = array<i64: 2, 1000, 64>}, {transform_indices = @transform_1, window_bounds = array<i64: 2, 1000, 64>}, {transform_indices = @transform_2, window_bounds = array<i64: 2, 1000, 64>}, {pipeline_mode = #tpu.pipeline_mode<synchronous>, transform_indices = @transform_3, window_bounds = array<i64: 256, 128>}, {pipeline_mode = #tpu.pipeline_mode<synchronous>, transform_indices = @transform_4, window_bounds = array<i64: 256, 64>}, {pipeline_mode = #tpu.pipeline_mode<synchronous>, transform_indices = @transform_5, window_bounds = array<i64: 1, 256>}, {transform_indices = @transform_6, window_bounds = array<i64: 2, 1000, 64>}, {transform_indices = @transform_7, window_bounds = array<i64: 2, 1000, 64>}]} {
    %get3A = arith.constant 0 : index
    %get3A_0 = arith.constant 0 : index
    %get3A_1 = arith.constant 0 : index
    %get3A_2 = vector.load %arg1[%get3A, %get3A_0, %get3A_1] : memref<2x1000x64xf32, #tpu.memory_space<vmem>>, vector<1x1000x64xf32>
    %get3A_3 = vector.shape_cast %get3A_2 : vector<1x1000x64xf32> to vector<1000x64xf32>
    %get3A_4 = arith.constant 1 : index
    %get3A_5 = arith.constant 0 : index
    %get3A_6 = arith.constant 0 : index
    %get3A_7 = vector.load %arg1[%get3A_4, %get3A_5, %get3A_6] : memref<2x1000x64xf32, #tpu.memory_space<vmem>>, vector<1x1000x64xf32>
    %get3A_8 = vector.shape_cast %get3A_7 : vector<1x1000x64xf32> to vector<1000x64xf32>
    %get3A_9 = arith.constant 0 : index
    %get3A_10 = arith.constant 0 : index
    %get3A_11 = arith.constant 0 : index
    %get3A_12 = vector.load %arg3[%get3A_9, %get3A_10, %get3A_11] : memref<2x1000x64xf32, #tpu.memory_space<vmem>>, vector<1x1000x64xf32>
    %get3A_13 = vector.shape_cast %get3A_12 : vector<1x1000x64xf32> to vector<1000x64xf32>
    %get3A_14 = arith.constant 1 : index
    %get3A_15 = arith.constant 0 : index
    %get3A_16 = arith.constant 0 : index
    %get3A_17 = vector.load %arg3[%get3A_14, %get3A_15, %get3A_16] : memref<2x1000x64xf32, #tpu.memory_space<vmem>>, vector<1x1000x64xf32>
    %get3A_18 = vector.shape_cast %get3A_17 : vector<1x1000x64xf32> to vector<1000x64xf32>
    %concatenate3A = tpu.concatenate %get3A_13, %get3A_18 in 0 : vector<1000x64xf32>, vector<1000x64xf32> -> vector<2000x64xf32>
    %concatenate3A_19 = tpu.concatenate %get3A_8, %get3A_3 in 0 : vector<1000x64xf32>, vector<1000x64xf32> -> vector<2000x64xf32>
    %concatenate3A_20 = tpu.concatenate %get3A_3, %get3A_8 in 0 : vector<1000x64xf32>, vector<1000x64xf32> -> vector<2000x64xf32>
    %get3A_21 = arith.constant 0 : index
    %get3A_22 = arith.constant 0 : index
    %get3A_23 = arith.constant 0 : index
    %get3A_24 = vector.load %arg2[%get3A_21, %get3A_22, %get3A_23] : memref<2x1000x64xf32, #tpu.memory_space<vmem>>, vector<1x1000x64xf32>
    %get3A_25 = vector.shape_cast %get3A_24 : vector<1x1000x64xf32> to vector<1000x64xf32>
    %get3A_26 = arith.constant 1 : index
    %get3A_27 = arith.constant 0 : index
    %get3A_28 = arith.constant 0 : index
    %get3A_29 = vector.load %arg2[%get3A_26, %get3A_27, %get3A_28] : memref<2x1000x64xf32, #tpu.memory_space<vmem>>, vector<1x1000x64xf32>
    %get3A_30 = vector.shape_cast %get3A_29 : vector<1x1000x64xf32> to vector<1000x64xf32>
    %concatenate3A_31 = tpu.concatenate %get3A_25, %get3A_30 in 0 : vector<1000x64xf32>, vector<1000x64xf32> -> vector<2000x64xf32>
    %get3A_32 = arith.constant 0 : index
    %get3A_33 = arith.constant 0 : index
    %get3A_34 = vector.load %arg4[%get3A_32, %get3A_33] : memref<256x128xf32, #tpu.memory_space<vmem>>, vector<256x128xf32>
    %get3A_35 = arith.constant 0 : index
    %get3A_36 = arith.constant 0 : index
    %get3A_37 = vector.load %arg5[%get3A_35, %get3A_36] : memref<256x64xf32, #tpu.memory_space<vmem>>, vector<256x64xf32>
    %get3A_38 = arith.constant 0 : index
    %get3A_39 = arith.constant 0 : index
    %get3A_40 = vector.load %arg6[%get3A_38, %get3A_39] : memref<1x256xf32, #tpu.memory_space<vmem>>, vector<1x256xf32>
    %slice3A = vector.extract_strided_slice %get3A_34 {offsets = [0, 0], sizes = [256, 64], strides = [1, 1]} : vector<256x128xf32> to vector<256x64xf32>
    %dot_general3A = arith.constant dense<0.000000e+00> : vector<2000x256xf32>
    %dot_general3A_41 = tpu.matmul %concatenate3A, %slice3A, %dot_general3A {dimension_numbers = #tpu.dot_dimension_numbers<[1], [1], [0], [0], [0, 0, 1, 0], [], []>, precision = #tpu.contract_precision<fp32>, transpose_lhs_hint = false} : vector<2000x64xf32>, vector<256x64xf32>, vector<2000x256xf32> -> vector<2000x256xf32>
    %slice3A_42 = vector.extract_strided_slice %get3A_34 {offsets = [0, 64], sizes = [256, 64], strides = [1, 1]} : vector<256x128xf32> to vector<256x64xf32>
    %dot_general3A_43 = arith.constant dense<0.000000e+00> : vector<2000x256xf32>
    %dot_general3A_44 = tpu.matmul %concatenate3A_19, %slice3A_42, %dot_general3A_43 {dimension_numbers = #tpu.dot_dimension_numbers<[1], [1], [0], [0], [0, 0, 1, 0], [], []>, precision = #tpu.contract_precision<fp32>, transpose_lhs_hint = false} : vector<2000x64xf32>, vector<256x64xf32>, vector<2000x256xf32> -> vector<2000x256xf32>
    %add3A = arith.addf %dot_general3A_41, %dot_general3A_44 : vector<2000x256xf32>
    %dot_general3A_45 = arith.constant dense<0.000000e+00> : vector<2000x256xf32>
    %dot_general3A_46 = tpu.matmul %concatenate3A_20, %get3A_37, %dot_general3A_45 {dimension_numbers = #tpu.dot_dimension_numbers<[1], [1], [0], [0], [0, 0, 1, 0], [], []>, precision = #tpu.contract_precision<fp32>, transpose_lhs_hint = false} : vector<2000x64xf32>, vector<256x64xf32>, vector<2000x256xf32> -> vector<2000x256xf32>
    %add3A_47 = arith.addf %add3A, %dot_general3A_46 : vector<2000x256xf32>
    %add3A_48 = vector.broadcast %get3A_40 : vector<1x256xf32> to vector<2000x256xf32>
    %add3A_49 = arith.addf %add3A_47, %add3A_48 : vector<2000x256xf32>
    %slice3A_50 = vector.extract_strided_slice %add3A_49 {offsets = [0, 0], sizes = [2000, 64], strides = [1, 1]} : vector<2000x256xf32> to vector<2000x64xf32>
    %logistic3A = arith.negf %slice3A_50 : vector<2000x64xf32>
    %logistic3A_51 = math.exp %logistic3A : vector<2000x64xf32>
    %logistic3A_52 = arith.constant 1.000000e+00 : f32
    %logistic3A_53 = vector.broadcast %logistic3A_52 : f32 to vector<2000x64xf32>
    %logistic3A_54 = arith.addf %logistic3A_53, %logistic3A_51 : vector<2000x64xf32>
    %logistic3A_55 = arith.divf %logistic3A_53, %logistic3A_54 : vector<2000x64xf32>
    %slice3A_56 = vector.extract_strided_slice %add3A_49 {offsets = [0, 64], sizes = [2000, 64], strides = [1, 1]} : vector<2000x256xf32> to vector<2000x64xf32>
    %logistic3A_57 = arith.negf %slice3A_56 : vector<2000x64xf32>
    %logistic3A_58 = math.exp %logistic3A_57 : vector<2000x64xf32>
    %logistic3A_59 = arith.constant 1.000000e+00 : f32
    %logistic3A_60 = vector.broadcast %logistic3A_59 : f32 to vector<2000x64xf32>
    %logistic3A_61 = arith.addf %logistic3A_60, %logistic3A_58 : vector<2000x64xf32>
    %logistic3A_62 = arith.divf %logistic3A_60, %logistic3A_61 : vector<2000x64xf32>
    %slice3A_63 = vector.extract_strided_slice %add3A_49 {offsets = [0, 128], sizes = [2000, 64], strides = [1, 1]} : vector<2000x256xf32> to vector<2000x64xf32>
    %tanh3A = math.tanh %slice3A_63 : vector<2000x64xf32>
    %slice3A_64 = vector.extract_strided_slice %add3A_49 {offsets = [0, 192], sizes = [2000, 64], strides = [1, 1]} : vector<2000x256xf32> to vector<2000x64xf32>
    %logistic3A_65 = arith.negf %slice3A_64 : vector<2000x64xf32>
    %logistic3A_66 = math.exp %logistic3A_65 : vector<2000x64xf32>
    %logistic3A_67 = arith.constant 1.000000e+00 : f32
    %logistic3A_68 = vector.broadcast %logistic3A_67 : f32 to vector<2000x64xf32>
    %logistic3A_69 = arith.addf %logistic3A_68, %logistic3A_66 : vector<2000x64xf32>
    %logistic3A_70 = arith.divf %logistic3A_68, %logistic3A_69 : vector<2000x64xf32>
    %mul3A = arith.mulf %logistic3A_62, %concatenate3A_31 : vector<2000x64xf32>
    %mul3A_71 = arith.mulf %logistic3A_55, %tanh3A : vector<2000x64xf32>
    %add3A_72 = arith.addf %mul3A, %mul3A_71 : vector<2000x64xf32>
    %tanh3A_73 = math.tanh %add3A_72 : vector<2000x64xf32>
    %mul3A_74 = arith.mulf %logistic3A_70, %tanh3A_73 : vector<2000x64xf32>
    %slice3A_75 = vector.extract_strided_slice %mul3A_74 {offsets = [0, 0], sizes = [1000, 64], strides = [1, 1]} : vector<2000x64xf32> to vector<1000x64xf32>
    %slice3A_76 = vector.extract_strided_slice %mul3A_74 {offsets = [1000, 0], sizes = [1000, 64], strides = [1, 1]} : vector<2000x64xf32> to vector<1000x64xf32>
    %swap3A = arith.constant 0 : index
    %swap3A_77 = arith.constant 0 : index
    %swap3A_78 = arith.constant 0 : index
    %swap3A_79 = vector.load %arg7[%swap3A, %swap3A_77, %swap3A_78] : memref<2x1000x64xf32, #tpu.memory_space<vmem>>, vector<1x1000x64xf32>
    %swap3A_80 = vector.shape_cast %swap3A_79 : vector<1x1000x64xf32> to vector<1000x64xf32>
    %swap3A_81 = vector.shape_cast %slice3A_75 : vector<1000x64xf32> to vector<1x1000x64xf32>
    tpu.vector_store %arg7[%swap3A, %swap3A_77, %swap3A_78], %swap3A_81 {strides = array<i32>} : memref<2x1000x64xf32, #tpu.memory_space<vmem>>, vector<1x1000x64xf32>,
    %swap3A_82 = arith.constant 1 : index
    %swap3A_83 = arith.constant 0 : index
    %swap3A_84 = arith.constant 0 : index
    %swap3A_85 = vector.load %arg7[%swap3A_82, %swap3A_83, %swap3A_84] : memref<2x1000x64xf32, #tpu.memory_space<vmem>>, vector<1x1000x64xf32>
    %swap3A_86 = vector.shape_cast %swap3A_85 : vector<1x1000x64xf32> to vector<1000x64xf32>
    %swap3A_87 = vector.shape_cast %slice3A_76 : vector<1000x64xf32> to vector<1x1000x64xf32>
    tpu.vector_store %arg7[%swap3A_82, %swap3A_83, %swap3A_84], %swap3A_87 {strides = array<i32>} : memref<2x1000x64xf32, #tpu.memory_space<vmem>>, vector<1x1000x64xf32>,
    %slice3A_88 = vector.extract_strided_slice %add3A_72 {offsets = [0, 0], sizes = [1000, 64], strides = [1, 1]} : vector<2000x64xf32> to vector<1000x64xf32>
    %slice3A_89 = vector.extract_strided_slice %add3A_72 {offsets = [1000, 0], sizes = [1000, 64], strides = [1, 1]} : vector<2000x64xf32> to vector<1000x64xf32>
    %swap3A_90 = arith.constant 0 : index
    %swap3A_91 = arith.constant 0 : index
    %swap3A_92 = arith.constant 0 : index
    %swap3A_93 = vector.load %arg8[%swap3A_90, %swap3A_91, %swap3A_92] : memref<2x1000x64xf32, #tpu.memory_space<vmem>>, vector<1x1000x64xf32>
    %swap3A_94 = vector.shape_cast %swap3A_93 : vector<1x1000x64xf32> to vector<1000x64xf32>
    %swap3A_95 = vector.shape_cast %slice3A_88 : vector<1000x64xf32> to vector<1x1000x64xf32>
    tpu.vector_store %arg8[%swap3A_90, %swap3A_91, %swap3A_92], %swap3A_95 {strides = array<i32>} : memref<2x1000x64xf32, #tpu.memory_space<vmem>>, vector<1x1000x64xf32>,
    %swap3A_96 = arith.constant 1 : index
    %swap3A_97 = arith.constant 0 : index
    %swap3A_98 = arith.constant 0 : index
    %swap3A_99 = vector.load %arg8[%swap3A_96, %swap3A_97, %swap3A_98] : memref<2x1000x64xf32, #tpu.memory_space<vmem>>, vector<1x1000x64xf32>
    %swap3A_100 = vector.shape_cast %swap3A_99 : vector<1x1000x64xf32> to vector<1000x64xf32>
    %swap3A_101 = vector.shape_cast %slice3A_89 : vector<1000x64xf32> to vector<1x1000x64xf32>
    tpu.vector_store %arg8[%swap3A_96, %swap3A_97, %swap3A_98], %swap3A_101 {strides = array<i32>} : memref<2x1000x64xf32, #tpu.memory_space<vmem>>, vector<1x1000x64xf32>,
    return
  }
  func.func @transform_0(%arg0: i32) -> (i32, i32, i32) {
    %c0_i32 = arith.constant 0 : i32
    %c0_i32_0 = arith.constant 0 : i32
    %c0_i32_1 = arith.constant 0 : i32
    return %c0_i32, %arg0, %c0_i32_0 : i32, i32, i32
  }
  func.func @transform_1(%arg0: i32) -> (i32, i32, i32) {
    %c0_i32 = arith.constant 0 : i32
    %c0_i32_0 = arith.constant 0 : i32
    %c0_i32_1 = arith.constant 0 : i32
    return %c0_i32, %arg0, %c0_i32_0 : i32, i32, i32
  }
  func.func @transform_2(%arg0: i32) -> (i32, i32, i32) {
    %c0_i32 = arith.constant 0 : i32
    %c0_i32_0 = arith.constant 0 : i32
    %c0_i32_1 = arith.constant 0 : i32
    return %c0_i32, %arg0, %c0_i32_0 : i32, i32, i32
  }
  func.func @transform_3(%arg0: i32) -> (i32, i32) {
    %c0_i32 = arith.constant 0 : i32
    %c0_i32_0 = arith.constant 0 : i32
    %c0_i32_1 = arith.constant 0 : i32
    return %c0_i32, %c0_i32_0 : i32, i32
  }
  func.func @transform_4(%arg0: i32) -> (i32, i32) {
    %c0_i32 = arith.constant 0 : i32
    %c0_i32_0 = arith.constant 0 : i32
    %c0_i32_1 = arith.constant 0 : i32
    return %c0_i32, %c0_i32_0 : i32, i32
  }
  func.func @transform_5(%arg0: i32) -> (i32, i32) {
    %c0_i32 = arith.constant 0 : i32
    %c0_i32_0 = arith.constant 0 : i32
    %c0_i32_1 = arith.constant 0 : i32
    return %c0_i32, %c0_i32_0 : i32, i32
  }
  func.func @transform_6(%arg0: i32) -> (i32, i32, i32) {
    %c0_i32 = arith.constant 0 : i32
    %c0_i32_0 = arith.constant 0 : i32
    %c0_i32_1 = arith.constant 0 : i32
    return %c0_i32, %arg0, %c0_i32_0 : i32, i32, i32
  }
  func.func @transform_7(%arg0: i32) -> (i32, i32, i32) {
    %c0_i32 = arith.constant 0 : i32
    %c0_i32_0 = arith.constant 0 : i32
    %c0_i32_1 = arith.constant 0 : i32
    return %c0_i32, %arg0, %c0_i32_0 : i32, i32, i32
  }
}

</mosaic_0001>

<sc_bundles>
// kernel: kernel.20.cloned.1.call-start
scs
__scs_entry_jumppad:
0x0: {  	(pc) =	sbr.rel $0x88, $3  }
0x1: {  	(tag) =	ssettag $0x0;
	lr =	simm.s32 $0x1  }
0x2: {  	[smem:$0x3F88] =	sst lr;
	_ =	strace $0xD0000000  }
0x3: {  	_ = 	snop  }
0x4: {  	_ = 	snop  }
0x5: {  	_ = 	snop  }
0x6: {  	_ = 	snop  }
0x7: {  	_ = 	snop  }
__scs_overlays_trampoline_lowered:
0x8: {  	[smem:$0x3F97] =	sst s0  }
0x9: {  	[smem:$0x3F98] =	sst s1  }
0xa: {  	[smem:$0x3F99] =	sst s2  }
0xb: {  	[smem:$0x3F9A] =	sst s3  }
0xc: {  	[smem:$0x3F9B] =	sst s4  }
0xd: {  	[smem:$0x3F9C] =	sst s5  }
0xe: {  	[smem:$0x3F9D] =	sst s6  }
0xf: {  	[smem:$0x3F9E] =	sst s7  }
0x10: {  	[smem:$0x3F9F] =	sst s8  }
0x11: {  	[smem:$0x3FA0] =	sst s9;
	s0 =	simm.s32 @!p0 $0x0  }
0x12: {  	s1 =	sld [smem:$0x3F86];
	s0 =	simm.s32 @p0 $0x1  }
0x13: {  	[smem:$0x3FA1] =	sst s0;
	s0 =	simm.s32 @!p1 $0x0  }
0x14: {  	s2 =	sld [smem:$0x3F85];
	s0 =	simm.s32 @p1 $0x1  }
0x15: {  	[smem:$0x3FA2] =	sst s0;
	s0 =	simm.s32 @!p2 $0x0  }
0x16: {  	s3 =	sld [smem:$0x3FDB];
	s0 =	simm.s32 @p2 $0x1  }
0x17: {  	s4 =	simm.s32 $0x1BF5;
	[smem:$0x3FA4] =	sst s0  }
0x18: {  	s0 =	sld [smem:$0x3F87];
	_ =	swait.ge [sflag:s4], $0x0  }
0x19: {  	s7 =	sld [smem:$0x3F88]  }
0x1a: {  	s8 =	sadd.s32 $0xFFFFE003, lr  }
0x1b: {  	s9 =	sadd.s32 $0xFFFFFEF7, lr;
	s5 =	simm.s32 $0xFFFFFFFF;
	p2 =	slt.u32 s8, $0xFFFFF086  }
0x1c: {  	p1 =	slt.u32 s9, $0xF7A;
	s5 =	simm.s32 @!p2 $0x0  }
0x1d: {  	s5 =	simm.s32 @p1 $0x1;
	p0 =	seq.s32 s7, s2  }
0x1e: {  	s7 =	smul.u32 @!p0 $0xF7A, s2;
	p2 =	seq.s32 @!p0 s5, $0x0  }
0x1f: {  	s9 =	smul.u32 $0xF7A, s1;
	s8 =	simm.s32 @!p0 $0x1BF5;
	p2 =	por !p2, p0  }
0x20: {  	[sflag:s8] =	ssyncset.s32 @!p0 $0xFFFFF086;
	s6 =	sadd.s32 @!p0 s3, s7;
	s7 =	simm.s32 @!p0 $0x108  }
0x21: {  	s3 =	sadd.s32 s3, s9;
	s6 =	sadd.s32 @!p0 $0x88, s6;
	s7 =	simm.s32 @p2 $0x1082  }
0x22: {  	[simem:s7], [sflag:s8] =	dma.local @!p0 [hbm:s6], $0xF7A  }
0x23: {  	s9 =	sor.u32 $0xD0000000, s2;
	s6 =	simm.s32 $0x108;
	_ =	swait.ge @!p0 [sflag:s8], $0x0  }
0x24: {  	s3 =	sadd.s32 $0x88, s3;
	s6 =	simm.s32 @!p1 $0x1082;
	[sflag:s4] =	ssyncset.s32 $0xFFFFF086  }
0x25: {  	[simem:s6], [sflag:s4] =	dma.local [hbm:s3], $0xF7A  }
0x26: {  	[smem:$0x3F88] =	sst s1;
	(tag) =	ssettag s2;
	_ =	strace s9  }
0x27: {  	s1 =	sld [smem:$0x3F98]  }
0x28: {  	s2 =	sld [smem:$0x3F99]  }
0x29: {  	s4 =	sld [smem:$0x3F9B]  }
0x2a: {  	p0 =	seq.s32 s5, $0x0;
	s5 =	sld [smem:$0x3F9C]  }
0x2b: {  	s6 =	sld [smem:$0x3F9D]  }
0x2c: {  	s7 =	sld [smem:$0x3F9E]  }
0x2d: {  	s3 =	simm.s32 $0x108;
	s8 =	sld [smem:$0x3F9F]  }
0x2e: {  	s3 =	simm.s32 @!p0 $0x1082;
	s9 =	sld [smem:$0x3FA0]  }
0x2f: {  	lr =	sadd.s32 s0, s3;
	s0 =	sld [smem:$0x3F97]  }
0x30: {  	s3 =	sld [smem:$0x3F9A]  }
0x31: {  	[smem:$0x3FA3] =	sst s10  }
0x32: {  	s10 =	sld [smem:$0x3FA1];
	_ =	sdelay $0x3  }
0x33: {  	p0 =	seq.s32 s10, $0x1;
	s10 =	sld [smem:$0x3FA3];
	_ =	sdelay $0x3  }
0x34: {  	[smem:$0x3FA3] =	sst s10  }
0x35: {  	s10 =	sld [smem:$0x3FA2];
	_ =	sdelay $0x3  }
0x36: {  	p1 =	seq.s32 s10, $0x1;
	s10 =	sld [smem:$0x3FA3];
	_ =	sdelay $0x3  }
0x37: {  	[smem:$0x3FA3] =	sst s10  }
0x38: {  	s10 =	sld [smem:$0x3FA4]  }
0x39: {  	_ = 	snop;
	(pc) =	sbr.ind lr, $3  }
0x3a: {  	_ = 	snop  }
0x3b: {  	_ = 	snop  }
0x3c: {  	p2 =	seq.s32 s10, $0x1;
	s10 =	sld [smem:$0x3FA3]  }
0x3d: {  	_ =	shalt  }
0x3e: {  	_ =	shalt  }
0x3f: {  	_ =	shalt  }
0x40: {  	_ =	shalt  }
0x41: {  	_ =	shalt  }
0x42: {  	_ =	shalt  }
0x43: {  	_ =	shalt  }
0x44: {  	_ =	shalt  }
0x45: {  	_ =	shalt  }
0x46: {  	_ =	shalt  }
0x47: {  	_ =	shalt  }
0x48: {  	_ =	shalt  }
0x49: {  	_ =	shalt  }
0x4a: {  	_ =	shalt  }
0x4b: {  	_ =	shalt  }
0x4c: {  	_ =	shalt  }
0x4d: {  	_ =	shalt  }
0x4e: {  	_ =	shalt  }
0x4f: {  	_ =	shalt  }
0x50: {  	_ =	shalt  }
0x51: {  	_ =	shalt  }
0x52: {  	_ =	shalt  }
0x53: {  	_ =	shalt  }
0x54: {  	_ =	shalt  }
0x55: {  	_ =	shalt  }
0x56: {  	_ =	shalt  }
0x57: {  	_ =	shalt  }
0x58: {  	_ =	shalt  }
0x59: {  	_ =	shalt  }
0x5a: {  	_ =	shalt  }
0x5b: {  	_ =	shalt  }
0x5c: {  	_ =	shalt  }
0x5d: {  	_ =	shalt  }
0x5e: {  	_ =	shalt  }
0x5f: {  	_ =	shalt  }
0x60: {  	_ =	shalt  }
0x61: {  	_ =	shalt  }
0x62: {  	_ =	shalt  }
0x63: {  	_ =	shalt  }
0x64: {  	_ =	shalt  }
0x65: {  	_ =	shalt  }
0x66: {  	_ =	shalt  }
0x67: {  	_ =	shalt  }
0x68: {  	_ =	shalt  }
0x69: {  	_ =	shalt  }
0x6a: {  	_ =	shalt  }
0x6b: {  	_ =	shalt  }
0x6c: {  	_ =	shalt  }
0x6d: {  	_ =	shalt  }
0x6e: {  	_ =	shalt  }
0x6f: {  	_ =	shalt  }
0x70: {  	_ =	shalt  }
0x71: {  	_ =	shalt  }
0x72: {  	_ =	shalt  }
0x73: {  	_ =	shalt  }
0x74: {  	_ =	shalt  }
0x75: {  	_ =	shalt  }
0x76: {  	_ =	shalt  }
0x77: {  	_ =	shalt  }
0x78: {  	_ =	shalt  }
0x79: {  	_ =	shalt  }
0x7a: {  	_ =	shalt  }
0x7b: {  	_ =	shalt  }
0x7c: {  	_ =	shalt  }
0x7d: {  	_ =	shalt  }
0x7e: {  	_ =	shalt  }
0x7f: {  	_ =	shalt  }
0x80: {  	_ =	shalt  }
0x81: {  	_ =	shalt  }
0x82: {  	_ =	shalt  }
0x83: {  	_ =	shalt  }
0x84: {  	_ =	shalt  }
0x85: {  	_ =	shalt  }
0x86: {  	_ =	shalt  }
0x87: {  	_ =	shalt  }
.Lfunc_end0:
.L_simem_size_0:
called_computation_lowered:
.L_overlay_start_0:
0x88: {  	s2 =	sld [smem:$0x3FD9]  }
0x89: {  	s3 =	sld [smem:$0x3FFE];
	_ =	sdelay $0x1  }
0x8a: {  	s1 =	srdreg.scid  }
0x8b: {  	s0 =	sand.u32 $0x1, s1  }
0x8c: {  	s17 =	sshll.u32 s0, $0xA;
	s2 =	sadd.s32 s3, s2  }
0x8d: {  	s2 =	sadd.s32 s2, s17  }
0x8e: {  	[smem:$0x3FAF] =	sst s2  }
0x8f: {  	_ = 	snop  }
0x90: {  	s18 =	sld [smem:$0x3FD0];
	(tm) =	ssettm $0x1  }
0x91: {  	s19 =	sld [smem:$0x3FFB];
	_ =	sdelay $0x3  }
0x92: {  	_ =	strace s19  }
0x93: {  	s2 =	sld [smem:$0x3FFC];
	_ =	sdelay $0x3  }
0x94: {  	_ =	strace s2  }
0x95: {  	s2 =	sld [smem:$0x3FFD];
	_ =	sdelay $0x3  }
0x96: {  	_ =	strace s2  }
0x97: {  	_ =	strace $0x8FFFFFFF  }
0x98: {  	s20 =	sld [smem:$0x3FDB];
	_ =	sdelay $0x1  }
0x99: {  	s4 =	simm.s32 $_scs_section_size  }
0x9a: {  	s5 =	simm.s32 $_size__tile_overlayer_lowered;
	s6 =	simm.s32 $_tile_overlayer_lowered  }
0x9b: {  	s7 =	simm.s32 $0x1BFF;
	s21 =	sshll.u32 s6, $0x1;
	s4 =	sadd.s32 s4, s20  }
0x9c: {  	s22 =	simm.s32 $0x0;
	s5 =	sshll.u32 s5, $0x1;
	s6 =	sadd.s32 s21, s4  }
0x9d: {  	[timem:s22], [sflag:s7] =	dma.local [hbm:s6], s5  }
0x9e: {  	_ =	swait.ge [sflag:s7], s5  }
0x9f: {  	s5 =	ssub.s32 $0x0, s5;
	[sflag:s7] =	ssyncset.done $0x0  }
0xa0: {  	[sflag:s7] =	ssyncadd.s32 s5;
	_ =	sdelay $0x1  }
0xa1: {  	s23 =	simm.s32 $0x1B8B  }
0xa2: {  	_ =	swait.ge [sflag:s23], $0x1  }
0xa3: {  	[sflag:s23] =	ssyncset.done $0x0  }
0xa4: {  	[sflag:s23] =	ssyncadd.s32 $0xFFFFFFFF  }
0xa5: {  	s5 =	sld [smem:$0x0]  }
0xa6: {  	s6 =	sand.u32 $0xFFFFFFFE, s1  }
0xa7: {  	p0 =	sne.s32 s1, s6  }
0xa8: {  	s6 =	sshll.u32 @p0 s6, $0xE  }
0xa9: {  	s6 =	sadd.s32 @p0 $0x11B8D, s6;
	s7 =	sshll.u32 @p0 s5, $0x11  }
0xaa: {  	s6 =	sor.u32 @p0 s7, s6  }
0xab: {  	[sflag:s6] =	ssyncadd.remote.s32 @p0 $0x1;
	_ =	sdelay $0x1  }
0xac: {  	s6 =	simm.s32 @p0 $0x1B8D  }
0xad: {  	_ =	swait.eq @p0 [sflag:s6], $0x1  }
0xae: {  	[sflag:s6] =	ssyncadd.s32 @p0 $0xFFFFFFFF  }
0xaf: {  	s7 =	sshll.u32 @!p0 s1, $0xE  }
0xb0: {  	s7 =	sor.u32 @!p0 $0x4000, s7;
	s6 =	simm.s32 @!p0 $0x1B8D  }
0xb1: {  	s5 =	sshll.u32 @!p0 s5, $0x11;
	s7 =	sadd.s32 @!p0 $0x11B8D, s7;
	_ =	swait.eq @!p0 [sflag:s6], $0x1  }
0xb2: {  	s5 =	sor.u32 @!p0 s5, s7;
	[sflag:s6] =	ssyncadd.s32 @!p0 $0xFFFFFFFF  }
0xb3: {  	s25 =	simm.s32 $0x1B8E;
	s24 =	sld [smem:$0x3FFE];
	[sflag:s5] =	ssyncadd.remote.s32 @!p0 $0x1  }
0xb4: {  	s26 =	simm.s32 $execute0_lowered;
	[smem:$0x3FD2] =	sst s25  }
0xb5: {  	s6 =	sshll.u32 s26, $0x1;
	_ =	strace $0x80000049;
	[dreg:$0x1] =	wrdreg $0xFFFFFFFF  }
0xb6: {  	s28 =	simm.s32 $_size_execute0_lowered;
	s4 =	sadd.s32 s4, s6;
	[dreg:$0x0] =	wrdreg $0x0  }
0xb7: {  	s6 =	sshll.u32 s28, $0x1;
	[dreg:$0x2] =	wrdreg s4  }
0xb8: {  	[dreg:$0x3] =	wrdreg s6  }
0xb9: {  	[dreg:$0x4] =	wrdreg $0xC0  }
0xba: {  	_ =	task [dreg:s22], $0x5FFFF  }
0xbb: {  	[dreg:$0x1] =	wrdreg $0xFFFFFFFF  }
0xbc: {  	[dreg:$0x0] =	wrdreg $0x60  }
0xbd: {  	[dreg:$0x2] =	wrdreg s24  }
0xbe: {  	[dreg:$0x3] =	wrdreg s18  }
0xbf: {  	[dreg:$0x4] =	wrdreg $0x0  }
0xc0: {  	[dreg:$0x5] =	wrdreg $0x138800  }
0xc1: {  	[dreg:$0x6] =	wrdreg $0x9  }
0xc2: {  	_ =	task.clear_ibuf [dreg:s22], $0x7FFFF;
	_ =	strace $0x90000049  }
0xc3: {  	s29 =	simm.s32 $0x9;
	_ =	strace $0x8000004B  }
0xc4: {  	_ =	swait.ge [sflag:s29], $0x1  }
0xc5: {  	[sflag:s29] =	ssyncadd.s32 $0xFFFFFFFF  }
0xc6: {  	_ =	strace $0x9000004B  }
0xc7: {  	_ =	sfence  }
0xc8: {  	s30 =	sld [smem:$0x0];
	_ =	sdelay $0x2  }
0xc9: {  	s31 =	sshll.u32 s1, $0xD;
	s1 =	sshrl.u32 s1, $0x2  }
0xca: {  	s4 =	sand.u32 $0x4000, s31;
	s1 =	sadd.s32 s1, s30  }
0xcb: {  	s0 =	sor.u32 s4, s0;
	s1 =	sshll.u32 s1, $0x11  }
0xcc: {  	s0 =	sor.u32 s1, s0  }
0xcd: {  	s0 =	sadd.s32 $0x8F2B, s0  }
0xce: {  	[sflag:s0] =	ssyncadd.remote.s32 $0x1  }
0xcf: {  	_ =	sfence.sel $0xFFFF  }
0xd0: {  	[dreg:$0x0] =	wrdreg $0xFFFFFFFF;
	(pc) =	sbr.abs _section_cstart, $3  }
0xd1: {  	[dreg:$0x1] =	wrdreg $0xFFFFFFFF  }
0xd2: {  	_ =	task.clear_ibuf [dreg:s22], $0x2FFFF;
	_ =	strace $0x9FFFFFFF  }
0xd3: {  	(tm) =	ssettm $0x7FFFFFFF  }
tec
execute0_lowered:
.L_overlay_start_1:
0x0: {  	(tag) =	ssettag $0x1  }
0x1: {  	s1 =	rddreg [dreg:$0x0]  }
0x2: {  	s4 =	rddreg [dreg:$0x1]  }
0x3: {  	s0 =	rddreg [dreg:$0x2];
	s6 =	stileid.u32  }
0x4: {  	s3 =	srdreg.scid;
	s2 =	rddreg [dreg:$0x3];
	s16 =	simm.s32 $0x1D680  }
0x5: {  	s17 =	simm.s32 $0x1DA80;
	s18 =	simm.s32 $0x80;
	s28 =	simm.s32 $0x1D880  }
0x6: {  	s29 =	simm.s32 $0x1DC80;
	s30 =	simm.s32 $0x1D900;
	s5 =	smul.u32 $0x13800, s6  }
0x7: {  	s31 =	simm.s32 $0x1DD00;
	s7 =	sand.u32 $0x1, s3;
	s9 =	smul.u32 $0x2800, s6  }
0x8: {  	s3 =	simm.s32 $0x0;
	s19 =	smul.u32 $0x9E00, s6;
	s22 =	sshll.u32 s6, $0x6  }
0x9: {  	s14 =	sadd.s32 $0x138000, s0;
	p0 =	sne.s32 s6, $0x0;
	s6 =	simm.s32 $0x1DA00  }
0xa: {  	s8 =	smul.u32 $0x28000, s7;
	[smem:$0x7FF] =	sst s3;
	s11 =	ssub.s32 $0x2, s7  }
0xb: {  	s7 =	smul.u32 $0x9E000, s7;
	s15 =	sor.u32 $0x1C02, s22;
	s22 =	simm.s32 $0x1DB00  }
0xc: {  	_ =	strace $0x8000004A;
	s10 =	sshrl.u32 s5, $0x3;
	s12 =	sshrl.u32 s19, $0x3  }
0xd: {  	s13 =	sshrl.u32 s11, $0x1;
	s20 =	sadd.s32 s5, s0;
	s23 =	sadd.s32 s19, s2  }
0xe: {  	[dreg:$0x6] =	wrdreg s15;
	s8 =	sadd.s32 s9, s8;
	s10 =	sadd.s32 s10, s1  }
0xf: {  	s12 =	sadd.s32 s12, s1;
	s11 =	ssub.s32 s11, s13;
	s7 =	sadd.s32 s19, s7  }
0x10: {  	s26 =	sshrl.u32 s20, $0x3;
	s13 =	simm.s32 $0x2;
	s19 =	simm.s32 $0x1DE80  }
0x11: {  	s20 =	simm.s32 $0x1;
	s8 =	sshrl.u32 s8, $0x3;
	s21 =	sadd.s32 $0xDEC00, s10  }
0x12: {  	s7 =	sshrl.u32 s7, $0x3;
	s24 =	sadd.s32 $0x55600, s12;
	[dreg:$0xb] =	wrdreg s26  }
0x13: {  	s25 =	smax.u32 s11, $0x1;
	s12 =	sshrl.u32 s23, $0x3;
	[dreg:$0x5] =	wrdreg s21  }
0x14: {  	s23 =	simm.s32 $0x1D780;
	s26 =	simm.s32 $0x1DC00;
	[dreg:$0x8] =	wrdreg s24  }
0x15: {  	s8 =	sadd.s32 s8, s1;
	s1 =	sadd.s32 $0x105C00, s1;
	[dreg:$0xa] =	wrdreg s25  }
0x16: {  	s4 =	sadd.s32 s4, s7;
	s21 =	simm.s32 $0x1D700;
	[dreg:$0xd] =	wrdreg s12  }
0x17: {  	s24 =	simm.s32 $0x1DB80;
	s25 =	simm.s32 $0x1D800;
	[dreg:$0x7] =	wrdreg s1  }
0x18: {  	s7 =	simm.s32 $0x1DE00;
	[dreg:$0x9] =	wrdreg s4;
	s10 =	sadd.s32 $0x10FE00, s8  }
0x19: {  	s11 =	sadd.s32 $0x105E00, s8;
	s4 =	sshrl.u32 @!p0 s14, $0x3;
	s1 =	simm.s32 $0x1D980  }
0x1a: {  	s8 =	simm.s32 $0x0;
	[dreg:$0xc] =	wrdreg s4;
	s4 =	simm.s32 $0x1DD80  }
.LBB2_1:
0x1b: {  	s5 =	rddreg [dreg:$0x5]  }
0x1c: {  	s9 =	rddreg [dreg:$0xb]  }
0x1d: {  	[spmem:s9], [sflag:s15] =	dma.local [hbm:s5], $0x2700  }
0x1e: {  	_ =	swait.ge [sflag:s13], $0x2700  }
0x1f: {  	[sflag:s13] =	ssyncset.done $0x0;
	s5 =	rddreg [dreg:$0x7]  }
0x20: {  	s9 =	rddreg [dreg:$0xc];
	[sflag:s13] =	ssyncadd.s32 $0xFFFFD900  }
0x21: {  	[spmem:s9], [sflag:s15] =	dma.local @!p0 [hbm:s5], $0x100  }
0x22: {  	s9 =	simm.s32 @!p0 $0x2  }
0x23: {  	_ =	swait.ge @!p0 [sflag:s9], $0x100  }
0x24: {  	[sflag:s9] =	ssyncset.done @!p0 $0x0  }
0x25: {  	[sflag:s9] =	ssyncadd.s32 @!p0 $0xFFFFFF00;
	s9 =	rddreg [dreg:$0x8]  }
0x26: {  	[spmem:s12], [sflag:s15] =	dma.local [hbm:s9], $0x13C0  }
0x27: {  	_ =	swait.ge [sflag:s13], $0x13C0  }
0x28: {  	[sflag:s13] =	ssyncset.done $0x0  }
0x29: {  	[sflag:s13] =	ssyncadd.s32 $0xFFFFEC40  }
0x2a: {  	s14 =	sadd.s32 $0x0, s11;
	[bflag:$0x0] =	sbarrier.arrive $0xFFFF  }
0x2b: {  	[tilespmem:s16], [sflag:$0x2] =	stream.linear.gather [hbm4b:s14+s3], $0x400, $0x38;
	[tilespmem:$0x1FE80] =	vst v63  }
0x2c: {  	_ =	swait.ge [sflag:s13], $0x400  }
0x2d: {  	[sflag:s13] =	ssyncset.done $0x0  }
0x2e: {  	s15 =	sadd.s32 $0x0, s10;
	[sflag:s13] =	ssyncadd.s32 $0xFFFFFC00  }
0x2f: {  	[tilespmem:s17], [sflag:$0x2] =	stream.linear.gather [hbm4b:s15+s3], $0x400, $0x38;
	[tilespmem:$0x1FE80] =	vst v63  }
0x30: {  	_ =	swait.ge [sflag:s13], $0x400  }
0x31: {  	[sflag:s13] =	ssyncset.done $0x0  }
0x32: {  	[sflag:s13] =	ssyncadd.s32 $0xFFFFFC00  }
0x33: {  	[tilespmem:s19], [sflag:$0x1] =	stream.indirect.gather [spmem:s0], $0x40, s16, s18, $0xb8;
	[tilespmem:$0x1FE80] =	vst v63  }
0x34: {  	_ =	swait.ge [sflag:s20], $0x2000  }
0x35: {  	[sflag:s20] =	ssyncset.done $0x0  }
0x36: {  	[sflag:s20] =	ssyncadd.s32 $0xFFFFE000  }
0x37: {  	[spmem:s2] =	stream.indirect.scatter.add.f32 [tilespmem:s19], [sflag:$0x2], $0x40, s17, s18, $0xb8;
	[tilespmem:$0x1FE80] =	vst v63  }
0x38: {  	_ =	swait.ge [sflag:s13], $0x2000  }
0x39: {  	[sflag:s13] =	ssyncset.done $0x0  }
0x3a: {  	[sflag:s13] =	ssyncadd.s32 $0xFFFFE000  }
0x3b: {  	[tilespmem:s19], [sflag:$0x1] =	stream.indirect.gather [spmem:s0], $0x40, s21, s18, $0xb8;
	[tilespmem:$0x1FE80] =	vst v63  }
0x3c: {  	_ =	swait.ge [sflag:s20], $0x2000  }
0x3d: {  	[sflag:s20] =	ssyncset.done $0x0  }
0x3e: {  	[sflag:s20] =	ssyncadd.s32 $0xFFFFE000  }
0x3f: {  	[spmem:s2] =	stream.indirect.scatter.add.f32 [tilespmem:s19], [sflag:$0x2], $0x40, s22, s18, $0xb8;
	[tilespmem:$0x1FE80] =	vst v63  }
0x40: {  	_ =	swait.ge [sflag:s13], $0x2000  }
0x41: {  	[sflag:s13] =	ssyncset.done $0x0  }
0x42: {  	[sflag:s13] =	ssyncadd.s32 $0xFFFFE000  }
0x43: {  	[tilespmem:s19], [sflag:$0x1] =	stream.indirect.gather [spmem:s0], $0x40, s23, s18, $0xb8;
	[tilespmem:$0x1FE80] =	vst v63  }
0x44: {  	_ =	swait.ge [sflag:s20], $0x2000  }
0x45: {  	[sflag:s20] =	ssyncset.done $0x0  }
0x46: {  	[sflag:s20] =	ssyncadd.s32 $0xFFFFE000  }
0x47: {  	[spmem:s2] =	stream.indirect.scatter.add.f32 [tilespmem:s19], [sflag:$0x2], $0x40, s24, s18, $0xb8;
	[tilespmem:$0x1FE80] =	vst v63  }
0x48: {  	_ =	swait.ge [sflag:s13], $0x2000  }
0x49: {  	[sflag:s13] =	ssyncset.done $0x0  }
0x4a: {  	[sflag:s13] =	ssyncadd.s32 $0xFFFFE000  }
0x4b: {  	[tilespmem:s19], [sflag:$0x1] =	stream.indirect.gather [spmem:s0], $0x40, s25, s18, $0xb8;
	[tilespmem:$0x1FE80] =	vst v63  }
0x4c: {  	_ =	swait.ge [sflag:s20], $0x2000  }
0x4d: {  	[sflag:s20] =	ssyncset.done $0x0  }
0x4e: {  	[sflag:s20] =	ssyncadd.s32 $0xFFFFE000  }
0x4f: {  	[spmem:s2] =	stream.indirect.scatter.add.f32 [tilespmem:s19], [sflag:$0x2], $0x40, s26, s18, $0xb8;
	[tilespmem:$0x1FE80] =	vst v63  }
0x50: {  	_ =	swait.ge [sflag:s13], $0x2000  }
0x51: {  	[sflag:s13] =	ssyncset.done $0x0  }
0x52: {  	[sflag:s13] =	ssyncadd.s32 $0xFFFFE000  }
0x53: {  	[tilespmem:s19], [sflag:$0x1] =	stream.indirect.gather [spmem:s0], $0x40, s28, s18, $0xb8;
	[tilespmem:$0x1FE80] =	vst v63  }
0x54: {  	_ =	swait.ge [sflag:s20], $0x2000  }
0x55: {  	[sflag:s20] =	ssyncset.done $0x0  }
0x56: {  	[sflag:s20] =	ssyncadd.s32 $0xFFFFE000  }
0x57: {  	[spmem:s2] =	stream.indirect.scatter.add.f32 [tilespmem:s19], [sflag:$0x2], $0x40, s29, s18, $0xb8;
	[tilespmem:$0x1FE80] =	vst v63  }
0x58: {  	_ =	swait.ge [sflag:s13], $0x2000  }
0x59: {  	[sflag:s13] =	ssyncset.done $0x0  }
0x5a: {  	[sflag:s13] =	ssyncadd.s32 $0xFFFFE000  }
0x5b: {  	[tilespmem:s19], [sflag:$0x1] =	stream.indirect.gather [spmem:s0], $0x40, s30, s18, $0xb8;
	[tilespmem:$0x1FE80] =	vst v63  }
0x5c: {  	_ =	swait.ge [sflag:s20], $0x2000  }
0x5d: {  	[sflag:s20] =	ssyncset.done $0x0  }
0x5e: {  	[sflag:s20] =	ssyncadd.s32 $0xFFFFE000  }
0x5f: {  	[spmem:s2] =	stream.indirect.scatter.add.f32 [tilespmem:s19], [sflag:$0x2], $0x40, s31, s18, $0xb8;
	[tilespmem:$0x1FE80] =	vst v63  }
0x60: {  	_ =	swait.ge [sflag:s13], $0x2000  }
0x61: {  	[sflag:s13] =	ssyncset.done $0x0  }
0x62: {  	[sflag:s13] =	ssyncadd.s32 $0xFFFFE000  }
0x63: {  	[tilespmem:s19], [sflag:$0x1] =	stream.indirect.gather [spmem:s0], $0x40, s1, s18, $0xb8;
	[tilespmem:$0x1FE80] =	vst v63  }
0x64: {  	_ =	swait.ge [sflag:s20], $0x2000  }
0x65: {  	[sflag:s20] =	ssyncset.done $0x0  }
0x66: {  	[sflag:s20] =	ssyncadd.s32 $0xFFFFE000  }
0x67: {  	[spmem:s2] =	stream.indirect.scatter.add.f32 [tilespmem:s19], [sflag:$0x2], $0x40, s4, s18, $0xb8;
	[tilespmem:$0x1FE80] =	vst v63  }
0x68: {  	_ =	swait.ge [sflag:s13], $0x2000  }
0x69: {  	[sflag:s13] =	ssyncset.done $0x0  }
0x6a: {  	[sflag:s13] =	ssyncadd.s32 $0xFFFFE000  }
0x6b: {  	[tilespmem:s19], [sflag:$0x1] =	stream.indirect.gather [spmem:s0], $0x40, s6, s18, $0xb8;
	[tilespmem:$0x1FE80] =	vst v63  }
0x6c: {  	_ =	swait.ge [sflag:s20], $0x2000  }
0x6d: {  	[sflag:s20] =	ssyncset.done $0x0  }
0x6e: {  	[sflag:s20] =	ssyncadd.s32 $0xFFFFE000  }
0x6f: {  	[spmem:s2] =	stream.indirect.scatter.add.f32 [tilespmem:s19], [sflag:$0x2], $0x40, s7, s18, $0xb8;
	[tilespmem:$0x1FE80] =	vst v63  }
0x70: {  	_ =	swait.ge [sflag:s13], $0x2000  }
0x71: {  	s9 =	simm.s32 $0x80;
	s12 =	simm.s32 $0x100;
	[sflag:s13] =	ssyncset.done $0x0  }
.LBB2_2:
0x72: {  	s15 =	sadd.s32 s9, s11  }
0x73: {  	[sflag:s13] =	ssyncadd.s32 $0xFFFFE000;
	s5 =	smov.u32 s12;
	s14 =	sadd.s32 $0x80, s12  }
0x74: {  	[tilespmem:s16], [sflag:$0x2] =	stream.linear.gather [hbm4b:s15+s3], $0x400, $0x38;
	[tilespmem:$0x1FE80] =	vst v63  }
0x75: {  	p1 =	sne.s32 s12, $0x480;
	_ =	swait.ge [sflag:s13], $0x400  }
0x76: {  	[sflag:s13] =	ssyncset.done $0x0  }
0x77: {  	s12 =	sadd.s32 s9, s10;
	s9 =	smov.u32 s5;
	[sflag:s13] =	ssyncadd.s32 $0xFFFFFC00  }
0x78: {  	[tilespmem:s17], [sflag:$0x2] =	stream.linear.gather [hbm4b:s12+s3], $0x400, $0x38;
	[tilespmem:$0x1FE80] =	vst v63  }
0x79: {  	_ =	swait.ge [sflag:s13], $0x400  }
0x7a: {  	[sflag:s13] =	ssyncset.done $0x0  }
0x7b: {  	[sflag:s13] =	ssyncadd.s32 $0xFFFFFC00  }
0x7c: {  	[tilespmem:s19], [sflag:$0x1] =	stream.indirect.gather [spmem:s0], $0x40, s16, s18, $0xb8;
	[tilespmem:$0x1FE80] =	vst v63  }
0x7d: {  	_ =	swait.ge [sflag:s20], $0x2000  }
0x7e: {  	[sflag:s20] =	ssyncset.done $0x0  }
0x7f: {  	[sflag:s20] =	ssyncadd.s32 $0xFFFFE000  }
0x80: {  	[spmem:s2] =	stream.indirect.scatter.add.f32 [tilespmem:s19], [sflag:$0x2], $0x40, s17, s18, $0xb8;
	[tilespmem:$0x1FE80] =	vst v63  }
0x81: {  	_ =	swait.ge [sflag:s13], $0x2000  }
0x82: {  	[sflag:s13] =	ssyncset.done $0x0  }
0x83: {  	[sflag:s13] =	ssyncadd.s32 $0xFFFFE000  }
0x84: {  	[tilespmem:s19], [sflag:$0x1] =	stream.indirect.gather [spmem:s0], $0x40, s21, s18, $0xb8;
	[tilespmem:$0x1FE80] =	vst v63  }
0x85: {  	_ =	swait.ge [sflag:s20], $0x2000  }
0x86: {  	[sflag:s20] =	ssyncset.done $0x0  }
0x87: {  	[sflag:s20] =	ssyncadd.s32 $0xFFFFE000  }
0x88: {  	[spmem:s2] =	stream.indirect.scatter.add.f32 [tilespmem:s19], [sflag:$0x2], $0x40, s22, s18, $0xb8;
	[tilespmem:$0x1FE80] =	vst v63  }
0x89: {  	_ =	swait.ge [sflag:s13], $0x2000  }
0x8a: {  	[sflag:s13] =	ssyncset.done $0x0  }
0x8b: {  	[sflag:s13] =	ssyncadd.s32 $0xFFFFE000  }
0x8c: {  	[tilespmem:s19], [sflag:$0x1] =	stream.indirect.gather [spmem:s0], $0x40, s23, s18, $0xb8;
	[tilespmem:$0x1FE80] =	vst v63  }
0x8d: {  	_ =	swait.ge [sflag:s20], $0x2000  }
0x8e: {  	[sflag:s20] =	ssyncset.done $0x0  }
0x8f: {  	[sflag:s20] =	ssyncadd.s32 $0xFFFFE000  }
0x90: {  	[spmem:s2] =	stream.indirect.scatter.add.f32 [tilespmem:s19], [sflag:$0x2], $0x40, s24, s18, $0xb8;
	[tilespmem:$0x1FE80] =	vst v63  }
0x91: {  	_ =	swait.ge [sflag:s13], $0x2000  }
0x92: {  	[sflag:s13] =	ssyncset.done $0x0  }
0x93: {  	[sflag:s13] =	ssyncadd.s32 $0xFFFFE000  }
0x94: {  	[tilespmem:s19], [sflag:$0x1] =	stream.indirect.gather [spmem:s0], $0x40, s25, s18, $0xb8;
	[tilespmem:$0x1FE80] =	vst v63  }
0x95: {  	_ =	swait.ge [sflag:s20], $0x2000  }
0x96: {  	[sflag:s20] =	ssyncset.done $0x0  }
0x97: {  	[sflag:s20] =	ssyncadd.s32 $0xFFFFE000  }
0x98: {  	[spmem:s2] =	stream.indirect.scatter.add.f32 [tilespmem:s19], [sflag:$0x2], $0x40, s26, s18, $0xb8;
	[tilespmem:$0x1FE80] =	vst v63  }
0x99: {  	_ =	swait.ge [sflag:s13], $0x2000  }
0x9a: {  	[sflag:s13] =	ssyncset.done $0x0  }
0x9b: {  	[sflag:s13] =	ssyncadd.s32 $0xFFFFE000  }
0x9c: {  	[tilespmem:s19], [sflag:$0x1] =	stream.indirect.gather [spmem:s0], $0x40, s28, s18, $0xb8;
	[tilespmem:$0x1FE80] =	vst v63  }
0x9d: {  	_ =	swait.ge [sflag:s20], $0x2000  }
0x9e: {  	[sflag:s20] =	ssyncset.done $0x0  }
0x9f: {  	[sflag:s20] =	ssyncadd.s32 $0xFFFFE000  }
0xa0: {  	[spmem:s2] =	stream.indirect.scatter.add.f32 [tilespmem:s19], [sflag:$0x2], $0x40, s29, s18, $0xb8;
	[tilespmem:$0x1FE80] =	vst v63  }
0xa1: {  	_ =	swait.ge [sflag:s13], $0x2000  }
0xa2: {  	[sflag:s13] =	ssyncset.done $0x0  }
0xa3: {  	[sflag:s13] =	ssyncadd.s32 $0xFFFFE000  }
0xa4: {  	[tilespmem:s19], [sflag:$0x1] =	stream.indirect.gather [spmem:s0], $0x40, s30, s18, $0xb8;
	[tilespmem:$0x1FE80] =	vst v63  }
0xa5: {  	_ =	swait.ge [sflag:s20], $0x2000  }
0xa6: {  	[sflag:s20] =	ssyncset.done $0x0  }
0xa7: {  	[sflag:s20] =	ssyncadd.s32 $0xFFFFE000  }
0xa8: {  	[spmem:s2] =	stream.indirect.scatter.add.f32 [tilespmem:s19], [sflag:$0x2], $0x40, s31, s18, $0xb8;
	[tilespmem:$0x1FE80] =	vst v63  }
0xa9: {  	_ =	swait.ge [sflag:s13], $0x2000  }
0xaa: {  	[sflag:s13] =	ssyncset.done $0x0  }
0xab: {  	[sflag:s13] =	ssyncadd.s32 $0xFFFFE000  }
0xac: {  	[tilespmem:s19], [sflag:$0x1] =	stream.indirect.gather [spmem:s0], $0x40, s1, s18, $0xb8;
	[tilespmem:$0x1FE80] =	vst v63  }
0xad: {  	_ =	swait.ge [sflag:s20], $0x2000  }
0xae: {  	[sflag:s20] =	ssyncset.done $0x0  }
0xaf: {  	[sflag:s20] =	ssyncadd.s32 $0xFFFFE000  }
0xb0: {  	[spmem:s2] =	stream.indirect.scatter.add.f32 [tilespmem:s19], [sflag:$0x2], $0x40, s4, s18, $0xb8;
	[tilespmem:$0x1FE80] =	vst v63  }
0xb1: {  	_ =	swait.ge [sflag:s13], $0x2000  }
0xb2: {  	[sflag:s13] =	ssyncset.done $0x0  }
0xb3: {  	[sflag:s13] =	ssyncadd.s32 $0xFFFFE000  }
0xb4: {  	[tilespmem:s19], [sflag:$0x1] =	stream.indirect.gather [spmem:s0], $0x40, s6, s18, $0xb8;
	[tilespmem:$0x1FE80] =	vst v63  }
0xb5: {  	_ =	swait.ge [sflag:s20], $0x2000  }
.Ltmp0:
0xb6: {  	[sflag:s20] =	ssyncset.done $0x0;
	(pc) =	sbr.rel @p1 .LBB2_2-.Ltmp0, $4  }
0xb7: {  	[sflag:s20] =	ssyncadd.s32 $0xFFFFE000  }
0xb8: {  	[spmem:s2] =	stream.indirect.scatter.add.f32 [tilespmem:s19], [sflag:$0x2], $0x40, s7, s18, $0xb8;
	[tilespmem:$0x1FE80] =	vst v63  }
0xb9: {  	_ =	swait.ge [sflag:s13], $0x2000  }
0xba: {  	s12 =	smov.u32 s14;
	[sflag:s13] =	ssyncset.done $0x0  }
0xbb: {  	s5 =	sadd.s32 s9, s11;
	[sflag:s13] =	ssyncadd.s32 $0xFFFFE000  }
0xbc: {  	[tilespmem:s16], [sflag:$0x2] =	stream.linear.gather [hbm4b:s5+s3], $0x400, $0x38;
	[tilespmem:$0x1FE80] =	vst v63  }
0xbd: {  	_ =	swait.ge [sflag:s13], $0x400  }
0xbe: {  	[sflag:s13] =	ssyncset.done $0x0  }
0xbf: {  	s15 =	sadd.s32 s9, s10;
	[sflag:s13] =	ssyncadd.s32 $0xFFFFFC00  }
0xc0: {  	[tilespmem:s17], [sflag:$0x2] =	stream.linear.gather [hbm4b:s15+s3], $0x400, $0x38;
	[tilespmem:$0x1FE80] =	vst v63  }
0xc1: {  	_ =	swait.ge [sflag:s13], $0x400  }
0xc2: {  	[sflag:s13] =	ssyncset.done $0x0  }
0xc3: {  	[sflag:s13] =	ssyncadd.s32 $0xFFFFFC00  }
0xc4: {  	[tilespmem:s19], [sflag:$0x1] =	stream.indirect.gather [spmem:s0], $0x40, s16, s18, $0xb8;
	[tilespmem:$0x1FE80] =	vst v63  }
0xc5: {  	_ =	swait.ge [sflag:s20], $0x2000  }
0xc6: {  	[sflag:s20] =	ssyncset.done $0x0  }
0xc7: {  	[sflag:s20] =	ssyncadd.s32 $0xFFFFE000  }
0xc8: {  	[spmem:s2] =	stream.indirect.scatter.add.f32 [tilespmem:s19], [sflag:$0x2], $0x40, s17, s18, $0xb8;
	[tilespmem:$0x1FE80] =	vst v63  }
0xc9: {  	_ =	swait.ge [sflag:s13], $0x2000  }
0xca: {  	[sflag:s13] =	ssyncset.done $0x0  }
0xcb: {  	[sflag:s13] =	ssyncadd.s32 $0xFFFFE000  }
0xcc: {  	[tilespmem:s19], [sflag:$0x1] =	stream.indirect.gather [spmem:s0], $0x40, s21, s18, $0xb8;
	[tilespmem:$0x1FE80] =	vst v63  }
0xcd: {  	_ =	swait.ge [sflag:s20], $0x2000  }
0xce: {  	[sflag:s20] =	ssyncset.done $0x0  }
0xcf: {  	[sflag:s20] =	ssyncadd.s32 $0xFFFFE000  }
0xd0: {  	[spmem:s2] =	stream.indirect.scatter.add.f32 [tilespmem:s19], [sflag:$0x2], $0x40, s22, s18, $0xb8;
	[tilespmem:$0x1FE80] =	vst v63  }
0xd1: {  	_ =	swait.ge [sflag:s13], $0x2000  }
0xd2: {  	[sflag:s13] =	ssyncset.done $0x0  }
0xd3: {  	[sflag:s13] =	ssyncadd.s32 $0xFFFFE000  }
0xd4: {  	[tilespmem:s19], [sflag:$0x1] =	stream.indirect.gather [spmem:s0], $0x40, s23, s18, $0xb8;
	[tilespmem:$0x1FE80] =	vst v63  }
0xd5: {  	_ =	swait.ge [sflag:s20], $0x2000  }
0xd6: {  	[sflag:s20] =	ssyncset.done $0x0  }
0xd7: {  	[sflag:s20] =	ssyncadd.s32 $0xFFFFE000  }
0xd8: {  	[spmem:s2] =	stream.indirect.scatter.add.f32 [tilespmem:s19], [sflag:$0x2], $0x40, s24, s18, $0xb8;
	[tilespmem:$0x1FE80] =	vst v63  }
0xd9: {  	_ =	swait.ge [sflag:s13], $0x2000  }
0xda: {  	[sflag:s13] =	ssyncset.done $0x0  }
0xdb: {  	[sflag:s13] =	ssyncadd.s32 $0xFFFFE000  }
0xdc: {  	[tilespmem:s19], [sflag:$0x1] =	stream.indirect.gather [spmem:s0], $0x40, s25, s18, $0xb8;
	[tilespmem:$0x1FE80] =	vst v63  }
0xdd: {  	_ =	swait.ge [sflag:s20], $0x2000  }
0xde: {  	[sflag:s20] =	ssyncset.done $0x0  }
0xdf: {  	[sflag:s20] =	ssyncadd.s32 $0xFFFFE000  }
0xe0: {  	[spmem:s2] =	stream.indirect.scatter.add.f32 [tilespmem:s19], [sflag:$0x2], $0x40, s26, s18, $0xb8;
	[tilespmem:$0x1FE80] =	vst v63  }
0xe1: {  	_ =	swait.ge [sflag:s13], $0x2000  }
0xe2: {  	[sflag:s13] =	ssyncset.done $0x0  }
0xe3: {  	[sflag:s13] =	ssyncadd.s32 $0xFFFFE000  }
0xe4: {  	[tilespmem:s19], [sflag:$0x1] =	stream.indirect.gather [spmem:s0], $0x40, s28, s18, $0xb8;
	[tilespmem:$0x1FE80] =	vst v63  }
0xe5: {  	_ =	swait.ge [sflag:s20], $0x2000  }
0xe6: {  	[sflag:s20] =	ssyncset.done $0x0  }
0xe7: {  	[sflag:s20] =	ssyncadd.s32 $0xFFFFE000  }
0xe8: {  	[spmem:s2] =	stream.indirect.scatter.add.f32 [tilespmem:s19], [sflag:$0x2], $0x40, s29, s18, $0xb8;
	[tilespmem:$0x1FE80] =	vst v63  }
0xe9: {  	_ =	swait.ge [sflag:s13], $0x2000  }
0xea: {  	[sflag:s13] =	ssyncset.done $0x0  }
0xeb: {  	[sflag:s13] =	ssyncadd.s32 $0xFFFFE000  }
0xec: {  	[tilespmem:s19], [sflag:$0x1] =	stream.indirect.gather [spmem:s0], $0x40, s30, s18, $0xb8;
	[tilespmem:$0x1FE80] =	vst v63  }
0xed: {  	_ =	swait.ge [sflag:s20], $0x2000  }
0xee: {  	[sflag:s20] =	ssyncset.done $0x0  }
0xef: {  	[sflag:s20] =	ssyncadd.s32 $0xFFFFE000  }
0xf0: {  	[spmem:s2] =	stream.indirect.scatter.add.f32 [tilespmem:s19], [sflag:$0x2], $0x40, s31, s18, $0xb8;
	[tilespmem:$0x1FE80] =	vst v63  }
0xf1: {  	_ =	swait.ge [sflag:s13], $0x2000  }
0xf2: {  	[sflag:s13] =	ssyncset.done $0x0  }
0xf3: {  	[sflag:s13] =	ssyncadd.s32 $0xFFFFE000  }
0xf4: {  	[tilespmem:s19], [sflag:$0x1] =	stream.indirect.gather [spmem:s0], $0x40, s1, s18, $0xb8;
	[tilespmem:$0x1FE80] =	vst v63  }
0xf5: {  	_ =	swait.ge [sflag:s20], $0x2000  }
0xf6: {  	[sflag:s20] =	ssyncset.done $0x0  }
0xf7: {  	[sflag:s20] =	ssyncadd.s32 $0xFFFFE000  }
0xf8: {  	[spmem:s2] =	stream.indirect.scatter.add.f32 [tilespmem:s19], [sflag:$0x2], $0x40, s4, s18, $0xb8;
	[tilespmem:$0x1FE80] =	vst v63  }
0xf9: {  	_ =	swait.ge [sflag:s13], $0x2000  }
0xfa: {  	[sflag:s13] =	ssyncset.done $0x0  }
0xfb: {  	[sflag:s13] =	ssyncadd.s32 $0xFFFFE000  }
0xfc: {  	[tilespmem:s19], [sflag:$0x1] =	stream.indirect.gather [spmem:s0], $0x40, s6, s18, $0xb8;
	[tilespmem:$0x1FE80] =	vst v63  }
0xfd: {  	_ =	swait.ge [sflag:s20], $0x2000  }
0xfe: {  	[sflag:s20] =	ssyncset.done $0x0  }
0xff: {  	[sflag:s20] =	ssyncadd.s32 $0xFFFFE000  }
0x100: {  	[spmem:s2] =	stream.indirect.scatter.add.f32 [tilespmem:s19], [sflag:$0x2], $0x40, s7, s18, $0xb8;
	[tilespmem:$0x1FE80] =	vst v63  }
0x101: {  	_ =	swait.ge [sflag:s13], $0x2000  }
0x102: {  	[sflag:s13] =	ssyncset.done $0x0  }
0x103: {  	[sflag:s13] =	ssyncadd.s32 $0xFFFFE000  }
0x104: {  	[bflag:$0x0] =	sbarrier.arrive $0xFFFF  }
0x105: {  	s15 =	rddreg [dreg:$0x6]  }
0x106: {  	s9 =	rddreg [dreg:$0x9]  }
0x107: {  	s12 =	rddreg [dreg:$0xd]  }
0x108: {  	[hbm:s9], [sflag:s15] =	dma.local [spmem:s12], $0x13C0  }
0x109: {  	_ =	swait.ge [sflag:s13], $0x13C0  }
0x10a: {  	s8 =	sadd.s32 $0x1, s8;
	s14 =	rddreg [dreg:$0xa]  }
0x10b: {  	p1 =	sne.s32 s8, s14  }
.Ltmp1:
0x10c: {  	_ = 	snop;
	(pc) =	sbr.rel @p1 .LBB2_1-.Ltmp1, $3  }
0x10d: {  	_ =	sdelay $0x1  }
0x10e: {  	[sflag:s13] =	ssyncset.done $0x0  }
0x10f: {  	[sflag:s13] =	ssyncadd.s32 $0xFFFFEC40  }
0x110: {  	_ =	sfence.sel $0x180000  }
0x111: {  	[bflag:$0x0] =	sbarrier.arrive $0xFFFF  }
0x112: {  	_ =	strace $0x9000004A  }
0x113: {  	[bflag:$0x2] =	sbarrier.arrive $0xFFFF  }
0x114: {  	s0 =	rddreg [dreg:$0x4]  }
0x115: {  	s0 =	sadd.s32 @!p0 $0x100000, s0  }
0x116: {  	[sflag:s0] =	ssyncadd.tile.s32 @!p0 $0x1;
	_ =	shalt  }
.Lfunc_end2:
_tile_overlayer_lowered:
.L_overlay_start_2:
0x117: {  	(tag) =	ssettag $0x2  }
0x118: {  	s0 =	rddreg [dreg:$0x0];
	s2 =	stileid.u32  }
0x119: {  	s1 =	rddreg [dreg:$0x1];
	p0 =	sne.s32 s2, $0x0  }
0x11a: {  	s3 =	rddreg [dreg:$0x2];
	[bflag:$0x3] =	sbarrier.arrive $0xFFFF;
	s2 =	simm.s32 @!p0 $0x1C02  }
0x11b: {  	[timem:s3], [sflag:s2] =	dma.local @!p0 [hbm:s0], s1  }
0x11c: {  	s0 =	simm.s32 @!p0 $0x2  }
0x11d: {  	_ =	swait.ge @!p0 [sflag:s0], s1  }
0x11e: {  	s1 =	ssub.s32 @!p0 $0x0, s1;
	[sflag:s0] =	ssyncset.done @!p0 $0x0  }
0x11f: {  	[sflag:s0] =	ssyncadd.s32 @!p0 s1  }
0x120: {  	[bflag:$0x3] =	sbarrier.arrive $0xFFFF  }
0x121: {  	_ =	shalt  }

// kernel: kernel.23.cloned.1.call-start
scs
__scs_entry_jumppad:
0x0: {  	(pc) =	sbr.rel $0x88, $3  }
0x1: {  	(tag) =	ssettag $0x0;
	lr =	simm.s32 $0x1  }
0x2: {  	[smem:$0x3F88] =	sst lr;
	_ =	strace $0xD0000000  }
0x3: {  	_ = 	snop  }
0x4: {  	_ = 	snop  }
0x5: {  	_ = 	snop  }
0x6: {  	_ = 	snop  }
0x7: {  	_ = 	snop  }
__scs_overlays_trampoline_lowered:
0x8: {  	[smem:$0x3F97] =	sst s0  }
0x9: {  	[smem:$0x3F98] =	sst s1  }
0xa: {  	[smem:$0x3F99] =	sst s2  }
0xb: {  	[smem:$0x3F9A] =	sst s3  }
0xc: {  	[smem:$0x3F9B] =	sst s4  }
0xd: {  	[smem:$0x3F9C] =	sst s5  }
0xe: {  	[smem:$0x3F9D] =	sst s6  }
0xf: {  	[smem:$0x3F9E] =	sst s7  }
0x10: {  	[smem:$0x3F9F] =	sst s8  }
0x11: {  	[smem:$0x3FA0] =	sst s9;
	s0 =	simm.s32 @!p0 $0x0  }
0x12: {  	s1 =	sld [smem:$0x3F86];
	s0 =	simm.s32 @p0 $0x1  }
0x13: {  	[smem:$0x3FA1] =	sst s0;
	s0 =	simm.s32 @!p1 $0x0  }
0x14: {  	s2 =	sld [smem:$0x3F85];
	s0 =	simm.s32 @p1 $0x1  }
0x15: {  	[smem:$0x3FA2] =	sst s0;
	s0 =	simm.s32 @!p2 $0x0  }
0x16: {  	s3 =	sld [smem:$0x3FDB];
	s0 =	simm.s32 @p2 $0x1  }
0x17: {  	s4 =	simm.s32 $0x1BF5;
	[smem:$0x3FA4] =	sst s0  }
0x18: {  	s0 =	sld [smem:$0x3F87];
	_ =	swait.ge [sflag:s4], $0x0  }
0x19: {  	s7 =	sld [smem:$0x3F88]  }
0x1a: {  	s8 =	sadd.s32 $0xFFFFE003, lr  }
0x1b: {  	s9 =	sadd.s32 $0xFFFFFEF7, lr;
	s5 =	simm.s32 $0xFFFFFFFF;
	p2 =	slt.u32 s8, $0xFFFFF086  }
0x1c: {  	p1 =	slt.u32 s9, $0xF7A;
	s5 =	simm.s32 @!p2 $0x0  }
0x1d: {  	s5 =	simm.s32 @p1 $0x1;
	p0 =	seq.s32 s7, s2  }
0x1e: {  	s7 =	smul.u32 @!p0 $0xF7A, s2;
	p2 =	seq.s32 @!p0 s5, $0x0  }
0x1f: {  	s9 =	smul.u32 $0xF7A, s1;
	s8 =	simm.s32 @!p0 $0x1BF5;
	p2 =	por !p2, p0  }
0x20: {  	[sflag:s8] =	ssyncset.s32 @!p0 $0xFFFFF086;
	s6 =	sadd.s32 @!p0 s3, s7;
	s7 =	simm.s32 @!p0 $0x108  }
0x21: {  	s3 =	sadd.s32 s3, s9;
	s6 =	sadd.s32 @!p0 $0x88, s6;
	s7 =	simm.s32 @p2 $0x1082  }
0x22: {  	[simem:s7], [sflag:s8] =	dma.local @!p0 [hbm:s6], $0xF7A  }
0x23: {  	s9 =	sor.u32 $0xD0000000, s2;
	s6 =	simm.s32 $0x108;
	_ =	swait.ge @!p0 [sflag:s8], $0x0  }
0x24: {  	s3 =	sadd.s32 $0x88, s3;
	s6 =	simm.s32 @!p1 $0x1082;
	[sflag:s4] =	ssyncset.s32 $0xFFFFF086  }
0x25: {  	[simem:s6], [sflag:s4] =	dma.local [hbm:s3], $0xF7A  }
0x26: {  	[smem:$0x3F88] =	sst s1;
	(tag) =	ssettag s2;
	_ =	strace s9  }
0x27: {  	s1 =	sld [smem:$0x3F98]  }
0x28: {  	s2 =	sld [smem:$0x3F99]  }
0x29: {  	s4 =	sld [smem:$0x3F9B]  }
0x2a: {  	p0 =	seq.s32 s5, $0x0;
	s5 =	sld [smem:$0x3F9C]  }
0x2b: {  	s6 =	sld [smem:$0x3F9D]  }
0x2c: {  	s7 =	sld [smem:$0x3F9E]  }
0x2d: {  	s3 =	simm.s32 $0x108;
	s8 =	sld [smem:$0x3F9F]  }
0x2e: {  	s3 =	simm.s32 @!p0 $0x1082;
	s9 =	sld [smem:$0x3FA0]  }
0x2f: {  	lr =	sadd.s32 s0, s3;
	s0 =	sld [smem:$0x3F97]  }
0x30: {  	s3 =	sld [smem:$0x3F9A]  }
0x31: {  	[smem:$0x3FA3] =	sst s10  }
0x32: {  	s10 =	sld [smem:$0x3FA1];
	_ =	sdelay $0x3  }
0x33: {  	p0 =	seq.s32 s10, $0x1;
	s10 =	sld [smem:$0x3FA3];
	_ =	sdelay $0x3  }
0x34: {  	[smem:$0x3FA3] =	sst s10  }
0x35: {  	s10 =	sld [smem:$0x3FA2];
	_ =	sdelay $0x3  }
0x36: {  	p1 =	seq.s32 s10, $0x1;
	s10 =	sld [smem:$0x3FA3];
	_ =	sdelay $0x3  }
0x37: {  	[smem:$0x3FA3] =	sst s10  }
0x38: {  	s10 =	sld [smem:$0x3FA4]  }
0x39: {  	_ = 	snop;
	(pc) =	sbr.ind lr, $3  }
0x3a: {  	_ = 	snop  }
0x3b: {  	_ = 	snop  }
0x3c: {  	p2 =	seq.s32 s10, $0x1;
	s10 =	sld [smem:$0x3FA3]  }
0x3d: {  	_ =	shalt  }
0x3e: {  	_ =	shalt  }
0x3f: {  	_ =	shalt  }
0x40: {  	_ =	shalt  }
0x41: {  	_ =	shalt  }
0x42: {  	_ =	shalt  }
0x43: {  	_ =	shalt  }
0x44: {  	_ =	shalt  }
0x45: {  	_ =	shalt  }
0x46: {  	_ =	shalt  }
0x47: {  	_ =	shalt  }
0x48: {  	_ =	shalt  }
0x49: {  	_ =	shalt  }
0x4a: {  	_ =	shalt  }
0x4b: {  	_ =	shalt  }
0x4c: {  	_ =	shalt  }
0x4d: {  	_ =	shalt  }
0x4e: {  	_ =	shalt  }
0x4f: {  	_ =	shalt  }
0x50: {  	_ =	shalt  }
0x51: {  	_ =	shalt  }
0x52: {  	_ =	shalt  }
0x53: {  	_ =	shalt  }
0x54: {  	_ =	shalt  }
0x55: {  	_ =	shalt  }
0x56: {  	_ =	shalt  }
0x57: {  	_ =	shalt  }
0x58: {  	_ =	shalt  }
0x59: {  	_ =	shalt  }
0x5a: {  	_ =	shalt  }
0x5b: {  	_ =	shalt  }
0x5c: {  	_ =	shalt  }
0x5d: {  	_ =	shalt  }
0x5e: {  	_ =	shalt  }
0x5f: {  	_ =	shalt  }
0x60: {  	_ =	shalt  }
0x61: {  	_ =	shalt  }
0x62: {  	_ =	shalt  }
0x63: {  	_ =	shalt  }
0x64: {  	_ =	shalt  }
0x65: {  	_ =	shalt  }
0x66: {  	_ =	shalt  }
0x67: {  	_ =	shalt  }
0x68: {  	_ =	shalt  }
0x69: {  	_ =	shalt  }
0x6a: {  	_ =	shalt  }
0x6b: {  	_ =	shalt  }
0x6c: {  	_ =	shalt  }
0x6d: {  	_ =	shalt  }
0x6e: {  	_ =	shalt  }
0x6f: {  	_ =	shalt  }
0x70: {  	_ =	shalt  }
0x71: {  	_ =	shalt  }
0x72: {  	_ =	shalt  }
0x73: {  	_ =	shalt  }
0x74: {  	_ =	shalt  }
0x75: {  	_ =	shalt  }
0x76: {  	_ =	shalt  }
0x77: {  	_ =	shalt  }
0x78: {  	_ =	shalt  }
0x79: {  	_ =	shalt  }
0x7a: {  	_ =	shalt  }
0x7b: {  	_ =	shalt  }
0x7c: {  	_ =	shalt  }
0x7d: {  	_ =	shalt  }
0x7e: {  	_ =	shalt  }
0x7f: {  	_ =	shalt  }
0x80: {  	_ =	shalt  }
0x81: {  	_ =	shalt  }
0x82: {  	_ =	shalt  }
0x83: {  	_ =	shalt  }
0x84: {  	_ =	shalt  }
0x85: {  	_ =	shalt  }
0x86: {  	_ =	shalt  }
0x87: {  	_ =	shalt  }
.Lfunc_end0:
.L_simem_size_0:
called_computation.1_lowered:
.L_overlay_start_0:
0x88: {  	s2 =	sld [smem:$0x3FD9]  }
0x89: {  	s3 =	sld [smem:$0x3FFE];
	_ =	sdelay $0x1  }
0x8a: {  	s1 =	srdreg.scid  }
0x8b: {  	s0 =	sand.u32 $0x1, s1  }
0x8c: {  	s16 =	sshll.u32 s0, $0xA;
	s2 =	sadd.s32 s3, s2  }
0x8d: {  	s2 =	sadd.s32 s2, s16  }
0x8e: {  	[smem:$0x3FAF] =	sst s2  }
0x8f: {  	_ = 	snop  }
0x90: {  	(tm) =	ssettm $0x1  }
0x91: {  	s17 =	sld [smem:$0x3FFB];
	_ =	sdelay $0x3  }
0x92: {  	_ =	strace s17  }
0x93: {  	s2 =	sld [smem:$0x3FFC];
	_ =	sdelay $0x3  }
0x94: {  	_ =	strace s2  }
0x95: {  	s2 =	sld [smem:$0x3FFD];
	_ =	sdelay $0x3  }
0x96: {  	_ =	strace s2  }
0x97: {  	_ =	strace $0x8FFFFFFF  }
0x98: {  	s18 =	sld [smem:$0x3FDB];
	_ =	sdelay $0x1  }
0x99: {  	s19 =	simm.s32 $_scs_section_size  }
0x9a: {  	s4 =	simm.s32 $_size__tile_overlayer_lowered;
	s5 =	simm.s32 $_tile_overlayer_lowered  }
0x9b: {  	s22 =	simm.s32 $0x1BFF;
	s21 =	sshll.u32 s5, $0x1;
	s2 =	sadd.s32 s19, s18  }
0x9c: {  	s6 =	simm.s32 $0x0;
	s20 =	sshll.u32 s4, $0x1;
	s4 =	sadd.s32 s21, s2  }
0x9d: {  	[timem:s6], [sflag:s22] =	dma.local [hbm:s4], s20  }
0x9e: {  	_ =	swait.ge [sflag:s22], s20  }
0x9f: {  	s3 =	ssub.s32 $0x0, s20;
	[sflag:s22] =	ssyncset.done $0x0  }
0xa0: {  	[sflag:s22] =	ssyncadd.s32 s3;
	_ =	sdelay $0x1  }
0xa1: {  	s23 =	simm.s32 $0x1B8B  }
0xa2: {  	_ =	swait.ge [sflag:s23], $0x1  }
0xa3: {  	[sflag:s23] =	ssyncset.done $0x0  }
0xa4: {  	s25 =	simm.s32 $0x1B8E;
	s24 =	sld [smem:$0x3FFE];
	[sflag:s23] =	ssyncadd.s32 $0xFFFFFFFF  }
0xa5: {  	s26 =	simm.s32 $execute0_lowered;
	[smem:$0x3FD2] =	sst s25  }
0xa6: {  	s4 =	sshll.u32 s26, $0x1;
	_ =	strace $0x80000046;
	[dreg:$0x1] =	wrdreg $0xFFFFFFFF  }
0xa7: {  	s28 =	simm.s32 $_size_execute0_lowered;
	s2 =	sadd.s32 s2, s4;
	[dreg:$0x0] =	wrdreg $0x0  }
0xa8: {  	s4 =	sshll.u32 s28, $0x1;
	[dreg:$0x2] =	wrdreg s2  }
0xa9: {  	[dreg:$0x3] =	wrdreg s4  }
0xaa: {  	[dreg:$0x4] =	wrdreg $0xC0  }
0xab: {  	_ =	task [dreg:s6], $0x5FFFF  }
0xac: {  	[dreg:$0x1] =	wrdreg $0xFFFFFFFF  }
0xad: {  	[dreg:$0x0] =	wrdreg $0x60  }
0xae: {  	[dreg:$0x2] =	wrdreg s24  }
0xaf: {  	[dreg:$0x3] =	wrdreg $0x0  }
0xb0: {  	[dreg:$0x4] =	wrdreg $0x9C400  }
0xb1: {  	[dreg:$0x5] =	wrdreg $0xA  }
0xb2: {  	_ =	task.clear_ibuf [dreg:s6], $0x6FFFF;
	_ =	strace $0x90000046  }
0xb3: {  	s29 =	simm.s32 $0xA;
	_ =	strace $0x80000048  }
0xb4: {  	_ =	swait.ge [sflag:s29], $0x1  }
0xb5: {  	[sflag:s29] =	ssyncadd.s32 $0xFFFFFFFF  }
0xb6: {  	_ =	strace $0x90000048  }
0xb7: {  	_ =	sfence  }
0xb8: {  	s30 =	sld [smem:$0x0];
	_ =	sdelay $0x2  }
0xb9: {  	s31 =	sshll.u32 s1, $0xD;
	s1 =	sshrl.u32 s1, $0x2  }
0xba: {  	s3 =	sand.u32 $0x4000, s31;
	s1 =	sadd.s32 s1, s30  }
0xbb: {  	s0 =	sor.u32 s3, s0;
	s1 =	sshll.u32 s1, $0x11  }
0xbc: {  	s0 =	sor.u32 s1, s0  }
0xbd: {  	s0 =	sadd.s32 $0x8F2B, s0  }
0xbe: {  	[sflag:s0] =	ssyncadd.remote.s32 $0x1  }
0xbf: {  	_ =	sfence.sel $0xFFFF  }
0xc0: {  	[dreg:$0x0] =	wrdreg $0xFFFFFFFF;
	(pc) =	sbr.abs _section_cstart, $3  }
0xc1: {  	[dreg:$0x1] =	wrdreg $0xFFFFFFFF  }
0xc2: {  	_ =	task.clear_ibuf [dreg:s6], $0x2FFFF;
	_ =	strace $0x9FFFFFFF  }
0xc3: {  	(tm) =	ssettm $0x7FFFFFFF  }
tec
execute0_lowered:
.L_overlay_start_1:
0x0: {  	(tag) =	ssettag $0x1  }
0x1: {  	s1 =	rddreg [dreg:$0x0];
	s2 =	srdreg.scid  }
0x2: {  	s0 =	rddreg [dreg:$0x1];
	s6 =	stileid.u32  }
0x3: {  	s3 =	simm.s32 $0x0;
	s16 =	simm.s32 $0x13A40;
	s17 =	simm.s32 $0x13E40  }
0x4: {  	s28 =	simm.s32 $0x13C40;
	s29 =	simm.s32 $0x14040;
	s7 =	smul.u32 $0x2800, s6  }
0x5: {  	s30 =	simm.s32 $0x13CC0;
	s31 =	simm.s32 $0x140C0;
	s8 =	smul.u32 $0x9C00, s6  }
0x6: {  	s4 =	sand.u32 $0x1, s2;
	s2 =	rddreg [dreg:$0x2];
	s18 =	smul.u32 $0x9E00, s6  }
0x7: {  	[smem:$0x7FF] =	sst s3;
	s22 =	sshll.u32 s6, $0x6;
	s5 =	smul.u32 $0x28000, s4  }
0x8: {  	p0 =	sne.s32 s6, $0x0;
	s6 =	simm.s32 $0x13DC0;
	s10 =	smul.u32 $0x9E000, s4  }
0x9: {  	_ =	strace $0x80000047;
	s4 =	ssub.s32 $0x2, s4;
	s14 =	sor.u32 $0x1C02, s22  }
0xa: {  	s22 =	simm.s32 $0x13EC0;
	s9 =	sshrl.u32 s8, $0x3;
	s19 =	sshrl.u32 s18, $0x3  }
0xb: {  	s21 =	sshrl.u32 s4, $0x1;
	s8 =	sadd.s32 s8, s0;
	s23 =	sadd.s32 s18, s2  }
0xc: {  	[dreg:$0x5] =	wrdreg s14;
	s5 =	sadd.s32 s7, s5;
	s9 =	sadd.s32 s9, s1  }
0xd: {  	s10 =	sadd.s32 s18, s10;
	s12 =	sadd.s32 s19, s1;
	s4 =	ssub.s32 s4, s21  }
0xe: {  	s26 =	sshrl.u32 s8, $0x3;
	s18 =	simm.s32 $0x80;
	s19 =	simm.s32 $0x14240  }
0xf: {  	s21 =	simm.s32 $0x13AC0;
	s7 =	simm.s32 $0x141C0;
	s8 =	simm.s32 $0x0  }
0x10: {  	s5 =	sshrl.u32 s5, $0x3;
	s20 =	sshrl.u32 s10, $0x3;
	s9 =	sadd.s32 $0x2DC00, s9  }
0x11: {  	s24 =	sadd.s32 $0x55600, s12;
	s4 =	smax.u32 s4, $0x1;
	[dreg:$0xa] =	wrdreg s26  }
0x12: {  	s12 =	sshrl.u32 s23, $0x3;
	s23 =	simm.s32 $0x13B40;
	[dreg:$0x4] =	wrdreg s9  }
0x13: {  	s26 =	simm.s32 $0x13FC0;
	s11 =	sadd.s32 s5, s1;
	[dreg:$0x7] =	wrdreg s24  }
0x14: {  	s13 =	sadd.s32 s20, s1;
	s9 =	sadd.s32 $0x9C000, s0;
	[dreg:$0x9] =	wrdreg s4  }
0x15: {  	s1 =	sadd.s32 $0x41400, s1;
	s20 =	simm.s32 $0x1;
	[dreg:$0xc] =	wrdreg s12  }
0x16: {  	s24 =	simm.s32 $0x13F40;
	[dreg:$0x6] =	wrdreg s1;
	s25 =	sadd.s32 $0x69200, s13  }
0x17: {  	s10 =	sadd.s32 $0x4B600, s11;
	s11 =	sadd.s32 $0x41600, s11;
	s13 =	simm.s32 $0x2  }
0x18: {  	s4 =	sshrl.u32 @!p0 s9, $0x3;
	s1 =	simm.s32 $0x13D40;
	[dreg:$0x8] =	wrdreg s25  }
0x19: {  	[dreg:$0xb] =	wrdreg s4;
	s25 =	simm.s32 $0x13BC0;
	s4 =	simm.s32 $0x14140  }
.LBB2_1:
0x1a: {  	s5 =	rddreg [dreg:$0x4]  }
0x1b: {  	s9 =	rddreg [dreg:$0xa]  }
0x1c: {  	[spmem:s9], [sflag:s14] =	dma.local [hbm:s5], $0x1380  }
0x1d: {  	_ =	swait.ge [sflag:s13], $0x1380  }
0x1e: {  	[sflag:s13] =	ssyncset.done $0x0;
	s5 =	rddreg [dreg:$0x6]  }
0x1f: {  	s9 =	rddreg [dreg:$0xb];
	[sflag:s13] =	ssyncadd.s32 $0xFFFFEC80  }
0x20: {  	[spmem:s9], [sflag:s14] =	dma.local @!p0 [hbm:s5], $0x80  }
0x21: {  	s9 =	simm.s32 @!p0 $0x2  }
0x22: {  	_ =	swait.ge @!p0 [sflag:s9], $0x80  }
0x23: {  	[sflag:s9] =	ssyncset.done @!p0 $0x0  }
0x24: {  	[sflag:s9] =	ssyncadd.s32 @!p0 $0xFFFFFF80;
	s9 =	rddreg [dreg:$0x7]  }
0x25: {  	[spmem:s12], [sflag:s14] =	dma.local [hbm:s9], $0x13C0  }
0x26: {  	_ =	swait.ge [sflag:s13], $0x13C0  }
0x27: {  	[sflag:s13] =	ssyncset.done $0x0  }
0x28: {  	[sflag:s13] =	ssyncadd.s32 $0xFFFFEC40  }
0x29: {  	s14 =	sadd.s32 $0x0, s11;
	[bflag:$0x0] =	sbarrier.arrive $0xFFFF  }
0x2a: {  	[tilespmem:s16], [sflag:$0x2] =	stream.linear.gather [hbm4b:s14+s3], $0x400, $0x38;
	[tilespmem:$0x16240] =	vst v63  }
0x2b: {  	_ =	swait.ge [sflag:s13], $0x400  }
0x2c: {  	[sflag:s13] =	ssyncset.done $0x0  }
0x2d: {  	s15 =	sadd.s32 $0x0, s10;
	[sflag:s13] =	ssyncadd.s32 $0xFFFFFC00  }
0x2e: {  	[tilespmem:s17], [sflag:$0x2] =	stream.linear.gather [hbm4b:s15+s3], $0x400, $0x38;
	[tilespmem:$0x16240] =	vst v63  }
0x2f: {  	_ =	swait.ge [sflag:s13], $0x400  }
0x30: {  	[sflag:s13] =	ssyncset.done $0x0  }
0x31: {  	[sflag:s13] =	ssyncadd.s32 $0xFFFFFC00  }
0x32: {  	[tilespmem:s19], [sflag:$0x1] =	stream.indirect.gather [spmem:s0], $0x40, s16, s18, $0xb8;
	[tilespmem:$0x16240] =	vst v63  }
0x33: {  	_ =	swait.ge [sflag:s20], $0x2000  }
0x34: {  	[sflag:s20] =	ssyncset.done $0x0  }
0x35: {  	[sflag:s20] =	ssyncadd.s32 $0xFFFFE000  }
0x36: {  	[spmem:s2] =	stream.indirect.scatter.add.f32 [tilespmem:s19], [sflag:$0x2], $0x40, s17, s18, $0xb8;
	[tilespmem:$0x16240] =	vst v63  }
0x37: {  	_ =	swait.ge [sflag:s13], $0x2000  }
0x38: {  	[sflag:s13] =	ssyncset.done $0x0  }
0x39: {  	[sflag:s13] =	ssyncadd.s32 $0xFFFFE000  }
0x3a: {  	[tilespmem:s19], [sflag:$0x1] =	stream.indirect.gather [spmem:s0], $0x40, s21, s18, $0xb8;
	[tilespmem:$0x16240] =	vst v63  }
0x3b: {  	_ =	swait.ge [sflag:s20], $0x2000  }
0x3c: {  	[sflag:s20] =	ssyncset.done $0x0  }
0x3d: {  	[sflag:s20] =	ssyncadd.s32 $0xFFFFE000  }
0x3e: {  	[spmem:s2] =	stream.indirect.scatter.add.f32 [tilespmem:s19], [sflag:$0x2], $0x40, s22, s18, $0xb8;
	[tilespmem:$0x16240] =	vst v63  }
0x3f: {  	_ =	swait.ge [sflag:s13], $0x2000  }
0x40: {  	[sflag:s13] =	ssyncset.done $0x0  }
0x41: {  	[sflag:s13] =	ssyncadd.s32 $0xFFFFE000  }
0x42: {  	[tilespmem:s19], [sflag:$0x1] =	stream.indirect.gather [spmem:s0], $0x40, s23, s18, $0xb8;
	[tilespmem:$0x16240] =	vst v63  }
0x43: {  	_ =	swait.ge [sflag:s20], $0x2000  }
0x44: {  	[sflag:s20] =	ssyncset.done $0x0  }
0x45: {  	[sflag:s20] =	ssyncadd.s32 $0xFFFFE000  }
0x46: {  	[spmem:s2] =	stream.indirect.scatter.add.f32 [tilespmem:s19], [sflag:$0x2], $0x40, s24, s18, $0xb8;
	[tilespmem:$0x16240] =	vst v63  }
0x47: {  	_ =	swait.ge [sflag:s13], $0x2000  }
0x48: {  	[sflag:s13] =	ssyncset.done $0x0  }
0x49: {  	[sflag:s13] =	ssyncadd.s32 $0xFFFFE000  }
0x4a: {  	[tilespmem:s19], [sflag:$0x1] =	stream.indirect.gather [spmem:s0], $0x40, s25, s18, $0xb8;
	[tilespmem:$0x16240] =	vst v63  }
0x4b: {  	_ =	swait.ge [sflag:s20], $0x2000  }
0x4c: {  	[sflag:s20] =	ssyncset.done $0x0  }
0x4d: {  	[sflag:s20] =	ssyncadd.s32 $0xFFFFE000  }
0x4e: {  	[spmem:s2] =	stream.indirect.scatter.add.f32 [tilespmem:s19], [sflag:$0x2], $0x40, s26, s18, $0xb8;
	[tilespmem:$0x16240] =	vst v63  }
0x4f: {  	_ =	swait.ge [sflag:s13], $0x2000  }
0x50: {  	[sflag:s13] =	ssyncset.done $0x0  }
0x51: {  	[sflag:s13] =	ssyncadd.s32 $0xFFFFE000  }
0x52: {  	[tilespmem:s19], [sflag:$0x1] =	stream.indirect.gather [spmem:s0], $0x40, s28, s18, $0xb8;
	[tilespmem:$0x16240] =	vst v63  }
0x53: {  	_ =	swait.ge [sflag:s20], $0x2000  }
0x54: {  	[sflag:s20] =	ssyncset.done $0x0  }
0x55: {  	[sflag:s20] =	ssyncadd.s32 $0xFFFFE000  }
0x56: {  	[spmem:s2] =	stream.indirect.scatter.add.f32 [tilespmem:s19], [sflag:$0x2], $0x40, s29, s18, $0xb8;
	[tilespmem:$0x16240] =	vst v63  }
0x57: {  	_ =	swait.ge [sflag:s13], $0x2000  }
0x58: {  	[sflag:s13] =	ssyncset.done $0x0  }
0x59: {  	[sflag:s13] =	ssyncadd.s32 $0xFFFFE000  }
0x5a: {  	[tilespmem:s19], [sflag:$0x1] =	stream.indirect.gather [spmem:s0], $0x40, s30, s18, $0xb8;
	[tilespmem:$0x16240] =	vst v63  }
0x5b: {  	_ =	swait.ge [sflag:s20], $0x2000  }
0x5c: {  	[sflag:s20] =	ssyncset.done $0x0  }
0x5d: {  	[sflag:s20] =	ssyncadd.s32 $0xFFFFE000  }
0x5e: {  	[spmem:s2] =	stream.indirect.scatter.add.f32 [tilespmem:s19], [sflag:$0x2], $0x40, s31, s18, $0xb8;
	[tilespmem:$0x16240] =	vst v63  }
0x5f: {  	_ =	swait.ge [sflag:s13], $0x2000  }
0x60: {  	[sflag:s13] =	ssyncset.done $0x0  }
0x61: {  	[sflag:s13] =	ssyncadd.s32 $0xFFFFE000  }
0x62: {  	[tilespmem:s19], [sflag:$0x1] =	stream.indirect.gather [spmem:s0], $0x40, s1, s18, $0xb8;
	[tilespmem:$0x16240] =	vst v63  }
0x63: {  	_ =	swait.ge [sflag:s20], $0x2000  }
0x64: {  	[sflag:s20] =	ssyncset.done $0x0  }
0x65: {  	[sflag:s20] =	ssyncadd.s32 $0xFFFFE000  }
0x66: {  	[spmem:s2] =	stream.indirect.scatter.add.f32 [tilespmem:s19], [sflag:$0x2], $0x40, s4, s18, $0xb8;
	[tilespmem:$0x16240] =	vst v63  }
0x67: {  	_ =	swait.ge [sflag:s13], $0x2000  }
0x68: {  	[sflag:s13] =	ssyncset.done $0x0  }
0x69: {  	[sflag:s13] =	ssyncadd.s32 $0xFFFFE000  }
0x6a: {  	[tilespmem:s19], [sflag:$0x1] =	stream.indirect.gather [spmem:s0], $0x40, s6, s18, $0xb8;
	[tilespmem:$0x16240] =	vst v63  }
0x6b: {  	_ =	swait.ge [sflag:s20], $0x2000  }
0x6c: {  	[sflag:s20] =	ssyncset.done $0x0  }
0x6d: {  	[sflag:s20] =	ssyncadd.s32 $0xFFFFE000  }
0x6e: {  	[spmem:s2] =	stream.indirect.scatter.add.f32 [tilespmem:s19], [sflag:$0x2], $0x40, s7, s18, $0xb8;
	[tilespmem:$0x16240] =	vst v63  }
0x6f: {  	_ =	swait.ge [sflag:s13], $0x2000  }
0x70: {  	s9 =	simm.s32 $0x80;
	s12 =	simm.s32 $0x100;
	[sflag:s13] =	ssyncset.done $0x0  }
.LBB2_2:
0x71: {  	s15 =	sadd.s32 s9, s11  }
0x72: {  	[sflag:s13] =	ssyncadd.s32 $0xFFFFE000;
	s5 =	smov.u32 s12;
	s14 =	sadd.s32 $0x80, s12  }
0x73: {  	[tilespmem:s16], [sflag:$0x2] =	stream.linear.gather [hbm4b:s15+s3], $0x400, $0x38;
	[tilespmem:$0x16240] =	vst v63  }
0x74: {  	p1 =	sne.s32 s12, $0x480;
	_ =	swait.ge [sflag:s13], $0x400  }
0x75: {  	[sflag:s13] =	ssyncset.done $0x0  }
0x76: {  	s12 =	sadd.s32 s9, s10;
	s9 =	smov.u32 s5;
	[sflag:s13] =	ssyncadd.s32 $0xFFFFFC00  }
0x77: {  	[tilespmem:s17], [sflag:$0x2] =	stream.linear.gather [hbm4b:s12+s3], $0x400, $0x38;
	[tilespmem:$0x16240] =	vst v63  }
0x78: {  	_ =	swait.ge [sflag:s13], $0x400  }
0x79: {  	[sflag:s13] =	ssyncset.done $0x0  }
0x7a: {  	[sflag:s13] =	ssyncadd.s32 $0xFFFFFC00  }
0x7b: {  	[tilespmem:s19], [sflag:$0x1] =	stream.indirect.gather [spmem:s0], $0x40, s16, s18, $0xb8;
	[tilespmem:$0x16240] =	vst v63  }
0x7c: {  	_ =	swait.ge [sflag:s20], $0x2000  }
0x7d: {  	[sflag:s20] =	ssyncset.done $0x0  }
0x7e: {  	[sflag:s20] =	ssyncadd.s32 $0xFFFFE000  }
0x7f: {  	[spmem:s2] =	stream.indirect.scatter.add.f32 [tilespmem:s19], [sflag:$0x2], $0x40, s17, s18, $0xb8;
	[tilespmem:$0x16240] =	vst v63  }
0x80: {  	_ =	swait.ge [sflag:s13], $0x2000  }
0x81: {  	[sflag:s13] =	ssyncset.done $0x0  }
0x82: {  	[sflag:s13] =	ssyncadd.s32 $0xFFFFE000  }
0x83: {  	[tilespmem:s19], [sflag:$0x1] =	stream.indirect.gather [spmem:s0], $0x40, s21, s18, $0xb8;
	[tilespmem:$0x16240] =	vst v63  }
0x84: {  	_ =	swait.ge [sflag:s20], $0x2000  }
0x85: {  	[sflag:s20] =	ssyncset.done $0x0  }
0x86: {  	[sflag:s20] =	ssyncadd.s32 $0xFFFFE000  }
0x87: {  	[spmem:s2] =	stream.indirect.scatter.add.f32 [tilespmem:s19], [sflag:$0x2], $0x40, s22, s18, $0xb8;
	[tilespmem:$0x16240] =	vst v63  }
0x88: {  	_ =	swait.ge [sflag:s13], $0x2000  }
0x89: {  	[sflag:s13] =	ssyncset.done $0x0  }
0x8a: {  	[sflag:s13] =	ssyncadd.s32 $0xFFFFE000  }
0x8b: {  	[tilespmem:s19], [sflag:$0x1] =	stream.indirect.gather [spmem:s0], $0x40, s23, s18, $0xb8;
	[tilespmem:$0x16240] =	vst v63  }
0x8c: {  	_ =	swait.ge [sflag:s20], $0x2000  }
0x8d: {  	[sflag:s20] =	ssyncset.done $0x0  }
0x8e: {  	[sflag:s20] =	ssyncadd.s32 $0xFFFFE000  }
0x8f: {  	[spmem:s2] =	stream.indirect.scatter.add.f32 [tilespmem:s19], [sflag:$0x2], $0x40, s24, s18, $0xb8;
	[tilespmem:$0x16240] =	vst v63  }
0x90: {  	_ =	swait.ge [sflag:s13], $0x2000  }
0x91: {  	[sflag:s13] =	ssyncset.done $0x0  }
0x92: {  	[sflag:s13] =	ssyncadd.s32 $0xFFFFE000  }
0x93: {  	[tilespmem:s19], [sflag:$0x1] =	stream.indirect.gather [spmem:s0], $0x40, s25, s18, $0xb8;
	[tilespmem:$0x16240] =	vst v63  }
0x94: {  	_ =	swait.ge [sflag:s20], $0x2000  }
0x95: {  	[sflag:s20] =	ssyncset.done $0x0  }
0x96: {  	[sflag:s20] =	ssyncadd.s32 $0xFFFFE000  }
0x97: {  	[spmem:s2] =	stream.indirect.scatter.add.f32 [tilespmem:s19], [sflag:$0x2], $0x40, s26, s18, $0xb8;
	[tilespmem:$0x16240] =	vst v63  }
0x98: {  	_ =	swait.ge [sflag:s13], $0x2000  }
0x99: {  	[sflag:s13] =	ssyncset.done $0x0  }
0x9a: {  	[sflag:s13] =	ssyncadd.s32 $0xFFFFE000  }
0x9b: {  	[tilespmem:s19], [sflag:$0x1] =	stream.indirect.gather [spmem:s0], $0x40, s28, s18, $0xb8;
	[tilespmem:$0x16240] =	vst v63  }
0x9c: {  	_ =	swait.ge [sflag:s20], $0x2000  }
0x9d: {  	[sflag:s20] =	ssyncset.done $0x0  }
0x9e: {  	[sflag:s20] =	ssyncadd.s32 $0xFFFFE000  }
0x9f: {  	[spmem:s2] =	stream.indirect.scatter.add.f32 [tilespmem:s19], [sflag:$0x2], $0x40, s29, s18, $0xb8;
	[tilespmem:$0x16240] =	vst v63  }
0xa0: {  	_ =	swait.ge [sflag:s13], $0x2000  }
0xa1: {  	[sflag:s13] =	ssyncset.done $0x0  }
0xa2: {  	[sflag:s13] =	ssyncadd.s32 $0xFFFFE000  }
0xa3: {  	[tilespmem:s19], [sflag:$0x1] =	stream.indirect.gather [spmem:s0], $0x40, s30, s18, $0xb8;
	[tilespmem:$0x16240] =	vst v63  }
0xa4: {  	_ =	swait.ge [sflag:s20], $0x2000  }
0xa5: {  	[sflag:s20] =	ssyncset.done $0x0  }
0xa6: {  	[sflag:s20] =	ssyncadd.s32 $0xFFFFE000  }
0xa7: {  	[spmem:s2] =	stream.indirect.scatter.add.f32 [tilespmem:s19], [sflag:$0x2], $0x40, s31, s18, $0xb8;
	[tilespmem:$0x16240] =	vst v63  }
0xa8: {  	_ =	swait.ge [sflag:s13], $0x2000  }
0xa9: {  	[sflag:s13] =	ssyncset.done $0x0  }
0xaa: {  	[sflag:s13] =	ssyncadd.s32 $0xFFFFE000  }
0xab: {  	[tilespmem:s19], [sflag:$0x1] =	stream.indirect.gather [spmem:s0], $0x40, s1, s18, $0xb8;
	[tilespmem:$0x16240] =	vst v63  }
0xac: {  	_ =	swait.ge [sflag:s20], $0x2000  }
0xad: {  	[sflag:s20] =	ssyncset.done $0x0  }
0xae: {  	[sflag:s20] =	ssyncadd.s32 $0xFFFFE000  }
0xaf: {  	[spmem:s2] =	stream.indirect.scatter.add.f32 [tilespmem:s19], [sflag:$0x2], $0x40, s4, s18, $0xb8;
	[tilespmem:$0x16240] =	vst v63  }
0xb0: {  	_ =	swait.ge [sflag:s13], $0x2000  }
0xb1: {  	[sflag:s13] =	ssyncset.done $0x0  }
0xb2: {  	[sflag:s13] =	ssyncadd.s32 $0xFFFFE000  }
0xb3: {  	[tilespmem:s19], [sflag:$0x1] =	stream.indirect.gather [spmem:s0], $0x40, s6, s18, $0xb8;
	[tilespmem:$0x16240] =	vst v63  }
0xb4: {  	_ =	swait.ge [sflag:s20], $0x2000  }
.Ltmp0:
0xb5: {  	[sflag:s20] =	ssyncset.done $0x0;
	(pc) =	sbr.rel @p1 .LBB2_2-.Ltmp0, $4  }
0xb6: {  	[sflag:s20] =	ssyncadd.s32 $0xFFFFE000  }
0xb7: {  	[spmem:s2] =	stream.indirect.scatter.add.f32 [tilespmem:s19], [sflag:$0x2], $0x40, s7, s18, $0xb8;
	[tilespmem:$0x16240] =	vst v63  }
0xb8: {  	_ =	swait.ge [sflag:s13], $0x2000  }
0xb9: {  	s12 =	smov.u32 s14;
	[sflag:s13] =	ssyncset.done $0x0  }
0xba: {  	s5 =	sadd.s32 s9, s11;
	[sflag:s13] =	ssyncadd.s32 $0xFFFFE000  }
0xbb: {  	[tilespmem:s16], [sflag:$0x2] =	stream.linear.gather [hbm4b:s5+s3], $0x400, $0x38;
	[tilespmem:$0x16240] =	vst v63  }
0xbc: {  	_ =	swait.ge [sflag:s13], $0x400  }
0xbd: {  	[sflag:s13] =	ssyncset.done $0x0  }
0xbe: {  	s15 =	sadd.s32 s9, s10;
	[sflag:s13] =	ssyncadd.s32 $0xFFFFFC00  }
0xbf: {  	[tilespmem:s17], [sflag:$0x2] =	stream.linear.gather [hbm4b:s15+s3], $0x400, $0x38;
	[tilespmem:$0x16240] =	vst v63  }
0xc0: {  	_ =	swait.ge [sflag:s13], $0x400  }
0xc1: {  	[sflag:s13] =	ssyncset.done $0x0  }
0xc2: {  	[sflag:s13] =	ssyncadd.s32 $0xFFFFFC00  }
0xc3: {  	[tilespmem:s19], [sflag:$0x1] =	stream.indirect.gather [spmem:s0], $0x40, s16, s18, $0xb8;
	[tilespmem:$0x16240] =	vst v63  }
0xc4: {  	_ =	swait.ge [sflag:s20], $0x2000  }
0xc5: {  	[sflag:s20] =	ssyncset.done $0x0  }
0xc6: {  	[sflag:s20] =	ssyncadd.s32 $0xFFFFE000  }
0xc7: {  	[spmem:s2] =	stream.indirect.scatter.add.f32 [tilespmem:s19], [sflag:$0x2], $0x40, s17, s18, $0xb8;
	[tilespmem:$0x16240] =	vst v63  }
0xc8: {  	_ =	swait.ge [sflag:s13], $0x2000  }
0xc9: {  	[sflag:s13] =	ssyncset.done $0x0  }
0xca: {  	[sflag:s13] =	ssyncadd.s32 $0xFFFFE000  }
0xcb: {  	[tilespmem:s19], [sflag:$0x1] =	stream.indirect.gather [spmem:s0], $0x40, s21, s18, $0xb8;
	[tilespmem:$0x16240] =	vst v63  }
0xcc: {  	_ =	swait.ge [sflag:s20], $0x2000  }
0xcd: {  	[sflag:s20] =	ssyncset.done $0x0  }
0xce: {  	[sflag:s20] =	ssyncadd.s32 $0xFFFFE000  }
0xcf: {  	[spmem:s2] =	stream.indirect.scatter.add.f32 [tilespmem:s19], [sflag:$0x2], $0x40, s22, s18, $0xb8;
	[tilespmem:$0x16240] =	vst v63  }
0xd0: {  	_ =	swait.ge [sflag:s13], $0x2000  }
0xd1: {  	[sflag:s13] =	ssyncset.done $0x0  }
0xd2: {  	[sflag:s13] =	ssyncadd.s32 $0xFFFFE000  }
0xd3: {  	[tilespmem:s19], [sflag:$0x1] =	stream.indirect.gather [spmem:s0], $0x40, s23, s18, $0xb8;
	[tilespmem:$0x16240] =	vst v63  }
0xd4: {  	_ =	swait.ge [sflag:s20], $0x2000  }
0xd5: {  	[sflag:s20] =	ssyncset.done $0x0  }
0xd6: {  	[sflag:s20] =	ssyncadd.s32 $0xFFFFE000  }
0xd7: {  	[spmem:s2] =	stream.indirect.scatter.add.f32 [tilespmem:s19], [sflag:$0x2], $0x40, s24, s18, $0xb8;
	[tilespmem:$0x16240] =	vst v63  }
0xd8: {  	_ =	swait.ge [sflag:s13], $0x2000  }
0xd9: {  	[sflag:s13] =	ssyncset.done $0x0  }
0xda: {  	[sflag:s13] =	ssyncadd.s32 $0xFFFFE000  }
0xdb: {  	[tilespmem:s19], [sflag:$0x1] =	stream.indirect.gather [spmem:s0], $0x40, s25, s18, $0xb8;
	[tilespmem:$0x16240] =	vst v63  }
0xdc: {  	_ =	swait.ge [sflag:s20], $0x2000  }
0xdd: {  	[sflag:s20] =	ssyncset.done $0x0  }
0xde: {  	[sflag:s20] =	ssyncadd.s32 $0xFFFFE000  }
0xdf: {  	[spmem:s2] =	stream.indirect.scatter.add.f32 [tilespmem:s19], [sflag:$0x2], $0x40, s26, s18, $0xb8;
	[tilespmem:$0x16240] =	vst v63  }
0xe0: {  	_ =	swait.ge [sflag:s13], $0x2000  }
0xe1: {  	[sflag:s13] =	ssyncset.done $0x0  }
0xe2: {  	[sflag:s13] =	ssyncadd.s32 $0xFFFFE000  }
0xe3: {  	[tilespmem:s19], [sflag:$0x1] =	stream.indirect.gather [spmem:s0], $0x40, s28, s18, $0xb8;
	[tilespmem:$0x16240] =	vst v63  }
0xe4: {  	_ =	swait.ge [sflag:s20], $0x2000  }
0xe5: {  	[sflag:s20] =	ssyncset.done $0x0  }
0xe6: {  	[sflag:s20] =	ssyncadd.s32 $0xFFFFE000  }
0xe7: {  	[spmem:s2] =	stream.indirect.scatter.add.f32 [tilespmem:s19], [sflag:$0x2], $0x40, s29, s18, $0xb8;
	[tilespmem:$0x16240] =	vst v63  }
0xe8: {  	_ =	swait.ge [sflag:s13], $0x2000  }
0xe9: {  	[sflag:s13] =	ssyncset.done $0x0  }
0xea: {  	[sflag:s13] =	ssyncadd.s32 $0xFFFFE000  }
0xeb: {  	[tilespmem:s19], [sflag:$0x1] =	stream.indirect.gather [spmem:s0], $0x40, s30, s18, $0xb8;
	[tilespmem:$0x16240] =	vst v63  }
0xec: {  	_ =	swait.ge [sflag:s20], $0x2000  }
0xed: {  	[sflag:s20] =	ssyncset.done $0x0  }
0xee: {  	[sflag:s20] =	ssyncadd.s32 $0xFFFFE000  }
0xef: {  	[spmem:s2] =	stream.indirect.scatter.add.f32 [tilespmem:s19], [sflag:$0x2], $0x40, s31, s18, $0xb8;
	[tilespmem:$0x16240] =	vst v63  }
0xf0: {  	_ =	swait.ge [sflag:s13], $0x2000  }
0xf1: {  	[sflag:s13] =	ssyncset.done $0x0  }
0xf2: {  	[sflag:s13] =	ssyncadd.s32 $0xFFFFE000  }
0xf3: {  	[tilespmem:s19], [sflag:$0x1] =	stream.indirect.gather [spmem:s0], $0x40, s1, s18, $0xb8;
	[tilespmem:$0x16240] =	vst v63  }
0xf4: {  	_ =	swait.ge [sflag:s20], $0x2000  }
0xf5: {  	[sflag:s20] =	ssyncset.done $0x0  }
0xf6: {  	[sflag:s20] =	ssyncadd.s32 $0xFFFFE000  }
0xf7: {  	[spmem:s2] =	stream.indirect.scatter.add.f32 [tilespmem:s19], [sflag:$0x2], $0x40, s4, s18, $0xb8;
	[tilespmem:$0x16240] =	vst v63  }
0xf8: {  	_ =	swait.ge [sflag:s13], $0x2000  }
0xf9: {  	[sflag:s13] =	ssyncset.done $0x0  }
0xfa: {  	[sflag:s13] =	ssyncadd.s32 $0xFFFFE000  }
0xfb: {  	[tilespmem:s19], [sflag:$0x1] =	stream.indirect.gather [spmem:s0], $0x40, s6, s18, $0xb8;
	[tilespmem:$0x16240] =	vst v63  }
0xfc: {  	_ =	swait.ge [sflag:s20], $0x2000  }
0xfd: {  	[sflag:s20] =	ssyncset.done $0x0  }
0xfe: {  	[sflag:s20] =	ssyncadd.s32 $0xFFFFE000  }
0xff: {  	[spmem:s2] =	stream.indirect.scatter.add.f32 [tilespmem:s19], [sflag:$0x2], $0x40, s7, s18, $0xb8;
	[tilespmem:$0x16240] =	vst v63  }
0x100: {  	_ =	swait.ge [sflag:s13], $0x2000  }
0x101: {  	[sflag:s13] =	ssyncset.done $0x0  }
0x102: {  	[sflag:s13] =	ssyncadd.s32 $0xFFFFE000  }
0x103: {  	[bflag:$0x0] =	sbarrier.arrive $0xFFFF  }
0x104: {  	s14 =	rddreg [dreg:$0x5]  }
0x105: {  	s9 =	rddreg [dreg:$0x8]  }
0x106: {  	s12 =	rddreg [dreg:$0xc]  }
0x107: {  	[hbm:s9], [sflag:s14] =	dma.local [spmem:s12], $0x13C0  }
0x108: {  	_ =	swait.ge [sflag:s13], $0x13C0  }
0x109: {  	s8 =	sadd.s32 $0x1, s8;
	s15 =	rddreg [dreg:$0x9]  }
0x10a: {  	p1 =	sne.s32 s8, s15  }
.Ltmp1:
0x10b: {  	_ = 	snop;
	(pc) =	sbr.rel @p1 .LBB2_1-.Ltmp1, $3  }
0x10c: {  	_ =	sdelay $0x1  }
0x10d: {  	[sflag:s13] =	ssyncset.done $0x0  }
0x10e: {  	[sflag:s13] =	ssyncadd.s32 $0xFFFFEC40  }
0x10f: {  	_ =	sfence.sel $0x180000  }
0x110: {  	[bflag:$0x0] =	sbarrier.arrive $0xFFFF  }
0x111: {  	_ =	strace $0x90000047  }
0x112: {  	[bflag:$0x2] =	sbarrier.arrive $0xFFFF  }
0x113: {  	s0 =	rddreg [dreg:$0x3]  }
0x114: {  	s0 =	sadd.s32 @!p0 $0x100000, s0  }
0x115: {  	[sflag:s0] =	ssyncadd.tile.s32 @!p0 $0x1;
	_ =	shalt  }
.Lfunc_end2:
_tile_overlayer_lowered:
.L_overlay_start_2:
0x116: {  	(tag) =	ssettag $0x2  }
0x117: {  	s0 =	rddreg [dreg:$0x0];
	s2 =	stileid.u32  }
0x118: {  	s1 =	rddreg [dreg:$0x1];
	p0 =	sne.s32 s2, $0x0  }
0x119: {  	s3 =	rddreg [dreg:$0x2];
	[bflag:$0x3] =	sbarrier.arrive $0xFFFF;
	s2 =	simm.s32 @!p0 $0x1C02  }
0x11a: {  	[timem:s3], [sflag:s2] =	dma.local @!p0 [hbm:s0], s1  }
0x11b: {  	s0 =	simm.s32 @!p0 $0x2  }
0x11c: {  	_ =	swait.ge @!p0 [sflag:s0], s1  }
0x11d: {  	s1 =	ssub.s32 @!p0 $0x0, s1;
	[sflag:s0] =	ssyncset.done @!p0 $0x0  }
0x11e: {  	[sflag:s0] =	ssyncadd.s32 @!p0 s1  }
0x11f: {  	[bflag:$0x3] =	sbarrier.arrive $0xFFFF  }
0x120: {  	_ =	shalt  }

// kernel: kernel.26.cloned.1.call-start
scs
__scs_entry_jumppad:
0x0: {  	(pc) =	sbr.rel $0x88, $3  }
0x1: {  	(tag) =	ssettag $0x0;
	lr =	simm.s32 $0x1  }
0x2: {  	[smem:$0x3F88] =	sst lr;
	_ =	strace $0xD0000000  }
0x3: {  	_ = 	snop  }
0x4: {  	_ = 	snop  }
0x5: {  	_ = 	snop  }
0x6: {  	_ = 	snop  }
0x7: {  	_ = 	snop  }
__scs_overlays_trampoline_lowered:
0x8: {  	[smem:$0x3F97] =	sst s0  }
0x9: {  	[smem:$0x3F98] =	sst s1  }
0xa: {  	[smem:$0x3F99] =	sst s2  }
0xb: {  	[smem:$0x3F9A] =	sst s3  }
0xc: {  	[smem:$0x3F9B] =	sst s4  }
0xd: {  	[smem:$0x3F9C] =	sst s5  }
0xe: {  	[smem:$0x3F9D] =	sst s6  }
0xf: {  	[smem:$0x3F9E] =	sst s7  }
0x10: {  	[smem:$0x3F9F] =	sst s8  }
0x11: {  	[smem:$0x3FA0] =	sst s9;
	s0 =	simm.s32 @!p0 $0x0  }
0x12: {  	s1 =	sld [smem:$0x3F86];
	s0 =	simm.s32 @p0 $0x1  }
0x13: {  	[smem:$0x3FA1] =	sst s0;
	s0 =	simm.s32 @!p1 $0x0  }
0x14: {  	s2 =	sld [smem:$0x3F85];
	s0 =	simm.s32 @p1 $0x1  }
0x15: {  	[smem:$0x3FA2] =	sst s0;
	s0 =	simm.s32 @!p2 $0x0  }
0x16: {  	s3 =	sld [smem:$0x3FDB];
	s0 =	simm.s32 @p2 $0x1  }
0x17: {  	s4 =	simm.s32 $0x1BF5;
	[smem:$0x3FA4] =	sst s0  }
0x18: {  	s0 =	sld [smem:$0x3F87];
	_ =	swait.ge [sflag:s4], $0x0  }
0x19: {  	s7 =	sld [smem:$0x3F88]  }
0x1a: {  	s8 =	sadd.s32 $0xFFFFE003, lr  }
0x1b: {  	s9 =	sadd.s32 $0xFFFFFEF7, lr;
	s5 =	simm.s32 $0xFFFFFFFF;
	p2 =	slt.u32 s8, $0xFFFFF086  }
0x1c: {  	p1 =	slt.u32 s9, $0xF7A;
	s5 =	simm.s32 @!p2 $0x0  }
0x1d: {  	s5 =	simm.s32 @p1 $0x1;
	p0 =	seq.s32 s7, s2  }
0x1e: {  	s7 =	smul.u32 @!p0 $0xF7A, s2;
	p2 =	seq.s32 @!p0 s5, $0x0  }
0x1f: {  	s9 =	smul.u32 $0xF7A, s1;
	s8 =	simm.s32 @!p0 $0x1BF5;
	p2 =	por !p2, p0  }
0x20: {  	[sflag:s8] =	ssyncset.s32 @!p0 $0xFFFFF086;
	s6 =	sadd.s32 @!p0 s3, s7;
	s7 =	simm.s32 @!p0 $0x108  }
0x21: {  	s3 =	sadd.s32 s3, s9;
	s6 =	sadd.s32 @!p0 $0x88, s6;
	s7 =	simm.s32 @p2 $0x1082  }
0x22: {  	[simem:s7], [sflag:s8] =	dma.local @!p0 [hbm:s6], $0xF7A  }
0x23: {  	s9 =	sor.u32 $0xD0000000, s2;
	s6 =	simm.s32 $0x108;
	_ =	swait.ge @!p0 [sflag:s8], $0x0  }
0x24: {  	s3 =	sadd.s32 $0x88, s3;
	s6 =	simm.s32 @!p1 $0x1082;
	[sflag:s4] =	ssyncset.s32 $0xFFFFF086  }
0x25: {  	[simem:s6], [sflag:s4] =	dma.local [hbm:s3], $0xF7A  }
0x26: {  	[smem:$0x3F88] =	sst s1;
	(tag) =	ssettag s2;
	_ =	strace s9  }
0x27: {  	s1 =	sld [smem:$0x3F98]  }
0x28: {  	s2 =	sld [smem:$0x3F99]  }
0x29: {  	s4 =	sld [smem:$0x3F9B]  }
0x2a: {  	p0 =	seq.s32 s5, $0x0;
	s5 =	sld [smem:$0x3F9C]  }
0x2b: {  	s6 =	sld [smem:$0x3F9D]  }
0x2c: {  	s7 =	sld [smem:$0x3F9E]  }
0x2d: {  	s3 =	simm.s32 $0x108;
	s8 =	sld [smem:$0x3F9F]  }
0x2e: {  	s3 =	simm.s32 @!p0 $0x1082;
	s9 =	sld [smem:$0x3FA0]  }
0x2f: {  	lr =	sadd.s32 s0, s3;
	s0 =	sld [smem:$0x3F97]  }
0x30: {  	s3 =	sld [smem:$0x3F9A]  }
0x31: {  	[smem:$0x3FA3] =	sst s10  }
0x32: {  	s10 =	sld [smem:$0x3FA1];
	_ =	sdelay $0x3  }
0x33: {  	p0 =	seq.s32 s10, $0x1;
	s10 =	sld [smem:$0x3FA3];
	_ =	sdelay $0x3  }
0x34: {  	[smem:$0x3FA3] =	sst s10  }
0x35: {  	s10 =	sld [smem:$0x3FA2];
	_ =	sdelay $0x3  }
0x36: {  	p1 =	seq.s32 s10, $0x1;
	s10 =	sld [smem:$0x3FA3];
	_ =	sdelay $0x3  }
0x37: {  	[smem:$0x3FA3] =	sst s10  }
0x38: {  	s10 =	sld [smem:$0x3FA4]  }
0x39: {  	_ = 	snop;
	(pc) =	sbr.ind lr, $3  }
0x3a: {  	_ = 	snop  }
0x3b: {  	_ = 	snop  }
0x3c: {  	p2 =	seq.s32 s10, $0x1;
	s10 =	sld [smem:$0x3FA3]  }
0x3d: {  	_ =	shalt  }
0x3e: {  	_ =	shalt  }
0x3f: {  	_ =	shalt  }
0x40: {  	_ =	shalt  }
0x41: {  	_ =	shalt  }
0x42: {  	_ =	shalt  }
0x43: {  	_ =	shalt  }
0x44: {  	_ =	shalt  }
0x45: {  	_ =	shalt  }
0x46: {  	_ =	shalt  }
0x47: {  	_ =	shalt  }
0x48: {  	_ =	shalt  }
0x49: {  	_ =	shalt  }
0x4a: {  	_ =	shalt  }
0x4b: {  	_ =	shalt  }
0x4c: {  	_ =	shalt  }
0x4d: {  	_ =	shalt  }
0x4e: {  	_ =	shalt  }
0x4f: {  	_ =	shalt  }
0x50: {  	_ =	shalt  }
0x51: {  	_ =	shalt  }
0x52: {  	_ =	shalt  }
0x53: {  	_ =	shalt  }
0x54: {  	_ =	shalt  }
0x55: {  	_ =	shalt  }
0x56: {  	_ =	shalt  }
0x57: {  	_ =	shalt  }
0x58: {  	_ =	shalt  }
0x59: {  	_ =	shalt  }
0x5a: {  	_ =	shalt  }
0x5b: {  	_ =	shalt  }
0x5c: {  	_ =	shalt  }
0x5d: {  	_ =	shalt  }
0x5e: {  	_ =	shalt  }
0x5f: {  	_ =	shalt  }
0x60: {  	_ =	shalt  }
0x61: {  	_ =	shalt  }
0x62: {  	_ =	shalt  }
0x63: {  	_ =	shalt  }
0x64: {  	_ =	shalt  }
0x65: {  	_ =	shalt  }
0x66: {  	_ =	shalt  }
0x67: {  	_ =	shalt  }
0x68: {  	_ =	shalt  }
0x69: {  	_ =	shalt  }
0x6a: {  	_ =	shalt  }
0x6b: {  	_ =	shalt  }
0x6c: {  	_ =	shalt  }
0x6d: {  	_ =	shalt  }
0x6e: {  	_ =	shalt  }
0x6f: {  	_ =	shalt  }
0x70: {  	_ =	shalt  }
0x71: {  	_ =	shalt  }
0x72: {  	_ =	shalt  }
0x73: {  	_ =	shalt  }
0x74: {  	_ =	shalt  }
0x75: {  	_ =	shalt  }
0x76: {  	_ =	shalt  }
0x77: {  	_ =	shalt  }
0x78: {  	_ =	shalt  }
0x79: {  	_ =	shalt  }
0x7a: {  	_ =	shalt  }
0x7b: {  	_ =	shalt  }
0x7c: {  	_ =	shalt  }
0x7d: {  	_ =	shalt  }
0x7e: {  	_ =	shalt  }
0x7f: {  	_ =	shalt  }
0x80: {  	_ =	shalt  }
0x81: {  	_ =	shalt  }
0x82: {  	_ =	shalt  }
0x83: {  	_ =	shalt  }
0x84: {  	_ =	shalt  }
0x85: {  	_ =	shalt  }
0x86: {  	_ =	shalt  }
0x87: {  	_ =	shalt  }
.Lfunc_end0:
.L_simem_size_0:
called_computation.2_lowered:
.L_overlay_start_0:
0x88: {  	s2 =	sld [smem:$0x3FD9]  }
0x89: {  	s3 =	sld [smem:$0x3FFE];
	_ =	sdelay $0x1  }
0x8a: {  	s1 =	srdreg.scid  }
0x8b: {  	s0 =	sand.u32 $0x1, s1  }
0x8c: {  	s17 =	sshll.u32 s0, $0xA;
	s2 =	sadd.s32 s3, s2  }
0x8d: {  	s2 =	sadd.s32 s2, s17  }
0x8e: {  	[smem:$0x3FAF] =	sst s2  }
0x8f: {  	_ = 	snop  }
0x90: {  	(tm) =	ssettm $0x1  }
0x91: {  	s18 =	sld [smem:$0x3FFB];
	_ =	sdelay $0x3  }
0x92: {  	_ =	strace s18  }
0x93: {  	s2 =	sld [smem:$0x3FFC];
	_ =	sdelay $0x3  }
0x94: {  	_ =	strace s2  }
0x95: {  	s2 =	sld [smem:$0x3FFD];
	_ =	sdelay $0x3  }
0x96: {  	_ =	strace s2  }
0x97: {  	_ =	strace $0x8FFFFFFF  }
0x98: {  	s19 =	sld [smem:$0x3FDB];
	_ =	sdelay $0x1  }
0x99: {  	s20 =	simm.s32 $_scs_section_size  }
0x9a: {  	s4 =	simm.s32 $_size__tile_overlayer_lowered;
	s5 =	simm.s32 $_tile_overlayer_lowered  }
0x9b: {  	s6 =	simm.s32 $0x1BFF;
	s21 =	sshll.u32 s5, $0x1;
	s3 =	sadd.s32 s20, s19  }
0x9c: {  	s22 =	simm.s32 $0x0;
	s4 =	sshll.u32 s4, $0x1;
	s5 =	sadd.s32 s21, s3  }
0x9d: {  	[timem:s22], [sflag:s6] =	dma.local [hbm:s5], s4  }
0x9e: {  	_ =	swait.ge [sflag:s6], s4  }
0x9f: {  	s4 =	ssub.s32 $0x0, s4;
	[sflag:s6] =	ssyncset.done $0x0  }
0xa0: {  	[sflag:s6] =	ssyncadd.s32 s4;
	_ =	sdelay $0x1  }
0xa1: {  	s23 =	simm.s32 $0x1B8B  }
0xa2: {  	_ =	swait.ge [sflag:s23], $0x1  }
0xa3: {  	[sflag:s23] =	ssyncset.done $0x0  }
0xa4: {  	[sflag:s23] =	ssyncadd.s32 $0xFFFFFFFF  }
0xa5: {  	s4 =	sld [smem:$0x0]  }
0xa6: {  	s5 =	sand.u32 $0xFFFFFFFE, s1  }
0xa7: {  	p0 =	sne.s32 s1, s5  }
0xa8: {  	s5 =	sshll.u32 @p0 s5, $0xE  }
0xa9: {  	s5 =	sadd.s32 @p0 $0x11B8D, s5;
	s6 =	sshll.u32 @p0 s4, $0x11  }
0xaa: {  	s5 =	sor.u32 @p0 s6, s5  }
0xab: {  	[sflag:s5] =	ssyncadd.remote.s32 @p0 $0x1;
	_ =	sdelay $0x1  }
0xac: {  	s5 =	simm.s32 @p0 $0x1B8D  }
0xad: {  	_ =	swait.eq @p0 [sflag:s5], $0x1  }
0xae: {  	[sflag:s5] =	ssyncadd.s32 @p0 $0xFFFFFFFF  }
0xaf: {  	s6 =	sshll.u32 @!p0 s1, $0xE  }
0xb0: {  	s6 =	sor.u32 @!p0 $0x4000, s6;
	s5 =	simm.s32 @!p0 $0x1B8D  }
0xb1: {  	s4 =	sshll.u32 @!p0 s4, $0x11;
	s6 =	sadd.s32 @!p0 $0x11B8D, s6;
	_ =	swait.eq @!p0 [sflag:s5], $0x1  }
0xb2: {  	s4 =	sor.u32 @!p0 s4, s6;
	[sflag:s5] =	ssyncadd.s32 @!p0 $0xFFFFFFFF  }
0xb3: {  	s25 =	simm.s32 $0x1B8E;
	s24 =	sld [smem:$0x3FFE];
	[sflag:s4] =	ssyncadd.remote.s32 @!p0 $0x1  }
0xb4: {  	s26 =	simm.s32 $execute0_lowered;
	[smem:$0x3FD2] =	sst s25  }
0xb5: {  	s5 =	sshll.u32 s26, $0x1;
	_ =	strace $0x8000004C;
	[dreg:$0x1] =	wrdreg $0xFFFFFFFF  }
0xb6: {  	s28 =	simm.s32 $_size_execute0_lowered;
	s3 =	sadd.s32 s3, s5;
	[dreg:$0x0] =	wrdreg $0x0  }
0xb7: {  	s5 =	sshll.u32 s28, $0x1;
	[dreg:$0x2] =	wrdreg s3  }
0xb8: {  	[dreg:$0x3] =	wrdreg s5  }
0xb9: {  	[dreg:$0x4] =	wrdreg $0xC0  }
0xba: {  	_ =	task [dreg:s22], $0x5FFFF  }
0xbb: {  	[dreg:$0x1] =	wrdreg $0xFFFFFFFF  }
0xbc: {  	[dreg:$0x0] =	wrdreg $0x60  }
0xbd: {  	[dreg:$0x2] =	wrdreg s24  }
0xbe: {  	[dreg:$0x3] =	wrdreg $0x0  }
0xbf: {  	[dreg:$0x4] =	wrdreg $0x138800  }
0xc0: {  	[dreg:$0x5] =	wrdreg $0xA  }
0xc1: {  	_ =	task.clear_ibuf [dreg:s22], $0x6FFFF;
	_ =	strace $0x9000004C  }
0xc2: {  	s29 =	simm.s32 $0xA;
	_ =	strace $0x8000004E  }
0xc3: {  	_ =	swait.ge [sflag:s29], $0x1  }
0xc4: {  	[sflag:s29] =	ssyncadd.s32 $0xFFFFFFFF  }
0xc5: {  	_ =	strace $0x9000004E  }
0xc6: {  	_ =	sfence  }
0xc7: {  	s30 =	sld [smem:$0x0];
	_ =	sdelay $0x2  }
0xc8: {  	s31 =	sshll.u32 s1, $0xD;
	s1 =	sshrl.u32 s1, $0x2  }
0xc9: {  	s4 =	sand.u32 $0x4000, s31;
	s1 =	sadd.s32 s1, s30  }
0xca: {  	s0 =	sor.u32 s4, s0;
	s1 =	sshll.u32 s1, $0x11  }
0xcb: {  	s0 =	sor.u32 s1, s0  }
0xcc: {  	s0 =	sadd.s32 $0x8F2B, s0  }
0xcd: {  	[sflag:s0] =	ssyncadd.remote.s32 $0x1  }
0xce: {  	_ =	sfence.sel $0xFFFF  }
0xcf: {  	[dreg:$0x0] =	wrdreg $0xFFFFFFFF;
	(pc) =	sbr.abs _section_cstart, $3  }
0xd0: {  	[dreg:$0x1] =	wrdreg $0xFFFFFFFF  }
0xd1: {  	_ =	task.clear_ibuf [dreg:s22], $0x2FFFF;
	_ =	strace $0x9FFFFFFF  }
0xd2: {  	(tm) =	ssettm $0x7FFFFFFF  }
0xd3: {  	_ =	shalt  }
tec
execute0_lowered:
.L_overlay_start_1:
0x0: {  	(tag) =	ssettag $0x1  }
0x1: {  	s1 =	rddreg [dreg:$0x0];
	s2 =	srdreg.scid  }
0x2: {  	s0 =	rddreg [dreg:$0x1];
	s6 =	stileid.u32  }
0x3: {  	s3 =	simm.s32 $0x0;
	s16 =	simm.s32 $0x1D680;
	s17 =	simm.s32 $0x1DA80  }
0x4: {  	s28 =	simm.s32 $0x1D880;
	s29 =	simm.s32 $0x1DC80;
	s7 =	smul.u32 $0x2800, s6  }
0x5: {  	s30 =	simm.s32 $0x1D900;
	s31 =	simm.s32 $0x1DD00;
	s8 =	smul.u32 $0x13800, s6  }
0x6: {  	s4 =	sand.u32 $0x1, s2;
	s2 =	rddreg [dreg:$0x2];
	s18 =	smul.u32 $0x9E00, s6  }
0x7: {  	[smem:$0x7FF] =	sst s3;
	s22 =	sshll.u32 s6, $0x6;
	s5 =	smul.u32 $0x28000, s4  }
0x8: {  	p0 =	sne.s32 s6, $0x0;
	s6 =	simm.s32 $0x1DA00;
	s10 =	smul.u32 $0x9E000, s4  }
0x9: {  	_ =	strace $0x8000004D;
	s4 =	ssub.s32 $0x2, s4;
	s14 =	sor.u32 $0x1C02, s22  }
0xa: {  	s22 =	simm.s32 $0x1DB00;
	s9 =	sshrl.u32 s8, $0x3;
	s19 =	sshrl.u32 s18, $0x3  }
0xb: {  	s21 =	sshrl.u32 s4, $0x1;
	s8 =	sadd.s32 s8, s0;
	s23 =	sadd.s32 s18, s2  }
0xc: {  	[dreg:$0x5] =	wrdreg s14;
	s5 =	sadd.s32 s7, s5;
	s9 =	sadd.s32 s9, s1  }
0xd: {  	s10 =	sadd.s32 s18, s10;
	s12 =	sadd.s32 s19, s1;
	s4 =	ssub.s32 s4, s21  }
0xe: {  	s26 =	sshrl.u32 s8, $0x3;
	s18 =	simm.s32 $0x80;
	s19 =	simm.s32 $0x1DE80  }
0xf: {  	s21 =	simm.s32 $0x1D700;
	s7 =	simm.s32 $0x1DE00;
	s8 =	simm.s32 $0x0  }
0x10: {  	s5 =	sshrl.u32 s5, $0x3;
	s20 =	sshrl.u32 s10, $0x3;
	s9 =	sadd.s32 $0xB7400, s9  }
0x11: {  	s24 =	sadd.s32 $0x55600, s12;
	s4 =	smax.u32 s4, $0x1;
	[dreg:$0xa] =	wrdreg s26  }
0x12: {  	s12 =	sshrl.u32 s23, $0x3;
	s23 =	simm.s32 $0x1D780;
	[dreg:$0x4] =	wrdreg s9  }
0x13: {  	s26 =	simm.s32 $0x1DC00;
	s11 =	sadd.s32 s5, s1;
	[dreg:$0x7] =	wrdreg s24  }
0x14: {  	s13 =	sadd.s32 s20, s1;
	s9 =	sadd.s32 $0x138000, s0;
	[dreg:$0x9] =	wrdreg s4  }
0x15: {  	s1 =	sadd.s32 $0xDE400, s1;
	s20 =	simm.s32 $0x1;
	[dreg:$0xc] =	wrdreg s12  }
0x16: {  	s24 =	simm.s32 $0x1DB80;
	[dreg:$0x6] =	wrdreg s1;
	s25 =	sadd.s32 $0x168000, s13  }
0x17: {  	s10 =	sadd.s32 $0x10FE00, s11;
	s11 =	sadd.s32 $0x105E00, s11;
	s13 =	simm.s32 $0x2  }
0x18: {  	s4 =	sshrl.u32 @!p0 s9, $0x3;
	s1 =	simm.s32 $0x1D980;
	[dreg:$0x8] =	wrdreg s25  }
0x19: {  	[dreg:$0xb] =	wrdreg s4;
	s25 =	simm.s32 $0x1D800;
	s4 =	simm.s32 $0x1DD80  }
.LBB2_1:
0x1a: {  	s5 =	rddreg [dreg:$0x4]  }
0x1b: {  	s9 =	rddreg [dreg:$0xa]  }
0x1c: {  	[spmem:s9], [sflag:s14] =	dma.local [hbm:s5], $0x2700  }
0x1d: {  	_ =	swait.ge [sflag:s13], $0x2700  }
0x1e: {  	[sflag:s13] =	ssyncset.done $0x0;
	s5 =	rddreg [dreg:$0x6]  }
0x1f: {  	s9 =	rddreg [dreg:$0xb];
	[sflag:s13] =	ssyncadd.s32 $0xFFFFD900  }
0x20: {  	[spmem:s9], [sflag:s14] =	dma.local @!p0 [hbm:s5], $0x100  }
0x21: {  	s9 =	simm.s32 @!p0 $0x2  }
0x22: {  	_ =	swait.ge @!p0 [sflag:s9], $0x100  }
0x23: {  	[sflag:s9] =	ssyncset.done @!p0 $0x0  }
0x24: {  	[sflag:s9] =	ssyncadd.s32 @!p0 $0xFFFFFF00;
	s9 =	rddreg [dreg:$0x7]  }
0x25: {  	[spmem:s12], [sflag:s14] =	dma.local [hbm:s9], $0x13C0  }
0x26: {  	_ =	swait.ge [sflag:s13], $0x13C0  }
0x27: {  	[sflag:s13] =	ssyncset.done $0x0  }
0x28: {  	[sflag:s13] =	ssyncadd.s32 $0xFFFFEC40  }
0x29: {  	s14 =	sadd.s32 $0x0, s11;
	[bflag:$0x0] =	sbarrier.arrive $0xFFFF  }
0x2a: {  	[tilespmem:s16], [sflag:$0x2] =	stream.linear.gather [hbm4b:s14+s3], $0x400, $0x38;
	[tilespmem:$0x1FE80] =	vst v63  }
0x2b: {  	_ =	swait.ge [sflag:s13], $0x400  }
0x2c: {  	[sflag:s13] =	ssyncset.done $0x0  }
0x2d: {  	s15 =	sadd.s32 $0x0, s10;
	[sflag:s13] =	ssyncadd.s32 $0xFFFFFC00  }
0x2e: {  	[tilespmem:s17], [sflag:$0x2] =	stream.linear.gather [hbm4b:s15+s3], $0x400, $0x38;
	[tilespmem:$0x1FE80] =	vst v63  }
0x2f: {  	_ =	swait.ge [sflag:s13], $0x400  }
0x30: {  	[sflag:s13] =	ssyncset.done $0x0  }
0x31: {  	[sflag:s13] =	ssyncadd.s32 $0xFFFFFC00  }
0x32: {  	[tilespmem:s19], [sflag:$0x1] =	stream.indirect.gather [spmem:s0], $0x40, s16, s18, $0xb8;
	[tilespmem:$0x1FE80] =	vst v63  }
0x33: {  	_ =	swait.ge [sflag:s20], $0x2000  }
0x34: {  	[sflag:s20] =	ssyncset.done $0x0  }
0x35: {  	[sflag:s20] =	ssyncadd.s32 $0xFFFFE000  }
0x36: {  	[spmem:s2] =	stream.indirect.scatter.add.f32 [tilespmem:s19], [sflag:$0x2], $0x40, s17, s18, $0xb8;
	[tilespmem:$0x1FE80] =	vst v63  }
0x37: {  	_ =	swait.ge [sflag:s13], $0x2000  }
0x38: {  	[sflag:s13] =	ssyncset.done $0x0  }
0x39: {  	[sflag:s13] =	ssyncadd.s32 $0xFFFFE000  }
0x3a: {  	[tilespmem:s19], [sflag:$0x1] =	stream.indirect.gather [spmem:s0], $0x40, s21, s18, $0xb8;
	[tilespmem:$0x1FE80] =	vst v63  }
0x3b: {  	_ =	swait.ge [sflag:s20], $0x2000  }
0x3c: {  	[sflag:s20] =	ssyncset.done $0x0  }
0x3d: {  	[sflag:s20] =	ssyncadd.s32 $0xFFFFE000  }
0x3e: {  	[spmem:s2] =	stream.indirect.scatter.add.f32 [tilespmem:s19], [sflag:$0x2], $0x40, s22, s18, $0xb8;
	[tilespmem:$0x1FE80] =	vst v63  }
0x3f: {  	_ =	swait.ge [sflag:s13], $0x2000  }
0x40: {  	[sflag:s13] =	ssyncset.done $0x0  }
0x41: {  	[sflag:s13] =	ssyncadd.s32 $0xFFFFE000  }
0x42: {  	[tilespmem:s19], [sflag:$0x1] =	stream.indirect.gather [spmem:s0], $0x40, s23, s18, $0xb8;
	[tilespmem:$0x1FE80] =	vst v63  }
0x43: {  	_ =	swait.ge [sflag:s20], $0x2000  }
0x44: {  	[sflag:s20] =	ssyncset.done $0x0  }
0x45: {  	[sflag:s20] =	ssyncadd.s32 $0xFFFFE000  }
0x46: {  	[spmem:s2] =	stream.indirect.scatter.add.f32 [tilespmem:s19], [sflag:$0x2], $0x40, s24, s18, $0xb8;
	[tilespmem:$0x1FE80] =	vst v63  }
0x47: {  	_ =	swait.ge [sflag:s13], $0x2000  }
0x48: {  	[sflag:s13] =	ssyncset.done $0x0  }
0x49: {  	[sflag:s13] =	ssyncadd.s32 $0xFFFFE000  }
0x4a: {  	[tilespmem:s19], [sflag:$0x1] =	stream.indirect.gather [spmem:s0], $0x40, s25, s18, $0xb8;
	[tilespmem:$0x1FE80] =	vst v63  }
0x4b: {  	_ =	swait.ge [sflag:s20], $0x2000  }
0x4c: {  	[sflag:s20] =	ssyncset.done $0x0  }
0x4d: {  	[sflag:s20] =	ssyncadd.s32 $0xFFFFE000  }
0x4e: {  	[spmem:s2] =	stream.indirect.scatter.add.f32 [tilespmem:s19], [sflag:$0x2], $0x40, s26, s18, $0xb8;
	[tilespmem:$0x1FE80] =	vst v63  }
0x4f: {  	_ =	swait.ge [sflag:s13], $0x2000  }
0x50: {  	[sflag:s13] =	ssyncset.done $0x0  }
0x51: {  	[sflag:s13] =	ssyncadd.s32 $0xFFFFE000  }
0x52: {  	[tilespmem:s19], [sflag:$0x1] =	stream.indirect.gather [spmem:s0], $0x40, s28, s18, $0xb8;
	[tilespmem:$0x1FE80] =	vst v63  }
0x53: {  	_ =	swait.ge [sflag:s20], $0x2000  }
0x54: {  	[sflag:s20] =	ssyncset.done $0x0  }
0x55: {  	[sflag:s20] =	ssyncadd.s32 $0xFFFFE000  }
0x56: {  	[spmem:s2] =	stream.indirect.scatter.add.f32 [tilespmem:s19], [sflag:$0x2], $0x40, s29, s18, $0xb8;
	[tilespmem:$0x1FE80] =	vst v63  }
0x57: {  	_ =	swait.ge [sflag:s13], $0x2000  }
0x58: {  	[sflag:s13] =	ssyncset.done $0x0  }
0x59: {  	[sflag:s13] =	ssyncadd.s32 $0xFFFFE000  }
0x5a: {  	[tilespmem:s19], [sflag:$0x1] =	stream.indirect.gather [spmem:s0], $0x40, s30, s18, $0xb8;
	[tilespmem:$0x1FE80] =	vst v63  }
0x5b: {  	_ =	swait.ge [sflag:s20], $0x2000  }
0x5c: {  	[sflag:s20] =	ssyncset.done $0x0  }
0x5d: {  	[sflag:s20] =	ssyncadd.s32 $0xFFFFE000  }
0x5e: {  	[spmem:s2] =	stream.indirect.scatter.add.f32 [tilespmem:s19], [sflag:$0x2], $0x40, s31, s18, $0xb8;
	[tilespmem:$0x1FE80] =	vst v63  }
0x5f: {  	_ =	swait.ge [sflag:s13], $0x2000  }
0x60: {  	[sflag:s13] =	ssyncset.done $0x0  }
0x61: {  	[sflag:s13] =	ssyncadd.s32 $0xFFFFE000  }
0x62: {  	[tilespmem:s19], [sflag:$0x1] =	stream.indirect.gather [spmem:s0], $0x40, s1, s18, $0xb8;
	[tilespmem:$0x1FE80] =	vst v63  }
0x63: {  	_ =	swait.ge [sflag:s20], $0x2000  }
0x64: {  	[sflag:s20] =	ssyncset.done $0x0  }
0x65: {  	[sflag:s20] =	ssyncadd.s32 $0xFFFFE000  }
0x66: {  	[spmem:s2] =	stream.indirect.scatter.add.f32 [tilespmem:s19], [sflag:$0x2], $0x40, s4, s18, $0xb8;
	[tilespmem:$0x1FE80] =	vst v63  }
0x67: {  	_ =	swait.ge [sflag:s13], $0x2000  }
0x68: {  	[sflag:s13] =	ssyncset.done $0x0  }
0x69: {  	[sflag:s13] =	ssyncadd.s32 $0xFFFFE000  }
0x6a: {  	[tilespmem:s19], [sflag:$0x1] =	stream.indirect.gather [spmem:s0], $0x40, s6, s18, $0xb8;
	[tilespmem:$0x1FE80] =	vst v63  }
0x6b: {  	_ =	swait.ge [sflag:s20], $0x2000  }
0x6c: {  	[sflag:s20] =	ssyncset.done $0x0  }
0x6d: {  	[sflag:s20] =	ssyncadd.s32 $0xFFFFE000  }
0x6e: {  	[spmem:s2] =	stream.indirect.scatter.add.f32 [tilespmem:s19], [sflag:$0x2], $0x40, s7, s18, $0xb8;
	[tilespmem:$0x1FE80] =	vst v63  }
0x6f: {  	_ =	swait.ge [sflag:s13], $0x2000  }
0x70: {  	s9 =	simm.s32 $0x80;
	s12 =	simm.s32 $0x100;
	[sflag:s13] =	ssyncset.done $0x0  }
.LBB2_2:
0x71: {  	s15 =	sadd.s32 s9, s11  }
0x72: {  	[sflag:s13] =	ssyncadd.s32 $0xFFFFE000;
	s5 =	smov.u32 s12;
	s14 =	sadd.s32 $0x80, s12  }
0x73: {  	[tilespmem:s16], [sflag:$0x2] =	stream.linear.gather [hbm4b:s15+s3], $0x400, $0x38;
	[tilespmem:$0x1FE80] =	vst v63  }
0x74: {  	p1 =	sne.s32 s12, $0x480;
	_ =	swait.ge [sflag:s13], $0x400  }
0x75: {  	[sflag:s13] =	ssyncset.done $0x0  }
0x76: {  	s12 =	sadd.s32 s9, s10;
	s9 =	smov.u32 s5;
	[sflag:s13] =	ssyncadd.s32 $0xFFFFFC00  }
0x77: {  	[tilespmem:s17], [sflag:$0x2] =	stream.linear.gather [hbm4b:s12+s3], $0x400, $0x38;
	[tilespmem:$0x1FE80] =	vst v63  }
0x78: {  	_ =	swait.ge [sflag:s13], $0x400  }
0x79: {  	[sflag:s13] =	ssyncset.done $0x0  }
0x7a: {  	[sflag:s13] =	ssyncadd.s32 $0xFFFFFC00  }
0x7b: {  	[tilespmem:s19], [sflag:$0x1] =	stream.indirect.gather [spmem:s0], $0x40, s16, s18, $0xb8;
	[tilespmem:$0x1FE80] =	vst v63  }
0x7c: {  	_ =	swait.ge [sflag:s20], $0x2000  }
0x7d: {  	[sflag:s20] =	ssyncset.done $0x0  }
0x7e: {  	[sflag:s20] =	ssyncadd.s32 $0xFFFFE000  }
0x7f: {  	[spmem:s2] =	stream.indirect.scatter.add.f32 [tilespmem:s19], [sflag:$0x2], $0x40, s17, s18, $0xb8;
	[tilespmem:$0x1FE80] =	vst v63  }
0x80: {  	_ =	swait.ge [sflag:s13], $0x2000  }
0x81: {  	[sflag:s13] =	ssyncset.done $0x0  }
0x82: {  	[sflag:s13] =	ssyncadd.s32 $0xFFFFE000  }
0x83: {  	[tilespmem:s19], [sflag:$0x1] =	stream.indirect.gather [spmem:s0], $0x40, s21, s18, $0xb8;
	[tilespmem:$0x1FE80] =	vst v63  }
0x84: {  	_ =	swait.ge [sflag:s20], $0x2000  }
0x85: {  	[sflag:s20] =	ssyncset.done $0x0  }
0x86: {  	[sflag:s20] =	ssyncadd.s32 $0xFFFFE000  }
0x87: {  	[spmem:s2] =	stream.indirect.scatter.add.f32 [tilespmem:s19], [sflag:$0x2], $0x40, s22, s18, $0xb8;
	[tilespmem:$0x1FE80] =	vst v63  }
0x88: {  	_ =	swait.ge [sflag:s13], $0x2000  }
0x89: {  	[sflag:s13] =	ssyncset.done $0x0  }
0x8a: {  	[sflag:s13] =	ssyncadd.s32 $0xFFFFE000  }
0x8b: {  	[tilespmem:s19], [sflag:$0x1] =	stream.indirect.gather [spmem:s0], $0x40, s23, s18, $0xb8;
	[tilespmem:$0x1FE80] =	vst v63  }
0x8c: {  	_ =	swait.ge [sflag:s20], $0x2000  }
0x8d: {  	[sflag:s20] =	ssyncset.done $0x0  }
0x8e: {  	[sflag:s20] =	ssyncadd.s32 $0xFFFFE000  }
0x8f: {  	[spmem:s2] =	stream.indirect.scatter.add.f32 [tilespmem:s19], [sflag:$0x2], $0x40, s24, s18, $0xb8;
	[tilespmem:$0x1FE80] =	vst v63  }
0x90: {  	_ =	swait.ge [sflag:s13], $0x2000  }
0x91: {  	[sflag:s13] =	ssyncset.done $0x0  }
0x92: {  	[sflag:s13] =	ssyncadd.s32 $0xFFFFE000  }
0x93: {  	[tilespmem:s19], [sflag:$0x1] =	stream.indirect.gather [spmem:s0], $0x40, s25, s18, $0xb8;
	[tilespmem:$0x1FE80] =	vst v63  }
0x94: {  	_ =	swait.ge [sflag:s20], $0x2000  }
0x95: {  	[sflag:s20] =	ssyncset.done $0x0  }
0x96: {  	[sflag:s20] =	ssyncadd.s32 $0xFFFFE000  }
0x97: {  	[spmem:s2] =	stream.indirect.scatter.add.f32 [tilespmem:s19], [sflag:$0x2], $0x40, s26, s18, $0xb8;
	[tilespmem:$0x1FE80] =	vst v63  }
0x98: {  	_ =	swait.ge [sflag:s13], $0x2000  }
0x99: {  	[sflag:s13] =	ssyncset.done $0x0  }
0x9a: {  	[sflag:s13] =	ssyncadd.s32 $0xFFFFE000  }
0x9b: {  	[tilespmem:s19], [sflag:$0x1] =	stream.indirect.gather [spmem:s0], $0x40, s28, s18, $0xb8;
	[tilespmem:$0x1FE80] =	vst v63  }
0x9c: {  	_ =	swait.ge [sflag:s20], $0x2000  }
0x9d: {  	[sflag:s20] =	ssyncset.done $0x0  }
0x9e: {  	[sflag:s20] =	ssyncadd.s32 $0xFFFFE000  }
0x9f: {  	[spmem:s2] =	stream.indirect.scatter.add.f32 [tilespmem:s19], [sflag:$0x2], $0x40, s29, s18, $0xb8;
	[tilespmem:$0x1FE80] =	vst v63  }
0xa0: {  	_ =	swait.ge [sflag:s13], $0x2000  }
0xa1: {  	[sflag:s13] =	ssyncset.done $0x0  }
0xa2: {  	[sflag:s13] =	ssyncadd.s32 $0xFFFFE000  }
0xa3: {  	[tilespmem:s19], [sflag:$0x1] =	stream.indirect.gather [spmem:s0], $0x40, s30, s18, $0xb8;
	[tilespmem:$0x1FE80] =	vst v63  }
0xa4: {  	_ =	swait.ge [sflag:s20], $0x2000  }
0xa5: {  	[sflag:s20] =	ssyncset.done $0x0  }
0xa6: {  	[sflag:s20] =	ssyncadd.s32 $0xFFFFE000  }
0xa7: {  	[spmem:s2] =	stream.indirect.scatter.add.f32 [tilespmem:s19], [sflag:$0x2], $0x40, s31, s18, $0xb8;
	[tilespmem:$0x1FE80] =	vst v63  }
0xa8: {  	_ =	swait.ge [sflag:s13], $0x2000  }
0xa9: {  	[sflag:s13] =	ssyncset.done $0x0  }
0xaa: {  	[sflag:s13] =	ssyncadd.s32 $0xFFFFE000  }
0xab: {  	[tilespmem:s19], [sflag:$0x1] =	stream.indirect.gather [spmem:s0], $0x40, s1, s18, $0xb8;
	[tilespmem:$0x1FE80] =	vst v63  }
0xac: {  	_ =	swait.ge [sflag:s20], $0x2000  }
0xad: {  	[sflag:s20] =	ssyncset.done $0x0  }
0xae: {  	[sflag:s20] =	ssyncadd.s32 $0xFFFFE000  }
0xaf: {  	[spmem:s2] =	stream.indirect.scatter.add.f32 [tilespmem:s19], [sflag:$0x2], $0x40, s4, s18, $0xb8;
	[tilespmem:$0x1FE80] =	vst v63  }
0xb0: {  	_ =	swait.ge [sflag:s13], $0x2000  }
0xb1: {  	[sflag:s13] =	ssyncset.done $0x0  }
0xb2: {  	[sflag:s13] =	ssyncadd.s32 $0xFFFFE000  }
0xb3: {  	[tilespmem:s19], [sflag:$0x1] =	stream.indirect.gather [spmem:s0], $0x40, s6, s18, $0xb8;
	[tilespmem:$0x1FE80] =	vst v63  }
0xb4: {  	_ =	swait.ge [sflag:s20], $0x2000  }
.Ltmp0:
0xb5: {  	[sflag:s20] =	ssyncset.done $0x0;
	(pc) =	sbr.rel @p1 .LBB2_2-.Ltmp0, $4  }
0xb6: {  	[sflag:s20] =	ssyncadd.s32 $0xFFFFE000  }
0xb7: {  	[spmem:s2] =	stream.indirect.scatter.add.f32 [tilespmem:s19], [sflag:$0x2], $0x40, s7, s18, $0xb8;
	[tilespmem:$0x1FE80] =	vst v63  }
0xb8: {  	_ =	swait.ge [sflag:s13], $0x2000  }
0xb9: {  	s12 =	smov.u32 s14;
	[sflag:s13] =	ssyncset.done $0x0  }
0xba: {  	s5 =	sadd.s32 s9, s11;
	[sflag:s13] =	ssyncadd.s32 $0xFFFFE000  }
0xbb: {  	[tilespmem:s16], [sflag:$0x2] =	stream.linear.gather [hbm4b:s5+s3], $0x400, $0x38;
	[tilespmem:$0x1FE80] =	vst v63  }
0xbc: {  	_ =	swait.ge [sflag:s13], $0x400  }
0xbd: {  	[sflag:s13] =	ssyncset.done $0x0  }
0xbe: {  	s15 =	sadd.s32 s9, s10;
	[sflag:s13] =	ssyncadd.s32 $0xFFFFFC00  }
0xbf: {  	[tilespmem:s17], [sflag:$0x2] =	stream.linear.gather [hbm4b:s15+s3], $0x400, $0x38;
	[tilespmem:$0x1FE80] =	vst v63  }
0xc0: {  	_ =	swait.ge [sflag:s13], $0x400  }
0xc1: {  	[sflag:s13] =	ssyncset.done $0x0  }
0xc2: {  	[sflag:s13] =	ssyncadd.s32 $0xFFFFFC00  }
0xc3: {  	[tilespmem:s19], [sflag:$0x1] =	stream.indirect.gather [spmem:s0], $0x40, s16, s18, $0xb8;
	[tilespmem:$0x1FE80] =	vst v63  }
0xc4: {  	_ =	swait.ge [sflag:s20], $0x2000  }
0xc5: {  	[sflag:s20] =	ssyncset.done $0x0  }
0xc6: {  	[sflag:s20] =	ssyncadd.s32 $0xFFFFE000  }
0xc7: {  	[spmem:s2] =	stream.indirect.scatter.add.f32 [tilespmem:s19], [sflag:$0x2], $0x40, s17, s18, $0xb8;
	[tilespmem:$0x1FE80] =	vst v63  }
0xc8: {  	_ =	swait.ge [sflag:s13], $0x2000  }
0xc9: {  	[sflag:s13] =	ssyncset.done $0x0  }
0xca: {  	[sflag:s13] =	ssyncadd.s32 $0xFFFFE000  }
0xcb: {  	[tilespmem:s19], [sflag:$0x1] =	stream.indirect.gather [spmem:s0], $0x40, s21, s18, $0xb8;
	[tilespmem:$0x1FE80] =	vst v63  }
0xcc: {  	_ =	swait.ge [sflag:s20], $0x2000  }
0xcd: {  	[sflag:s20] =	ssyncset.done $0x0  }
0xce: {  	[sflag:s20] =	ssyncadd.s32 $0xFFFFE000  }
0xcf: {  	[spmem:s2] =	stream.indirect.scatter.add.f32 [tilespmem:s19], [sflag:$0x2], $0x40, s22, s18, $0xb8;
	[tilespmem:$0x1FE80] =	vst v63  }
0xd0: {  	_ =	swait.ge [sflag:s13], $0x2000  }
0xd1: {  	[sflag:s13] =	ssyncset.done $0x0  }
0xd2: {  	[sflag:s13] =	ssyncadd.s32 $0xFFFFE000  }
0xd3: {  	[tilespmem:s19], [sflag:$0x1] =	stream.indirect.gather [spmem:s0], $0x40, s23, s18, $0xb8;
	[tilespmem:$0x1FE80] =	vst v63  }
0xd4: {  	_ =	swait.ge [sflag:s20], $0x2000  }
0xd5: {  	[sflag:s20] =	ssyncset.done $0x0  }
0xd6: {  	[sflag:s20] =	ssyncadd.s32 $0xFFFFE000  }
0xd7: {  	[spmem:s2] =	stream.indirect.scatter.add.f32 [tilespmem:s19], [sflag:$0x2], $0x40, s24, s18, $0xb8;
	[tilespmem:$0x1FE80] =	vst v63  }
0xd8: {  	_ =	swait.ge [sflag:s13], $0x2000  }
0xd9: {  	[sflag:s13] =	ssyncset.done $0x0  }
0xda: {  	[sflag:s13] =	ssyncadd.s32 $0xFFFFE000  }
0xdb: {  	[tilespmem:s19], [sflag:$0x1] =	stream.indirect.gather [spmem:s0], $0x40, s25, s18, $0xb8;
	[tilespmem:$0x1FE80] =	vst v63  }
0xdc: {  	_ =	swait.ge [sflag:s20], $0x2000  }
0xdd: {  	[sflag:s20] =	ssyncset.done $0x0  }
0xde: {  	[sflag:s20] =	ssyncadd.s32 $0xFFFFE000  }
0xdf: {  	[spmem:s2] =	stream.indirect.scatter.add.f32 [tilespmem:s19], [sflag:$0x2], $0x40, s26, s18, $0xb8;
	[tilespmem:$0x1FE80] =	vst v63  }
0xe0: {  	_ =	swait.ge [sflag:s13], $0x2000  }
0xe1: {  	[sflag:s13] =	ssyncset.done $0x0  }
0xe2: {  	[sflag:s13] =	ssyncadd.s32 $0xFFFFE000  }
0xe3: {  	[tilespmem:s19], [sflag:$0x1] =	stream.indirect.gather [spmem:s0], $0x40, s28, s18, $0xb8;
	[tilespmem:$0x1FE80] =	vst v63  }
0xe4: {  	_ =	swait.ge [sflag:s20], $0x2000  }
0xe5: {  	[sflag:s20] =	ssyncset.done $0x0  }
0xe6: {  	[sflag:s20] =	ssyncadd.s32 $0xFFFFE000  }
0xe7: {  	[spmem:s2] =	stream.indirect.scatter.add.f32 [tilespmem:s19], [sflag:$0x2], $0x40, s29, s18, $0xb8;
	[tilespmem:$0x1FE80] =	vst v63  }
0xe8: {  	_ =	swait.ge [sflag:s13], $0x2000  }
0xe9: {  	[sflag:s13] =	ssyncset.done $0x0  }
0xea: {  	[sflag:s13] =	ssyncadd.s32 $0xFFFFE000  }
0xeb: {  	[tilespmem:s19], [sflag:$0x1] =	stream.indirect.gather [spmem:s0], $0x40, s30, s18, $0xb8;
	[tilespmem:$0x1FE80] =	vst v63  }
0xec: {  	_ =	swait.ge [sflag:s20], $0x2000  }
0xed: {  	[sflag:s20] =	ssyncset.done $0x0  }
0xee: {  	[sflag:s20] =	ssyncadd.s32 $0xFFFFE000  }
0xef: {  	[spmem:s2] =	stream.indirect.scatter.add.f32 [tilespmem:s19], [sflag:$0x2], $0x40, s31, s18, $0xb8;
	[tilespmem:$0x1FE80] =	vst v63  }
0xf0: {  	_ =	swait.ge [sflag:s13], $0x2000  }
0xf1: {  	[sflag:s13] =	ssyncset.done $0x0  }
0xf2: {  	[sflag:s13] =	ssyncadd.s32 $0xFFFFE000  }
0xf3: {  	[tilespmem:s19], [sflag:$0x1] =	stream.indirect.gather [spmem:s0], $0x40, s1, s18, $0xb8;
	[tilespmem:$0x1FE80] =	vst v63  }
0xf4: {  	_ =	swait.ge [sflag:s20], $0x2000  }
0xf5: {  	[sflag:s20] =	ssyncset.done $0x0  }
0xf6: {  	[sflag:s20] =	ssyncadd.s32 $0xFFFFE000  }
0xf7: {  	[spmem:s2] =	stream.indirect.scatter.add.f32 [tilespmem:s19], [sflag:$0x2], $0x40, s4, s18, $0xb8;
	[tilespmem:$0x1FE80] =	vst v63  }
0xf8: {  	_ =	swait.ge [sflag:s13], $0x2000  }
0xf9: {  	[sflag:s13] =	ssyncset.done $0x0  }
0xfa: {  	[sflag:s13] =	ssyncadd.s32 $0xFFFFE000  }
0xfb: {  	[tilespmem:s19], [sflag:$0x1] =	stream.indirect.gather [spmem:s0], $0x40, s6, s18, $0xb8;
	[tilespmem:$0x1FE80] =	vst v63  }
0xfc: {  	_ =	swait.ge [sflag:s20], $0x2000  }
0xfd: {  	[sflag:s20] =	ssyncset.done $0x0  }
0xfe: {  	[sflag:s20] =	ssyncadd.s32 $0xFFFFE000  }
0xff: {  	[spmem:s2] =	stream.indirect.scatter.add.f32 [tilespmem:s19], [sflag:$0x2], $0x40, s7, s18, $0xb8;
	[tilespmem:$0x1FE80] =	vst v63  }
0x100: {  	_ =	swait.ge [sflag:s13], $0x2000  }
0x101: {  	[sflag:s13] =	ssyncset.done $0x0  }
0x102: {  	[sflag:s13] =	ssyncadd.s32 $0xFFFFE000  }
0x103: {  	[bflag:$0x0] =	sbarrier.arrive $0xFFFF  }
0x104: {  	s14 =	rddreg [dreg:$0x5]  }
0x105: {  	s9 =	rddreg [dreg:$0x8]  }
0x106: {  	s12 =	rddreg [dreg:$0xc]  }
0x107: {  	[hbm:s9], [sflag:s14] =	dma.local [spmem:s12], $0x13C0  }
0x108: {  	_ =	swait.ge [sflag:s13], $0x13C0  }
0x109: {  	s8 =	sadd.s32 $0x1, s8;
	s15 =	rddreg [dreg:$0x9]  }
0x10a: {  	p1 =	sne.s32 s8, s15  }
.Ltmp1:
0x10b: {  	_ = 	snop;
	(pc) =	sbr.rel @p1 .LBB2_1-.Ltmp1, $3  }
0x10c: {  	_ =	sdelay $0x1  }
0x10d: {  	[sflag:s13] =	ssyncset.done $0x0  }
0x10e: {  	[sflag:s13] =	ssyncadd.s32 $0xFFFFEC40  }
0x10f: {  	_ =	sfence.sel $0x180000  }
0x110: {  	[bflag:$0x0] =	sbarrier.arrive $0xFFFF  }
0x111: {  	_ =	strace $0x9000004D  }
0x112: {  	[bflag:$0x2] =	sbarrier.arrive $0xFFFF  }
0x113: {  	s0 =	rddreg [dreg:$0x3]  }
0x114: {  	s0 =	sadd.s32 @!p0 $0x100000, s0  }
0x115: {  	[sflag:s0] =	ssyncadd.tile.s32 @!p0 $0x1;
	_ =	shalt  }
.Lfunc_end2:
_tile_overlayer_lowered:
.L_overlay_start_2:
0x116: {  	(tag) =	ssettag $0x2  }
0x117: {  	s0 =	rddreg [dreg:$0x0];
	s2 =	stileid.u32  }
0x118: {  	s1 =	rddreg [dreg:$0x1];
	p0 =	sne.s32 s2, $0x0  }
0x119: {  	s3 =	rddreg [dreg:$0x2];
	[bflag:$0x3] =	sbarrier.arrive $0xFFFF;
	s2 =	simm.s32 @!p0 $0x1C02  }
0x11a: {  	[timem:s3], [sflag:s2] =	dma.local @!p0 [hbm:s0], s1  }
0x11b: {  	s0 =	simm.s32 @!p0 $0x2  }
0x11c: {  	_ =	swait.ge @!p0 [sflag:s0], s1  }
0x11d: {  	s1 =	ssub.s32 @!p0 $0x0, s1;
	[sflag:s0] =	ssyncset.done @!p0 $0x0  }
0x11e: {  	[sflag:s0] =	ssyncadd.s32 @!p0 s1  }
0x11f: {  	[bflag:$0x3] =	sbarrier.arrive $0xFFFF  }
0x120: {  	_ =	shalt  }

// kernel: kernel.29.cloned.1.call-start
scs
__scs_entry_jumppad:
0x0: {  	(pc) =	sbr.rel $0x88, $3  }
0x1: {  	(tag) =	ssettag $0x0;
	lr =	simm.s32 $0x1  }
0x2: {  	[smem:$0x3F88] =	sst lr;
	_ =	strace $0xD0000000  }
0x3: {  	_ = 	snop  }
0x4: {  	_ = 	snop  }
0x5: {  	_ = 	snop  }
0x6: {  	_ = 	snop  }
0x7: {  	_ = 	snop  }
__scs_overlays_trampoline_lowered:
0x8: {  	[smem:$0x3F97] =	sst s0  }
0x9: {  	[smem:$0x3F98] =	sst s1  }
0xa: {  	[smem:$0x3F99] =	sst s2  }
0xb: {  	[smem:$0x3F9A] =	sst s3  }
0xc: {  	[smem:$0x3F9B] =	sst s4  }
0xd: {  	[smem:$0x3F9C] =	sst s5  }
0xe: {  	[smem:$0x3F9D] =	sst s6  }
0xf: {  	[smem:$0x3F9E] =	sst s7  }
0x10: {  	[smem:$0x3F9F] =	sst s8  }
0x11: {  	[smem:$0x3FA0] =	sst s9;
	s0 =	simm.s32 @!p0 $0x0  }
0x12: {  	s1 =	sld [smem:$0x3F86];
	s0 =	simm.s32 @p0 $0x1  }
0x13: {  	[smem:$0x3FA1] =	sst s0;
	s0 =	simm.s32 @!p1 $0x0  }
0x14: {  	s2 =	sld [smem:$0x3F85];
	s0 =	simm.s32 @p1 $0x1  }
0x15: {  	[smem:$0x3FA2] =	sst s0;
	s0 =	simm.s32 @!p2 $0x0  }
0x16: {  	s3 =	sld [smem:$0x3FDB];
	s0 =	simm.s32 @p2 $0x1  }
0x17: {  	s4 =	simm.s32 $0x1BF5;
	[smem:$0x3FA4] =	sst s0  }
0x18: {  	s0 =	sld [smem:$0x3F87];
	_ =	swait.ge [sflag:s4], $0x0  }
0x19: {  	s7 =	sld [smem:$0x3F88]  }
0x1a: {  	s8 =	sadd.s32 $0xFFFFE003, lr  }
0x1b: {  	s9 =	sadd.s32 $0xFFFFFEF7, lr;
	s5 =	simm.s32 $0xFFFFFFFF;
	p2 =	slt.u32 s8, $0xFFFFF086  }
0x1c: {  	p1 =	slt.u32 s9, $0xF7A;
	s5 =	simm.s32 @!p2 $0x0  }
0x1d: {  	s5 =	simm.s32 @p1 $0x1;
	p0 =	seq.s32 s7, s2  }
0x1e: {  	s7 =	smul.u32 @!p0 $0xF7A, s2;
	p2 =	seq.s32 @!p0 s5, $0x0  }
0x1f: {  	s9 =	smul.u32 $0xF7A, s1;
	s8 =	simm.s32 @!p0 $0x1BF5;
	p2 =	por !p2, p0  }
0x20: {  	[sflag:s8] =	ssyncset.s32 @!p0 $0xFFFFF086;
	s6 =	sadd.s32 @!p0 s3, s7;
	s7 =	simm.s32 @!p0 $0x108  }
0x21: {  	s3 =	sadd.s32 s3, s9;
	s6 =	sadd.s32 @!p0 $0x88, s6;
	s7 =	simm.s32 @p2 $0x1082  }
0x22: {  	[simem:s7], [sflag:s8] =	dma.local @!p0 [hbm:s6], $0xF7A  }
0x23: {  	s9 =	sor.u32 $0xD0000000, s2;
	s6 =	simm.s32 $0x108;
	_ =	swait.ge @!p0 [sflag:s8], $0x0  }
0x24: {  	s3 =	sadd.s32 $0x88, s3;
	s6 =	simm.s32 @!p1 $0x1082;
	[sflag:s4] =	ssyncset.s32 $0xFFFFF086  }
0x25: {  	[simem:s6], [sflag:s4] =	dma.local [hbm:s3], $0xF7A  }
0x26: {  	[smem:$0x3F88] =	sst s1;
	(tag) =	ssettag s2;
	_ =	strace s9  }
0x27: {  	s1 =	sld [smem:$0x3F98]  }
0x28: {  	s2 =	sld [smem:$0x3F99]  }
0x29: {  	s4 =	sld [smem:$0x3F9B]  }
0x2a: {  	p0 =	seq.s32 s5, $0x0;
	s5 =	sld [smem:$0x3F9C]  }
0x2b: {  	s6 =	sld [smem:$0x3F9D]  }
0x2c: {  	s7 =	sld [smem:$0x3F9E]  }
0x2d: {  	s3 =	simm.s32 $0x108;
	s8 =	sld [smem:$0x3F9F]  }
0x2e: {  	s3 =	simm.s32 @!p0 $0x1082;
	s9 =	sld [smem:$0x3FA0]  }
0x2f: {  	lr =	sadd.s32 s0, s3;
	s0 =	sld [smem:$0x3F97]  }
0x30: {  	s3 =	sld [smem:$0x3F9A]  }
0x31: {  	[smem:$0x3FA3] =	sst s10  }
0x32: {  	s10 =	sld [smem:$0x3FA1];
	_ =	sdelay $0x3  }
0x33: {  	p0 =	seq.s32 s10, $0x1;
	s10 =	sld [smem:$0x3FA3];
	_ =	sdelay $0x3  }
0x34: {  	[smem:$0x3FA3] =	sst s10  }
0x35: {  	s10 =	sld [smem:$0x3FA2];
	_ =	sdelay $0x3  }
0x36: {  	p1 =	seq.s32 s10, $0x1;
	s10 =	sld [smem:$0x3FA3];
	_ =	sdelay $0x3  }
0x37: {  	[smem:$0x3FA3] =	sst s10  }
0x38: {  	s10 =	sld [smem:$0x3FA4]  }
0x39: {  	_ = 	snop;
	(pc) =	sbr.ind lr, $3  }
0x3a: {  	_ = 	snop  }
0x3b: {  	_ = 	snop  }
0x3c: {  	p2 =	seq.s32 s10, $0x1;
	s10 =	sld [smem:$0x3FA3]  }
0x3d: {  	_ =	shalt  }
0x3e: {  	_ =	shalt  }
0x3f: {  	_ =	shalt  }
0x40: {  	_ =	shalt  }
0x41: {  	_ =	shalt  }
0x42: {  	_ =	shalt  }
0x43: {  	_ =	shalt  }
0x44: {  	_ =	shalt  }
0x45: {  	_ =	shalt  }
0x46: {  	_ =	shalt  }
0x47: {  	_ =	shalt  }
0x48: {  	_ =	shalt  }
0x49: {  	_ =	shalt  }
0x4a: {  	_ =	shalt  }
0x4b: {  	_ =	shalt  }
0x4c: {  	_ =	shalt  }
0x4d: {  	_ =	shalt  }
0x4e: {  	_ =	shalt  }
0x4f: {  	_ =	shalt  }
0x50: {  	_ =	shalt  }
0x51: {  	_ =	shalt  }
0x52: {  	_ =	shalt  }
0x53: {  	_ =	shalt  }
0x54: {  	_ =	shalt  }
0x55: {  	_ =	shalt  }
0x56: {  	_ =	shalt  }
0x57: {  	_ =	shalt  }
0x58: {  	_ =	shalt  }
0x59: {  	_ =	shalt  }
0x5a: {  	_ =	shalt  }
0x5b: {  	_ =	shalt  }
0x5c: {  	_ =	shalt  }
0x5d: {  	_ =	shalt  }
0x5e: {  	_ =	shalt  }
0x5f: {  	_ =	shalt  }
0x60: {  	_ =	shalt  }
0x61: {  	_ =	shalt  }
0x62: {  	_ =	shalt  }
0x63: {  	_ =	shalt  }
0x64: {  	_ =	shalt  }
0x65: {  	_ =	shalt  }
0x66: {  	_ =	shalt  }
0x67: {  	_ =	shalt  }
0x68: {  	_ =	shalt  }
0x69: {  	_ =	shalt  }
0x6a: {  	_ =	shalt  }
0x6b: {  	_ =	shalt  }
0x6c: {  	_ =	shalt  }
0x6d: {  	_ =	shalt  }
0x6e: {  	_ =	shalt  }
0x6f: {  	_ =	shalt  }
0x70: {  	_ =	shalt  }
0x71: {  	_ =	shalt  }
0x72: {  	_ =	shalt  }
0x73: {  	_ =	shalt  }
0x74: {  	_ =	shalt  }
0x75: {  	_ =	shalt  }
0x76: {  	_ =	shalt  }
0x77: {  	_ =	shalt  }
0x78: {  	_ =	shalt  }
0x79: {  	_ =	shalt  }
0x7a: {  	_ =	shalt  }
0x7b: {  	_ =	shalt  }
0x7c: {  	_ =	shalt  }
0x7d: {  	_ =	shalt  }
0x7e: {  	_ =	shalt  }
0x7f: {  	_ =	shalt  }
0x80: {  	_ =	shalt  }
0x81: {  	_ =	shalt  }
0x82: {  	_ =	shalt  }
0x83: {  	_ =	shalt  }
0x84: {  	_ =	shalt  }
0x85: {  	_ =	shalt  }
0x86: {  	_ =	shalt  }
0x87: {  	_ =	shalt  }
.Lfunc_end0:
.L_simem_size_0:
called_computation.3_lowered:
.L_overlay_start_0:
0x88: {  	s2 =	sld [smem:$0x3FD9]  }
0x89: {  	s3 =	sld [smem:$0x3FFE];
	_ =	sdelay $0x1  }
0x8a: {  	s1 =	srdreg.scid  }
0x8b: {  	s0 =	sand.u32 $0x1, s1  }
0x8c: {  	s17 =	sshll.u32 s0, $0xA;
	s2 =	sadd.s32 s3, s2  }
0x8d: {  	s2 =	sadd.s32 s2, s17  }
0x8e: {  	[smem:$0x3FAF] =	sst s2  }
0x8f: {  	_ = 	snop  }
0x90: {  	s18 =	sld [smem:$0x3FD0];
	(tm) =	ssettm $0x1  }
0x91: {  	s19 =	sld [smem:$0x3FFB];
	_ =	sdelay $0x3  }
0x92: {  	_ =	strace s19  }
0x93: {  	s2 =	sld [smem:$0x3FFC];
	_ =	sdelay $0x3  }
0x94: {  	_ =	strace s2  }
0x95: {  	s2 =	sld [smem:$0x3FFD];
	_ =	sdelay $0x3  }
0x96: {  	_ =	strace s2  }
0x97: {  	_ =	strace $0x8FFFFFFF  }
0x98: {  	s20 =	sld [smem:$0x3FDB];
	_ =	sdelay $0x1  }
0x99: {  	s4 =	simm.s32 $_scs_section_size  }
0x9a: {  	s5 =	simm.s32 $_size__tile_overlayer_lowered;
	s6 =	simm.s32 $_tile_overlayer_lowered  }
0x9b: {  	s7 =	simm.s32 $0x1BFF;
	s21 =	sshll.u32 s6, $0x1;
	s4 =	sadd.s32 s4, s20  }
0x9c: {  	s22 =	simm.s32 $0x0;
	s5 =	sshll.u32 s5, $0x1;
	s6 =	sadd.s32 s21, s4  }
0x9d: {  	[timem:s22], [sflag:s7] =	dma.local [hbm:s6], s5  }
0x9e: {  	_ =	swait.ge [sflag:s7], s5  }
0x9f: {  	s5 =	ssub.s32 $0x0, s5;
	[sflag:s7] =	ssyncset.done $0x0  }
0xa0: {  	[sflag:s7] =	ssyncadd.s32 s5;
	_ =	sdelay $0x1  }
0xa1: {  	s23 =	simm.s32 $0x1B8B  }
0xa2: {  	_ =	swait.ge [sflag:s23], $0x1  }
0xa3: {  	[sflag:s23] =	ssyncset.done $0x0  }
0xa4: {  	[sflag:s23] =	ssyncadd.s32 $0xFFFFFFFF  }
0xa5: {  	s5 =	sld [smem:$0x0]  }
0xa6: {  	s6 =	sand.u32 $0xFFFFFFFE, s1  }
0xa7: {  	p0 =	sne.s32 s1, s6  }
0xa8: {  	s6 =	sshll.u32 @p0 s6, $0xE  }
0xa9: {  	s6 =	sadd.s32 @p0 $0x11B8D, s6;
	s7 =	sshll.u32 @p0 s5, $0x11  }
0xaa: {  	s6 =	sor.u32 @p0 s7, s6  }
0xab: {  	[sflag:s6] =	ssyncadd.remote.s32 @p0 $0x1;
	_ =	sdelay $0x1  }
0xac: {  	s6 =	simm.s32 @p0 $0x1B8D  }
0xad: {  	_ =	swait.eq @p0 [sflag:s6], $0x1  }
0xae: {  	[sflag:s6] =	ssyncadd.s32 @p0 $0xFFFFFFFF  }
0xaf: {  	s7 =	sshll.u32 @!p0 s1, $0xE  }
0xb0: {  	s7 =	sor.u32 @!p0 $0x4000, s7;
	s6 =	simm.s32 @!p0 $0x1B8D  }
0xb1: {  	s5 =	sshll.u32 @!p0 s5, $0x11;
	s7 =	sadd.s32 @!p0 $0x11B8D, s7;
	_ =	swait.eq @!p0 [sflag:s6], $0x1  }
0xb2: {  	s5 =	sor.u32 @!p0 s5, s7;
	[sflag:s6] =	ssyncadd.s32 @!p0 $0xFFFFFFFF  }
0xb3: {  	s25 =	simm.s32 $0x1B8E;
	s24 =	sld [smem:$0x3FFE];
	[sflag:s5] =	ssyncadd.remote.s32 @!p0 $0x1  }
0xb4: {  	s26 =	simm.s32 $execute0_lowered;
	[smem:$0x3FD2] =	sst s25  }
0xb5: {  	s6 =	sshll.u32 s26, $0x1;
	_ =	strace $0x8000004F;
	[dreg:$0x1] =	wrdreg $0xFFFFFFFF  }
0xb6: {  	s28 =	simm.s32 $_size_execute0_lowered;
	s4 =	sadd.s32 s4, s6;
	[dreg:$0x0] =	wrdreg $0x0  }
0xb7: {  	s6 =	sshll.u32 s28, $0x1;
	[dreg:$0x2] =	wrdreg s4  }
0xb8: {  	[dreg:$0x3] =	wrdreg s6  }
0xb9: {  	[dreg:$0x4] =	wrdreg $0xC0  }
0xba: {  	_ =	task [dreg:s22], $0x5FFFF  }
0xbb: {  	[dreg:$0x1] =	wrdreg $0xFFFFFFFF  }
0xbc: {  	[dreg:$0x0] =	wrdreg $0x60  }
0xbd: {  	[dreg:$0x2] =	wrdreg s24  }
0xbe: {  	[dreg:$0x3] =	wrdreg s18  }
0xbf: {  	[dreg:$0x4] =	wrdreg $0x0  }
0xc0: {  	[dreg:$0x5] =	wrdreg $0x9C400  }
0xc1: {  	[dreg:$0x6] =	wrdreg $0x9  }
0xc2: {  	_ =	task.clear_ibuf [dreg:s22], $0x7FFFF;
	_ =	strace $0x9000004F  }
0xc3: {  	s29 =	simm.s32 $0x9;
	_ =	strace $0x80000051  }
0xc4: {  	_ =	swait.ge [sflag:s29], $0x1  }
0xc5: {  	[sflag:s29] =	ssyncadd.s32 $0xFFFFFFFF  }
0xc6: {  	_ =	strace $0x90000051  }
0xc7: {  	_ =	sfence  }
0xc8: {  	s30 =	sld [smem:$0x0];
	_ =	sdelay $0x2  }
0xc9: {  	s31 =	sshll.u32 s1, $0xD;
	s1 =	sshrl.u32 s1, $0x2  }
0xca: {  	s4 =	sand.u32 $0x4000, s31;
	s1 =	sadd.s32 s1, s30  }
0xcb: {  	s0 =	sor.u32 s4, s0;
	s1 =	sshll.u32 s1, $0x11  }
0xcc: {  	s0 =	sor.u32 s1, s0  }
0xcd: {  	s0 =	sadd.s32 $0x8F2B, s0  }
0xce: {  	[sflag:s0] =	ssyncadd.remote.s32 $0x1  }
0xcf: {  	_ =	sfence.sel $0xFFFF  }
0xd0: {  	[dreg:$0x0] =	wrdreg $0xFFFFFFFF;
	(pc) =	sbr.abs _section_cstart, $3  }
0xd1: {  	[dreg:$0x1] =	wrdreg $0xFFFFFFFF  }
0xd2: {  	_ =	task.clear_ibuf [dreg:s22], $0x2FFFF;
	_ =	strace $0x9FFFFFFF  }
0xd3: {  	(tm) =	ssettm $0x7FFFFFFF  }
tec
execute0_lowered:
.L_overlay_start_1:
0x0: {  	(tag) =	ssettag $0x1  }
0x1: {  	s1 =	rddreg [dreg:$0x0]  }
0x2: {  	s4 =	rddreg [dreg:$0x1]  }
0x3: {  	s0 =	rddreg [dreg:$0x2];
	s6 =	stileid.u32  }
0x4: {  	s3 =	srdreg.scid;
	s2 =	rddreg [dreg:$0x3];
	s16 =	simm.s32 $0x13A40  }
0x5: {  	s17 =	simm.s32 $0x13E40;
	s18 =	simm.s32 $0x80;
	s28 =	simm.s32 $0x13C40  }
0x6: {  	s29 =	simm.s32 $0x14040;
	s30 =	simm.s32 $0x13CC0;
	s5 =	smul.u32 $0x9C00, s6  }
0x7: {  	s31 =	simm.s32 $0x140C0;
	s7 =	sand.u32 $0x1, s3;
	s9 =	smul.u32 $0x2800, s6  }
0x8: {  	s3 =	simm.s32 $0x0;
	s19 =	smul.u32 $0x9E00, s6;
	s22 =	sshll.u32 s6, $0x6  }
0x9: {  	s14 =	sadd.s32 $0x9C000, s0;
	p0 =	sne.s32 s6, $0x0;
	s6 =	simm.s32 $0x13DC0  }
0xa: {  	s8 =	smul.u32 $0x28000, s7;
	[smem:$0x7FF] =	sst s3;
	s11 =	ssub.s32 $0x2, s7  }
0xb: {  	s7 =	smul.u32 $0x9E000, s7;
	s15 =	sor.u32 $0x1C02, s22;
	s22 =	simm.s32 $0x13EC0  }
0xc: {  	_ =	strace $0x80000050;
	s10 =	sshrl.u32 s5, $0x3;
	s12 =	sshrl.u32 s19, $0x3  }
0xd: {  	s13 =	sshrl.u32 s11, $0x1;
	s20 =	sadd.s32 s5, s0;
	s23 =	sadd.s32 s19, s2  }
0xe: {  	[dreg:$0x6] =	wrdreg s15;
	s8 =	sadd.s32 s9, s8;
	s10 =	sadd.s32 s10, s1  }
0xf: {  	s12 =	sadd.s32 s12, s1;
	s11 =	ssub.s32 s11, s13;
	s7 =	sadd.s32 s19, s7  }
0x10: {  	s26 =	sshrl.u32 s20, $0x3;
	s13 =	simm.s32 $0x2;
	s19 =	simm.s32 $0x14240  }
0x11: {  	s20 =	simm.s32 $0x1;
	s8 =	sshrl.u32 s8, $0x3;
	s21 =	sadd.s32 $0x6A00, s10  }
0x12: {  	s7 =	sshrl.u32 s7, $0x3;
	s24 =	sadd.s32 $0x55600, s12;
	[dreg:$0xb] =	wrdreg s26  }
0x13: {  	s25 =	smax.u32 s11, $0x1;
	s12 =	sshrl.u32 s23, $0x3;
	[dreg:$0x5] =	wrdreg s21  }
0x14: {  	s23 =	simm.s32 $0x13B40;
	s26 =	simm.s32 $0x13FC0;
	[dreg:$0x8] =	wrdreg s24  }
0x15: {  	s8 =	sadd.s32 s8, s1;
	s1 =	sadd.s32 $0x1A200, s1;
	[dreg:$0xa] =	wrdreg s25  }
0x16: {  	s4 =	sadd.s32 s4, s7;
	s21 =	simm.s32 $0x13AC0;
	[dreg:$0xd] =	wrdreg s12  }
0x17: {  	s24 =	simm.s32 $0x13F40;
	s25 =	simm.s32 $0x13BC0;
	[dreg:$0x7] =	wrdreg s1  }
0x18: {  	s7 =	simm.s32 $0x141C0;
	[dreg:$0x9] =	wrdreg s4;
	s10 =	sadd.s32 $0x4B600, s8  }
0x19: {  	s11 =	sadd.s32 $0x41600, s8;
	s4 =	sshrl.u32 @!p0 s14, $0x3;
	s1 =	simm.s32 $0x13D40  }
0x1a: {  	s8 =	simm.s32 $0x0;
	[dreg:$0xc] =	wrdreg s4;
	s4 =	simm.s32 $0x14140  }
.LBB2_1:
0x1b: {  	s5 =	rddreg [dreg:$0x5]  }
0x1c: {  	s9 =	rddreg [dreg:$0xb]  }
0x1d: {  	[spmem:s9], [sflag:s15] =	dma.local [hbm:s5], $0x1380  }
0x1e: {  	_ =	swait.ge [sflag:s13], $0x1380  }
0x1f: {  	[sflag:s13] =	ssyncset.done $0x0;
	s5 =	rddreg [dreg:$0x7]  }
0x20: {  	s9 =	rddreg [dreg:$0xc];
	[sflag:s13] =	ssyncadd.s32 $0xFFFFEC80  }
0x21: {  	[spmem:s9], [sflag:s15] =	dma.local @!p0 [hbm:s5], $0x80  }
0x22: {  	s9 =	simm.s32 @!p0 $0x2  }
0x23: {  	_ =	swait.ge @!p0 [sflag:s9], $0x80  }
0x24: {  	[sflag:s9] =	ssyncset.done @!p0 $0x0  }
0x25: {  	[sflag:s9] =	ssyncadd.s32 @!p0 $0xFFFFFF80;
	s9 =	rddreg [dreg:$0x8]  }
0x26: {  	[spmem:s12], [sflag:s15] =	dma.local [hbm:s9], $0x13C0  }
0x27: {  	_ =	swait.ge [sflag:s13], $0x13C0  }
0x28: {  	[sflag:s13] =	ssyncset.done $0x0  }
0x29: {  	[sflag:s13] =	ssyncadd.s32 $0xFFFFEC40  }
0x2a: {  	s14 =	sadd.s32 $0x0, s11;
	[bflag:$0x0] =	sbarrier.arrive $0xFFFF  }
0x2b: {  	[tilespmem:s16], [sflag:$0x2] =	stream.linear.gather [hbm4b:s14+s3], $0x400, $0x38;
	[tilespmem:$0x16240] =	vst v63  }
0x2c: {  	_ =	swait.ge [sflag:s13], $0x400  }
0x2d: {  	[sflag:s13] =	ssyncset.done $0x0  }
0x2e: {  	s15 =	sadd.s32 $0x0, s10;
	[sflag:s13] =	ssyncadd.s32 $0xFFFFFC00  }
0x2f: {  	[tilespmem:s17], [sflag:$0x2] =	stream.linear.gather [hbm4b:s15+s3], $0x400, $0x38;
	[tilespmem:$0x16240] =	vst v63  }
0x30: {  	_ =	swait.ge [sflag:s13], $0x400  }
0x31: {  	[sflag:s13] =	ssyncset.done $0x0  }
0x32: {  	[sflag:s13] =	ssyncadd.s32 $0xFFFFFC00  }
0x33: {  	[tilespmem:s19], [sflag:$0x1] =	stream.indirect.gather [spmem:s0], $0x40, s16, s18, $0xb8;
	[tilespmem:$0x16240] =	vst v63  }
0x34: {  	_ =	swait.ge [sflag:s20], $0x2000  }
0x35: {  	[sflag:s20] =	ssyncset.done $0x0  }
0x36: {  	[sflag:s20] =	ssyncadd.s32 $0xFFFFE000  }
0x37: {  	[spmem:s2] =	stream.indirect.scatter.add.f32 [tilespmem:s19], [sflag:$0x2], $0x40, s17, s18, $0xb8;
	[tilespmem:$0x16240] =	vst v63  }
0x38: {  	_ =	swait.ge [sflag:s13], $0x2000  }
0x39: {  	[sflag:s13] =	ssyncset.done $0x0  }
0x3a: {  	[sflag:s13] =	ssyncadd.s32 $0xFFFFE000  }
0x3b: {  	[tilespmem:s19], [sflag:$0x1] =	stream.indirect.gather [spmem:s0], $0x40, s21, s18, $0xb8;
	[tilespmem:$0x16240] =	vst v63  }
0x3c: {  	_ =	swait.ge [sflag:s20], $0x2000  }
0x3d: {  	[sflag:s20] =	ssyncset.done $0x0  }
0x3e: {  	[sflag:s20] =	ssyncadd.s32 $0xFFFFE000  }
0x3f: {  	[spmem:s2] =	stream.indirect.scatter.add.f32 [tilespmem:s19], [sflag:$0x2], $0x40, s22, s18, $0xb8;
	[tilespmem:$0x16240] =	vst v63  }
0x40: {  	_ =	swait.ge [sflag:s13], $0x2000  }
0x41: {  	[sflag:s13] =	ssyncset.done $0x0  }
0x42: {  	[sflag:s13] =	ssyncadd.s32 $0xFFFFE000  }
0x43: {  	[tilespmem:s19], [sflag:$0x1] =	stream.indirect.gather [spmem:s0], $0x40, s23, s18, $0xb8;
	[tilespmem:$0x16240] =	vst v63  }
0x44: {  	_ =	swait.ge [sflag:s20], $0x2000  }
0x45: {  	[sflag:s20] =	ssyncset.done $0x0  }
0x46: {  	[sflag:s20] =	ssyncadd.s32 $0xFFFFE000  }
0x47: {  	[spmem:s2] =	stream.indirect.scatter.add.f32 [tilespmem:s19], [sflag:$0x2], $0x40, s24, s18, $0xb8;
	[tilespmem:$0x16240] =	vst v63  }
0x48: {  	_ =	swait.ge [sflag:s13], $0x2000  }
0x49: {  	[sflag:s13] =	ssyncset.done $0x0  }
0x4a: {  	[sflag:s13] =	ssyncadd.s32 $0xFFFFE000  }
0x4b: {  	[tilespmem:s19], [sflag:$0x1] =	stream.indirect.gather [spmem:s0], $0x40, s25, s18, $0xb8;
	[tilespmem:$0x16240] =	vst v63  }
0x4c: {  	_ =	swait.ge [sflag:s20], $0x2000  }
0x4d: {  	[sflag:s20] =	ssyncset.done $0x0  }
0x4e: {  	[sflag:s20] =	ssyncadd.s32 $0xFFFFE000  }
0x4f: {  	[spmem:s2] =	stream.indirect.scatter.add.f32 [tilespmem:s19], [sflag:$0x2], $0x40, s26, s18, $0xb8;
	[tilespmem:$0x16240] =	vst v63  }
0x50: {  	_ =	swait.ge [sflag:s13], $0x2000  }
0x51: {  	[sflag:s13] =	ssyncset.done $0x0  }
0x52: {  	[sflag:s13] =	ssyncadd.s32 $0xFFFFE000  }
0x53: {  	[tilespmem:s19], [sflag:$0x1] =	stream.indirect.gather [spmem:s0], $0x40, s28, s18, $0xb8;
	[tilespmem:$0x16240] =	vst v63  }
0x54: {  	_ =	swait.ge [sflag:s20], $0x2000  }
0x55: {  	[sflag:s20] =	ssyncset.done $0x0  }
0x56: {  	[sflag:s20] =	ssyncadd.s32 $0xFFFFE000  }
0x57: {  	[spmem:s2] =	stream.indirect.scatter.add.f32 [tilespmem:s19], [sflag:$0x2], $0x40, s29, s18, $0xb8;
	[tilespmem:$0x16240] =	vst v63  }
0x58: {  	_ =	swait.ge [sflag:s13], $0x2000  }
0x59: {  	[sflag:s13] =	ssyncset.done $0x0  }
0x5a: {  	[sflag:s13] =	ssyncadd.s32 $0xFFFFE000  }
0x5b: {  	[tilespmem:s19], [sflag:$0x1] =	stream.indirect.gather [spmem:s0], $0x40, s30, s18, $0xb8;
	[tilespmem:$0x16240] =	vst v63  }
0x5c: {  	_ =	swait.ge [sflag:s20], $0x2000  }
0x5d: {  	[sflag:s20] =	ssyncset.done $0x0  }
0x5e: {  	[sflag:s20] =	ssyncadd.s32 $0xFFFFE000  }
0x5f: {  	[spmem:s2] =	stream.indirect.scatter.add.f32 [tilespmem:s19], [sflag:$0x2], $0x40, s31, s18, $0xb8;
	[tilespmem:$0x16240] =	vst v63  }
0x60: {  	_ =	swait.ge [sflag:s13], $0x2000  }
0x61: {  	[sflag:s13] =	ssyncset.done $0x0  }
0x62: {  	[sflag:s13] =	ssyncadd.s32 $0xFFFFE000  }
0x63: {  	[tilespmem:s19], [sflag:$0x1] =	stream.indirect.gather [spmem:s0], $0x40, s1, s18, $0xb8;
	[tilespmem:$0x16240] =	vst v63  }
0x64: {  	_ =	swait.ge [sflag:s20], $0x2000  }
0x65: {  	[sflag:s20] =	ssyncset.done $0x0  }
0x66: {  	[sflag:s20] =	ssyncadd.s32 $0xFFFFE000  }
0x67: {  	[spmem:s2] =	stream.indirect.scatter.add.f32 [tilespmem:s19], [sflag:$0x2], $0x40, s4, s18, $0xb8;
	[tilespmem:$0x16240] =	vst v63  }
0x68: {  	_ =	swait.ge [sflag:s13], $0x2000  }
0x69: {  	[sflag:s13] =	ssyncset.done $0x0  }
0x6a: {  	[sflag:s13] =	ssyncadd.s32 $0xFFFFE000  }
0x6b: {  	[tilespmem:s19], [sflag:$0x1] =	stream.indirect.gather [spmem:s0], $0x40, s6, s18, $0xb8;
	[tilespmem:$0x16240] =	vst v63  }
0x6c: {  	_ =	swait.ge [sflag:s20], $0x2000  }
0x6d: {  	[sflag:s20] =	ssyncset.done $0x0  }
0x6e: {  	[sflag:s20] =	ssyncadd.s32 $0xFFFFE000  }
0x6f: {  	[spmem:s2] =	stream.indirect.scatter.add.f32 [tilespmem:s19], [sflag:$0x2], $0x40, s7, s18, $0xb8;
	[tilespmem:$0x16240] =	vst v63  }
0x70: {  	_ =	swait.ge [sflag:s13], $0x2000  }
0x71: {  	s9 =	simm.s32 $0x80;
	s12 =	simm.s32 $0x100;
	[sflag:s13] =	ssyncset.done $0x0  }
.LBB2_2:
0x72: {  	s15 =	sadd.s32 s9, s11  }
0x73: {  	[sflag:s13] =	ssyncadd.s32 $0xFFFFE000;
	s5 =	smov.u32 s12;
	s14 =	sadd.s32 $0x80, s12  }
0x74: {  	[tilespmem:s16], [sflag:$0x2] =	stream.linear.gather [hbm4b:s15+s3], $0x400, $0x38;
	[tilespmem:$0x16240] =	vst v63  }
0x75: {  	p1 =	sne.s32 s12, $0x480;
	_ =	swait.ge [sflag:s13], $0x400  }
0x76: {  	[sflag:s13] =	ssyncset.done $0x0  }
0x77: {  	s12 =	sadd.s32 s9, s10;
	s9 =	smov.u32 s5;
	[sflag:s13] =	ssyncadd.s32 $0xFFFFFC00  }
0x78: {  	[tilespmem:s17], [sflag:$0x2] =	stream.linear.gather [hbm4b:s12+s3], $0x400, $0x38;
	[tilespmem:$0x16240] =	vst v63  }
0x79: {  	_ =	swait.ge [sflag:s13], $0x400  }
0x7a: {  	[sflag:s13] =	ssyncset.done $0x0  }
0x7b: {  	[sflag:s13] =	ssyncadd.s32 $0xFFFFFC00  }
0x7c: {  	[tilespmem:s19], [sflag:$0x1] =	stream.indirect.gather [spmem:s0], $0x40, s16, s18, $0xb8;
	[tilespmem:$0x16240] =	vst v63  }
0x7d: {  	_ =	swait.ge [sflag:s20], $0x2000  }
0x7e: {  	[sflag:s20] =	ssyncset.done $0x0  }
0x7f: {  	[sflag:s20] =	ssyncadd.s32 $0xFFFFE000  }
0x80: {  	[spmem:s2] =	stream.indirect.scatter.add.f32 [tilespmem:s19], [sflag:$0x2], $0x40, s17, s18, $0xb8;
	[tilespmem:$0x16240] =	vst v63  }
0x81: {  	_ =	swait.ge [sflag:s13], $0x2000  }
0x82: {  	[sflag:s13] =	ssyncset.done $0x0  }
0x83: {  	[sflag:s13] =	ssyncadd.s32 $0xFFFFE000  }
0x84: {  	[tilespmem:s19], [sflag:$0x1] =	stream.indirect.gather [spmem:s0], $0x40, s21, s18, $0xb8;
	[tilespmem:$0x16240] =	vst v63  }
0x85: {  	_ =	swait.ge [sflag:s20], $0x2000  }
0x86: {  	[sflag:s20] =	ssyncset.done $0x0  }
0x87: {  	[sflag:s20] =	ssyncadd.s32 $0xFFFFE000  }
0x88: {  	[spmem:s2] =	stream.indirect.scatter.add.f32 [tilespmem:s19], [sflag:$0x2], $0x40, s22, s18, $0xb8;
	[tilespmem:$0x16240] =	vst v63  }
0x89: {  	_ =	swait.ge [sflag:s13], $0x2000  }
0x8a: {  	[sflag:s13] =	ssyncset.done $0x0  }
0x8b: {  	[sflag:s13] =	ssyncadd.s32 $0xFFFFE000  }
0x8c: {  	[tilespmem:s19], [sflag:$0x1] =	stream.indirect.gather [spmem:s0], $0x40, s23, s18, $0xb8;
	[tilespmem:$0x16240] =	vst v63  }
0x8d: {  	_ =	swait.ge [sflag:s20], $0x2000  }
0x8e: {  	[sflag:s20] =	ssyncset.done $0x0  }
0x8f: {  	[sflag:s20] =	ssyncadd.s32 $0xFFFFE000  }
0x90: {  	[spmem:s2] =	stream.indirect.scatter.add.f32 [tilespmem:s19], [sflag:$0x2], $0x40, s24, s18, $0xb8;
	[tilespmem:$0x16240] =	vst v63  }
0x91: {  	_ =	swait.ge [sflag:s13], $0x2000  }
0x92: {  	[sflag:s13] =	ssyncset.done $0x0  }
0x93: {  	[sflag:s13] =	ssyncadd.s32 $0xFFFFE000  }
0x94: {  	[tilespmem:s19], [sflag:$0x1] =	stream.indirect.gather [spmem:s0], $0x40, s25, s18, $0xb8;
	[tilespmem:$0x16240] =	vst v63  }
0x95: {  	_ =	swait.ge [sflag:s20], $0x2000  }
0x96: {  	[sflag:s20] =	ssyncset.done $0x0  }
0x97: {  	[sflag:s20] =	ssyncadd.s32 $0xFFFFE000  }
0x98: {  	[spmem:s2] =	stream.indirect.scatter.add.f32 [tilespmem:s19], [sflag:$0x2], $0x40, s26, s18, $0xb8;
	[tilespmem:$0x16240] =	vst v63  }
0x99: {  	_ =	swait.ge [sflag:s13], $0x2000  }
0x9a: {  	[sflag:s13] =	ssyncset.done $0x0  }
0x9b: {  	[sflag:s13] =	ssyncadd.s32 $0xFFFFE000  }
0x9c: {  	[tilespmem:s19], [sflag:$0x1] =	stream.indirect.gather [spmem:s0], $0x40, s28, s18, $0xb8;
	[tilespmem:$0x16240] =	vst v63  }
0x9d: {  	_ =	swait.ge [sflag:s20], $0x2000  }
0x9e: {  	[sflag:s20] =	ssyncset.done $0x0  }
0x9f: {  	[sflag:s20] =	ssyncadd.s32 $0xFFFFE000  }
0xa0: {  	[spmem:s2] =	stream.indirect.scatter.add.f32 [tilespmem:s19], [sflag:$0x2], $0x40, s29, s18, $0xb8;
	[tilespmem:$0x16240] =	vst v63  }
0xa1: {  	_ =	swait.ge [sflag:s13], $0x2000  }
0xa2: {  	[sflag:s13] =	ssyncset.done $0x0  }
0xa3: {  	[sflag:s13] =	ssyncadd.s32 $0xFFFFE000  }
0xa4: {  	[tilespmem:s19], [sflag:$0x1] =	stream.indirect.gather [spmem:s0], $0x40, s30, s18, $0xb8;
	[tilespmem:$0x16240] =	vst v63  }
0xa5: {  	_ =	swait.ge [sflag:s20], $0x2000  }
0xa6: {  	[sflag:s20] =	ssyncset.done $0x0  }
0xa7: {  	[sflag:s20] =	ssyncadd.s32 $0xFFFFE000  }
0xa8: {  	[spmem:s2] =	stream.indirect.scatter.add.f32 [tilespmem:s19], [sflag:$0x2], $0x40, s31, s18, $0xb8;
	[tilespmem:$0x16240] =	vst v63  }
0xa9: {  	_ =	swait.ge [sflag:s13], $0x2000  }
0xaa: {  	[sflag:s13] =	ssyncset.done $0x0  }
0xab: {  	[sflag:s13] =	ssyncadd.s32 $0xFFFFE000  }
0xac: {  	[tilespmem:s19], [sflag:$0x1] =	stream.indirect.gather [spmem:s0], $0x40, s1, s18, $0xb8;
	[tilespmem:$0x16240] =	vst v63  }
0xad: {  	_ =	swait.ge [sflag:s20], $0x2000  }
0xae: {  	[sflag:s20] =	ssyncset.done $0x0  }
0xaf: {  	[sflag:s20] =	ssyncadd.s32 $0xFFFFE000  }
0xb0: {  	[spmem:s2] =	stream.indirect.scatter.add.f32 [tilespmem:s19], [sflag:$0x2], $0x40, s4, s18, $0xb8;
	[tilespmem:$0x16240] =	vst v63  }
0xb1: {  	_ =	swait.ge [sflag:s13], $0x2000  }
0xb2: {  	[sflag:s13] =	ssyncset.done $0x0  }
0xb3: {  	[sflag:s13] =	ssyncadd.s32 $0xFFFFE000  }
0xb4: {  	[tilespmem:s19], [sflag:$0x1] =	stream.indirect.gather [spmem:s0], $0x40, s6, s18, $0xb8;
	[tilespmem:$0x16240] =	vst v63  }
0xb5: {  	_ =	swait.ge [sflag:s20], $0x2000  }
.Ltmp0:
0xb6: {  	[sflag:s20] =	ssyncset.done $0x0;
	(pc) =	sbr.rel @p1 .LBB2_2-.Ltmp0, $4  }
0xb7: {  	[sflag:s20] =	ssyncadd.s32 $0xFFFFE000  }
0xb8: {  	[spmem:s2] =	stream.indirect.scatter.add.f32 [tilespmem:s19], [sflag:$0x2], $0x40, s7, s18, $0xb8;
	[tilespmem:$0x16240] =	vst v63  }
0xb9: {  	_ =	swait.ge [sflag:s13], $0x2000  }
0xba: {  	s12 =	smov.u32 s14;
	[sflag:s13] =	ssyncset.done $0x0  }
0xbb: {  	s5 =	sadd.s32 s9, s11;
	[sflag:s13] =	ssyncadd.s32 $0xFFFFE000  }
0xbc: {  	[tilespmem:s16], [sflag:$0x2] =	stream.linear.gather [hbm4b:s5+s3], $0x400, $0x38;
	[tilespmem:$0x16240] =	vst v63  }
0xbd: {  	_ =	swait.ge [sflag:s13], $0x400  }
0xbe: {  	[sflag:s13] =	ssyncset.done $0x0  }
0xbf: {  	s15 =	sadd.s32 s9, s10;
	[sflag:s13] =	ssyncadd.s32 $0xFFFFFC00  }
0xc0: {  	[tilespmem:s17], [sflag:$0x2] =	stream.linear.gather [hbm4b:s15+s3], $0x400, $0x38;
	[tilespmem:$0x16240] =	vst v63  }
0xc1: {  	_ =	swait.ge [sflag:s13], $0x400  }
0xc2: {  	[sflag:s13] =	ssyncset.done $0x0  }
0xc3: {  	[sflag:s13] =	ssyncadd.s32 $0xFFFFFC00  }
0xc4: {  	[tilespmem:s19], [sflag:$0x1] =	stream.indirect.gather [spmem:s0], $0x40, s16, s18, $0xb8;
	[tilespmem:$0x16240] =	vst v63  }
0xc5: {  	_ =	swait.ge [sflag:s20], $0x2000  }
0xc6: {  	[sflag:s20] =	ssyncset.done $0x0  }
0xc7: {  	[sflag:s20] =	ssyncadd.s32 $0xFFFFE000  }
0xc8: {  	[spmem:s2] =	stream.indirect.scatter.add.f32 [tilespmem:s19], [sflag:$0x2], $0x40, s17, s18, $0xb8;
	[tilespmem:$0x16240] =	vst v63  }
0xc9: {  	_ =	swait.ge [sflag:s13], $0x2000  }
0xca: {  	[sflag:s13] =	ssyncset.done $0x0  }
0xcb: {  	[sflag:s13] =	ssyncadd.s32 $0xFFFFE000  }
0xcc: {  	[tilespmem:s19], [sflag:$0x1] =	stream.indirect.gather [spmem:s0], $0x40, s21, s18, $0xb8;
	[tilespmem:$0x16240] =	vst v63  }
0xcd: {  	_ =	swait.ge [sflag:s20], $0x2000  }
0xce: {  	[sflag:s20] =	ssyncset.done $0x0  }
0xcf: {  	[sflag:s20] =	ssyncadd.s32 $0xFFFFE000  }
0xd0: {  	[spmem:s2] =	stream.indirect.scatter.add.f32 [tilespmem:s19], [sflag:$0x2], $0x40, s22, s18, $0xb8;
	[tilespmem:$0x16240] =	vst v63  }
0xd1: {  	_ =	swait.ge [sflag:s13], $0x2000  }
0xd2: {  	[sflag:s13] =	ssyncset.done $0x0  }
0xd3: {  	[sflag:s13] =	ssyncadd.s32 $0xFFFFE000  }
0xd4: {  	[tilespmem:s19], [sflag:$0x1] =	stream.indirect.gather [spmem:s0], $0x40, s23, s18, $0xb8;
	[tilespmem:$0x16240] =	vst v63  }
0xd5: {  	_ =	swait.ge [sflag:s20], $0x2000  }
0xd6: {  	[sflag:s20] =	ssyncset.done $0x0  }
0xd7: {  	[sflag:s20] =	ssyncadd.s32 $0xFFFFE000  }
0xd8: {  	[spmem:s2] =	stream.indirect.scatter.add.f32 [tilespmem:s19], [sflag:$0x2], $0x40, s24, s18, $0xb8;
	[tilespmem:$0x16240] =	vst v63  }
0xd9: {  	_ =	swait.ge [sflag:s13], $0x2000  }
0xda: {  	[sflag:s13] =	ssyncset.done $0x0  }
0xdb: {  	[sflag:s13] =	ssyncadd.s32 $0xFFFFE000  }
0xdc: {  	[tilespmem:s19], [sflag:$0x1] =	stream.indirect.gather [spmem:s0], $0x40, s25, s18, $0xb8;
	[tilespmem:$0x16240] =	vst v63  }
0xdd: {  	_ =	swait.ge [sflag:s20], $0x2000  }
0xde: {  	[sflag:s20] =	ssyncset.done $0x0  }
0xdf: {  	[sflag:s20] =	ssyncadd.s32 $0xFFFFE000  }
0xe0: {  	[spmem:s2] =	stream.indirect.scatter.add.f32 [tilespmem:s19], [sflag:$0x2], $0x40, s26, s18, $0xb8;
	[tilespmem:$0x16240] =	vst v63  }
0xe1: {  	_ =	swait.ge [sflag:s13], $0x2000  }
0xe2: {  	[sflag:s13] =	ssyncset.done $0x0  }
0xe3: {  	[sflag:s13] =	ssyncadd.s32 $0xFFFFE000  }
0xe4: {  	[tilespmem:s19], [sflag:$0x1] =	stream.indirect.gather [spmem:s0], $0x40, s28, s18, $0xb8;
	[tilespmem:$0x16240] =	vst v63  }
0xe5: {  	_ =	swait.ge [sflag:s20], $0x2000  }
0xe6: {  	[sflag:s20] =	ssyncset.done $0x0  }
0xe7: {  	[sflag:s20] =	ssyncadd.s32 $0xFFFFE000  }
0xe8: {  	[spmem:s2] =	stream.indirect.scatter.add.f32 [tilespmem:s19], [sflag:$0x2], $0x40, s29, s18, $0xb8;
	[tilespmem:$0x16240] =	vst v63  }
0xe9: {  	_ =	swait.ge [sflag:s13], $0x2000  }
0xea: {  	[sflag:s13] =	ssyncset.done $0x0  }
0xeb: {  	[sflag:s13] =	ssyncadd.s32 $0xFFFFE000  }
0xec: {  	[tilespmem:s19], [sflag:$0x1] =	stream.indirect.gather [spmem:s0], $0x40, s30, s18, $0xb8;
	[tilespmem:$0x16240] =	vst v63  }
0xed: {  	_ =	swait.ge [sflag:s20], $0x2000  }
0xee: {  	[sflag:s20] =	ssyncset.done $0x0  }
0xef: {  	[sflag:s20] =	ssyncadd.s32 $0xFFFFE000  }
0xf0: {  	[spmem:s2] =	stream.indirect.scatter.add.f32 [tilespmem:s19], [sflag:$0x2], $0x40, s31, s18, $0xb8;
	[tilespmem:$0x16240] =	vst v63  }
0xf1: {  	_ =	swait.ge [sflag:s13], $0x2000  }
0xf2: {  	[sflag:s13] =	ssyncset.done $0x0  }
0xf3: {  	[sflag:s13] =	ssyncadd.s32 $0xFFFFE000  }
0xf4: {  	[tilespmem:s19], [sflag:$0x1] =	stream.indirect.gather [spmem:s0], $0x40, s1, s18, $0xb8;
	[tilespmem:$0x16240] =	vst v63  }
0xf5: {  	_ =	swait.ge [sflag:s20], $0x2000  }
0xf6: {  	[sflag:s20] =	ssyncset.done $0x0  }
0xf7: {  	[sflag:s20] =	ssyncadd.s32 $0xFFFFE000  }
0xf8: {  	[spmem:s2] =	stream.indirect.scatter.add.f32 [tilespmem:s19], [sflag:$0x2], $0x40, s4, s18, $0xb8;
	[tilespmem:$0x16240] =	vst v63  }
0xf9: {  	_ =	swait.ge [sflag:s13], $0x2000  }
0xfa: {  	[sflag:s13] =	ssyncset.done $0x0  }
0xfb: {  	[sflag:s13] =	ssyncadd.s32 $0xFFFFE000  }
0xfc: {  	[tilespmem:s19], [sflag:$0x1] =	stream.indirect.gather [spmem:s0], $0x40, s6, s18, $0xb8;
	[tilespmem:$0x16240] =	vst v63  }
0xfd: {  	_ =	swait.ge [sflag:s20], $0x2000  }
0xfe: {  	[sflag:s20] =	ssyncset.done $0x0  }
0xff: {  	[sflag:s20] =	ssyncadd.s32 $0xFFFFE000  }
0x100: {  	[spmem:s2] =	stream.indirect.scatter.add.f32 [tilespmem:s19], [sflag:$0x2], $0x40, s7, s18, $0xb8;
	[tilespmem:$0x16240] =	vst v63  }
0x101: {  	_ =	swait.ge [sflag:s13], $0x2000  }
0x102: {  	[sflag:s13] =	ssyncset.done $0x0  }
0x103: {  	[sflag:s13] =	ssyncadd.s32 $0xFFFFE000  }
0x104: {  	[bflag:$0x0] =	sbarrier.arrive $0xFFFF  }
0x105: {  	s15 =	rddreg [dreg:$0x6]  }
0x106: {  	s9 =	rddreg [dreg:$0x9]  }
0x107: {  	s12 =	rddreg [dreg:$0xd]  }
0x108: {  	[hbm:s9], [sflag:s15] =	dma.local [spmem:s12], $0x13C0  }
0x109: {  	_ =	swait.ge [sflag:s13], $0x13C0  }
0x10a: {  	s8 =	sadd.s32 $0x1, s8;
	s14 =	rddreg [dreg:$0xa]  }
0x10b: {  	p1 =	sne.s32 s8, s14  }
.Ltmp1:
0x10c: {  	_ = 	snop;
	(pc) =	sbr.rel @p1 .LBB2_1-.Ltmp1, $3  }
0x10d: {  	_ =	sdelay $0x1  }
0x10e: {  	[sflag:s13] =	ssyncset.done $0x0  }
0x10f: {  	[sflag:s13] =	ssyncadd.s32 $0xFFFFEC40  }
0x110: {  	_ =	sfence.sel $0x180000  }
0x111: {  	[bflag:$0x0] =	sbarrier.arrive $0xFFFF  }
0x112: {  	_ =	strace $0x90000050  }
0x113: {  	[bflag:$0x2] =	sbarrier.arrive $0xFFFF  }
0x114: {  	s0 =	rddreg [dreg:$0x4]  }
0x115: {  	s0 =	sadd.s32 @!p0 $0x100000, s0  }
0x116: {  	[sflag:s0] =	ssyncadd.tile.s32 @!p0 $0x1;
	_ =	shalt  }
.Lfunc_end2:
_tile_overlayer_lowered:
.L_overlay_start_2:
0x117: {  	(tag) =	ssettag $0x2  }
0x118: {  	s0 =	rddreg [dreg:$0x0];
	s2 =	stileid.u32  }
0x119: {  	s1 =	rddreg [dreg:$0x1];
	p0 =	sne.s32 s2, $0x0  }
0x11a: {  	s3 =	rddreg [dreg:$0x2];
	[bflag:$0x3] =	sbarrier.arrive $0xFFFF;
	s2 =	simm.s32 @!p0 $0x1C02  }
0x11b: {  	[timem:s3], [sflag:s2] =	dma.local @!p0 [hbm:s0], s1  }
0x11c: {  	s0 =	simm.s32 @!p0 $0x2  }
0x11d: {  	_ =	swait.ge @!p0 [sflag:s0], s1  }
0x11e: {  	s1 =	ssub.s32 @!p0 $0x0, s1;
	[sflag:s0] =	ssyncset.done @!p0 $0x0  }
0x11f: {  	[sflag:s0] =	ssyncadd.s32 @!p0 s1  }
0x120: {  	[bflag:$0x3] =	sbarrier.arrive $0xFFFF  }
0x121: {  	_ =	shalt  }

// kernel: kernel.32.cloned.1.call-start
scs
__scs_entry_jumppad:
0x0: {  	(pc) =	sbr.rel $0x88, $3  }
0x1: {  	(tag) =	ssettag $0x0;
	lr =	simm.s32 $0x1  }
0x2: {  	[smem:$0x3F88] =	sst lr;
	_ =	strace $0xD0000000  }
0x3: {  	_ = 	snop  }
0x4: {  	_ = 	snop  }
0x5: {  	_ = 	snop  }
0x6: {  	_ = 	snop  }
0x7: {  	_ = 	snop  }
__scs_overlays_trampoline_lowered:
0x8: {  	[smem:$0x3F97] =	sst s0  }
0x9: {  	[smem:$0x3F98] =	sst s1  }
0xa: {  	[smem:$0x3F99] =	sst s2  }
0xb: {  	[smem:$0x3F9A] =	sst s3  }
0xc: {  	[smem:$0x3F9B] =	sst s4  }
0xd: {  	[smem:$0x3F9C] =	sst s5  }
0xe: {  	[smem:$0x3F9D] =	sst s6  }
0xf: {  	[smem:$0x3F9E] =	sst s7  }
0x10: {  	[smem:$0x3F9F] =	sst s8  }
0x11: {  	[smem:$0x3FA0] =	sst s9;
	s0 =	simm.s32 @!p0 $0x0  }
0x12: {  	s1 =	sld [smem:$0x3F86];
	s0 =	simm.s32 @p0 $0x1  }
0x13: {  	[smem:$0x3FA1] =	sst s0;
	s0 =	simm.s32 @!p1 $0x0  }
0x14: {  	s2 =	sld [smem:$0x3F85];
	s0 =	simm.s32 @p1 $0x1  }
0x15: {  	[smem:$0x3FA2] =	sst s0;
	s0 =	simm.s32 @!p2 $0x0  }
0x16: {  	s3 =	sld [smem:$0x3FDB];
	s0 =	simm.s32 @p2 $0x1  }
0x17: {  	s4 =	simm.s32 $0x1BF5;
	[smem:$0x3FA4] =	sst s0  }
0x18: {  	s0 =	sld [smem:$0x3F87];
	_ =	swait.ge [sflag:s4], $0x0  }
0x19: {  	s7 =	sld [smem:$0x3F88]  }
0x1a: {  	s8 =	sadd.s32 $0xFFFFE003, lr  }
0x1b: {  	s9 =	sadd.s32 $0xFFFFFEF7, lr;
	s5 =	simm.s32 $0xFFFFFFFF;
	p2 =	slt.u32 s8, $0xFFFFF086  }
0x1c: {  	p1 =	slt.u32 s9, $0xF7A;
	s5 =	simm.s32 @!p2 $0x0  }
0x1d: {  	s5 =	simm.s32 @p1 $0x1;
	p0 =	seq.s32 s7, s2  }
0x1e: {  	s7 =	smul.u32 @!p0 $0xF7A, s2;
	p2 =	seq.s32 @!p0 s5, $0x0  }
0x1f: {  	s9 =	smul.u32 $0xF7A, s1;
	s8 =	simm.s32 @!p0 $0x1BF5;
	p2 =	por !p2, p0  }
0x20: {  	[sflag:s8] =	ssyncset.s32 @!p0 $0xFFFFF086;
	s6 =	sadd.s32 @!p0 s3, s7;
	s7 =	simm.s32 @!p0 $0x108  }
0x21: {  	s3 =	sadd.s32 s3, s9;
	s6 =	sadd.s32 @!p0 $0x88, s6;
	s7 =	simm.s32 @p2 $0x1082  }
0x22: {  	[simem:s7], [sflag:s8] =	dma.local @!p0 [hbm:s6], $0xF7A  }
0x23: {  	s9 =	sor.u32 $0xD0000000, s2;
	s6 =	simm.s32 $0x108;
	_ =	swait.ge @!p0 [sflag:s8], $0x0  }
0x24: {  	s3 =	sadd.s32 $0x88, s3;
	s6 =	simm.s32 @!p1 $0x1082;
	[sflag:s4] =	ssyncset.s32 $0xFFFFF086  }
0x25: {  	[simem:s6], [sflag:s4] =	dma.local [hbm:s3], $0xF7A  }
0x26: {  	[smem:$0x3F88] =	sst s1;
	(tag) =	ssettag s2;
	_ =	strace s9  }
0x27: {  	s1 =	sld [smem:$0x3F98]  }
0x28: {  	s2 =	sld [smem:$0x3F99]  }
0x29: {  	s4 =	sld [smem:$0x3F9B]  }
0x2a: {  	p0 =	seq.s32 s5, $0x0;
	s5 =	sld [smem:$0x3F9C]  }
0x2b: {  	s6 =	sld [smem:$0x3F9D]  }
0x2c: {  	s7 =	sld [smem:$0x3F9E]  }
0x2d: {  	s3 =	simm.s32 $0x108;
	s8 =	sld [smem:$0x3F9F]  }
0x2e: {  	s3 =	simm.s32 @!p0 $0x1082;
	s9 =	sld [smem:$0x3FA0]  }
0x2f: {  	lr =	sadd.s32 s0, s3;
	s0 =	sld [smem:$0x3F97]  }
0x30: {  	s3 =	sld [smem:$0x3F9A]  }
0x31: {  	[smem:$0x3FA3] =	sst s10  }
0x32: {  	s10 =	sld [smem:$0x3FA1];
	_ =	sdelay $0x3  }
0x33: {  	p0 =	seq.s32 s10, $0x1;
	s10 =	sld [smem:$0x3FA3];
	_ =	sdelay $0x3  }
0x34: {  	[smem:$0x3FA3] =	sst s10  }
0x35: {  	s10 =	sld [smem:$0x3FA2];
	_ =	sdelay $0x3  }
0x36: {  	p1 =	seq.s32 s10, $0x1;
	s10 =	sld [smem:$0x3FA3];
	_ =	sdelay $0x3  }
0x37: {  	[smem:$0x3FA3] =	sst s10  }
0x38: {  	s10 =	sld [smem:$0x3FA4]  }
0x39: {  	_ = 	snop;
	(pc) =	sbr.ind lr, $3  }
0x3a: {  	_ = 	snop  }
0x3b: {  	_ = 	snop  }
0x3c: {  	p2 =	seq.s32 s10, $0x1;
	s10 =	sld [smem:$0x3FA3]  }
0x3d: {  	_ =	shalt  }
0x3e: {  	_ =	shalt  }
0x3f: {  	_ =	shalt  }
0x40: {  	_ =	shalt  }
0x41: {  	_ =	shalt  }
0x42: {  	_ =	shalt  }
0x43: {  	_ =	shalt  }
0x44: {  	_ =	shalt  }
0x45: {  	_ =	shalt  }
0x46: {  	_ =	shalt  }
0x47: {  	_ =	shalt  }
0x48: {  	_ =	shalt  }
0x49: {  	_ =	shalt  }
0x4a: {  	_ =	shalt  }
0x4b: {  	_ =	shalt  }
0x4c: {  	_ =	shalt  }
0x4d: {  	_ =	shalt  }
0x4e: {  	_ =	shalt  }
0x4f: {  	_ =	shalt  }
0x50: {  	_ =	shalt  }
0x51: {  	_ =	shalt  }
0x52: {  	_ =	shalt  }
0x53: {  	_ =	shalt  }
0x54: {  	_ =	shalt  }
0x55: {  	_ =	shalt  }
0x56: {  	_ =	shalt  }
0x57: {  	_ =	shalt  }
0x58: {  	_ =	shalt  }
0x59: {  	_ =	shalt  }
0x5a: {  	_ =	shalt  }
0x5b: {  	_ =	shalt  }
0x5c: {  	_ =	shalt  }
0x5d: {  	_ =	shalt  }
0x5e: {  	_ =	shalt  }
0x5f: {  	_ =	shalt  }
0x60: {  	_ =	shalt  }
0x61: {  	_ =	shalt  }
0x62: {  	_ =	shalt  }
0x63: {  	_ =	shalt  }
0x64: {  	_ =	shalt  }
0x65: {  	_ =	shalt  }
0x66: {  	_ =	shalt  }
0x67: {  	_ =	shalt  }
0x68: {  	_ =	shalt  }
0x69: {  	_ =	shalt  }
0x6a: {  	_ =	shalt  }
0x6b: {  	_ =	shalt  }
0x6c: {  	_ =	shalt  }
0x6d: {  	_ =	shalt  }
0x6e: {  	_ =	shalt  }
0x6f: {  	_ =	shalt  }
0x70: {  	_ =	shalt  }
0x71: {  	_ =	shalt  }
0x72: {  	_ =	shalt  }
0x73: {  	_ =	shalt  }
0x74: {  	_ =	shalt  }
0x75: {  	_ =	shalt  }
0x76: {  	_ =	shalt  }
0x77: {  	_ =	shalt  }
0x78: {  	_ =	shalt  }
0x79: {  	_ =	shalt  }
0x7a: {  	_ =	shalt  }
0x7b: {  	_ =	shalt  }
0x7c: {  	_ =	shalt  }
0x7d: {  	_ =	shalt  }
0x7e: {  	_ =	shalt  }
0x7f: {  	_ =	shalt  }
0x80: {  	_ =	shalt  }
0x81: {  	_ =	shalt  }
0x82: {  	_ =	shalt  }
0x83: {  	_ =	shalt  }
0x84: {  	_ =	shalt  }
0x85: {  	_ =	shalt  }
0x86: {  	_ =	shalt  }
0x87: {  	_ =	shalt  }
.Lfunc_end0:
.L_simem_size_0:
called_computation.4_lowered:
.L_overlay_start_0:
0x88: {  	s2 =	sld [smem:$0x3FD9]  }
0x89: {  	s3 =	sld [smem:$0x3FFE];
	_ =	sdelay $0x1  }
0x8a: {  	s1 =	srdreg.scid  }
0x8b: {  	s0 =	sand.u32 $0x1, s1  }
0x8c: {  	s17 =	sshll.u32 s0, $0xA;
	s2 =	sadd.s32 s3, s2  }
0x8d: {  	s2 =	sadd.s32 s2, s17  }
0x8e: {  	[smem:$0x3FAF] =	sst s2  }
0x8f: {  	_ = 	snop  }
0x90: {  	s18 =	sld [smem:$0x3FD0];
	(tm) =	ssettm $0x1  }
0x91: {  	s19 =	sld [smem:$0x3FFB];
	_ =	sdelay $0x3  }
0x92: {  	_ =	strace s19  }
0x93: {  	s2 =	sld [smem:$0x3FFC];
	_ =	sdelay $0x3  }
0x94: {  	_ =	strace s2  }
0x95: {  	s2 =	sld [smem:$0x3FFD];
	_ =	sdelay $0x3  }
0x96: {  	_ =	strace s2  }
0x97: {  	_ =	strace $0x8FFFFFFF  }
0x98: {  	s20 =	sld [smem:$0x3FDB];
	_ =	sdelay $0x1  }
0x99: {  	s4 =	simm.s32 $_scs_section_size  }
0x9a: {  	s5 =	simm.s32 $_size__tile_overlayer_lowered;
	s6 =	simm.s32 $_tile_overlayer_lowered  }
0x9b: {  	s7 =	simm.s32 $0x1BFF;
	s21 =	sshll.u32 s6, $0x1;
	s4 =	sadd.s32 s4, s20  }
0x9c: {  	s22 =	simm.s32 $0x0;
	s5 =	sshll.u32 s5, $0x1;
	s6 =	sadd.s32 s21, s4  }
0x9d: {  	[timem:s22], [sflag:s7] =	dma.local [hbm:s6], s5  }
0x9e: {  	_ =	swait.ge [sflag:s7], s5  }
0x9f: {  	s5 =	ssub.s32 $0x0, s5;
	[sflag:s7] =	ssyncset.done $0x0  }
0xa0: {  	[sflag:s7] =	ssyncadd.s32 s5;
	_ =	sdelay $0x1  }
0xa1: {  	s23 =	simm.s32 $0x1B8B  }
0xa2: {  	_ =	swait.ge [sflag:s23], $0x1  }
0xa3: {  	[sflag:s23] =	ssyncset.done $0x0  }
0xa4: {  	[sflag:s23] =	ssyncadd.s32 $0xFFFFFFFF  }
0xa5: {  	s5 =	sld [smem:$0x0]  }
0xa6: {  	s6 =	sand.u32 $0xFFFFFFFE, s1  }
0xa7: {  	p0 =	sne.s32 s1, s6  }
0xa8: {  	s6 =	sshll.u32 @p0 s6, $0xE  }
0xa9: {  	s6 =	sadd.s32 @p0 $0x11B8D, s6;
	s7 =	sshll.u32 @p0 s5, $0x11  }
0xaa: {  	s6 =	sor.u32 @p0 s7, s6  }
0xab: {  	[sflag:s6] =	ssyncadd.remote.s32 @p0 $0x1;
	_ =	sdelay $0x1  }
0xac: {  	s6 =	simm.s32 @p0 $0x1B8D  }
0xad: {  	_ =	swait.eq @p0 [sflag:s6], $0x1  }
0xae: {  	[sflag:s6] =	ssyncadd.s32 @p0 $0xFFFFFFFF  }
0xaf: {  	s7 =	sshll.u32 @!p0 s1, $0xE  }
0xb0: {  	s7 =	sor.u32 @!p0 $0x4000, s7;
	s6 =	simm.s32 @!p0 $0x1B8D  }
0xb1: {  	s5 =	sshll.u32 @!p0 s5, $0x11;
	s7 =	sadd.s32 @!p0 $0x11B8D, s7;
	_ =	swait.eq @!p0 [sflag:s6], $0x1  }
0xb2: {  	s5 =	sor.u32 @!p0 s5, s7;
	[sflag:s6] =	ssyncadd.s32 @!p0 $0xFFFFFFFF  }
0xb3: {  	s25 =	simm.s32 $0x1B8E;
	s24 =	sld [smem:$0x3FFE];
	[sflag:s5] =	ssyncadd.remote.s32 @!p0 $0x1  }
0xb4: {  	s26 =	simm.s32 $execute0_lowered;
	[smem:$0x3FD2] =	sst s25  }
0xb5: {  	s6 =	sshll.u32 s26, $0x1;
	_ =	strace $0x80000055;
	[dreg:$0x1] =	wrdreg $0xFFFFFFFF  }
0xb6: {  	s28 =	simm.s32 $_size_execute0_lowered;
	s4 =	sadd.s32 s4, s6;
	[dreg:$0x0] =	wrdreg $0x0  }
0xb7: {  	s6 =	sshll.u32 s28, $0x1;
	[dreg:$0x2] =	wrdreg s4  }
0xb8: {  	[dreg:$0x3] =	wrdreg s6  }
0xb9: {  	[dreg:$0x4] =	wrdreg $0xC0  }
0xba: {  	_ =	task [dreg:s22], $0x5FFFF  }
0xbb: {  	[dreg:$0x1] =	wrdreg $0xFFFFFFFF  }
0xbc: {  	[dreg:$0x0] =	wrdreg $0x60  }
0xbd: {  	[dreg:$0x2] =	wrdreg s24  }
0xbe: {  	[dreg:$0x3] =	wrdreg s18  }
0xbf: {  	[dreg:$0x4] =	wrdreg $0x0  }
0xc0: {  	[dreg:$0x5] =	wrdreg $0x138800  }
0xc1: {  	[dreg:$0x6] =	wrdreg $0x9  }
0xc2: {  	_ =	task.clear_ibuf [dreg:s22], $0x7FFFF;
	_ =	strace $0x90000055  }
0xc3: {  	s29 =	simm.s32 $0x9;
	_ =	strace $0x80000057  }
0xc4: {  	_ =	swait.ge [sflag:s29], $0x1  }
0xc5: {  	[sflag:s29] =	ssyncadd.s32 $0xFFFFFFFF  }
0xc6: {  	_ =	strace $0x90000057  }
0xc7: {  	_ =	sfence  }
0xc8: {  	s30 =	sld [smem:$0x0];
	_ =	sdelay $0x2  }
0xc9: {  	s31 =	sshll.u32 s1, $0xD;
	s1 =	sshrl.u32 s1, $0x2  }
0xca: {  	s4 =	sand.u32 $0x4000, s31;
	s1 =	sadd.s32 s1, s30  }
0xcb: {  	s0 =	sor.u32 s4, s0;
	s1 =	sshll.u32 s1, $0x11  }
0xcc: {  	s0 =	sor.u32 s1, s0  }
0xcd: {  	s0 =	sadd.s32 $0x8F2B, s0  }
0xce: {  	[sflag:s0] =	ssyncadd.remote.s32 $0x1  }
0xcf: {  	_ =	sfence.sel $0xFFFF  }
0xd0: {  	[dreg:$0x0] =	wrdreg $0xFFFFFFFF;
	(pc) =	sbr.abs _section_cstart, $3  }
0xd1: {  	[dreg:$0x1] =	wrdreg $0xFFFFFFFF  }
0xd2: {  	_ =	task.clear_ibuf [dreg:s22], $0x2FFFF;
	_ =	strace $0x9FFFFFFF  }
0xd3: {  	(tm) =	ssettm $0x7FFFFFFF  }
tec
execute0_lowered:
.L_overlay_start_1:
0x0: {  	(tag) =	ssettag $0x1  }
0x1: {  	s1 =	rddreg [dreg:$0x0]  }
0x2: {  	s4 =	rddreg [dreg:$0x1]  }
0x3: {  	s0 =	rddreg [dreg:$0x2];
	s6 =	stileid.u32  }
0x4: {  	s3 =	srdreg.scid;
	s2 =	rddreg [dreg:$0x3];
	s16 =	simm.s32 $0x1D680  }
0x5: {  	s17 =	simm.s32 $0x1DA80;
	s18 =	simm.s32 $0x80;
	s28 =	simm.s32 $0x1D880  }
0x6: {  	s29 =	simm.s32 $0x1DC80;
	s30 =	simm.s32 $0x1D900;
	s5 =	smul.u32 $0x13800, s6  }
0x7: {  	s31 =	simm.s32 $0x1DD00;
	s7 =	sand.u32 $0x1, s3;
	s9 =	smul.u32 $0x2800, s6  }
0x8: {  	s3 =	simm.s32 $0x0;
	s19 =	smul.u32 $0x9E00, s6;
	s22 =	sshll.u32 s6, $0x6  }
0x9: {  	s14 =	sadd.s32 $0x138000, s0;
	p0 =	sne.s32 s6, $0x0;
	s6 =	simm.s32 $0x1DA00  }
0xa: {  	s8 =	smul.u32 $0x28000, s7;
	[smem:$0x7FF] =	sst s3;
	s11 =	ssub.s32 $0x2, s7  }
0xb: {  	s7 =	smul.u32 $0x9E000, s7;
	s15 =	sor.u32 $0x1C02, s22;
	s22 =	simm.s32 $0x1DB00  }
0xc: {  	_ =	strace $0x80000056;
	s10 =	sshrl.u32 s5, $0x3;
	s12 =	sshrl.u32 s19, $0x3  }
0xd: {  	s13 =	sshrl.u32 s11, $0x1;
	s20 =	sadd.s32 s5, s0;
	s23 =	sadd.s32 s19, s2  }
0xe: {  	[dreg:$0x6] =	wrdreg s15;
	s8 =	sadd.s32 s9, s8;
	s10 =	sadd.s32 s10, s1  }
0xf: {  	s12 =	sadd.s32 s12, s1;
	s11 =	ssub.s32 s11, s13;
	s7 =	sadd.s32 s19, s7  }
0x10: {  	s26 =	sshrl.u32 s20, $0x3;
	s13 =	simm.s32 $0x2;
	s19 =	simm.s32 $0x1DE80  }
0x11: {  	s20 =	simm.s32 $0x1;
	s8 =	sshrl.u32 s8, $0x3;
	s21 =	sadd.s32 $0xDE600, s10  }
0x12: {  	s7 =	sshrl.u32 s7, $0x3;
	s24 =	sadd.s32 $0x55600, s12;
	[dreg:$0xb] =	wrdreg s26  }
0x13: {  	s25 =	smax.u32 s11, $0x1;
	s12 =	sshrl.u32 s23, $0x3;
	[dreg:$0x5] =	wrdreg s21  }
0x14: {  	s23 =	simm.s32 $0x1D780;
	s26 =	simm.s32 $0x1DC00;
	[dreg:$0x8] =	wrdreg s24  }
0x15: {  	s8 =	sadd.s32 s8, s1;
	s1 =	sadd.s32 $0x105600, s1;
	[dreg:$0xa] =	wrdreg s25  }
0x16: {  	s4 =	sadd.s32 s4, s7;
	s21 =	simm.s32 $0x1D700;
	[dreg:$0xd] =	wrdreg s12  }
0x17: {  	s24 =	simm.s32 $0x1DB80;
	s25 =	simm.s32 $0x1D800;
	[dreg:$0x7] =	wrdreg s1  }
0x18: {  	s7 =	simm.s32 $0x1DE00;
	[dreg:$0x9] =	wrdreg s4;
	s10 =	sadd.s32 $0x10FE00, s8  }
0x19: {  	s11 =	sadd.s32 $0x105E00, s8;
	s4 =	sshrl.u32 @!p0 s14, $0x3;
	s1 =	simm.s32 $0x1D980  }
0x1a: {  	s8 =	simm.s32 $0x0;
	[dreg:$0xc] =	wrdreg s4;
	s4 =	simm.s32 $0x1DD80  }
.LBB2_1:
0x1b: {  	s5 =	rddreg [dreg:$0x5]  }
0x1c: {  	s9 =	rddreg [dreg:$0xb]  }
0x1d: {  	[spmem:s9], [sflag:s15] =	dma.local [hbm:s5], $0x2700  }
0x1e: {  	_ =	swait.ge [sflag:s13], $0x2700  }
0x1f: {  	[sflag:s13] =	ssyncset.done $0x0;
	s5 =	rddreg [dreg:$0x7]  }
0x20: {  	s9 =	rddreg [dreg:$0xc];
	[sflag:s13] =	ssyncadd.s32 $0xFFFFD900  }
0x21: {  	[spmem:s9], [sflag:s15] =	dma.local @!p0 [hbm:s5], $0x100  }
0x22: {  	s9 =	simm.s32 @!p0 $0x2  }
0x23: {  	_ =	swait.ge @!p0 [sflag:s9], $0x100  }
0x24: {  	[sflag:s9] =	ssyncset.done @!p0 $0x0  }
0x25: {  	[sflag:s9] =	ssyncadd.s32 @!p0 $0xFFFFFF00;
	s9 =	rddreg [dreg:$0x8]  }
0x26: {  	[spmem:s12], [sflag:s15] =	dma.local [hbm:s9], $0x13C0  }
0x27: {  	_ =	swait.ge [sflag:s13], $0x13C0  }
0x28: {  	[sflag:s13] =	ssyncset.done $0x0  }
0x29: {  	[sflag:s13] =	ssyncadd.s32 $0xFFFFEC40  }
0x2a: {  	s14 =	sadd.s32 $0x0, s11;
	[bflag:$0x0] =	sbarrier.arrive $0xFFFF  }
0x2b: {  	[tilespmem:s16], [sflag:$0x2] =	stream.linear.gather [hbm4b:s14+s3], $0x400, $0x38;
	[tilespmem:$0x1FE80] =	vst v63  }
0x2c: {  	_ =	swait.ge [sflag:s13], $0x400  }
0x2d: {  	[sflag:s13] =	ssyncset.done $0x0  }
0x2e: {  	s15 =	sadd.s32 $0x0, s10;
	[sflag:s13] =	ssyncadd.s32 $0xFFFFFC00  }
0x2f: {  	[tilespmem:s17], [sflag:$0x2] =	stream.linear.gather [hbm4b:s15+s3], $0x400, $0x38;
	[tilespmem:$0x1FE80] =	vst v63  }
0x30: {  	_ =	swait.ge [sflag:s13], $0x400  }
0x31: {  	[sflag:s13] =	ssyncset.done $0x0  }
0x32: {  	[sflag:s13] =	ssyncadd.s32 $0xFFFFFC00  }
0x33: {  	[tilespmem:s19], [sflag:$0x1] =	stream.indirect.gather [spmem:s0], $0x40, s16, s18, $0xb8;
	[tilespmem:$0x1FE80] =	vst v63  }
0x34: {  	_ =	swait.ge [sflag:s20], $0x2000  }
0x35: {  	[sflag:s20] =	ssyncset.done $0x0  }
0x36: {  	[sflag:s20] =	ssyncadd.s32 $0xFFFFE000  }
0x37: {  	[spmem:s2] =	stream.indirect.scatter.add.f32 [tilespmem:s19], [sflag:$0x2], $0x40, s17, s18, $0xb8;
	[tilespmem:$0x1FE80] =	vst v63  }
0x38: {  	_ =	swait.ge [sflag:s13], $0x2000  }
0x39: {  	[sflag:s13] =	ssyncset.done $0x0  }
0x3a: {  	[sflag:s13] =	ssyncadd.s32 $0xFFFFE000  }
0x3b: {  	[tilespmem:s19], [sflag:$0x1] =	stream.indirect.gather [spmem:s0], $0x40, s21, s18, $0xb8;
	[tilespmem:$0x1FE80] =	vst v63  }
0x3c: {  	_ =	swait.ge [sflag:s20], $0x2000  }
0x3d: {  	[sflag:s20] =	ssyncset.done $0x0  }
0x3e: {  	[sflag:s20] =	ssyncadd.s32 $0xFFFFE000  }
0x3f: {  	[spmem:s2] =	stream.indirect.scatter.add.f32 [tilespmem:s19], [sflag:$0x2], $0x40, s22, s18, $0xb8;
	[tilespmem:$0x1FE80] =	vst v63  }
0x40: {  	_ =	swait.ge [sflag:s13], $0x2000  }
0x41: {  	[sflag:s13] =	ssyncset.done $0x0  }
0x42: {  	[sflag:s13] =	ssyncadd.s32 $0xFFFFE000  }
0x43: {  	[tilespmem:s19], [sflag:$0x1] =	stream.indirect.gather [spmem:s0], $0x40, s23, s18, $0xb8;
	[tilespmem:$0x1FE80] =	vst v63  }
0x44: {  	_ =	swait.ge [sflag:s20], $0x2000  }
0x45: {  	[sflag:s20] =	ssyncset.done $0x0  }
0x46: {  	[sflag:s20] =	ssyncadd.s32 $0xFFFFE000  }
0x47: {  	[spmem:s2] =	stream.indirect.scatter.add.f32 [tilespmem:s19], [sflag:$0x2], $0x40, s24, s18, $0xb8;
	[tilespmem:$0x1FE80] =	vst v63  }
0x48: {  	_ =	swait.ge [sflag:s13], $0x2000  }
0x49: {  	[sflag:s13] =	ssyncset.done $0x0  }
0x4a: {  	[sflag:s13] =	ssyncadd.s32 $0xFFFFE000  }
0x4b: {  	[tilespmem:s19], [sflag:$0x1] =	stream.indirect.gather [spmem:s0], $0x40, s25, s18, $0xb8;
	[tilespmem:$0x1FE80] =	vst v63  }
0x4c: {  	_ =	swait.ge [sflag:s20], $0x2000  }
0x4d: {  	[sflag:s20] =	ssyncset.done $0x0  }
0x4e: {  	[sflag:s20] =	ssyncadd.s32 $0xFFFFE000  }
0x4f: {  	[spmem:s2] =	stream.indirect.scatter.add.f32 [tilespmem:s19], [sflag:$0x2], $0x40, s26, s18, $0xb8;
	[tilespmem:$0x1FE80] =	vst v63  }
0x50: {  	_ =	swait.ge [sflag:s13], $0x2000  }
0x51: {  	[sflag:s13] =	ssyncset.done $0x0  }
0x52: {  	[sflag:s13] =	ssyncadd.s32 $0xFFFFE000  }
0x53: {  	[tilespmem:s19], [sflag:$0x1] =	stream.indirect.gather [spmem:s0], $0x40, s28, s18, $0xb8;
	[tilespmem:$0x1FE80] =	vst v63  }
0x54: {  	_ =	swait.ge [sflag:s20], $0x2000  }
0x55: {  	[sflag:s20] =	ssyncset.done $0x0  }
0x56: {  	[sflag:s20] =	ssyncadd.s32 $0xFFFFE000  }
0x57: {  	[spmem:s2] =	stream.indirect.scatter.add.f32 [tilespmem:s19], [sflag:$0x2], $0x40, s29, s18, $0xb8;
	[tilespmem:$0x1FE80] =	vst v63  }
0x58: {  	_ =	swait.ge [sflag:s13], $0x2000  }
0x59: {  	[sflag:s13] =	ssyncset.done $0x0  }
0x5a: {  	[sflag:s13] =	ssyncadd.s32 $0xFFFFE000  }
0x5b: {  	[tilespmem:s19], [sflag:$0x1] =	stream.indirect.gather [spmem:s0], $0x40, s30, s18, $0xb8;
	[tilespmem:$0x1FE80] =	vst v63  }
0x5c: {  	_ =	swait.ge [sflag:s20], $0x2000  }
0x5d: {  	[sflag:s20] =	ssyncset.done $0x0  }
0x5e: {  	[sflag:s20] =	ssyncadd.s32 $0xFFFFE000  }
0x5f: {  	[spmem:s2] =	stream.indirect.scatter.add.f32 [tilespmem:s19], [sflag:$0x2], $0x40, s31, s18, $0xb8;
	[tilespmem:$0x1FE80] =	vst v63  }
0x60: {  	_ =	swait.ge [sflag:s13], $0x2000  }
0x61: {  	[sflag:s13] =	ssyncset.done $0x0  }
0x62: {  	[sflag:s13] =	ssyncadd.s32 $0xFFFFE000  }
0x63: {  	[tilespmem:s19], [sflag:$0x1] =	stream.indirect.gather [spmem:s0], $0x40, s1, s18, $0xb8;
	[tilespmem:$0x1FE80] =	vst v63  }
0x64: {  	_ =	swait.ge [sflag:s20], $0x2000  }
0x65: {  	[sflag:s20] =	ssyncset.done $0x0  }
0x66: {  	[sflag:s20] =	ssyncadd.s32 $0xFFFFE000  }
0x67: {  	[spmem:s2] =	stream.indirect.scatter.add.f32 [tilespmem:s19], [sflag:$0x2], $0x40, s4, s18, $0xb8;
	[tilespmem:$0x1FE80] =	vst v63  }
0x68: {  	_ =	swait.ge [sflag:s13], $0x2000  }
0x69: {  	[sflag:s13] =	ssyncset.done $0x0  }
0x6a: {  	[sflag:s13] =	ssyncadd.s32 $0xFFFFE000  }
0x6b: {  	[tilespmem:s19], [sflag:$0x1] =	stream.indirect.gather [spmem:s0], $0x40, s6, s18, $0xb8;
	[tilespmem:$0x1FE80] =	vst v63  }
0x6c: {  	_ =	swait.ge [sflag:s20], $0x2000  }
0x6d: {  	[sflag:s20] =	ssyncset.done $0x0  }
0x6e: {  	[sflag:s20] =	ssyncadd.s32 $0xFFFFE000  }
0x6f: {  	[spmem:s2] =	stream.indirect.scatter.add.f32 [tilespmem:s19], [sflag:$0x2], $0x40, s7, s18, $0xb8;
	[tilespmem:$0x1FE80] =	vst v63  }
0x70: {  	_ =	swait.ge [sflag:s13], $0x2000  }
0x71: {  	s9 =	simm.s32 $0x80;
	s12 =	simm.s32 $0x100;
	[sflag:s13] =	ssyncset.done $0x0  }
.LBB2_2:
0x72: {  	s15 =	sadd.s32 s9, s11  }
0x73: {  	[sflag:s13] =	ssyncadd.s32 $0xFFFFE000;
	s5 =	smov.u32 s12;
	s14 =	sadd.s32 $0x80, s12  }
0x74: {  	[tilespmem:s16], [sflag:$0x2] =	stream.linear.gather [hbm4b:s15+s3], $0x400, $0x38;
	[tilespmem:$0x1FE80] =	vst v63  }
0x75: {  	p1 =	sne.s32 s12, $0x480;
	_ =	swait.ge [sflag:s13], $0x400  }
0x76: {  	[sflag:s13] =	ssyncset.done $0x0  }
0x77: {  	s12 =	sadd.s32 s9, s10;
	s9 =	smov.u32 s5;
	[sflag:s13] =	ssyncadd.s32 $0xFFFFFC00  }
0x78: {  	[tilespmem:s17], [sflag:$0x2] =	stream.linear.gather [hbm4b:s12+s3], $0x400, $0x38;
	[tilespmem:$0x1FE80] =	vst v63  }
0x79: {  	_ =	swait.ge [sflag:s13], $0x400  }
0x7a: {  	[sflag:s13] =	ssyncset.done $0x0  }
0x7b: {  	[sflag:s13] =	ssyncadd.s32 $0xFFFFFC00  }
0x7c: {  	[tilespmem:s19], [sflag:$0x1] =	stream.indirect.gather [spmem:s0], $0x40, s16, s18, $0xb8;
	[tilespmem:$0x1FE80] =	vst v63  }
0x7d: {  	_ =	swait.ge [sflag:s20], $0x2000  }
0x7e: {  	[sflag:s20] =	ssyncset.done $0x0  }
0x7f: {  	[sflag:s20] =	ssyncadd.s32 $0xFFFFE000  }
0x80: {  	[spmem:s2] =	stream.indirect.scatter.add.f32 [tilespmem:s19], [sflag:$0x2], $0x40, s17, s18, $0xb8;
	[tilespmem:$0x1FE80] =	vst v63  }
0x81: {  	_ =	swait.ge [sflag:s13], $0x2000  }
0x82: {  	[sflag:s13] =	ssyncset.done $0x0  }
0x83: {  	[sflag:s13] =	ssyncadd.s32 $0xFFFFE000  }
0x84: {  	[tilespmem:s19], [sflag:$0x1] =	stream.indirect.gather [spmem:s0], $0x40, s21, s18, $0xb8;
	[tilespmem:$0x1FE80] =	vst v63  }
0x85: {  	_ =	swait.ge [sflag:s20], $0x2000  }
0x86: {  	[sflag:s20] =	ssyncset.done $0x0  }
0x87: {  	[sflag:s20] =	ssyncadd.s32 $0xFFFFE000  }
0x88: {  	[spmem:s2] =	stream.indirect.scatter.add.f32 [tilespmem:s19], [sflag:$0x2], $0x40, s22, s18, $0xb8;
	[tilespmem:$0x1FE80] =	vst v63  }
0x89: {  	_ =	swait.ge [sflag:s13], $0x2000  }
0x8a: {  	[sflag:s13] =	ssyncset.done $0x0  }
0x8b: {  	[sflag:s13] =	ssyncadd.s32 $0xFFFFE000  }
0x8c: {  	[tilespmem:s19], [sflag:$0x1] =	stream.indirect.gather [spmem:s0], $0x40, s23, s18, $0xb8;
	[tilespmem:$0x1FE80] =	vst v63  }
0x8d: {  	_ =	swait.ge [sflag:s20], $0x2000  }
0x8e: {  	[sflag:s20] =	ssyncset.done $0x0  }
0x8f: {  	[sflag:s20] =	ssyncadd.s32 $0xFFFFE000  }
0x90: {  	[spmem:s2] =	stream.indirect.scatter.add.f32 [tilespmem:s19], [sflag:$0x2], $0x40, s24, s18, $0xb8;
	[tilespmem:$0x1FE80] =	vst v63  }
0x91: {  	_ =	swait.ge [sflag:s13], $0x2000  }
0x92: {  	[sflag:s13] =	ssyncset.done $0x0  }
0x93: {  	[sflag:s13] =	ssyncadd.s32 $0xFFFFE000  }
0x94: {  	[tilespmem:s19], [sflag:$0x1] =	stream.indirect.gather [spmem:s0], $0x40, s25, s18, $0xb8;
	[tilespmem:$0x1FE80] =	vst v63  }
0x95: {  	_ =	swait.ge [sflag:s20], $0x2000  }
0x96: {  	[sflag:s20] =	ssyncset.done $0x0  }
0x97: {  	[sflag:s20] =	ssyncadd.s32 $0xFFFFE000  }
0x98: {  	[spmem:s2] =	stream.indirect.scatter.add.f32 [tilespmem:s19], [sflag:$0x2], $0x40, s26, s18, $0xb8;
	[tilespmem:$0x1FE80] =	vst v63  }
0x99: {  	_ =	swait.ge [sflag:s13], $0x2000  }
0x9a: {  	[sflag:s13] =	ssyncset.done $0x0  }
0x9b: {  	[sflag:s13] =	ssyncadd.s32 $0xFFFFE000  }
0x9c: {  	[tilespmem:s19], [sflag:$0x1] =	stream.indirect.gather [spmem:s0], $0x40, s28, s18, $0xb8;
	[tilespmem:$0x1FE80] =	vst v63  }
0x9d: {  	_ =	swait.ge [sflag:s20], $0x2000  }
0x9e: {  	[sflag:s20] =	ssyncset.done $0x0  }
0x9f: {  	[sflag:s20] =	ssyncadd.s32 $0xFFFFE000  }
0xa0: {  	[spmem:s2] =	stream.indirect.scatter.add.f32 [tilespmem:s19], [sflag:$0x2], $0x40, s29, s18, $0xb8;
	[tilespmem:$0x1FE80] =	vst v63  }
0xa1: {  	_ =	swait.ge [sflag:s13], $0x2000  }
0xa2: {  	[sflag:s13] =	ssyncset.done $0x0  }
0xa3: {  	[sflag:s13] =	ssyncadd.s32 $0xFFFFE000  }
0xa4: {  	[tilespmem:s19], [sflag:$0x1] =	stream.indirect.gather [spmem:s0], $0x40, s30, s18, $0xb8;
	[tilespmem:$0x1FE80] =	vst v63  }
0xa5: {  	_ =	swait.ge [sflag:s20], $0x2000  }
0xa6: {  	[sflag:s20] =	ssyncset.done $0x0  }
0xa7: {  	[sflag:s20] =	ssyncadd.s32 $0xFFFFE000  }
0xa8: {  	[spmem:s2] =	stream.indirect.scatter.add.f32 [tilespmem:s19], [sflag:$0x2], $0x40, s31, s18, $0xb8;
	[tilespmem:$0x1FE80] =	vst v63  }
0xa9: {  	_ =	swait.ge [sflag:s13], $0x2000  }
0xaa: {  	[sflag:s13] =	ssyncset.done $0x0  }
0xab: {  	[sflag:s13] =	ssyncadd.s32 $0xFFFFE000  }
0xac: {  	[tilespmem:s19], [sflag:$0x1] =	stream.indirect.gather [spmem:s0], $0x40, s1, s18, $0xb8;
	[tilespmem:$0x1FE80] =	vst v63  }
0xad: {  	_ =	swait.ge [sflag:s20], $0x2000  }
0xae: {  	[sflag:s20] =	ssyncset.done $0x0  }
0xaf: {  	[sflag:s20] =	ssyncadd.s32 $0xFFFFE000  }
0xb0: {  	[spmem:s2] =	stream.indirect.scatter.add.f32 [tilespmem:s19], [sflag:$0x2], $0x40, s4, s18, $0xb8;
	[tilespmem:$0x1FE80] =	vst v63  }
0xb1: {  	_ =	swait.ge [sflag:s13], $0x2000  }
0xb2: {  	[sflag:s13] =	ssyncset.done $0x0  }
0xb3: {  	[sflag:s13] =	ssyncadd.s32 $0xFFFFE000  }
0xb4: {  	[tilespmem:s19], [sflag:$0x1] =	stream.indirect.gather [spmem:s0], $0x40, s6, s18, $0xb8;
	[tilespmem:$0x1FE80] =	vst v63  }
0xb5: {  	_ =	swait.ge [sflag:s20], $0x2000  }
.Ltmp0:
0xb6: {  	[sflag:s20] =	ssyncset.done $0x0;
	(pc) =	sbr.rel @p1 .LBB2_2-.Ltmp0, $4  }
0xb7: {  	[sflag:s20] =	ssyncadd.s32 $0xFFFFE000  }
0xb8: {  	[spmem:s2] =	stream.indirect.scatter.add.f32 [tilespmem:s19], [sflag:$0x2], $0x40, s7, s18, $0xb8;
	[tilespmem:$0x1FE80] =	vst v63  }
0xb9: {  	_ =	swait.ge [sflag:s13], $0x2000  }
0xba: {  	s12 =	smov.u32 s14;
	[sflag:s13] =	ssyncset.done $0x0  }
0xbb: {  	s5 =	sadd.s32 s9, s11;
	[sflag:s13] =	ssyncadd.s32 $0xFFFFE000  }
0xbc: {  	[tilespmem:s16], [sflag:$0x2] =	stream.linear.gather [hbm4b:s5+s3], $0x400, $0x38;
	[tilespmem:$0x1FE80] =	vst v63  }
0xbd: {  	_ =	swait.ge [sflag:s13], $0x400  }
0xbe: {  	[sflag:s13] =	ssyncset.done $0x0  }
0xbf: {  	s15 =	sadd.s32 s9, s10;
	[sflag:s13] =	ssyncadd.s32 $0xFFFFFC00  }
0xc0: {  	[tilespmem:s17], [sflag:$0x2] =	stream.linear.gather [hbm4b:s15+s3], $0x400, $0x38;
	[tilespmem:$0x1FE80] =	vst v63  }
0xc1: {  	_ =	swait.ge [sflag:s13], $0x400  }
0xc2: {  	[sflag:s13] =	ssyncset.done $0x0  }
0xc3: {  	[sflag:s13] =	ssyncadd.s32 $0xFFFFFC00  }
0xc4: {  	[tilespmem:s19], [sflag:$0x1] =	stream.indirect.gather [spmem:s0], $0x40, s16, s18, $0xb8;
	[tilespmem:$0x1FE80] =	vst v63  }
0xc5: {  	_ =	swait.ge [sflag:s20], $0x2000  }
0xc6: {  	[sflag:s20] =	ssyncset.done $0x0  }
0xc7: {  	[sflag:s20] =	ssyncadd.s32 $0xFFFFE000  }
0xc8: {  	[spmem:s2] =	stream.indirect.scatter.add.f32 [tilespmem:s19], [sflag:$0x2], $0x40, s17, s18, $0xb8;
	[tilespmem:$0x1FE80] =	vst v63  }
0xc9: {  	_ =	swait.ge [sflag:s13], $0x2000  }
0xca: {  	[sflag:s13] =	ssyncset.done $0x0  }
0xcb: {  	[sflag:s13] =	ssyncadd.s32 $0xFFFFE000  }
0xcc: {  	[tilespmem:s19], [sflag:$0x1] =	stream.indirect.gather [spmem:s0], $0x40, s21, s18, $0xb8;
	[tilespmem:$0x1FE80] =	vst v63  }
0xcd: {  	_ =	swait.ge [sflag:s20], $0x2000  }
0xce: {  	[sflag:s20] =	ssyncset.done $0x0  }
0xcf: {  	[sflag:s20] =	ssyncadd.s32 $0xFFFFE000  }
0xd0: {  	[spmem:s2] =	stream.indirect.scatter.add.f32 [tilespmem:s19], [sflag:$0x2], $0x40, s22, s18, $0xb8;
	[tilespmem:$0x1FE80] =	vst v63  }
0xd1: {  	_ =	swait.ge [sflag:s13], $0x2000  }
0xd2: {  	[sflag:s13] =	ssyncset.done $0x0  }
0xd3: {  	[sflag:s13] =	ssyncadd.s32 $0xFFFFE000  }
0xd4: {  	[tilespmem:s19], [sflag:$0x1] =	stream.indirect.gather [spmem:s0], $0x40, s23, s18, $0xb8;
	[tilespmem:$0x1FE80] =	vst v63  }
0xd5: {  	_ =	swait.ge [sflag:s20], $0x2000  }
0xd6: {  	[sflag:s20] =	ssyncset.done $0x0  }
0xd7: {  	[sflag:s20] =	ssyncadd.s32 $0xFFFFE000  }
0xd8: {  	[spmem:s2] =	stream.indirect.scatter.add.f32 [tilespmem:s19], [sflag:$0x2], $0x40, s24, s18, $0xb8;
	[tilespmem:$0x1FE80] =	vst v63  }
0xd9: {  	_ =	swait.ge [sflag:s13], $0x2000  }
0xda: {  	[sflag:s13] =	ssyncset.done $0x0  }
0xdb: {  	[sflag:s13] =	ssyncadd.s32 $0xFFFFE000  }
0xdc: {  	[tilespmem:s19], [sflag:$0x1] =	stream.indirect.gather [spmem:s0], $0x40, s25, s18, $0xb8;
	[tilespmem:$0x1FE80] =	vst v63  }
0xdd: {  	_ =	swait.ge [sflag:s20], $0x2000  }
0xde: {  	[sflag:s20] =	ssyncset.done $0x0  }
0xdf: {  	[sflag:s20] =	ssyncadd.s32 $0xFFFFE000  }
0xe0: {  	[spmem:s2] =	stream.indirect.scatter.add.f32 [tilespmem:s19], [sflag:$0x2], $0x40, s26, s18, $0xb8;
	[tilespmem:$0x1FE80] =	vst v63  }
0xe1: {  	_ =	swait.ge [sflag:s13], $0x2000  }
0xe2: {  	[sflag:s13] =	ssyncset.done $0x0  }
0xe3: {  	[sflag:s13] =	ssyncadd.s32 $0xFFFFE000  }
0xe4: {  	[tilespmem:s19], [sflag:$0x1] =	stream.indirect.gather [spmem:s0], $0x40, s28, s18, $0xb8;
	[tilespmem:$0x1FE80] =	vst v63  }
0xe5: {  	_ =	swait.ge [sflag:s20], $0x2000  }
0xe6: {  	[sflag:s20] =	ssyncset.done $0x0  }
0xe7: {  	[sflag:s20] =	ssyncadd.s32 $0xFFFFE000  }
0xe8: {  	[spmem:s2] =	stream.indirect.scatter.add.f32 [tilespmem:s19], [sflag:$0x2], $0x40, s29, s18, $0xb8;
	[tilespmem:$0x1FE80] =	vst v63  }
0xe9: {  	_ =	swait.ge [sflag:s13], $0x2000  }
0xea: {  	[sflag:s13] =	ssyncset.done $0x0  }
0xeb: {  	[sflag:s13] =	ssyncadd.s32 $0xFFFFE000  }
0xec: {  	[tilespmem:s19], [sflag:$0x1] =	stream.indirect.gather [spmem:s0], $0x40, s30, s18, $0xb8;
	[tilespmem:$0x1FE80] =	vst v63  }
0xed: {  	_ =	swait.ge [sflag:s20], $0x2000  }
0xee: {  	[sflag:s20] =	ssyncset.done $0x0  }
0xef: {  	[sflag:s20] =	ssyncadd.s32 $0xFFFFE000  }
0xf0: {  	[spmem:s2] =	stream.indirect.scatter.add.f32 [tilespmem:s19], [sflag:$0x2], $0x40, s31, s18, $0xb8;
	[tilespmem:$0x1FE80] =	vst v63  }
0xf1: {  	_ =	swait.ge [sflag:s13], $0x2000  }
0xf2: {  	[sflag:s13] =	ssyncset.done $0x0  }
0xf3: {  	[sflag:s13] =	ssyncadd.s32 $0xFFFFE000  }
0xf4: {  	[tilespmem:s19], [sflag:$0x1] =	stream.indirect.gather [spmem:s0], $0x40, s1, s18, $0xb8;
	[tilespmem:$0x1FE80] =	vst v63  }
0xf5: {  	_ =	swait.ge [sflag:s20], $0x2000  }
0xf6: {  	[sflag:s20] =	ssyncset.done $0x0  }
0xf7: {  	[sflag:s20] =	ssyncadd.s32 $0xFFFFE000  }
0xf8: {  	[spmem:s2] =	stream.indirect.scatter.add.f32 [tilespmem:s19], [sflag:$0x2], $0x40, s4, s18, $0xb8;
	[tilespmem:$0x1FE80] =	vst v63  }
0xf9: {  	_ =	swait.ge [sflag:s13], $0x2000  }
0xfa: {  	[sflag:s13] =	ssyncset.done $0x0  }
0xfb: {  	[sflag:s13] =	ssyncadd.s32 $0xFFFFE000  }
0xfc: {  	[tilespmem:s19], [sflag:$0x1] =	stream.indirect.gather [spmem:s0], $0x40, s6, s18, $0xb8;
	[tilespmem:$0x1FE80] =	vst v63  }
0xfd: {  	_ =	swait.ge [sflag:s20], $0x2000  }
0xfe: {  	[sflag:s20] =	ssyncset.done $0x0  }
0xff: {  	[sflag:s20] =	ssyncadd.s32 $0xFFFFE000  }
0x100: {  	[spmem:s2] =	stream.indirect.scatter.add.f32 [tilespmem:s19], [sflag:$0x2], $0x40, s7, s18, $0xb8;
	[tilespmem:$0x1FE80] =	vst v63  }
0x101: {  	_ =	swait.ge [sflag:s13], $0x2000  }
0x102: {  	[sflag:s13] =	ssyncset.done $0x0  }
0x103: {  	[sflag:s13] =	ssyncadd.s32 $0xFFFFE000  }
0x104: {  	[bflag:$0x0] =	sbarrier.arrive $0xFFFF  }
0x105: {  	s15 =	rddreg [dreg:$0x6]  }
0x106: {  	s9 =	rddreg [dreg:$0x9]  }
0x107: {  	s12 =	rddreg [dreg:$0xd]  }
0x108: {  	[hbm:s9], [sflag:s15] =	dma.local [spmem:s12], $0x13C0  }
0x109: {  	_ =	swait.ge [sflag:s13], $0x13C0  }
0x10a: {  	s8 =	sadd.s32 $0x1, s8;
	s14 =	rddreg [dreg:$0xa]  }
0x10b: {  	p1 =	sne.s32 s8, s14  }
.Ltmp1:
0x10c: {  	_ = 	snop;
	(pc) =	sbr.rel @p1 .LBB2_1-.Ltmp1, $3  }
0x10d: {  	_ =	sdelay $0x1  }
0x10e: {  	[sflag:s13] =	ssyncset.done $0x0  }
0x10f: {  	[sflag:s13] =	ssyncadd.s32 $0xFFFFEC40  }
0x110: {  	_ =	sfence.sel $0x180000  }
0x111: {  	[bflag:$0x0] =	sbarrier.arrive $0xFFFF  }
0x112: {  	_ =	strace $0x90000056  }
0x113: {  	[bflag:$0x2] =	sbarrier.arrive $0xFFFF  }
0x114: {  	s0 =	rddreg [dreg:$0x4]  }
0x115: {  	s0 =	sadd.s32 @!p0 $0x100000, s0  }
0x116: {  	[sflag:s0] =	ssyncadd.tile.s32 @!p0 $0x1;
	_ =	shalt  }
.Lfunc_end2:
_tile_overlayer_lowered:
.L_overlay_start_2:
0x117: {  	(tag) =	ssettag $0x2  }
0x118: {  	s0 =	rddreg [dreg:$0x0];
	s2 =	stileid.u32  }
0x119: {  	s1 =	rddreg [dreg:$0x1];
	p0 =	sne.s32 s2, $0x0  }
0x11a: {  	s3 =	rddreg [dreg:$0x2];
	[bflag:$0x3] =	sbarrier.arrive $0xFFFF;
	s2 =	simm.s32 @!p0 $0x1C02  }
0x11b: {  	[timem:s3], [sflag:s2] =	dma.local @!p0 [hbm:s0], s1  }
0x11c: {  	s0 =	simm.s32 @!p0 $0x2  }
0x11d: {  	_ =	swait.ge @!p0 [sflag:s0], s1  }
0x11e: {  	s1 =	ssub.s32 @!p0 $0x0, s1;
	[sflag:s0] =	ssyncset.done @!p0 $0x0  }
0x11f: {  	[sflag:s0] =	ssyncadd.s32 @!p0 s1  }
0x120: {  	[bflag:$0x3] =	sbarrier.arrive $0xFFFF  }
0x121: {  	_ =	shalt  }

// kernel: kernel.35.cloned.1.call-start
scs
__scs_entry_jumppad:
0x0: {  	(pc) =	sbr.rel $0x88, $3  }
0x1: {  	(tag) =	ssettag $0x0;
	lr =	simm.s32 $0x1  }
0x2: {  	[smem:$0x3F88] =	sst lr;
	_ =	strace $0xD0000000  }
0x3: {  	_ = 	snop  }
0x4: {  	_ = 	snop  }
0x5: {  	_ = 	snop  }
0x6: {  	_ = 	snop  }
0x7: {  	_ = 	snop  }
__scs_overlays_trampoline_lowered:
0x8: {  	[smem:$0x3F97] =	sst s0  }
0x9: {  	[smem:$0x3F98] =	sst s1  }
0xa: {  	[smem:$0x3F99] =	sst s2  }
0xb: {  	[smem:$0x3F9A] =	sst s3  }
0xc: {  	[smem:$0x3F9B] =	sst s4  }
0xd: {  	[smem:$0x3F9C] =	sst s5  }
0xe: {  	[smem:$0x3F9D] =	sst s6  }
0xf: {  	[smem:$0x3F9E] =	sst s7  }
0x10: {  	[smem:$0x3F9F] =	sst s8  }
0x11: {  	[smem:$0x3FA0] =	sst s9;
	s0 =	simm.s32 @!p0 $0x0  }
0x12: {  	s1 =	sld [smem:$0x3F86];
	s0 =	simm.s32 @p0 $0x1  }
0x13: {  	[smem:$0x3FA1] =	sst s0;
	s0 =	simm.s32 @!p1 $0x0  }
0x14: {  	s2 =	sld [smem:$0x3F85];
	s0 =	simm.s32 @p1 $0x1  }
0x15: {  	[smem:$0x3FA2] =	sst s0;
	s0 =	simm.s32 @!p2 $0x0  }
0x16: {  	s3 =	sld [smem:$0x3FDB];
	s0 =	simm.s32 @p2 $0x1  }
0x17: {  	s4 =	simm.s32 $0x1BF5;
	[smem:$0x3FA4] =	sst s0  }
0x18: {  	s0 =	sld [smem:$0x3F87];
	_ =	swait.ge [sflag:s4], $0x0  }
0x19: {  	s7 =	sld [smem:$0x3F88]  }
0x1a: {  	s8 =	sadd.s32 $0xFFFFE003, lr  }
0x1b: {  	s9 =	sadd.s32 $0xFFFFFEF7, lr;
	s5 =	simm.s32 $0xFFFFFFFF;
	p2 =	slt.u32 s8, $0xFFFFF086  }
0x1c: {  	p1 =	slt.u32 s9, $0xF7A;
	s5 =	simm.s32 @!p2 $0x0  }
0x1d: {  	s5 =	simm.s32 @p1 $0x1;
	p0 =	seq.s32 s7, s2  }
0x1e: {  	s7 =	smul.u32 @!p0 $0xF7A, s2;
	p2 =	seq.s32 @!p0 s5, $0x0  }
0x1f: {  	s9 =	smul.u32 $0xF7A, s1;
	s8 =	simm.s32 @!p0 $0x1BF5;
	p2 =	por !p2, p0  }
0x20: {  	[sflag:s8] =	ssyncset.s32 @!p0 $0xFFFFF086;
	s6 =	sadd.s32 @!p0 s3, s7;
	s7 =	simm.s32 @!p0 $0x108  }
0x21: {  	s3 =	sadd.s32 s3, s9;
	s6 =	sadd.s32 @!p0 $0x88, s6;
	s7 =	simm.s32 @p2 $0x1082  }
0x22: {  	[simem:s7], [sflag:s8] =	dma.local @!p0 [hbm:s6], $0xF7A  }
0x23: {  	s9 =	sor.u32 $0xD0000000, s2;
	s6 =	simm.s32 $0x108;
	_ =	swait.ge @!p0 [sflag:s8], $0x0  }
0x24: {  	s3 =	sadd.s32 $0x88, s3;
	s6 =	simm.s32 @!p1 $0x1082;
	[sflag:s4] =	ssyncset.s32 $0xFFFFF086  }
0x25: {  	[simem:s6], [sflag:s4] =	dma.local [hbm:s3], $0xF7A  }
0x26: {  	[smem:$0x3F88] =	sst s1;
	(tag) =	ssettag s2;
	_ =	strace s9  }
0x27: {  	s1 =	sld [smem:$0x3F98]  }
0x28: {  	s2 =	sld [smem:$0x3F99]  }
0x29: {  	s4 =	sld [smem:$0x3F9B]  }
0x2a: {  	p0 =	seq.s32 s5, $0x0;
	s5 =	sld [smem:$0x3F9C]  }
0x2b: {  	s6 =	sld [smem:$0x3F9D]  }
0x2c: {  	s7 =	sld [smem:$0x3F9E]  }
0x2d: {  	s3 =	simm.s32 $0x108;
	s8 =	sld [smem:$0x3F9F]  }
0x2e: {  	s3 =	simm.s32 @!p0 $0x1082;
	s9 =	sld [smem:$0x3FA0]  }
0x2f: {  	lr =	sadd.s32 s0, s3;
	s0 =	sld [smem:$0x3F97]  }
0x30: {  	s3 =	sld [smem:$0x3F9A]  }
0x31: {  	[smem:$0x3FA3] =	sst s10  }
0x32: {  	s10 =	sld [smem:$0x3FA1];
	_ =	sdelay $0x3  }
0x33: {  	p0 =	seq.s32 s10, $0x1;
	s10 =	sld [smem:$0x3FA3];
	_ =	sdelay $0x3  }
0x34: {  	[smem:$0x3FA3] =	sst s10  }
0x35: {  	s10 =	sld [smem:$0x3FA2];
	_ =	sdelay $0x3  }
0x36: {  	p1 =	seq.s32 s10, $0x1;
	s10 =	sld [smem:$0x3FA3];
	_ =	sdelay $0x3  }
0x37: {  	[smem:$0x3FA3] =	sst s10  }
0x38: {  	s10 =	sld [smem:$0x3FA4]  }
0x39: {  	_ = 	snop;
	(pc) =	sbr.ind lr, $3  }
0x3a: {  	_ = 	snop  }
0x3b: {  	_ = 	snop  }
0x3c: {  	p2 =	seq.s32 s10, $0x1;
	s10 =	sld [smem:$0x3FA3]  }
0x3d: {  	_ =	shalt  }
0x3e: {  	_ =	shalt  }
0x3f: {  	_ =	shalt  }
0x40: {  	_ =	shalt  }
0x41: {  	_ =	shalt  }
0x42: {  	_ =	shalt  }
0x43: {  	_ =	shalt  }
0x44: {  	_ =	shalt  }
0x45: {  	_ =	shalt  }
0x46: {  	_ =	shalt  }
0x47: {  	_ =	shalt  }
0x48: {  	_ =	shalt  }
0x49: {  	_ =	shalt  }
0x4a: {  	_ =	shalt  }
0x4b: {  	_ =	shalt  }
0x4c: {  	_ =	shalt  }
0x4d: {  	_ =	shalt  }
0x4e: {  	_ =	shalt  }
0x4f: {  	_ =	shalt  }
0x50: {  	_ =	shalt  }
0x51: {  	_ =	shalt  }
0x52: {  	_ =	shalt  }
0x53: {  	_ =	shalt  }
0x54: {  	_ =	shalt  }
0x55: {  	_ =	shalt  }
0x56: {  	_ =	shalt  }
0x57: {  	_ =	shalt  }
0x58: {  	_ =	shalt  }
0x59: {  	_ =	shalt  }
0x5a: {  	_ =	shalt  }
0x5b: {  	_ =	shalt  }
0x5c: {  	_ =	shalt  }
0x5d: {  	_ =	shalt  }
0x5e: {  	_ =	shalt  }
0x5f: {  	_ =	shalt  }
0x60: {  	_ =	shalt  }
0x61: {  	_ =	shalt  }
0x62: {  	_ =	shalt  }
0x63: {  	_ =	shalt  }
0x64: {  	_ =	shalt  }
0x65: {  	_ =	shalt  }
0x66: {  	_ =	shalt  }
0x67: {  	_ =	shalt  }
0x68: {  	_ =	shalt  }
0x69: {  	_ =	shalt  }
0x6a: {  	_ =	shalt  }
0x6b: {  	_ =	shalt  }
0x6c: {  	_ =	shalt  }
0x6d: {  	_ =	shalt  }
0x6e: {  	_ =	shalt  }
0x6f: {  	_ =	shalt  }
0x70: {  	_ =	shalt  }
0x71: {  	_ =	shalt  }
0x72: {  	_ =	shalt  }
0x73: {  	_ =	shalt  }
0x74: {  	_ =	shalt  }
0x75: {  	_ =	shalt  }
0x76: {  	_ =	shalt  }
0x77: {  	_ =	shalt  }
0x78: {  	_ =	shalt  }
0x79: {  	_ =	shalt  }
0x7a: {  	_ =	shalt  }
0x7b: {  	_ =	shalt  }
0x7c: {  	_ =	shalt  }
0x7d: {  	_ =	shalt  }
0x7e: {  	_ =	shalt  }
0x7f: {  	_ =	shalt  }
0x80: {  	_ =	shalt  }
0x81: {  	_ =	shalt  }
0x82: {  	_ =	shalt  }
0x83: {  	_ =	shalt  }
0x84: {  	_ =	shalt  }
0x85: {  	_ =	shalt  }
0x86: {  	_ =	shalt  }
0x87: {  	_ =	shalt  }
.Lfunc_end0:
.L_simem_size_0:
called_computation.5_lowered:
.L_overlay_start_0:
0x88: {  	s2 =	sld [smem:$0x3FD9]  }
0x89: {  	s3 =	sld [smem:$0x3FFE];
	_ =	sdelay $0x1  }
0x8a: {  	s1 =	srdreg.scid  }
0x8b: {  	s0 =	sand.u32 $0x1, s1  }
0x8c: {  	s17 =	sshll.u32 s0, $0xA;
	s2 =	sadd.s32 s3, s2  }
0x8d: {  	s2 =	sadd.s32 s2, s17  }
0x8e: {  	[smem:$0x3FAF] =	sst s2  }
0x8f: {  	_ = 	snop  }
0x90: {  	(tm) =	ssettm $0x1  }
0x91: {  	s18 =	sld [smem:$0x3FFB];
	_ =	sdelay $0x3  }
0x92: {  	_ =	strace s18  }
0x93: {  	s2 =	sld [smem:$0x3FFC];
	_ =	sdelay $0x3  }
0x94: {  	_ =	strace s2  }
0x95: {  	s2 =	sld [smem:$0x3FFD];
	_ =	sdelay $0x3  }
0x96: {  	_ =	strace s2  }
0x97: {  	_ =	strace $0x8FFFFFFF  }
0x98: {  	s19 =	sld [smem:$0x3FDB];
	_ =	sdelay $0x1  }
0x99: {  	s20 =	simm.s32 $_scs_section_size  }
0x9a: {  	s4 =	simm.s32 $_size__tile_overlayer_lowered;
	s5 =	simm.s32 $_tile_overlayer_lowered  }
0x9b: {  	s6 =	simm.s32 $0x1BFF;
	s21 =	sshll.u32 s5, $0x1;
	s3 =	sadd.s32 s20, s19  }
0x9c: {  	s22 =	simm.s32 $0x0;
	s4 =	sshll.u32 s4, $0x1;
	s5 =	sadd.s32 s21, s3  }
0x9d: {  	[timem:s22], [sflag:s6] =	dma.local [hbm:s5], s4  }
0x9e: {  	_ =	swait.ge [sflag:s6], s4  }
0x9f: {  	s4 =	ssub.s32 $0x0, s4;
	[sflag:s6] =	ssyncset.done $0x0  }
0xa0: {  	[sflag:s6] =	ssyncadd.s32 s4;
	_ =	sdelay $0x1  }
0xa1: {  	s23 =	simm.s32 $0x1B8B  }
0xa2: {  	_ =	swait.ge [sflag:s23], $0x1  }
0xa3: {  	[sflag:s23] =	ssyncset.done $0x0  }
0xa4: {  	[sflag:s23] =	ssyncadd.s32 $0xFFFFFFFF  }
0xa5: {  	s4 =	sld [smem:$0x0]  }
0xa6: {  	s5 =	sand.u32 $0xFFFFFFFE, s1  }
0xa7: {  	p0 =	sne.s32 s1, s5  }
0xa8: {  	s5 =	sshll.u32 @p0 s5, $0xE  }
0xa9: {  	s5 =	sadd.s32 @p0 $0x11B8D, s5;
	s6 =	sshll.u32 @p0 s4, $0x11  }
0xaa: {  	s5 =	sor.u32 @p0 s6, s5  }
0xab: {  	[sflag:s5] =	ssyncadd.remote.s32 @p0 $0x1;
	_ =	sdelay $0x1  }
0xac: {  	s5 =	simm.s32 @p0 $0x1B8D  }
0xad: {  	_ =	swait.eq @p0 [sflag:s5], $0x1  }
0xae: {  	[sflag:s5] =	ssyncadd.s32 @p0 $0xFFFFFFFF  }
0xaf: {  	s6 =	sshll.u32 @!p0 s1, $0xE  }
0xb0: {  	s6 =	sor.u32 @!p0 $0x4000, s6;
	s5 =	simm.s32 @!p0 $0x1B8D  }
0xb1: {  	s4 =	sshll.u32 @!p0 s4, $0x11;
	s6 =	sadd.s32 @!p0 $0x11B8D, s6;
	_ =	swait.eq @!p0 [sflag:s5], $0x1  }
0xb2: {  	s4 =	sor.u32 @!p0 s4, s6;
	[sflag:s5] =	ssyncadd.s32 @!p0 $0xFFFFFFFF  }
0xb3: {  	s25 =	simm.s32 $0x1B8E;
	s24 =	sld [smem:$0x3FFE];
	[sflag:s4] =	ssyncadd.remote.s32 @!p0 $0x1  }
0xb4: {  	s26 =	simm.s32 $execute0_lowered;
	[smem:$0x3FD2] =	sst s25  }
0xb5: {  	s5 =	sshll.u32 s26, $0x1;
	_ =	strace $0x80000052;
	[dreg:$0x1] =	wrdreg $0xFFFFFFFF  }
0xb6: {  	s28 =	simm.s32 $_size_execute0_lowered;
	s3 =	sadd.s32 s3, s5;
	[dreg:$0x0] =	wrdreg $0x0  }
0xb7: {  	s5 =	sshll.u32 s28, $0x1;
	[dreg:$0x2] =	wrdreg s3  }
0xb8: {  	[dreg:$0x3] =	wrdreg s5  }
0xb9: {  	[dreg:$0x4] =	wrdreg $0xC0  }
0xba: {  	_ =	task [dreg:s22], $0x5FFFF  }
0xbb: {  	[dreg:$0x1] =	wrdreg $0xFFFFFFFF  }
0xbc: {  	[dreg:$0x0] =	wrdreg $0x60  }
0xbd: {  	[dreg:$0x2] =	wrdreg s24  }
0xbe: {  	[dreg:$0x3] =	wrdreg $0x0  }
0xbf: {  	[dreg:$0x4] =	wrdreg $0x9C400  }
0xc0: {  	[dreg:$0x5] =	wrdreg $0xA  }
0xc1: {  	_ =	task.clear_ibuf [dreg:s22], $0x6FFFF;
	_ =	strace $0x90000052  }
0xc2: {  	s29 =	simm.s32 $0xA;
	_ =	strace $0x80000054  }
0xc3: {  	_ =	swait.ge [sflag:s29], $0x1  }
0xc4: {  	[sflag:s29] =	ssyncadd.s32 $0xFFFFFFFF  }
0xc5: {  	_ =	strace $0x90000054  }
0xc6: {  	_ =	sfence  }
0xc7: {  	s30 =	sld [smem:$0x0];
	_ =	sdelay $0x2  }
0xc8: {  	s31 =	sshll.u32 s1, $0xD;
	s1 =	sshrl.u32 s1, $0x2  }
0xc9: {  	s4 =	sand.u32 $0x4000, s31;
	s1 =	sadd.s32 s1, s30  }
0xca: {  	s0 =	sor.u32 s4, s0;
	s1 =	sshll.u32 s1, $0x11  }
0xcb: {  	s0 =	sor.u32 s1, s0  }
0xcc: {  	s0 =	sadd.s32 $0x8F2B, s0  }
0xcd: {  	[sflag:s0] =	ssyncadd.remote.s32 $0x1  }
0xce: {  	_ =	sfence.sel $0xFFFF  }
0xcf: {  	[dreg:$0x0] =	wrdreg $0xFFFFFFFF;
	(pc) =	sbr.abs _section_cstart, $3  }
0xd0: {  	[dreg:$0x1] =	wrdreg $0xFFFFFFFF  }
0xd1: {  	_ =	task.clear_ibuf [dreg:s22], $0x2FFFF;
	_ =	strace $0x9FFFFFFF  }
0xd2: {  	(tm) =	ssettm $0x7FFFFFFF  }
0xd3: {  	_ =	shalt  }
tec
execute0_lowered:
.L_overlay_start_1:
0x0: {  	(tag) =	ssettag $0x1  }
0x1: {  	s1 =	rddreg [dreg:$0x0];
	s2 =	srdreg.scid  }
0x2: {  	s0 =	rddreg [dreg:$0x1];
	s6 =	stileid.u32  }
0x3: {  	s3 =	simm.s32 $0x0;
	s16 =	simm.s32 $0x13A40;
	s17 =	simm.s32 $0x13E40  }
0x4: {  	s28 =	simm.s32 $0x13C40;
	s29 =	simm.s32 $0x14040;
	s7 =	smul.u32 $0x2800, s6  }
0x5: {  	s30 =	simm.s32 $0x13CC0;
	s31 =	simm.s32 $0x140C0;
	s8 =	smul.u32 $0x9C00, s6  }
0x6: {  	s4 =	sand.u32 $0x1, s2;
	s2 =	rddreg [dreg:$0x2];
	s18 =	smul.u32 $0x9E00, s6  }
0x7: {  	[smem:$0x7FF] =	sst s3;
	s22 =	sshll.u32 s6, $0x6;
	s5 =	smul.u32 $0x28000, s4  }
0x8: {  	p0 =	sne.s32 s6, $0x0;
	s6 =	simm.s32 $0x13DC0;
	s10 =	smul.u32 $0x9E000, s4  }
0x9: {  	_ =	strace $0x80000053;
	s4 =	ssub.s32 $0x2, s4;
	s14 =	sor.u32 $0x1C02, s22  }
0xa: {  	s22 =	simm.s32 $0x13EC0;
	s9 =	sshrl.u32 s8, $0x3;
	s19 =	sshrl.u32 s18, $0x3  }
0xb: {  	s21 =	sshrl.u32 s4, $0x1;
	s8 =	sadd.s32 s8, s0;
	s23 =	sadd.s32 s18, s2  }
0xc: {  	[dreg:$0x5] =	wrdreg s14;
	s5 =	sadd.s32 s7, s5;
	s9 =	sadd.s32 s9, s1  }
0xd: {  	s10 =	sadd.s32 s18, s10;
	s12 =	sadd.s32 s19, s1;
	s4 =	ssub.s32 s4, s21  }
0xe: {  	s26 =	sshrl.u32 s8, $0x3;
	s18 =	simm.s32 $0x80;
	s19 =	simm.s32 $0x14240  }
0xf: {  	s21 =	simm.s32 $0x13AC0;
	s7 =	simm.s32 $0x141C0;
	s8 =	simm.s32 $0x0  }
0x10: {  	s5 =	sshrl.u32 s5, $0x3;
	s20 =	sshrl.u32 s10, $0x3;
	s9 =	sadd.s32 $0x1A400, s9  }
0x11: {  	s24 =	sadd.s32 $0x55600, s12;
	s4 =	smax.u32 s4, $0x1;
	[dreg:$0xa] =	wrdreg s26  }
0x12: {  	s12 =	sshrl.u32 s23, $0x3;
	s23 =	simm.s32 $0x13B40;
	[dreg:$0x4] =	wrdreg s9  }
0x13: {  	s26 =	simm.s32 $0x13FC0;
	s11 =	sadd.s32 s5, s1;
	[dreg:$0x7] =	wrdreg s24  }
0x14: {  	s13 =	sadd.s32 s20, s1;
	s9 =	sadd.s32 $0x9C000, s0;
	[dreg:$0x9] =	wrdreg s4  }
0x15: {  	s1 =	sadd.s32 $0x2DC00, s1;
	s20 =	simm.s32 $0x1;
	[dreg:$0xc] =	wrdreg s12  }
0x16: {  	s24 =	simm.s32 $0x13F40;
	[dreg:$0x6] =	wrdreg s1;
	s25 =	sadd.s32 $0x168000, s13  }
0x17: {  	s10 =	sadd.s32 $0x4B600, s11;
	s11 =	sadd.s32 $0x41600, s11;
	s13 =	simm.s32 $0x2  }
0x18: {  	s4 =	sshrl.u32 @!p0 s9, $0x3;
	s1 =	simm.s32 $0x13D40;
	[dreg:$0x8] =	wrdreg s25  }
0x19: {  	[dreg:$0xb] =	wrdreg s4;
	s25 =	simm.s32 $0x13BC0;
	s4 =	simm.s32 $0x14140  }
.LBB2_1:
0x1a: {  	s5 =	rddreg [dreg:$0x4]  }
0x1b: {  	s9 =	rddreg [dreg:$0xa]  }
0x1c: {  	[spmem:s9], [sflag:s14] =	dma.local [hbm:s5], $0x1380  }
0x1d: {  	_ =	swait.ge [sflag:s13], $0x1380  }
0x1e: {  	[sflag:s13] =	ssyncset.done $0x0;
	s5 =	rddreg [dreg:$0x6]  }
0x1f: {  	s9 =	rddreg [dreg:$0xb];
	[sflag:s13] =	ssyncadd.s32 $0xFFFFEC80  }
0x20: {  	[spmem:s9], [sflag:s14] =	dma.local @!p0 [hbm:s5], $0x80  }
0x21: {  	s9 =	simm.s32 @!p0 $0x2  }
0x22: {  	_ =	swait.ge @!p0 [sflag:s9], $0x80  }
0x23: {  	[sflag:s9] =	ssyncset.done @!p0 $0x0  }
0x24: {  	[sflag:s9] =	ssyncadd.s32 @!p0 $0xFFFFFF80;
	s9 =	rddreg [dreg:$0x7]  }
0x25: {  	[spmem:s12], [sflag:s14] =	dma.local [hbm:s9], $0x13C0  }
0x26: {  	_ =	swait.ge [sflag:s13], $0x13C0  }
0x27: {  	[sflag:s13] =	ssyncset.done $0x0  }
0x28: {  	[sflag:s13] =	ssyncadd.s32 $0xFFFFEC40  }
0x29: {  	s14 =	sadd.s32 $0x0, s11;
	[bflag:$0x0] =	sbarrier.arrive $0xFFFF  }
0x2a: {  	[tilespmem:s16], [sflag:$0x2] =	stream.linear.gather [hbm4b:s14+s3], $0x400, $0x38;
	[tilespmem:$0x16240] =	vst v63  }
0x2b: {  	_ =	swait.ge [sflag:s13], $0x400  }
0x2c: {  	[sflag:s13] =	ssyncset.done $0x0  }
0x2d: {  	s15 =	sadd.s32 $0x0, s10;
	[sflag:s13] =	ssyncadd.s32 $0xFFFFFC00  }
0x2e: {  	[tilespmem:s17], [sflag:$0x2] =	stream.linear.gather [hbm4b:s15+s3], $0x400, $0x38;
	[tilespmem:$0x16240] =	vst v63  }
0x2f: {  	_ =	swait.ge [sflag:s13], $0x400  }
0x30: {  	[sflag:s13] =	ssyncset.done $0x0  }
0x31: {  	[sflag:s13] =	ssyncadd.s32 $0xFFFFFC00  }
0x32: {  	[tilespmem:s19], [sflag:$0x1] =	stream.indirect.gather [spmem:s0], $0x40, s16, s18, $0xb8;
	[tilespmem:$0x16240] =	vst v63  }
0x33: {  	_ =	swait.ge [sflag:s20], $0x2000  }
0x34: {  	[sflag:s20] =	ssyncset.done $0x0  }
0x35: {  	[sflag:s20] =	ssyncadd.s32 $0xFFFFE000  }
0x36: {  	[spmem:s2] =	stream.indirect.scatter.add.f32 [tilespmem:s19], [sflag:$0x2], $0x40, s17, s18, $0xb8;
	[tilespmem:$0x16240] =	vst v63  }
0x37: {  	_ =	swait.ge [sflag:s13], $0x2000  }
0x38: {  	[sflag:s13] =	ssyncset.done $0x0  }
0x39: {  	[sflag:s13] =	ssyncadd.s32 $0xFFFFE000  }
0x3a: {  	[tilespmem:s19], [sflag:$0x1] =	stream.indirect.gather [spmem:s0], $0x40, s21, s18, $0xb8;
	[tilespmem:$0x16240] =	vst v63  }
0x3b: {  	_ =	swait.ge [sflag:s20], $0x2000  }
0x3c: {  	[sflag:s20] =	ssyncset.done $0x0  }
0x3d: {  	[sflag:s20] =	ssyncadd.s32 $0xFFFFE000  }
0x3e: {  	[spmem:s2] =	stream.indirect.scatter.add.f32 [tilespmem:s19], [sflag:$0x2], $0x40, s22, s18, $0xb8;
	[tilespmem:$0x16240] =	vst v63  }
0x3f: {  	_ =	swait.ge [sflag:s13], $0x2000  }
0x40: {  	[sflag:s13] =	ssyncset.done $0x0  }
0x41: {  	[sflag:s13] =	ssyncadd.s32 $0xFFFFE000  }
0x42: {  	[tilespmem:s19], [sflag:$0x1] =	stream.indirect.gather [spmem:s0], $0x40, s23, s18, $0xb8;
	[tilespmem:$0x16240] =	vst v63  }
0x43: {  	_ =	swait.ge [sflag:s20], $0x2000  }
0x44: {  	[sflag:s20] =	ssyncset.done $0x0  }
0x45: {  	[sflag:s20] =	ssyncadd.s32 $0xFFFFE000  }
0x46: {  	[spmem:s2] =	stream.indirect.scatter.add.f32 [tilespmem:s19], [sflag:$0x2], $0x40, s24, s18, $0xb8;
	[tilespmem:$0x16240] =	vst v63  }
0x47: {  	_ =	swait.ge [sflag:s13], $0x2000  }
0x48: {  	[sflag:s13] =	ssyncset.done $0x0  }
0x49: {  	[sflag:s13] =	ssyncadd.s32 $0xFFFFE000  }
0x4a: {  	[tilespmem:s19], [sflag:$0x1] =	stream.indirect.gather [spmem:s0], $0x40, s25, s18, $0xb8;
	[tilespmem:$0x16240] =	vst v63  }
0x4b: {  	_ =	swait.ge [sflag:s20], $0x2000  }
0x4c: {  	[sflag:s20] =	ssyncset.done $0x0  }
0x4d: {  	[sflag:s20] =	ssyncadd.s32 $0xFFFFE000  }
0x4e: {  	[spmem:s2] =	stream.indirect.scatter.add.f32 [tilespmem:s19], [sflag:$0x2], $0x40, s26, s18, $0xb8;
	[tilespmem:$0x16240] =	vst v63  }
0x4f: {  	_ =	swait.ge [sflag:s13], $0x2000  }
0x50: {  	[sflag:s13] =	ssyncset.done $0x0  }
0x51: {  	[sflag:s13] =	ssyncadd.s32 $0xFFFFE000  }
0x52: {  	[tilespmem:s19], [sflag:$0x1] =	stream.indirect.gather [spmem:s0], $0x40, s28, s18, $0xb8;
	[tilespmem:$0x16240] =	vst v63  }
0x53: {  	_ =	swait.ge [sflag:s20], $0x2000  }
0x54: {  	[sflag:s20] =	ssyncset.done $0x0  }
0x55: {  	[sflag:s20] =	ssyncadd.s32 $0xFFFFE000  }
0x56: {  	[spmem:s2] =	stream.indirect.scatter.add.f32 [tilespmem:s19], [sflag:$0x2], $0x40, s29, s18, $0xb8;
	[tilespmem:$0x16240] =	vst v63  }
0x57: {  	_ =	swait.ge [sflag:s13], $0x2000  }
0x58: {  	[sflag:s13] =	ssyncset.done $0x0  }
0x59: {  	[sflag:s13] =	ssyncadd.s32 $0xFFFFE000  }
0x5a: {  	[tilespmem:s19], [sflag:$0x1] =	stream.indirect.gather [spmem:s0], $0x40, s30, s18, $0xb8;
	[tilespmem:$0x16240] =	vst v63  }
0x5b: {  	_ =	swait.ge [sflag:s20], $0x2000  }
0x5c: {  	[sflag:s20] =	ssyncset.done $0x0  }
0x5d: {  	[sflag:s20] =	ssyncadd.s32 $0xFFFFE000  }
0x5e: {  	[spmem:s2] =	stream.indirect.scatter.add.f32 [tilespmem:s19], [sflag:$0x2], $0x40, s31, s18, $0xb8;
	[tilespmem:$0x16240] =	vst v63  }
0x5f: {  	_ =	swait.ge [sflag:s13], $0x2000  }
0x60: {  	[sflag:s13] =	ssyncset.done $0x0  }
0x61: {  	[sflag:s13] =	ssyncadd.s32 $0xFFFFE000  }
0x62: {  	[tilespmem:s19], [sflag:$0x1] =	stream.indirect.gather [spmem:s0], $0x40, s1, s18, $0xb8;
	[tilespmem:$0x16240] =	vst v63  }
0x63: {  	_ =	swait.ge [sflag:s20], $0x2000  }
0x64: {  	[sflag:s20] =	ssyncset.done $0x0  }
0x65: {  	[sflag:s20] =	ssyncadd.s32 $0xFFFFE000  }
0x66: {  	[spmem:s2] =	stream.indirect.scatter.add.f32 [tilespmem:s19], [sflag:$0x2], $0x40, s4, s18, $0xb8;
	[tilespmem:$0x16240] =	vst v63  }
0x67: {  	_ =	swait.ge [sflag:s13], $0x2000  }
0x68: {  	[sflag:s13] =	ssyncset.done $0x0  }
0x69: {  	[sflag:s13] =	ssyncadd.s32 $0xFFFFE000  }
0x6a: {  	[tilespmem:s19], [sflag:$0x1] =	stream.indirect.gather [spmem:s0], $0x40, s6, s18, $0xb8;
	[tilespmem:$0x16240] =	vst v63  }
0x6b: {  	_ =	swait.ge [sflag:s20], $0x2000  }
0x6c: {  	[sflag:s20] =	ssyncset.done $0x0  }
0x6d: {  	[sflag:s20] =	ssyncadd.s32 $0xFFFFE000  }
0x6e: {  	[spmem:s2] =	stream.indirect.scatter.add.f32 [tilespmem:s19], [sflag:$0x2], $0x40, s7, s18, $0xb8;
	[tilespmem:$0x16240] =	vst v63  }
0x6f: {  	_ =	swait.ge [sflag:s13], $0x2000  }
0x70: {  	s9 =	simm.s32 $0x80;
	s12 =	simm.s32 $0x100;
	[sflag:s13] =	ssyncset.done $0x0  }
.LBB2_2:
0x71: {  	s15 =	sadd.s32 s9, s11  }
0x72: {  	[sflag:s13] =	ssyncadd.s32 $0xFFFFE000;
	s5 =	smov.u32 s12;
	s14 =	sadd.s32 $0x80, s12  }
0x73: {  	[tilespmem:s16], [sflag:$0x2] =	stream.linear.gather [hbm4b:s15+s3], $0x400, $0x38;
	[tilespmem:$0x16240] =	vst v63  }
0x74: {  	p1 =	sne.s32 s12, $0x480;
	_ =	swait.ge [sflag:s13], $0x400  }
0x75: {  	[sflag:s13] =	ssyncset.done $0x0  }
0x76: {  	s12 =	sadd.s32 s9, s10;
	s9 =	smov.u32 s5;
	[sflag:s13] =	ssyncadd.s32 $0xFFFFFC00  }
0x77: {  	[tilespmem:s17], [sflag:$0x2] =	stream.linear.gather [hbm4b:s12+s3], $0x400, $0x38;
	[tilespmem:$0x16240] =	vst v63  }
0x78: {  	_ =	swait.ge [sflag:s13], $0x400  }
0x79: {  	[sflag:s13] =	ssyncset.done $0x0  }
0x7a: {  	[sflag:s13] =	ssyncadd.s32 $0xFFFFFC00  }
0x7b: {  	[tilespmem:s19], [sflag:$0x1] =	stream.indirect.gather [spmem:s0], $0x40, s16, s18, $0xb8;
	[tilespmem:$0x16240] =	vst v63  }
0x7c: {  	_ =	swait.ge [sflag:s20], $0x2000  }
0x7d: {  	[sflag:s20] =	ssyncset.done $0x0  }
0x7e: {  	[sflag:s20] =	ssyncadd.s32 $0xFFFFE000  }
0x7f: {  	[spmem:s2] =	stream.indirect.scatter.add.f32 [tilespmem:s19], [sflag:$0x2], $0x40, s17, s18, $0xb8;
	[tilespmem:$0x16240] =	vst v63  }
0x80: {  	_ =	swait.ge [sflag:s13], $0x2000  }
0x81: {  	[sflag:s13] =	ssyncset.done $0x0  }
0x82: {  	[sflag:s13] =	ssyncadd.s32 $0xFFFFE000  }
0x83: {  	[tilespmem:s19], [sflag:$0x1] =	stream.indirect.gather [spmem:s0], $0x40, s21, s18, $0xb8;
	[tilespmem:$0x16240] =	vst v63  }
0x84: {  	_ =	swait.ge [sflag:s20], $0x2000  }
0x85: {  	[sflag:s20] =	ssyncset.done $0x0  }
0x86: {  	[sflag:s20] =	ssyncadd.s32 $0xFFFFE000  }
0x87: {  	[spmem:s2] =	stream.indirect.scatter.add.f32 [tilespmem:s19], [sflag:$0x2], $0x40, s22, s18, $0xb8;
	[tilespmem:$0x16240] =	vst v63  }
0x88: {  	_ =	swait.ge [sflag:s13], $0x2000  }
0x89: {  	[sflag:s13] =	ssyncset.done $0x0  }
0x8a: {  	[sflag:s13] =	ssyncadd.s32 $0xFFFFE000  }
0x8b: {  	[tilespmem:s19], [sflag:$0x1] =	stream.indirect.gather [spmem:s0], $0x40, s23, s18, $0xb8;
	[tilespmem:$0x16240] =	vst v63  }
0x8c: {  	_ =	swait.ge [sflag:s20], $0x2000  }
0x8d: {  	[sflag:s20] =	ssyncset.done $0x0  }
0x8e: {  	[sflag:s20] =	ssyncadd.s32 $0xFFFFE000  }
0x8f: {  	[spmem:s2] =	stream.indirect.scatter.add.f32 [tilespmem:s19], [sflag:$0x2], $0x40, s24, s18, $0xb8;
	[tilespmem:$0x16240] =	vst v63  }
0x90: {  	_ =	swait.ge [sflag:s13], $0x2000  }
0x91: {  	[sflag:s13] =	ssyncset.done $0x0  }
0x92: {  	[sflag:s13] =	ssyncadd.s32 $0xFFFFE000  }
0x93: {  	[tilespmem:s19], [sflag:$0x1] =	stream.indirect.gather [spmem:s0], $0x40, s25, s18, $0xb8;
	[tilespmem:$0x16240] =	vst v63  }
0x94: {  	_ =	swait.ge [sflag:s20], $0x2000  }
0x95: {  	[sflag:s20] =	ssyncset.done $0x0  }
0x96: {  	[sflag:s20] =	ssyncadd.s32 $0xFFFFE000  }
0x97: {  	[spmem:s2] =	stream.indirect.scatter.add.f32 [tilespmem:s19], [sflag:$0x2], $0x40, s26, s18, $0xb8;
	[tilespmem:$0x16240] =	vst v63  }
0x98: {  	_ =	swait.ge [sflag:s13], $0x2000  }
0x99: {  	[sflag:s13] =	ssyncset.done $0x0  }
0x9a: {  	[sflag:s13] =	ssyncadd.s32 $0xFFFFE000  }
0x9b: {  	[tilespmem:s19], [sflag:$0x1] =	stream.indirect.gather [spmem:s0], $0x40, s28, s18, $0xb8;
	[tilespmem:$0x16240] =	vst v63  }
0x9c: {  	_ =	swait.ge [sflag:s20], $0x2000  }
0x9d: {  	[sflag:s20] =	ssyncset.done $0x0  }
0x9e: {  	[sflag:s20] =	ssyncadd.s32 $0xFFFFE000  }
0x9f: {  	[spmem:s2] =	stream.indirect.scatter.add.f32 [tilespmem:s19], [sflag:$0x2], $0x40, s29, s18, $0xb8;
	[tilespmem:$0x16240] =	vst v63  }
0xa0: {  	_ =	swait.ge [sflag:s13], $0x2000  }
0xa1: {  	[sflag:s13] =	ssyncset.done $0x0  }
0xa2: {  	[sflag:s13] =	ssyncadd.s32 $0xFFFFE000  }
0xa3: {  	[tilespmem:s19], [sflag:$0x1] =	stream.indirect.gather [spmem:s0], $0x40, s30, s18, $0xb8;
	[tilespmem:$0x16240] =	vst v63  }
0xa4: {  	_ =	swait.ge [sflag:s20], $0x2000  }
0xa5: {  	[sflag:s20] =	ssyncset.done $0x0  }
0xa6: {  	[sflag:s20] =	ssyncadd.s32 $0xFFFFE000  }
0xa7: {  	[spmem:s2] =	stream.indirect.scatter.add.f32 [tilespmem:s19], [sflag:$0x2], $0x40, s31, s18, $0xb8;
	[tilespmem:$0x16240] =	vst v63  }
0xa8: {  	_ =	swait.ge [sflag:s13], $0x2000  }
0xa9: {  	[sflag:s13] =	ssyncset.done $0x0  }
0xaa: {  	[sflag:s13] =	ssyncadd.s32 $0xFFFFE000  }
0xab: {  	[tilespmem:s19], [sflag:$0x1] =	stream.indirect.gather [spmem:s0], $0x40, s1, s18, $0xb8;
	[tilespmem:$0x16240] =	vst v63  }
0xac: {  	_ =	swait.ge [sflag:s20], $0x2000  }
0xad: {  	[sflag:s20] =	ssyncset.done $0x0  }
0xae: {  	[sflag:s20] =	ssyncadd.s32 $0xFFFFE000  }
0xaf: {  	[spmem:s2] =	stream.indirect.scatter.add.f32 [tilespmem:s19], [sflag:$0x2], $0x40, s4, s18, $0xb8;
	[tilespmem:$0x16240] =	vst v63  }
0xb0: {  	_ =	swait.ge [sflag:s13], $0x2000  }
0xb1: {  	[sflag:s13] =	ssyncset.done $0x0  }
0xb2: {  	[sflag:s13] =	ssyncadd.s32 $0xFFFFE000  }
0xb3: {  	[tilespmem:s19], [sflag:$0x1] =	stream.indirect.gather [spmem:s0], $0x40, s6, s18, $0xb8;
	[tilespmem:$0x16240] =	vst v63  }
0xb4: {  	_ =	swait.ge [sflag:s20], $0x2000  }
.Ltmp0:
0xb5: {  	[sflag:s20] =	ssyncset.done $0x0;
	(pc) =	sbr.rel @p1 .LBB2_2-.Ltmp0, $4  }
0xb6: {  	[sflag:s20] =	ssyncadd.s32 $0xFFFFE000  }
0xb7: {  	[spmem:s2] =	stream.indirect.scatter.add.f32 [tilespmem:s19], [sflag:$0x2], $0x40, s7, s18, $0xb8;
	[tilespmem:$0x16240] =	vst v63  }
0xb8: {  	_ =	swait.ge [sflag:s13], $0x2000  }
0xb9: {  	s12 =	smov.u32 s14;
	[sflag:s13] =	ssyncset.done $0x0  }
0xba: {  	s5 =	sadd.s32 s9, s11;
	[sflag:s13] =	ssyncadd.s32 $0xFFFFE000  }
0xbb: {  	[tilespmem:s16], [sflag:$0x2] =	stream.linear.gather [hbm4b:s5+s3], $0x400, $0x38;
	[tilespmem:$0x16240] =	vst v63  }
0xbc: {  	_ =	swait.ge [sflag:s13], $0x400  }
0xbd: {  	[sflag:s13] =	ssyncset.done $0x0  }
0xbe: {  	s15 =	sadd.s32 s9, s10;
	[sflag:s13] =	ssyncadd.s32 $0xFFFFFC00  }
0xbf: {  	[tilespmem:s17], [sflag:$0x2] =	stream.linear.gather [hbm4b:s15+s3], $0x400, $0x38;
	[tilespmem:$0x16240] =	vst v63  }
0xc0: {  	_ =	swait.ge [sflag:s13], $0x400  }
0xc1: {  	[sflag:s13] =	ssyncset.done $0x0  }
0xc2: {  	[sflag:s13] =	ssyncadd.s32 $0xFFFFFC00  }
0xc3: {  	[tilespmem:s19], [sflag:$0x1] =	stream.indirect.gather [spmem:s0], $0x40, s16, s18, $0xb8;
	[tilespmem:$0x16240] =	vst v63  }
0xc4: {  	_ =	swait.ge [sflag:s20], $0x2000  }
0xc5: {  	[sflag:s20] =	ssyncset.done $0x0  }
0xc6: {  	[sflag:s20] =	ssyncadd.s32 $0xFFFFE000  }
0xc7: {  	[spmem:s2] =	stream.indirect.scatter.add.f32 [tilespmem:s19], [sflag:$0x2], $0x40, s17, s18, $0xb8;
	[tilespmem:$0x16240] =	vst v63  }
0xc8: {  	_ =	swait.ge [sflag:s13], $0x2000  }
0xc9: {  	[sflag:s13] =	ssyncset.done $0x0  }
0xca: {  	[sflag:s13] =	ssyncadd.s32 $0xFFFFE000  }
0xcb: {  	[tilespmem:s19], [sflag:$0x1] =	stream.indirect.gather [spmem:s0], $0x40, s21, s18, $0xb8;
	[tilespmem:$0x16240] =	vst v63  }
0xcc: {  	_ =	swait.ge [sflag:s20], $0x2000  }
0xcd: {  	[sflag:s20] =	ssyncset.done $0x0  }
0xce: {  	[sflag:s20] =	ssyncadd.s32 $0xFFFFE000  }
0xcf: {  	[spmem:s2] =	stream.indirect.scatter.add.f32 [tilespmem:s19], [sflag:$0x2], $0x40, s22, s18, $0xb8;
	[tilespmem:$0x16240] =	vst v63  }
0xd0: {  	_ =	swait.ge [sflag:s13], $0x2000  }
0xd1: {  	[sflag:s13] =	ssyncset.done $0x0  }
0xd2: {  	[sflag:s13] =	ssyncadd.s32 $0xFFFFE000  }
0xd3: {  	[tilespmem:s19], [sflag:$0x1] =	stream.indirect.gather [spmem:s0], $0x40, s23, s18, $0xb8;
	[tilespmem:$0x16240] =	vst v63  }
0xd4: {  	_ =	swait.ge [sflag:s20], $0x2000  }
0xd5: {  	[sflag:s20] =	ssyncset.done $0x0  }
0xd6: {  	[sflag:s20] =	ssyncadd.s32 $0xFFFFE000  }
0xd7: {  	[spmem:s2] =	stream.indirect.scatter.add.f32 [tilespmem:s19], [sflag:$0x2], $0x40, s24, s18, $0xb8;
	[tilespmem:$0x16240] =	vst v63  }
0xd8: {  	_ =	swait.ge [sflag:s13], $0x2000  }
0xd9: {  	[sflag:s13] =	ssyncset.done $0x0  }
0xda: {  	[sflag:s13] =	ssyncadd.s32 $0xFFFFE000  }
0xdb: {  	[tilespmem:s19], [sflag:$0x1] =	stream.indirect.gather [spmem:s0], $0x40, s25, s18, $0xb8;
	[tilespmem:$0x16240] =	vst v63  }
0xdc: {  	_ =	swait.ge [sflag:s20], $0x2000  }
0xdd: {  	[sflag:s20] =	ssyncset.done $0x0  }
0xde: {  	[sflag:s20] =	ssyncadd.s32 $0xFFFFE000  }
0xdf: {  	[spmem:s2] =	stream.indirect.scatter.add.f32 [tilespmem:s19], [sflag:$0x2], $0x40, s26, s18, $0xb8;
	[tilespmem:$0x16240] =	vst v63  }
0xe0: {  	_ =	swait.ge [sflag:s13], $0x2000  }
0xe1: {  	[sflag:s13] =	ssyncset.done $0x0  }
0xe2: {  	[sflag:s13] =	ssyncadd.s32 $0xFFFFE000  }
0xe3: {  	[tilespmem:s19], [sflag:$0x1] =	stream.indirect.gather [spmem:s0], $0x40, s28, s18, $0xb8;
	[tilespmem:$0x16240] =	vst v63  }
0xe4: {  	_ =	swait.ge [sflag:s20], $0x2000  }
0xe5: {  	[sflag:s20] =	ssyncset.done $0x0  }
0xe6: {  	[sflag:s20] =	ssyncadd.s32 $0xFFFFE000  }
0xe7: {  	[spmem:s2] =	stream.indirect.scatter.add.f32 [tilespmem:s19], [sflag:$0x2], $0x40, s29, s18, $0xb8;
	[tilespmem:$0x16240] =	vst v63  }
0xe8: {  	_ =	swait.ge [sflag:s13], $0x2000  }
0xe9: {  	[sflag:s13] =	ssyncset.done $0x0  }
0xea: {  	[sflag:s13] =	ssyncadd.s32 $0xFFFFE000  }
0xeb: {  	[tilespmem:s19], [sflag:$0x1] =	stream.indirect.gather [spmem:s0], $0x40, s30, s18, $0xb8;
	[tilespmem:$0x16240] =	vst v63  }
0xec: {  	_ =	swait.ge [sflag:s20], $0x2000  }
0xed: {  	[sflag:s20] =	ssyncset.done $0x0  }
0xee: {  	[sflag:s20] =	ssyncadd.s32 $0xFFFFE000  }
0xef: {  	[spmem:s2] =	stream.indirect.scatter.add.f32 [tilespmem:s19], [sflag:$0x2], $0x40, s31, s18, $0xb8;
	[tilespmem:$0x16240] =	vst v63  }
0xf0: {  	_ =	swait.ge [sflag:s13], $0x2000  }
0xf1: {  	[sflag:s13] =	ssyncset.done $0x0  }
0xf2: {  	[sflag:s13] =	ssyncadd.s32 $0xFFFFE000  }
0xf3: {  	[tilespmem:s19], [sflag:$0x1] =	stream.indirect.gather [spmem:s0], $0x40, s1, s18, $0xb8;
	[tilespmem:$0x16240] =	vst v63  }
0xf4: {  	_ =	swait.ge [sflag:s20], $0x2000  }
0xf5: {  	[sflag:s20] =	ssyncset.done $0x0  }
0xf6: {  	[sflag:s20] =	ssyncadd.s32 $0xFFFFE000  }
0xf7: {  	[spmem:s2] =	stream.indirect.scatter.add.f32 [tilespmem:s19], [sflag:$0x2], $0x40, s4, s18, $0xb8;
	[tilespmem:$0x16240] =	vst v63  }
0xf8: {  	_ =	swait.ge [sflag:s13], $0x2000  }
0xf9: {  	[sflag:s13] =	ssyncset.done $0x0  }
0xfa: {  	[sflag:s13] =	ssyncadd.s32 $0xFFFFE000  }
0xfb: {  	[tilespmem:s19], [sflag:$0x1] =	stream.indirect.gather [spmem:s0], $0x40, s6, s18, $0xb8;
	[tilespmem:$0x16240] =	vst v63  }
0xfc: {  	_ =	swait.ge [sflag:s20], $0x2000  }
0xfd: {  	[sflag:s20] =	ssyncset.done $0x0  }
0xfe: {  	[sflag:s20] =	ssyncadd.s32 $0xFFFFE000  }
0xff: {  	[spmem:s2] =	stream.indirect.scatter.add.f32 [tilespmem:s19], [sflag:$0x2], $0x40, s7, s18, $0xb8;
	[tilespmem:$0x16240] =	vst v63  }
0x100: {  	_ =	swait.ge [sflag:s13], $0x2000  }
0x101: {  	[sflag:s13] =	ssyncset.done $0x0  }
0x102: {  	[sflag:s13] =	ssyncadd.s32 $0xFFFFE000  }
0x103: {  	[bflag:$0x0] =	sbarrier.arrive $0xFFFF  }
0x104: {  	s14 =	rddreg [dreg:$0x5]  }
0x105: {  	s9 =	rddreg [dreg:$0x8]  }
0x106: {  	s12 =	rddreg [dreg:$0xc]  }
0x107: {  	[hbm:s9], [sflag:s14] =	dma.local [spmem:s12], $0x13C0  }
0x108: {  	_ =	swait.ge [sflag:s13], $0x13C0  }
0x109: {  	s8 =	sadd.s32 $0x1, s8;
	s15 =	rddreg [dreg:$0x9]  }
0x10a: {  	p1 =	sne.s32 s8, s15  }
.Ltmp1:
0x10b: {  	_ = 	snop;
	(pc) =	sbr.rel @p1 .LBB2_1-.Ltmp1, $3  }
0x10c: {  	_ =	sdelay $0x1  }
0x10d: {  	[sflag:s13] =	ssyncset.done $0x0  }
0x10e: {  	[sflag:s13] =	ssyncadd.s32 $0xFFFFEC40  }
0x10f: {  	_ =	sfence.sel $0x180000  }
0x110: {  	[bflag:$0x0] =	sbarrier.arrive $0xFFFF  }
0x111: {  	_ =	strace $0x90000053  }
0x112: {  	[bflag:$0x2] =	sbarrier.arrive $0xFFFF  }
0x113: {  	s0 =	rddreg [dreg:$0x3]  }
0x114: {  	s0 =	sadd.s32 @!p0 $0x100000, s0  }
0x115: {  	[sflag:s0] =	ssyncadd.tile.s32 @!p0 $0x1;
	_ =	shalt  }
.Lfunc_end2:
_tile_overlayer_lowered:
.L_overlay_start_2:
0x116: {  	(tag) =	ssettag $0x2  }
0x117: {  	s0 =	rddreg [dreg:$0x0];
	s2 =	stileid.u32  }
0x118: {  	s1 =	rddreg [dreg:$0x1];
	p0 =	sne.s32 s2, $0x0  }
0x119: {  	s3 =	rddreg [dreg:$0x2];
	[bflag:$0x3] =	sbarrier.arrive $0xFFFF;
	s2 =	simm.s32 @!p0 $0x1C02  }
0x11a: {  	[timem:s3], [sflag:s2] =	dma.local @!p0 [hbm:s0], s1  }
0x11b: {  	s0 =	simm.s32 @!p0 $0x2  }
0x11c: {  	_ =	swait.ge @!p0 [sflag:s0], s1  }
0x11d: {  	s1 =	ssub.s32 @!p0 $0x0, s1;
	[sflag:s0] =	ssyncset.done @!p0 $0x0  }
0x11e: {  	[sflag:s0] =	ssyncadd.s32 @!p0 s1  }
0x11f: {  	[bflag:$0x3] =	sbarrier.arrive $0xFFFF  }
0x120: {  	_ =	shalt  }

// kernel: kernel.38.cloned.1.call-start
scs
__scs_entry_jumppad:
0x0: {  	(pc) =	sbr.rel $0x88, $3  }
0x1: {  	(tag) =	ssettag $0x0;
	lr =	simm.s32 $0x1  }
0x2: {  	[smem:$0x3F88] =	sst lr;
	_ =	strace $0xD0000000  }
0x3: {  	_ = 	snop  }
0x4: {  	_ = 	snop  }
0x5: {  	_ = 	snop  }
0x6: {  	_ = 	snop  }
0x7: {  	_ = 	snop  }
__scs_overlays_trampoline_lowered:
0x8: {  	[smem:$0x3F97] =	sst s0  }
0x9: {  	[smem:$0x3F98] =	sst s1  }
0xa: {  	[smem:$0x3F99] =	sst s2  }
0xb: {  	[smem:$0x3F9A] =	sst s3  }
0xc: {  	[smem:$0x3F9B] =	sst s4  }
0xd: {  	[smem:$0x3F9C] =	sst s5  }
0xe: {  	[smem:$0x3F9D] =	sst s6  }
0xf: {  	[smem:$0x3F9E] =	sst s7  }
0x10: {  	[smem:$0x3F9F] =	sst s8  }
0x11: {  	[smem:$0x3FA0] =	sst s9;
	s0 =	simm.s32 @!p0 $0x0  }
0x12: {  	s1 =	sld [smem:$0x3F86];
	s0 =	simm.s32 @p0 $0x1  }
0x13: {  	[smem:$0x3FA1] =	sst s0;
	s0 =	simm.s32 @!p1 $0x0  }
0x14: {  	s2 =	sld [smem:$0x3F85];
	s0 =	simm.s32 @p1 $0x1  }
0x15: {  	[smem:$0x3FA2] =	sst s0;
	s0 =	simm.s32 @!p2 $0x0  }
0x16: {  	s3 =	sld [smem:$0x3FDB];
	s0 =	simm.s32 @p2 $0x1  }
0x17: {  	s4 =	simm.s32 $0x1BF5;
	[smem:$0x3FA4] =	sst s0  }
0x18: {  	s0 =	sld [smem:$0x3F87];
	_ =	swait.ge [sflag:s4], $0x0  }
0x19: {  	s7 =	sld [smem:$0x3F88]  }
0x1a: {  	s8 =	sadd.s32 $0xFFFFE003, lr  }
0x1b: {  	s9 =	sadd.s32 $0xFFFFFEF7, lr;
	s5 =	simm.s32 $0xFFFFFFFF;
	p2 =	slt.u32 s8, $0xFFFFF086  }
0x1c: {  	p1 =	slt.u32 s9, $0xF7A;
	s5 =	simm.s32 @!p2 $0x0  }
0x1d: {  	s5 =	simm.s32 @p1 $0x1;
	p0 =	seq.s32 s7, s2  }
0x1e: {  	s7 =	smul.u32 @!p0 $0xF7A, s2;
	p2 =	seq.s32 @!p0 s5, $0x0  }
0x1f: {  	s9 =	smul.u32 $0xF7A, s1;
	s8 =	simm.s32 @!p0 $0x1BF5;
	p2 =	por !p2, p0  }
0x20: {  	[sflag:s8] =	ssyncset.s32 @!p0 $0xFFFFF086;
	s6 =	sadd.s32 @!p0 s3, s7;
	s7 =	simm.s32 @!p0 $0x108  }
0x21: {  	s3 =	sadd.s32 s3, s9;
	s6 =	sadd.s32 @!p0 $0x88, s6;
	s7 =	simm.s32 @p2 $0x1082  }
0x22: {  	[simem:s7], [sflag:s8] =	dma.local @!p0 [hbm:s6], $0xF7A  }
0x23: {  	s9 =	sor.u32 $0xD0000000, s2;
	s6 =	simm.s32 $0x108;
	_ =	swait.ge @!p0 [sflag:s8], $0x0  }
0x24: {  	s3 =	sadd.s32 $0x88, s3;
	s6 =	simm.s32 @!p1 $0x1082;
	[sflag:s4] =	ssyncset.s32 $0xFFFFF086  }
0x25: {  	[simem:s6], [sflag:s4] =	dma.local [hbm:s3], $0xF7A  }
0x26: {  	[smem:$0x3F88] =	sst s1;
	(tag) =	ssettag s2;
	_ =	strace s9  }
0x27: {  	s1 =	sld [smem:$0x3F98]  }
0x28: {  	s2 =	sld [smem:$0x3F99]  }
0x29: {  	s4 =	sld [smem:$0x3F9B]  }
0x2a: {  	p0 =	seq.s32 s5, $0x0;
	s5 =	sld [smem:$0x3F9C]  }
0x2b: {  	s6 =	sld [smem:$0x3F9D]  }
0x2c: {  	s7 =	sld [smem:$0x3F9E]  }
0x2d: {  	s3 =	simm.s32 $0x108;
	s8 =	sld [smem:$0x3F9F]  }
0x2e: {  	s3 =	simm.s32 @!p0 $0x1082;
	s9 =	sld [smem:$0x3FA0]  }
0x2f: {  	lr =	sadd.s32 s0, s3;
	s0 =	sld [smem:$0x3F97]  }
0x30: {  	s3 =	sld [smem:$0x3F9A]  }
0x31: {  	[smem:$0x3FA3] =	sst s10  }
0x32: {  	s10 =	sld [smem:$0x3FA1];
	_ =	sdelay $0x3  }
0x33: {  	p0 =	seq.s32 s10, $0x1;
	s10 =	sld [smem:$0x3FA3];
	_ =	sdelay $0x3  }
0x34: {  	[smem:$0x3FA3] =	sst s10  }
0x35: {  	s10 =	sld [smem:$0x3FA2];
	_ =	sdelay $0x3  }
0x36: {  	p1 =	seq.s32 s10, $0x1;
	s10 =	sld [smem:$0x3FA3];
	_ =	sdelay $0x3  }
0x37: {  	[smem:$0x3FA3] =	sst s10  }
0x38: {  	s10 =	sld [smem:$0x3FA4]  }
0x39: {  	_ = 	snop;
	(pc) =	sbr.ind lr, $3  }
0x3a: {  	_ = 	snop  }
0x3b: {  	_ = 	snop  }
0x3c: {  	p2 =	seq.s32 s10, $0x1;
	s10 =	sld [smem:$0x3FA3]  }
0x3d: {  	_ =	shalt  }
0x3e: {  	_ =	shalt  }
0x3f: {  	_ =	shalt  }
0x40: {  	_ =	shalt  }
0x41: {  	_ =	shalt  }
0x42: {  	_ =	shalt  }
0x43: {  	_ =	shalt  }
0x44: {  	_ =	shalt  }
0x45: {  	_ =	shalt  }
0x46: {  	_ =	shalt  }
0x47: {  	_ =	shalt  }
0x48: {  	_ =	shalt  }
0x49: {  	_ =	shalt  }
0x4a: {  	_ =	shalt  }
0x4b: {  	_ =	shalt  }
0x4c: {  	_ =	shalt  }
0x4d: {  	_ =	shalt  }
0x4e: {  	_ =	shalt  }
0x4f: {  	_ =	shalt  }
0x50: {  	_ =	shalt  }
0x51: {  	_ =	shalt  }
0x52: {  	_ =	shalt  }
0x53: {  	_ =	shalt  }
0x54: {  	_ =	shalt  }
0x55: {  	_ =	shalt  }
0x56: {  	_ =	shalt  }
0x57: {  	_ =	shalt  }
0x58: {  	_ =	shalt  }
0x59: {  	_ =	shalt  }
0x5a: {  	_ =	shalt  }
0x5b: {  	_ =	shalt  }
0x5c: {  	_ =	shalt  }
0x5d: {  	_ =	shalt  }
0x5e: {  	_ =	shalt  }
0x5f: {  	_ =	shalt  }
0x60: {  	_ =	shalt  }
0x61: {  	_ =	shalt  }
0x62: {  	_ =	shalt  }
0x63: {  	_ =	shalt  }
0x64: {  	_ =	shalt  }
0x65: {  	_ =	shalt  }
0x66: {  	_ =	shalt  }
0x67: {  	_ =	shalt  }
0x68: {  	_ =	shalt  }
0x69: {  	_ =	shalt  }
0x6a: {  	_ =	shalt  }
0x6b: {  	_ =	shalt  }
0x6c: {  	_ =	shalt  }
0x6d: {  	_ =	shalt  }
0x6e: {  	_ =	shalt  }
0x6f: {  	_ =	shalt  }
0x70: {  	_ =	shalt  }
0x71: {  	_ =	shalt  }
0x72: {  	_ =	shalt  }
0x73: {  	_ =	shalt  }
0x74: {  	_ =	shalt  }
0x75: {  	_ =	shalt  }
0x76: {  	_ =	shalt  }
0x77: {  	_ =	shalt  }
0x78: {  	_ =	shalt  }
0x79: {  	_ =	shalt  }
0x7a: {  	_ =	shalt  }
0x7b: {  	_ =	shalt  }
0x7c: {  	_ =	shalt  }
0x7d: {  	_ =	shalt  }
0x7e: {  	_ =	shalt  }
0x7f: {  	_ =	shalt  }
0x80: {  	_ =	shalt  }
0x81: {  	_ =	shalt  }
0x82: {  	_ =	shalt  }
0x83: {  	_ =	shalt  }
0x84: {  	_ =	shalt  }
0x85: {  	_ =	shalt  }
0x86: {  	_ =	shalt  }
0x87: {  	_ =	shalt  }
.Lfunc_end0:
.L_simem_size_0:
called_computation.6_lowered:
.L_overlay_start_0:
0x88: {  	s2 =	sld [smem:$0x3FD9]  }
0x89: {  	s3 =	sld [smem:$0x3FFE];
	_ =	sdelay $0x1  }
0x8a: {  	s1 =	srdreg.scid  }
0x8b: {  	s0 =	sand.u32 $0x1, s1  }
0x8c: {  	s17 =	sshll.u32 s0, $0xA;
	s2 =	sadd.s32 s3, s2  }
0x8d: {  	s2 =	sadd.s32 s2, s17  }
0x8e: {  	[smem:$0x3FAF] =	sst s2  }
0x8f: {  	_ = 	snop  }
0x90: {  	(tm) =	ssettm $0x1  }
0x91: {  	s18 =	sld [smem:$0x3FFB];
	_ =	sdelay $0x3  }
0x92: {  	_ =	strace s18  }
0x93: {  	s2 =	sld [smem:$0x3FFC];
	_ =	sdelay $0x3  }
0x94: {  	_ =	strace s2  }
0x95: {  	s2 =	sld [smem:$0x3FFD];
	_ =	sdelay $0x3  }
0x96: {  	_ =	strace s2  }
0x97: {  	_ =	strace $0x8FFFFFFF  }
0x98: {  	s19 =	sld [smem:$0x3FDB];
	_ =	sdelay $0x1  }
0x99: {  	s20 =	simm.s32 $_scs_section_size  }
0x9a: {  	s4 =	simm.s32 $_size__tile_overlayer_lowered;
	s5 =	simm.s32 $_tile_overlayer_lowered  }
0x9b: {  	s6 =	simm.s32 $0x1BFF;
	s21 =	sshll.u32 s5, $0x1;
	s3 =	sadd.s32 s20, s19  }
0x9c: {  	s22 =	simm.s32 $0x0;
	s4 =	sshll.u32 s4, $0x1;
	s5 =	sadd.s32 s21, s3  }
0x9d: {  	[timem:s22], [sflag:s6] =	dma.local [hbm:s5], s4  }
0x9e: {  	_ =	swait.ge [sflag:s6], s4  }
0x9f: {  	s4 =	ssub.s32 $0x0, s4;
	[sflag:s6] =	ssyncset.done $0x0  }
0xa0: {  	[sflag:s6] =	ssyncadd.s32 s4;
	_ =	sdelay $0x1  }
0xa1: {  	s23 =	simm.s32 $0x1B8B  }
0xa2: {  	_ =	swait.ge [sflag:s23], $0x1  }
0xa3: {  	[sflag:s23] =	ssyncset.done $0x0  }
0xa4: {  	[sflag:s23] =	ssyncadd.s32 $0xFFFFFFFF  }
0xa5: {  	s4 =	sld [smem:$0x0]  }
0xa6: {  	s5 =	sand.u32 $0xFFFFFFFE, s1  }
0xa7: {  	p0 =	sne.s32 s1, s5  }
0xa8: {  	s5 =	sshll.u32 @p0 s5, $0xE  }
0xa9: {  	s5 =	sadd.s32 @p0 $0x11B8D, s5;
	s6 =	sshll.u32 @p0 s4, $0x11  }
0xaa: {  	s5 =	sor.u32 @p0 s6, s5  }
0xab: {  	[sflag:s5] =	ssyncadd.remote.s32 @p0 $0x1;
	_ =	sdelay $0x1  }
0xac: {  	s5 =	simm.s32 @p0 $0x1B8D  }
0xad: {  	_ =	swait.eq @p0 [sflag:s5], $0x1  }
0xae: {  	[sflag:s5] =	ssyncadd.s32 @p0 $0xFFFFFFFF  }
0xaf: {  	s6 =	sshll.u32 @!p0 s1, $0xE  }
0xb0: {  	s6 =	sor.u32 @!p0 $0x4000, s6;
	s5 =	simm.s32 @!p0 $0x1B8D  }
0xb1: {  	s4 =	sshll.u32 @!p0 s4, $0x11;
	s6 =	sadd.s32 @!p0 $0x11B8D, s6;
	_ =	swait.eq @!p0 [sflag:s5], $0x1  }
0xb2: {  	s4 =	sor.u32 @!p0 s4, s6;
	[sflag:s5] =	ssyncadd.s32 @!p0 $0xFFFFFFFF  }
0xb3: {  	s25 =	simm.s32 $0x1B8E;
	s24 =	sld [smem:$0x3FFE];
	[sflag:s4] =	ssyncadd.remote.s32 @!p0 $0x1  }
0xb4: {  	s26 =	simm.s32 $execute0_lowered;
	[smem:$0x3FD2] =	sst s25  }
0xb5: {  	s5 =	sshll.u32 s26, $0x1;
	_ =	strace $0x80000058;
	[dreg:$0x1] =	wrdreg $0xFFFFFFFF  }
0xb6: {  	s28 =	simm.s32 $_size_execute0_lowered;
	s3 =	sadd.s32 s3, s5;
	[dreg:$0x0] =	wrdreg $0x0  }
0xb7: {  	s5 =	sshll.u32 s28, $0x1;
	[dreg:$0x2] =	wrdreg s3  }
0xb8: {  	[dreg:$0x3] =	wrdreg s5  }
0xb9: {  	[dreg:$0x4] =	wrdreg $0xC0  }
0xba: {  	_ =	task [dreg:s22], $0x5FFFF  }
0xbb: {  	[dreg:$0x1] =	wrdreg $0xFFFFFFFF  }
0xbc: {  	[dreg:$0x0] =	wrdreg $0x60  }
0xbd: {  	[dreg:$0x2] =	wrdreg s24  }
0xbe: {  	[dreg:$0x3] =	wrdreg $0x0  }
0xbf: {  	[dreg:$0x4] =	wrdreg $0x138800  }
0xc0: {  	[dreg:$0x5] =	wrdreg $0xA  }
0xc1: {  	_ =	task.clear_ibuf [dreg:s22], $0x6FFFF;
	_ =	strace $0x90000058  }
0xc2: {  	s29 =	simm.s32 $0xA;
	_ =	strace $0x8000005A  }
0xc3: {  	_ =	swait.ge [sflag:s29], $0x1  }
0xc4: {  	[sflag:s29] =	ssyncadd.s32 $0xFFFFFFFF  }
0xc5: {  	_ =	strace $0x9000005A  }
0xc6: {  	_ =	sfence  }
0xc7: {  	s30 =	sld [smem:$0x0];
	_ =	sdelay $0x2  }
0xc8: {  	s31 =	sshll.u32 s1, $0xD;
	s1 =	sshrl.u32 s1, $0x2  }
0xc9: {  	s4 =	sand.u32 $0x4000, s31;
	s1 =	sadd.s32 s1, s30  }
0xca: {  	s0 =	sor.u32 s4, s0;
	s1 =	sshll.u32 s1, $0x11  }
0xcb: {  	s0 =	sor.u32 s1, s0  }
0xcc: {  	s0 =	sadd.s32 $0x8F2B, s0  }
0xcd: {  	[sflag:s0] =	ssyncadd.remote.s32 $0x1  }
0xce: {  	_ =	sfence.sel $0xFFFF  }
0xcf: {  	[dreg:$0x0] =	wrdreg $0xFFFFFFFF;
	(pc) =	sbr.abs _section_cstart, $3  }
0xd0: {  	[dreg:$0x1] =	wrdreg $0xFFFFFFFF  }
0xd1: {  	_ =	task.clear_ibuf [dreg:s22], $0x2FFFF;
	_ =	strace $0x9FFFFFFF  }
0xd2: {  	(tm) =	ssettm $0x7FFFFFFF  }
0xd3: {  	_ =	shalt  }
tec
execute0_lowered:
.L_overlay_start_1:
0x0: {  	(tag) =	ssettag $0x1  }
0x1: {  	s1 =	rddreg [dreg:$0x0];
	s2 =	srdreg.scid  }
0x2: {  	s0 =	rddreg [dreg:$0x1];
	s6 =	stileid.u32  }
0x3: {  	s3 =	simm.s32 $0x0;
	s16 =	simm.s32 $0x1D680;
	s17 =	simm.s32 $0x1DA80  }
0x4: {  	s28 =	simm.s32 $0x1D880;
	s29 =	simm.s32 $0x1DC80;
	s7 =	smul.u32 $0x2800, s6  }
0x5: {  	s30 =	simm.s32 $0x1D900;
	s31 =	simm.s32 $0x1DD00;
	s8 =	smul.u32 $0x13800, s6  }
0x6: {  	s4 =	sand.u32 $0x1, s2;
	s2 =	rddreg [dreg:$0x2];
	s18 =	smul.u32 $0x9E00, s6  }
0x7: {  	[smem:$0x7FF] =	sst s3;
	s22 =	sshll.u32 s6, $0x6;
	s5 =	smul.u32 $0x28000, s4  }
0x8: {  	p0 =	sne.s32 s6, $0x0;
	s6 =	simm.s32 $0x1DA00;
	s10 =	smul.u32 $0x9E000, s4  }
0x9: {  	_ =	strace $0x80000059;
	s4 =	ssub.s32 $0x2, s4;
	s14 =	sor.u32 $0x1C02, s22  }
0xa: {  	s22 =	simm.s32 $0x1DB00;
	s9 =	sshrl.u32 s8, $0x3;
	s19 =	sshrl.u32 s18, $0x3  }
0xb: {  	s21 =	sshrl.u32 s4, $0x1;
	s8 =	sadd.s32 s8, s0;
	s23 =	sadd.s32 s18, s2  }
0xc: {  	[dreg:$0x5] =	wrdreg s14;
	s5 =	sadd.s32 s7, s5;
	s9 =	sadd.s32 s9, s1  }
0xd: {  	s10 =	sadd.s32 s18, s10;
	s12 =	sadd.s32 s19, s1;
	s4 =	ssub.s32 s4, s21  }
0xe: {  	s26 =	sshrl.u32 s8, $0x3;
	s18 =	simm.s32 $0x80;
	s19 =	simm.s32 $0x1DE80  }
0xf: {  	s21 =	simm.s32 $0x1D700;
	s7 =	simm.s32 $0x1DE00;
	s8 =	simm.s32 $0x0  }
0x10: {  	s5 =	sshrl.u32 s5, $0x3;
	s20 =	sshrl.u32 s10, $0x3;
	s9 =	sadd.s32 $0x6A00, s9  }
0x11: {  	s24 =	sadd.s32 $0x55600, s12;
	s4 =	smax.u32 s4, $0x1;
	[dreg:$0xa] =	wrdreg s26  }
0x12: {  	s12 =	sshrl.u32 s23, $0x3;
	s23 =	simm.s32 $0x1D780;
	[dreg:$0x4] =	wrdreg s9  }
0x13: {  	s26 =	simm.s32 $0x1DC00;
	s11 =	sadd.s32 s5, s1;
	[dreg:$0x7] =	wrdreg s24  }
0x14: {  	s13 =	sadd.s32 s20, s1;
	s9 =	sadd.s32 $0x138000, s0;
	[dreg:$0x9] =	wrdreg s4  }
0x15: {  	s1 =	sadd.s32 $0x2DA00, s1;
	s20 =	simm.s32 $0x1;
	[dreg:$0xc] =	wrdreg s12  }
0x16: {  	s24 =	simm.s32 $0x1DB80;
	[dreg:$0x6] =	wrdreg s1;
	s25 =	sadd.s32 $0x168000, s13  }
0x17: {  	s10 =	sadd.s32 $0x10FE00, s11;
	s11 =	sadd.s32 $0x105E00, s11;
	s13 =	simm.s32 $0x2  }
0x18: {  	s4 =	sshrl.u32 @!p0 s9, $0x3;
	s1 =	simm.s32 $0x1D980;
	[dreg:$0x8] =	wrdreg s25  }
0x19: {  	[dreg:$0xb] =	wrdreg s4;
	s25 =	simm.s32 $0x1D800;
	s4 =	simm.s32 $0x1DD80  }
.LBB2_1:
0x1a: {  	s5 =	rddreg [dreg:$0x4]  }
0x1b: {  	s9 =	rddreg [dreg:$0xa]  }
0x1c: {  	[spmem:s9], [sflag:s14] =	dma.local [hbm:s5], $0x2700  }
0x1d: {  	_ =	swait.ge [sflag:s13], $0x2700  }
0x1e: {  	[sflag:s13] =	ssyncset.done $0x0;
	s5 =	rddreg [dreg:$0x6]  }
0x1f: {  	s9 =	rddreg [dreg:$0xb];
	[sflag:s13] =	ssyncadd.s32 $0xFFFFD900  }
0x20: {  	[spmem:s9], [sflag:s14] =	dma.local @!p0 [hbm:s5], $0x100  }
0x21: {  	s9 =	simm.s32 @!p0 $0x2  }
0x22: {  	_ =	swait.ge @!p0 [sflag:s9], $0x100  }
0x23: {  	[sflag:s9] =	ssyncset.done @!p0 $0x0  }
0x24: {  	[sflag:s9] =	ssyncadd.s32 @!p0 $0xFFFFFF00;
	s9 =	rddreg [dreg:$0x7]  }
0x25: {  	[spmem:s12], [sflag:s14] =	dma.local [hbm:s9], $0x13C0  }
0x26: {  	_ =	swait.ge [sflag:s13], $0x13C0  }
0x27: {  	[sflag:s13] =	ssyncset.done $0x0  }
0x28: {  	[sflag:s13] =	ssyncadd.s32 $0xFFFFEC40  }
0x29: {  	s14 =	sadd.s32 $0x0, s11;
	[bflag:$0x0] =	sbarrier.arrive $0xFFFF  }
0x2a: {  	[tilespmem:s16], [sflag:$0x2] =	stream.linear.gather [hbm4b:s14+s3], $0x400, $0x38;
	[tilespmem:$0x1FE80] =	vst v63  }
0x2b: {  	_ =	swait.ge [sflag:s13], $0x400  }
0x2c: {  	[sflag:s13] =	ssyncset.done $0x0  }
0x2d: {  	s15 =	sadd.s32 $0x0, s10;
	[sflag:s13] =	ssyncadd.s32 $0xFFFFFC00  }
0x2e: {  	[tilespmem:s17], [sflag:$0x2] =	stream.linear.gather [hbm4b:s15+s3], $0x400, $0x38;
	[tilespmem:$0x1FE80] =	vst v63  }
0x2f: {  	_ =	swait.ge [sflag:s13], $0x400  }
0x30: {  	[sflag:s13] =	ssyncset.done $0x0  }
0x31: {  	[sflag:s13] =	ssyncadd.s32 $0xFFFFFC00  }
0x32: {  	[tilespmem:s19], [sflag:$0x1] =	stream.indirect.gather [spmem:s0], $0x40, s16, s18, $0xb8;
	[tilespmem:$0x1FE80] =	vst v63  }
0x33: {  	_ =	swait.ge [sflag:s20], $0x2000  }
0x34: {  	[sflag:s20] =	ssyncset.done $0x0  }
0x35: {  	[sflag:s20] =	ssyncadd.s32 $0xFFFFE000  }
0x36: {  	[spmem:s2] =	stream.indirect.scatter.add.f32 [tilespmem:s19], [sflag:$0x2], $0x40, s17, s18, $0xb8;
	[tilespmem:$0x1FE80] =	vst v63  }
0x37: {  	_ =	swait.ge [sflag:s13], $0x2000  }
0x38: {  	[sflag:s13] =	ssyncset.done $0x0  }
0x39: {  	[sflag:s13] =	ssyncadd.s32 $0xFFFFE000  }
0x3a: {  	[tilespmem:s19], [sflag:$0x1] =	stream.indirect.gather [spmem:s0], $0x40, s21, s18, $0xb8;
	[tilespmem:$0x1FE80] =	vst v63  }
0x3b: {  	_ =	swait.ge [sflag:s20], $0x2000  }
0x3c: {  	[sflag:s20] =	ssyncset.done $0x0  }
0x3d: {  	[sflag:s20] =	ssyncadd.s32 $0xFFFFE000  }
0x3e: {  	[spmem:s2] =	stream.indirect.scatter.add.f32 [tilespmem:s19], [sflag:$0x2], $0x40, s22, s18, $0xb8;
	[tilespmem:$0x1FE80] =	vst v63  }
0x3f: {  	_ =	swait.ge [sflag:s13], $0x2000  }
0x40: {  	[sflag:s13] =	ssyncset.done $0x0  }
0x41: {  	[sflag:s13] =	ssyncadd.s32 $0xFFFFE000  }
0x42: {  	[tilespmem:s19], [sflag:$0x1] =	stream.indirect.gather [spmem:s0], $0x40, s23, s18, $0xb8;
	[tilespmem:$0x1FE80] =	vst v63  }
0x43: {  	_ =	swait.ge [sflag:s20], $0x2000  }
0x44: {  	[sflag:s20] =	ssyncset.done $0x0  }
0x45: {  	[sflag:s20] =	ssyncadd.s32 $0xFFFFE000  }
0x46: {  	[spmem:s2] =	stream.indirect.scatter.add.f32 [tilespmem:s19], [sflag:$0x2], $0x40, s24, s18, $0xb8;
	[tilespmem:$0x1FE80] =	vst v63  }
0x47: {  	_ =	swait.ge [sflag:s13], $0x2000  }
0x48: {  	[sflag:s13] =	ssyncset.done $0x0  }
0x49: {  	[sflag:s13] =	ssyncadd.s32 $0xFFFFE000  }
0x4a: {  	[tilespmem:s19], [sflag:$0x1] =	stream.indirect.gather [spmem:s0], $0x40, s25, s18, $0xb8;
	[tilespmem:$0x1FE80] =	vst v63  }
0x4b: {  	_ =	swait.ge [sflag:s20], $0x2000  }
0x4c: {  	[sflag:s20] =	ssyncset.done $0x0  }
0x4d: {  	[sflag:s20] =	ssyncadd.s32 $0xFFFFE000  }
0x4e: {  	[spmem:s2] =	stream.indirect.scatter.add.f32 [tilespmem:s19], [sflag:$0x2], $0x40, s26, s18, $0xb8;
	[tilespmem:$0x1FE80] =	vst v63  }
0x4f: {  	_ =	swait.ge [sflag:s13], $0x2000  }
0x50: {  	[sflag:s13] =	ssyncset.done $0x0  }
0x51: {  	[sflag:s13] =	ssyncadd.s32 $0xFFFFE000  }
0x52: {  	[tilespmem:s19], [sflag:$0x1] =	stream.indirect.gather [spmem:s0], $0x40, s28, s18, $0xb8;
	[tilespmem:$0x1FE80] =	vst v63  }
0x53: {  	_ =	swait.ge [sflag:s20], $0x2000  }
0x54: {  	[sflag:s20] =	ssyncset.done $0x0  }
0x55: {  	[sflag:s20] =	ssyncadd.s32 $0xFFFFE000  }
0x56: {  	[spmem:s2] =	stream.indirect.scatter.add.f32 [tilespmem:s19], [sflag:$0x2], $0x40, s29, s18, $0xb8;
	[tilespmem:$0x1FE80] =	vst v63  }
0x57: {  	_ =	swait.ge [sflag:s13], $0x2000  }
0x58: {  	[sflag:s13] =	ssyncset.done $0x0  }
0x59: {  	[sflag:s13] =	ssyncadd.s32 $0xFFFFE000  }
0x5a: {  	[tilespmem:s19], [sflag:$0x1] =	stream.indirect.gather [spmem:s0], $0x40, s30, s18, $0xb8;
	[tilespmem:$0x1FE80] =	vst v63  }
0x5b: {  	_ =	swait.ge [sflag:s20], $0x2000  }
0x5c: {  	[sflag:s20] =	ssyncset.done $0x0  }
0x5d: {  	[sflag:s20] =	ssyncadd.s32 $0xFFFFE000  }
0x5e: {  	[spmem:s2] =	stream.indirect.scatter.add.f32 [tilespmem:s19], [sflag:$0x2], $0x40, s31, s18, $0xb8;
	[tilespmem:$0x1FE80] =	vst v63  }
0x5f: {  	_ =	swait.ge [sflag:s13], $0x2000  }
0x60: {  	[sflag:s13] =	ssyncset.done $0x0  }
0x61: {  	[sflag:s13] =	ssyncadd.s32 $0xFFFFE000  }
0x62: {  	[tilespmem:s19], [sflag:$0x1] =	stream.indirect.gather [spmem:s0], $0x40, s1, s18, $0xb8;
	[tilespmem:$0x1FE80] =	vst v63  }
0x63: {  	_ =	swait.ge [sflag:s20], $0x2000  }
0x64: {  	[sflag:s20] =	ssyncset.done $0x0  }
0x65: {  	[sflag:s20] =	ssyncadd.s32 $0xFFFFE000  }
0x66: {  	[spmem:s2] =	stream.indirect.scatter.add.f32 [tilespmem:s19], [sflag:$0x2], $0x40, s4, s18, $0xb8;
	[tilespmem:$0x1FE80] =	vst v63  }
0x67: {  	_ =	swait.ge [sflag:s13], $0x2000  }
0x68: {  	[sflag:s13] =	ssyncset.done $0x0  }
0x69: {  	[sflag:s13] =	ssyncadd.s32 $0xFFFFE000  }
0x6a: {  	[tilespmem:s19], [sflag:$0x1] =	stream.indirect.gather [spmem:s0], $0x40, s6, s18, $0xb8;
	[tilespmem:$0x1FE80] =	vst v63  }
0x6b: {  	_ =	swait.ge [sflag:s20], $0x2000  }
0x6c: {  	[sflag:s20] =	ssyncset.done $0x0  }
0x6d: {  	[sflag:s20] =	ssyncadd.s32 $0xFFFFE000  }
0x6e: {  	[spmem:s2] =	stream.indirect.scatter.add.f32 [tilespmem:s19], [sflag:$0x2], $0x40, s7, s18, $0xb8;
	[tilespmem:$0x1FE80] =	vst v63  }
0x6f: {  	_ =	swait.ge [sflag:s13], $0x2000  }
0x70: {  	s9 =	simm.s32 $0x80;
	s12 =	simm.s32 $0x100;
	[sflag:s13] =	ssyncset.done $0x0  }
.LBB2_2:
0x71: {  	s15 =	sadd.s32 s9, s11  }
0x72: {  	[sflag:s13] =	ssyncadd.s32 $0xFFFFE000;
	s5 =	smov.u32 s12;
	s14 =	sadd.s32 $0x80, s12  }
0x73: {  	[tilespmem:s16], [sflag:$0x2] =	stream.linear.gather [hbm4b:s15+s3], $0x400, $0x38;
	[tilespmem:$0x1FE80] =	vst v63  }
0x74: {  	p1 =	sne.s32 s12, $0x480;
	_ =	swait.ge [sflag:s13], $0x400  }
0x75: {  	[sflag:s13] =	ssyncset.done $0x0  }
0x76: {  	s12 =	sadd.s32 s9, s10;
	s9 =	smov.u32 s5;
	[sflag:s13] =	ssyncadd.s32 $0xFFFFFC00  }
0x77: {  	[tilespmem:s17], [sflag:$0x2] =	stream.linear.gather [hbm4b:s12+s3], $0x400, $0x38;
	[tilespmem:$0x1FE80] =	vst v63  }
0x78: {  	_ =	swait.ge [sflag:s13], $0x400  }
0x79: {  	[sflag:s13] =	ssyncset.done $0x0  }
0x7a: {  	[sflag:s13] =	ssyncadd.s32 $0xFFFFFC00  }
0x7b: {  	[tilespmem:s19], [sflag:$0x1] =	stream.indirect.gather [spmem:s0], $0x40, s16, s18, $0xb8;
	[tilespmem:$0x1FE80] =	vst v63  }
0x7c: {  	_ =	swait.ge [sflag:s20], $0x2000  }
0x7d: {  	[sflag:s20] =	ssyncset.done $0x0  }
0x7e: {  	[sflag:s20] =	ssyncadd.s32 $0xFFFFE000  }
0x7f: {  	[spmem:s2] =	stream.indirect.scatter.add.f32 [tilespmem:s19], [sflag:$0x2], $0x40, s17, s18, $0xb8;
	[tilespmem:$0x1FE80] =	vst v63  }
0x80: {  	_ =	swait.ge [sflag:s13], $0x2000  }
0x81: {  	[sflag:s13] =	ssyncset.done $0x0  }
0x82: {  	[sflag:s13] =	ssyncadd.s32 $0xFFFFE000  }
0x83: {  	[tilespmem:s19], [sflag:$0x1] =	stream.indirect.gather [spmem:s0], $0x40, s21, s18, $0xb8;
	[tilespmem:$0x1FE80] =	vst v63  }
0x84: {  	_ =	swait.ge [sflag:s20], $0x2000  }
0x85: {  	[sflag:s20] =	ssyncset.done $0x0  }
0x86: {  	[sflag:s20] =	ssyncadd.s32 $0xFFFFE000  }
0x87: {  	[spmem:s2] =	stream.indirect.scatter.add.f32 [tilespmem:s19], [sflag:$0x2], $0x40, s22, s18, $0xb8;
	[tilespmem:$0x1FE80] =	vst v63  }
0x88: {  	_ =	swait.ge [sflag:s13], $0x2000  }
0x89: {  	[sflag:s13] =	ssyncset.done $0x0  }
0x8a: {  	[sflag:s13] =	ssyncadd.s32 $0xFFFFE000  }
0x8b: {  	[tilespmem:s19], [sflag:$0x1] =	stream.indirect.gather [spmem:s0], $0x40, s23, s18, $0xb8;
	[tilespmem:$0x1FE80] =	vst v63  }
0x8c: {  	_ =	swait.ge [sflag:s20], $0x2000  }
0x8d: {  	[sflag:s20] =	ssyncset.done $0x0  }
0x8e: {  	[sflag:s20] =	ssyncadd.s32 $0xFFFFE000  }
0x8f: {  	[spmem:s2] =	stream.indirect.scatter.add.f32 [tilespmem:s19], [sflag:$0x2], $0x40, s24, s18, $0xb8;
	[tilespmem:$0x1FE80] =	vst v63  }
0x90: {  	_ =	swait.ge [sflag:s13], $0x2000  }
0x91: {  	[sflag:s13] =	ssyncset.done $0x0  }
0x92: {  	[sflag:s13] =	ssyncadd.s32 $0xFFFFE000  }
0x93: {  	[tilespmem:s19], [sflag:$0x1] =	stream.indirect.gather [spmem:s0], $0x40, s25, s18, $0xb8;
	[tilespmem:$0x1FE80] =	vst v63  }
0x94: {  	_ =	swait.ge [sflag:s20], $0x2000  }
0x95: {  	[sflag:s20] =	ssyncset.done $0x0  }
0x96: {  	[sflag:s20] =	ssyncadd.s32 $0xFFFFE000  }
0x97: {  	[spmem:s2] =	stream.indirect.scatter.add.f32 [tilespmem:s19], [sflag:$0x2], $0x40, s26, s18, $0xb8;
	[tilespmem:$0x1FE80] =	vst v63  }
0x98: {  	_ =	swait.ge [sflag:s13], $0x2000  }
0x99: {  	[sflag:s13] =	ssyncset.done $0x0  }
0x9a: {  	[sflag:s13] =	ssyncadd.s32 $0xFFFFE000  }
0x9b: {  	[tilespmem:s19], [sflag:$0x1] =	stream.indirect.gather [spmem:s0], $0x40, s28, s18, $0xb8;
	[tilespmem:$0x1FE80] =	vst v63  }
0x9c: {  	_ =	swait.ge [sflag:s20], $0x2000  }
0x9d: {  	[sflag:s20] =	ssyncset.done $0x0  }
0x9e: {  	[sflag:s20] =	ssyncadd.s32 $0xFFFFE000  }
0x9f: {  	[spmem:s2] =	stream.indirect.scatter.add.f32 [tilespmem:s19], [sflag:$0x2], $0x40, s29, s18, $0xb8;
	[tilespmem:$0x1FE80] =	vst v63  }
0xa0: {  	_ =	swait.ge [sflag:s13], $0x2000  }
0xa1: {  	[sflag:s13] =	ssyncset.done $0x0  }
0xa2: {  	[sflag:s13] =	ssyncadd.s32 $0xFFFFE000  }
0xa3: {  	[tilespmem:s19], [sflag:$0x1] =	stream.indirect.gather [spmem:s0], $0x40, s30, s18, $0xb8;
	[tilespmem:$0x1FE80] =	vst v63  }
0xa4: {  	_ =	swait.ge [sflag:s20], $0x2000  }
0xa5: {  	[sflag:s20] =	ssyncset.done $0x0  }
0xa6: {  	[sflag:s20] =	ssyncadd.s32 $0xFFFFE000  }
0xa7: {  	[spmem:s2] =	stream.indirect.scatter.add.f32 [tilespmem:s19], [sflag:$0x2], $0x40, s31, s18, $0xb8;
	[tilespmem:$0x1FE80] =	vst v63  }
0xa8: {  	_ =	swait.ge [sflag:s13], $0x2000  }
0xa9: {  	[sflag:s13] =	ssyncset.done $0x0  }
0xaa: {  	[sflag:s13] =	ssyncadd.s32 $0xFFFFE000  }
0xab: {  	[tilespmem:s19], [sflag:$0x1] =	stream.indirect.gather [spmem:s0], $0x40, s1, s18, $0xb8;
	[tilespmem:$0x1FE80] =	vst v63  }
0xac: {  	_ =	swait.ge [sflag:s20], $0x2000  }
0xad: {  	[sflag:s20] =	ssyncset.done $0x0  }
0xae: {  	[sflag:s20] =	ssyncadd.s32 $0xFFFFE000  }
0xaf: {  	[spmem:s2] =	stream.indirect.scatter.add.f32 [tilespmem:s19], [sflag:$0x2], $0x40, s4, s18, $0xb8;
	[tilespmem:$0x1FE80] =	vst v63  }
0xb0: {  	_ =	swait.ge [sflag:s13], $0x2000  }
0xb1: {  	[sflag:s13] =	ssyncset.done $0x0  }
0xb2: {  	[sflag:s13] =	ssyncadd.s32 $0xFFFFE000  }
0xb3: {  	[tilespmem:s19], [sflag:$0x1] =	stream.indirect.gather [spmem:s0], $0x40, s6, s18, $0xb8;
	[tilespmem:$0x1FE80] =	vst v63  }
0xb4: {  	_ =	swait.ge [sflag:s20], $0x2000  }
.Ltmp0:
0xb5: {  	[sflag:s20] =	ssyncset.done $0x0;
	(pc) =	sbr.rel @p1 .LBB2_2-.Ltmp0, $4  }
0xb6: {  	[sflag:s20] =	ssyncadd.s32 $0xFFFFE000  }
0xb7: {  	[spmem:s2] =	stream.indirect.scatter.add.f32 [tilespmem:s19], [sflag:$0x2], $0x40, s7, s18, $0xb8;
	[tilespmem:$0x1FE80] =	vst v63  }
0xb8: {  	_ =	swait.ge [sflag:s13], $0x2000  }
0xb9: {  	s12 =	smov.u32 s14;
	[sflag:s13] =	ssyncset.done $0x0  }
0xba: {  	s5 =	sadd.s32 s9, s11;
	[sflag:s13] =	ssyncadd.s32 $0xFFFFE000  }
0xbb: {  	[tilespmem:s16], [sflag:$0x2] =	stream.linear.gather [hbm4b:s5+s3], $0x400, $0x38;
	[tilespmem:$0x1FE80] =	vst v63  }
0xbc: {  	_ =	swait.ge [sflag:s13], $0x400  }
0xbd: {  	[sflag:s13] =	ssyncset.done $0x0  }
0xbe: {  	s15 =	sadd.s32 s9, s10;
	[sflag:s13] =	ssyncadd.s32 $0xFFFFFC00  }
0xbf: {  	[tilespmem:s17], [sflag:$0x2] =	stream.linear.gather [hbm4b:s15+s3], $0x400, $0x38;
	[tilespmem:$0x1FE80] =	vst v63  }
0xc0: {  	_ =	swait.ge [sflag:s13], $0x400  }
0xc1: {  	[sflag:s13] =	ssyncset.done $0x0  }
0xc2: {  	[sflag:s13] =	ssyncadd.s32 $0xFFFFFC00  }
0xc3: {  	[tilespmem:s19], [sflag:$0x1] =	stream.indirect.gather [spmem:s0], $0x40, s16, s18, $0xb8;
	[tilespmem:$0x1FE80] =	vst v63  }
0xc4: {  	_ =	swait.ge [sflag:s20], $0x2000  }
0xc5: {  	[sflag:s20] =	ssyncset.done $0x0  }
0xc6: {  	[sflag:s20] =	ssyncadd.s32 $0xFFFFE000  }
0xc7: {  	[spmem:s2] =	stream.indirect.scatter.add.f32 [tilespmem:s19], [sflag:$0x2], $0x40, s17, s18, $0xb8;
	[tilespmem:$0x1FE80] =	vst v63  }
0xc8: {  	_ =	swait.ge [sflag:s13], $0x2000  }
0xc9: {  	[sflag:s13] =	ssyncset.done $0x0  }
0xca: {  	[sflag:s13] =	ssyncadd.s32 $0xFFFFE000  }
0xcb: {  	[tilespmem:s19], [sflag:$0x1] =	stream.indirect.gather [spmem:s0], $0x40, s21, s18, $0xb8;
	[tilespmem:$0x1FE80] =	vst v63  }
0xcc: {  	_ =	swait.ge [sflag:s20], $0x2000  }
0xcd: {  	[sflag:s20] =	ssyncset.done $0x0  }
0xce: {  	[sflag:s20] =	ssyncadd.s32 $0xFFFFE000  }
0xcf: {  	[spmem:s2] =	stream.indirect.scatter.add.f32 [tilespmem:s19], [sflag:$0x2], $0x40, s22, s18, $0xb8;
	[tilespmem:$0x1FE80] =	vst v63  }
0xd0: {  	_ =	swait.ge [sflag:s13], $0x2000  }
0xd1: {  	[sflag:s13] =	ssyncset.done $0x0  }
0xd2: {  	[sflag:s13] =	ssyncadd.s32 $0xFFFFE000  }
0xd3: {  	[tilespmem:s19], [sflag:$0x1] =	stream.indirect.gather [spmem:s0], $0x40, s23, s18, $0xb8;
	[tilespmem:$0x1FE80] =	vst v63  }
0xd4: {  	_ =	swait.ge [sflag:s20], $0x2000  }
0xd5: {  	[sflag:s20] =	ssyncset.done $0x0  }
0xd6: {  	[sflag:s20] =	ssyncadd.s32 $0xFFFFE000  }
0xd7: {  	[spmem:s2] =	stream.indirect.scatter.add.f32 [tilespmem:s19], [sflag:$0x2], $0x40, s24, s18, $0xb8;
	[tilespmem:$0x1FE80] =	vst v63  }
0xd8: {  	_ =	swait.ge [sflag:s13], $0x2000  }
0xd9: {  	[sflag:s13] =	ssyncset.done $0x0  }
0xda: {  	[sflag:s13] =	ssyncadd.s32 $0xFFFFE000  }
0xdb: {  	[tilespmem:s19], [sflag:$0x1] =	stream.indirect.gather [spmem:s0], $0x40, s25, s18, $0xb8;
	[tilespmem:$0x1FE80] =	vst v63  }
0xdc: {  	_ =	swait.ge [sflag:s20], $0x2000  }
0xdd: {  	[sflag:s20] =	ssyncset.done $0x0  }
0xde: {  	[sflag:s20] =	ssyncadd.s32 $0xFFFFE000  }
0xdf: {  	[spmem:s2] =	stream.indirect.scatter.add.f32 [tilespmem:s19], [sflag:$0x2], $0x40, s26, s18, $0xb8;
	[tilespmem:$0x1FE80] =	vst v63  }
0xe0: {  	_ =	swait.ge [sflag:s13], $0x2000  }
0xe1: {  	[sflag:s13] =	ssyncset.done $0x0  }
0xe2: {  	[sflag:s13] =	ssyncadd.s32 $0xFFFFE000  }
0xe3: {  	[tilespmem:s19], [sflag:$0x1] =	stream.indirect.gather [spmem:s0], $0x40, s28, s18, $0xb8;
	[tilespmem:$0x1FE80] =	vst v63  }
0xe4: {  	_ =	swait.ge [sflag:s20], $0x2000  }
0xe5: {  	[sflag:s20] =	ssyncset.done $0x0  }
0xe6: {  	[sflag:s20] =	ssyncadd.s32 $0xFFFFE000  }
0xe7: {  	[spmem:s2] =	stream.indirect.scatter.add.f32 [tilespmem:s19], [sflag:$0x2], $0x40, s29, s18, $0xb8;
	[tilespmem:$0x1FE80] =	vst v63  }
0xe8: {  	_ =	swait.ge [sflag:s13], $0x2000  }
0xe9: {  	[sflag:s13] =	ssyncset.done $0x0  }
0xea: {  	[sflag:s13] =	ssyncadd.s32 $0xFFFFE000  }
0xeb: {  	[tilespmem:s19], [sflag:$0x1] =	stream.indirect.gather [spmem:s0], $0x40, s30, s18, $0xb8;
	[tilespmem:$0x1FE80] =	vst v63  }
0xec: {  	_ =	swait.ge [sflag:s20], $0x2000  }
0xed: {  	[sflag:s20] =	ssyncset.done $0x0  }
0xee: {  	[sflag:s20] =	ssyncadd.s32 $0xFFFFE000  }
0xef: {  	[spmem:s2] =	stream.indirect.scatter.add.f32 [tilespmem:s19], [sflag:$0x2], $0x40, s31, s18, $0xb8;
	[tilespmem:$0x1FE80] =	vst v63  }
0xf0: {  	_ =	swait.ge [sflag:s13], $0x2000  }
0xf1: {  	[sflag:s13] =	ssyncset.done $0x0  }
0xf2: {  	[sflag:s13] =	ssyncadd.s32 $0xFFFFE000  }
0xf3: {  	[tilespmem:s19], [sflag:$0x1] =	stream.indirect.gather [spmem:s0], $0x40, s1, s18, $0xb8;
	[tilespmem:$0x1FE80] =	vst v63  }
0xf4: {  	_ =	swait.ge [sflag:s20], $0x2000  }
0xf5: {  	[sflag:s20] =	ssyncset.done $0x0  }
0xf6: {  	[sflag:s20] =	ssyncadd.s32 $0xFFFFE000  }
0xf7: {  	[spmem:s2] =	stream.indirect.scatter.add.f32 [tilespmem:s19], [sflag:$0x2], $0x40, s4, s18, $0xb8;
	[tilespmem:$0x1FE80] =	vst v63  }
0xf8: {  	_ =	swait.ge [sflag:s13], $0x2000  }
0xf9: {  	[sflag:s13] =	ssyncset.done $0x0  }
0xfa: {  	[sflag:s13] =	ssyncadd.s32 $0xFFFFE000  }
0xfb: {  	[tilespmem:s19], [sflag:$0x1] =	stream.indirect.gather [spmem:s0], $0x40, s6, s18, $0xb8;
	[tilespmem:$0x1FE80] =	vst v63  }
0xfc: {  	_ =	swait.ge [sflag:s20], $0x2000  }
0xfd: {  	[sflag:s20] =	ssyncset.done $0x0  }
0xfe: {  	[sflag:s20] =	ssyncadd.s32 $0xFFFFE000  }
0xff: {  	[spmem:s2] =	stream.indirect.scatter.add.f32 [tilespmem:s19], [sflag:$0x2], $0x40, s7, s18, $0xb8;
	[tilespmem:$0x1FE80] =	vst v63  }
0x100: {  	_ =	swait.ge [sflag:s13], $0x2000  }
0x101: {  	[sflag:s13] =	ssyncset.done $0x0  }
0x102: {  	[sflag:s13] =	ssyncadd.s32 $0xFFFFE000  }
0x103: {  	[bflag:$0x0] =	sbarrier.arrive $0xFFFF  }
0x104: {  	s14 =	rddreg [dreg:$0x5]  }
0x105: {  	s9 =	rddreg [dreg:$0x8]  }
0x106: {  	s12 =	rddreg [dreg:$0xc]  }
0x107: {  	[hbm:s9], [sflag:s14] =	dma.local [spmem:s12], $0x13C0  }
0x108: {  	_ =	swait.ge [sflag:s13], $0x13C0  }
0x109: {  	s8 =	sadd.s32 $0x1, s8;
	s15 =	rddreg [dreg:$0x9]  }
0x10a: {  	p1 =	sne.s32 s8, s15  }
.Ltmp1:
0x10b: {  	_ = 	snop;
	(pc) =	sbr.rel @p1 .LBB2_1-.Ltmp1, $3  }
0x10c: {  	_ =	sdelay $0x1  }
0x10d: {  	[sflag:s13] =	ssyncset.done $0x0  }
0x10e: {  	[sflag:s13] =	ssyncadd.s32 $0xFFFFEC40  }
0x10f: {  	_ =	sfence.sel $0x180000  }
0x110: {  	[bflag:$0x0] =	sbarrier.arrive $0xFFFF  }
0x111: {  	_ =	strace $0x90000059  }
0x112: {  	[bflag:$0x2] =	sbarrier.arrive $0xFFFF  }
0x113: {  	s0 =	rddreg [dreg:$0x3]  }
0x114: {  	s0 =	sadd.s32 @!p0 $0x100000, s0  }
0x115: {  	[sflag:s0] =	ssyncadd.tile.s32 @!p0 $0x1;
	_ =	shalt  }
.Lfunc_end2:
_tile_overlayer_lowered:
.L_overlay_start_2:
0x116: {  	(tag) =	ssettag $0x2  }
0x117: {  	s0 =	rddreg [dreg:$0x0];
	s2 =	stileid.u32  }
0x118: {  	s1 =	rddreg [dreg:$0x1];
	p0 =	sne.s32 s2, $0x0  }
0x119: {  	s3 =	rddreg [dreg:$0x2];
	[bflag:$0x3] =	sbarrier.arrive $0xFFFF;
	s2 =	simm.s32 @!p0 $0x1C02  }
0x11a: {  	[timem:s3], [sflag:s2] =	dma.local @!p0 [hbm:s0], s1  }
0x11b: {  	s0 =	simm.s32 @!p0 $0x2  }
0x11c: {  	_ =	swait.ge @!p0 [sflag:s0], s1  }
0x11d: {  	s1 =	ssub.s32 @!p0 $0x0, s1;
	[sflag:s0] =	ssyncset.done @!p0 $0x0  }
0x11e: {  	[sflag:s0] =	ssyncadd.s32 @!p0 s1  }
0x11f: {  	[bflag:$0x3] =	sbarrier.arrive $0xFFFF  }
0x120: {  	_ =	shalt  }

// kernel: kernel.41.cloned.1.call-start
scs
__scs_entry_jumppad:
0x0: {  	(pc) =	sbr.rel $0x88, $3  }
0x1: {  	(tag) =	ssettag $0x0;
	lr =	simm.s32 $0x1  }
0x2: {  	[smem:$0x3F88] =	sst lr;
	_ =	strace $0xD0000000  }
0x3: {  	_ = 	snop  }
0x4: {  	_ = 	snop  }
0x5: {  	_ = 	snop  }
0x6: {  	_ = 	snop  }
0x7: {  	_ = 	snop  }
__scs_overlays_trampoline_lowered:
0x8: {  	[smem:$0x3F97] =	sst s0  }
0x9: {  	[smem:$0x3F98] =	sst s1  }
0xa: {  	[smem:$0x3F99] =	sst s2  }
0xb: {  	[smem:$0x3F9A] =	sst s3  }
0xc: {  	[smem:$0x3F9B] =	sst s4  }
0xd: {  	[smem:$0x3F9C] =	sst s5  }
0xe: {  	[smem:$0x3F9D] =	sst s6  }
0xf: {  	[smem:$0x3F9E] =	sst s7  }
0x10: {  	[smem:$0x3F9F] =	sst s8  }
0x11: {  	[smem:$0x3FA0] =	sst s9;
	s0 =	simm.s32 @!p0 $0x0  }
0x12: {  	s1 =	sld [smem:$0x3F86];
	s0 =	simm.s32 @p0 $0x1  }
0x13: {  	[smem:$0x3FA1] =	sst s0;
	s0 =	simm.s32 @!p1 $0x0  }
0x14: {  	s2 =	sld [smem:$0x3F85];
	s0 =	simm.s32 @p1 $0x1  }
0x15: {  	[smem:$0x3FA2] =	sst s0;
	s0 =	simm.s32 @!p2 $0x0  }
0x16: {  	s3 =	sld [smem:$0x3FDB];
	s0 =	simm.s32 @p2 $0x1  }
0x17: {  	s4 =	simm.s32 $0x1BF5;
	[smem:$0x3FA4] =	sst s0  }
0x18: {  	s0 =	sld [smem:$0x3F87];
	_ =	swait.ge [sflag:s4], $0x0  }
0x19: {  	s7 =	sld [smem:$0x3F88]  }
0x1a: {  	s8 =	sadd.s32 $0xFFFFE003, lr  }
0x1b: {  	s9 =	sadd.s32 $0xFFFFFEF7, lr;
	s5 =	simm.s32 $0xFFFFFFFF;
	p2 =	slt.u32 s8, $0xFFFFF086  }
0x1c: {  	p1 =	slt.u32 s9, $0xF7A;
	s5 =	simm.s32 @!p2 $0x0  }
0x1d: {  	s5 =	simm.s32 @p1 $0x1;
	p0 =	seq.s32 s7, s2  }
0x1e: {  	s7 =	smul.u32 @!p0 $0xF7A, s2;
	p2 =	seq.s32 @!p0 s5, $0x0  }
0x1f: {  	s9 =	smul.u32 $0xF7A, s1;
	s8 =	simm.s32 @!p0 $0x1BF5;
	p2 =	por !p2, p0  }
0x20: {  	[sflag:s8] =	ssyncset.s32 @!p0 $0xFFFFF086;
	s6 =	sadd.s32 @!p0 s3, s7;
	s7 =	simm.s32 @!p0 $0x108  }
0x21: {  	s3 =	sadd.s32 s3, s9;
	s6 =	sadd.s32 @!p0 $0x88, s6;
	s7 =	simm.s32 @p2 $0x1082  }
0x22: {  	[simem:s7], [sflag:s8] =	dma.local @!p0 [hbm:s6], $0xF7A  }
0x23: {  	s9 =	sor.u32 $0xD0000000, s2;
	s6 =	simm.s32 $0x108;
	_ =	swait.ge @!p0 [sflag:s8], $0x0  }
0x24: {  	s3 =	sadd.s32 $0x88, s3;
	s6 =	simm.s32 @!p1 $0x1082;
	[sflag:s4] =	ssyncset.s32 $0xFFFFF086  }
0x25: {  	[simem:s6], [sflag:s4] =	dma.local [hbm:s3], $0xF7A  }
0x26: {  	[smem:$0x3F88] =	sst s1;
	(tag) =	ssettag s2;
	_ =	strace s9  }
0x27: {  	s1 =	sld [smem:$0x3F98]  }
0x28: {  	s2 =	sld [smem:$0x3F99]  }
0x29: {  	s4 =	sld [smem:$0x3F9B]  }
0x2a: {  	p0 =	seq.s32 s5, $0x0;
	s5 =	sld [smem:$0x3F9C]  }
0x2b: {  	s6 =	sld [smem:$0x3F9D]  }
0x2c: {  	s7 =	sld [smem:$0x3F9E]  }
0x2d: {  	s3 =	simm.s32 $0x108;
	s8 =	sld [smem:$0x3F9F]  }
0x2e: {  	s3 =	simm.s32 @!p0 $0x1082;
	s9 =	sld [smem:$0x3FA0]  }
0x2f: {  	lr =	sadd.s32 s0, s3;
	s0 =	sld [smem:$0x3F97]  }
0x30: {  	s3 =	sld [smem:$0x3F9A]  }
0x31: {  	[smem:$0x3FA3] =	sst s10  }
0x32: {  	s10 =	sld [smem:$0x3FA1];
	_ =	sdelay $0x3  }
0x33: {  	p0 =	seq.s32 s10, $0x1;
	s10 =	sld [smem:$0x3FA3];
	_ =	sdelay $0x3  }
0x34: {  	[smem:$0x3FA3] =	sst s10  }
0x35: {  	s10 =	sld [smem:$0x3FA2];
	_ =	sdelay $0x3  }
0x36: {  	p1 =	seq.s32 s10, $0x1;
	s10 =	sld [smem:$0x3FA3];
	_ =	sdelay $0x3  }
0x37: {  	[smem:$0x3FA3] =	sst s10  }
0x38: {  	s10 =	sld [smem:$0x3FA4]  }
0x39: {  	_ = 	snop;
	(pc) =	sbr.ind lr, $3  }
0x3a: {  	_ = 	snop  }
0x3b: {  	_ = 	snop  }
0x3c: {  	p2 =	seq.s32 s10, $0x1;
	s10 =	sld [smem:$0x3FA3]  }
0x3d: {  	_ =	shalt  }
0x3e: {  	_ =	shalt  }
0x3f: {  	_ =	shalt  }
0x40: {  	_ =	shalt  }
0x41: {  	_ =	shalt  }
0x42: {  	_ =	shalt  }
0x43: {  	_ =	shalt  }
0x44: {  	_ =	shalt  }
0x45: {  	_ =	shalt  }
0x46: {  	_ =	shalt  }
0x47: {  	_ =	shalt  }
0x48: {  	_ =	shalt  }
0x49: {  	_ =	shalt  }
0x4a: {  	_ =	shalt  }
0x4b: {  	_ =	shalt  }
0x4c: {  	_ =	shalt  }
0x4d: {  	_ =	shalt  }
0x4e: {  	_ =	shalt  }
0x4f: {  	_ =	shalt  }
0x50: {  	_ =	shalt  }
0x51: {  	_ =	shalt  }
0x52: {  	_ =	shalt  }
0x53: {  	_ =	shalt  }
0x54: {  	_ =	shalt  }
0x55: {  	_ =	shalt  }
0x56: {  	_ =	shalt  }
0x57: {  	_ =	shalt  }
0x58: {  	_ =	shalt  }
0x59: {  	_ =	shalt  }
0x5a: {  	_ =	shalt  }
0x5b: {  	_ =	shalt  }
0x5c: {  	_ =	shalt  }
0x5d: {  	_ =	shalt  }
0x5e: {  	_ =	shalt  }
0x5f: {  	_ =	shalt  }
0x60: {  	_ =	shalt  }
0x61: {  	_ =	shalt  }
0x62: {  	_ =	shalt  }
0x63: {  	_ =	shalt  }
0x64: {  	_ =	shalt  }
0x65: {  	_ =	shalt  }
0x66: {  	_ =	shalt  }
0x67: {  	_ =	shalt  }
0x68: {  	_ =	shalt  }
0x69: {  	_ =	shalt  }
0x6a: {  	_ =	shalt  }
0x6b: {  	_ =	shalt  }
0x6c: {  	_ =	shalt  }
0x6d: {  	_ =	shalt  }
0x6e: {  	_ =	shalt  }
0x6f: {  	_ =	shalt  }
0x70: {  	_ =	shalt  }
0x71: {  	_ =	shalt  }
0x72: {  	_ =	shalt  }
0x73: {  	_ =	shalt  }
0x74: {  	_ =	shalt  }
0x75: {  	_ =	shalt  }
0x76: {  	_ =	shalt  }
0x77: {  	_ =	shalt  }
0x78: {  	_ =	shalt  }
0x79: {  	_ =	shalt  }
0x7a: {  	_ =	shalt  }
0x7b: {  	_ =	shalt  }
0x7c: {  	_ =	shalt  }
0x7d: {  	_ =	shalt  }
0x7e: {  	_ =	shalt  }
0x7f: {  	_ =	shalt  }
0x80: {  	_ =	shalt  }
0x81: {  	_ =	shalt  }
0x82: {  	_ =	shalt  }
0x83: {  	_ =	shalt  }
0x84: {  	_ =	shalt  }
0x85: {  	_ =	shalt  }
0x86: {  	_ =	shalt  }
0x87: {  	_ =	shalt  }
.Lfunc_end0:
.L_simem_size_0:
called_computation.7_lowered:
.L_overlay_start_0:
0x88: {  	s2 =	sld [smem:$0x3FD9]  }
0x89: {  	s3 =	sld [smem:$0x3FFE];
	_ =	sdelay $0x1  }
0x8a: {  	s1 =	srdreg.scid  }
0x8b: {  	s0 =	sand.u32 $0x1, s1  }
0x8c: {  	s17 =	sshll.u32 s0, $0xA;
	s2 =	sadd.s32 s3, s2  }
0x8d: {  	s2 =	sadd.s32 s2, s17  }
0x8e: {  	[smem:$0x3FAF] =	sst s2  }
0x8f: {  	_ = 	snop  }
0x90: {  	s18 =	sld [smem:$0x3FD0];
	(tm) =	ssettm $0x1  }
0x91: {  	s19 =	sld [smem:$0x3FFB];
	_ =	sdelay $0x3  }
0x92: {  	_ =	strace s19  }
0x93: {  	s2 =	sld [smem:$0x3FFC];
	_ =	sdelay $0x3  }
0x94: {  	_ =	strace s2  }
0x95: {  	s2 =	sld [smem:$0x3FFD];
	_ =	sdelay $0x3  }
0x96: {  	_ =	strace s2  }
0x97: {  	_ =	strace $0x8FFFFFFF  }
0x98: {  	s20 =	sld [smem:$0x3FDB];
	_ =	sdelay $0x1  }
0x99: {  	s4 =	simm.s32 $_scs_section_size  }
0x9a: {  	s5 =	simm.s32 $_size__tile_overlayer_lowered;
	s6 =	simm.s32 $_tile_overlayer_lowered  }
0x9b: {  	s7 =	simm.s32 $0x1BFF;
	s21 =	sshll.u32 s6, $0x1;
	s4 =	sadd.s32 s4, s20  }
0x9c: {  	s22 =	simm.s32 $0x0;
	s5 =	sshll.u32 s5, $0x1;
	s6 =	sadd.s32 s21, s4  }
0x9d: {  	[timem:s22], [sflag:s7] =	dma.local [hbm:s6], s5  }
0x9e: {  	_ =	swait.ge [sflag:s7], s5  }
0x9f: {  	s5 =	ssub.s32 $0x0, s5;
	[sflag:s7] =	ssyncset.done $0x0  }
0xa0: {  	[sflag:s7] =	ssyncadd.s32 s5;
	_ =	sdelay $0x1  }
0xa1: {  	s23 =	simm.s32 $0x1B8B  }
0xa2: {  	_ =	swait.ge [sflag:s23], $0x1  }
0xa3: {  	[sflag:s23] =	ssyncset.done $0x0  }
0xa4: {  	[sflag:s23] =	ssyncadd.s32 $0xFFFFFFFF  }
0xa5: {  	s5 =	sld [smem:$0x0]  }
0xa6: {  	s6 =	sand.u32 $0xFFFFFFFE, s1  }
0xa7: {  	p0 =	sne.s32 s1, s6  }
0xa8: {  	s6 =	sshll.u32 @p0 s6, $0xE  }
0xa9: {  	s6 =	sadd.s32 @p0 $0x11B8D, s6;
	s7 =	sshll.u32 @p0 s5, $0x11  }
0xaa: {  	s6 =	sor.u32 @p0 s7, s6  }
0xab: {  	[sflag:s6] =	ssyncadd.remote.s32 @p0 $0x1;
	_ =	sdelay $0x1  }
0xac: {  	s6 =	simm.s32 @p0 $0x1B8D  }
0xad: {  	_ =	swait.eq @p0 [sflag:s6], $0x1  }
0xae: {  	[sflag:s6] =	ssyncadd.s32 @p0 $0xFFFFFFFF  }
0xaf: {  	s7 =	sshll.u32 @!p0 s1, $0xE  }
0xb0: {  	s7 =	sor.u32 @!p0 $0x4000, s7;
	s6 =	simm.s32 @!p0 $0x1B8D  }
0xb1: {  	s5 =	sshll.u32 @!p0 s5, $0x11;
	s7 =	sadd.s32 @!p0 $0x11B8D, s7;
	_ =	swait.eq @!p0 [sflag:s6], $0x1  }
0xb2: {  	s5 =	sor.u32 @!p0 s5, s7;
	[sflag:s6] =	ssyncadd.s32 @!p0 $0xFFFFFFFF  }
0xb3: {  	s25 =	simm.s32 $0x1B8E;
	s24 =	sld [smem:$0x3FFE];
	[sflag:s5] =	ssyncadd.remote.s32 @!p0 $0x1  }
0xb4: {  	s26 =	simm.s32 $execute0_lowered;
	[smem:$0x3FD2] =	sst s25  }
0xb5: {  	s6 =	sshll.u32 s26, $0x1;
	_ =	strace $0x8000005B;
	[dreg:$0x1] =	wrdreg $0xFFFFFFFF  }
0xb6: {  	s28 =	simm.s32 $_size_execute0_lowered;
	s4 =	sadd.s32 s4, s6;
	[dreg:$0x0] =	wrdreg $0x0  }
0xb7: {  	s6 =	sshll.u32 s28, $0x1;
	[dreg:$0x2] =	wrdreg s4  }
0xb8: {  	[dreg:$0x3] =	wrdreg s6  }
0xb9: {  	[dreg:$0x4] =	wrdreg $0xC0  }
0xba: {  	_ =	task [dreg:s22], $0x5FFFF  }
0xbb: {  	[dreg:$0x1] =	wrdreg $0xFFFFFFFF  }
0xbc: {  	[dreg:$0x0] =	wrdreg $0x60  }
0xbd: {  	[dreg:$0x2] =	wrdreg s24  }
0xbe: {  	[dreg:$0x3] =	wrdreg s18  }
0xbf: {  	[dreg:$0x4] =	wrdreg $0x0  }
0xc0: {  	[dreg:$0x5] =	wrdreg $0x9C400  }
0xc1: {  	[dreg:$0x6] =	wrdreg $0x9  }
0xc2: {  	_ =	task.clear_ibuf [dreg:s22], $0x7FFFF;
	_ =	strace $0x9000005B  }
0xc3: {  	s29 =	simm.s32 $0x9;
	_ =	strace $0x8000005D  }
0xc4: {  	_ =	swait.ge [sflag:s29], $0x1  }
0xc5: {  	[sflag:s29] =	ssyncadd.s32 $0xFFFFFFFF  }
0xc6: {  	_ =	strace $0x9000005D  }
0xc7: {  	_ =	sfence  }
0xc8: {  	s30 =	sld [smem:$0x0];
	_ =	sdelay $0x2  }
0xc9: {  	s31 =	sshll.u32 s1, $0xD;
	s1 =	sshrl.u32 s1, $0x2  }
0xca: {  	s4 =	sand.u32 $0x4000, s31;
	s1 =	sadd.s32 s1, s30  }
0xcb: {  	s0 =	sor.u32 s4, s0;
	s1 =	sshll.u32 s1, $0x11  }
0xcc: {  	s0 =	sor.u32 s1, s0  }
0xcd: {  	s0 =	sadd.s32 $0x8F2B, s0  }
0xce: {  	[sflag:s0] =	ssyncadd.remote.s32 $0x1  }
0xcf: {  	_ =	sfence.sel $0xFFFF  }
0xd0: {  	[dreg:$0x0] =	wrdreg $0xFFFFFFFF;
	(pc) =	sbr.abs _section_cstart, $3  }
0xd1: {  	[dreg:$0x1] =	wrdreg $0xFFFFFFFF  }
0xd2: {  	_ =	task.clear_ibuf [dreg:s22], $0x2FFFF;
	_ =	strace $0x9FFFFFFF  }
0xd3: {  	(tm) =	ssettm $0x7FFFFFFF  }
tec
execute0_lowered:
.L_overlay_start_1:
0x0: {  	(tag) =	ssettag $0x1  }
0x1: {  	s1 =	rddreg [dreg:$0x0]  }
0x2: {  	s4 =	rddreg [dreg:$0x1]  }
0x3: {  	s0 =	rddreg [dreg:$0x2];
	s6 =	stileid.u32  }
0x4: {  	s3 =	srdreg.scid;
	s2 =	rddreg [dreg:$0x3];
	s16 =	simm.s32 $0x13A40  }
0x5: {  	s17 =	simm.s32 $0x13E40;
	s18 =	simm.s32 $0x80;
	s28 =	simm.s32 $0x13C40  }
0x6: {  	s29 =	simm.s32 $0x14040;
	s30 =	simm.s32 $0x13CC0;
	s5 =	smul.u32 $0x9C00, s6  }
0x7: {  	s31 =	simm.s32 $0x140C0;
	s7 =	sand.u32 $0x1, s3;
	s9 =	smul.u32 $0x2800, s6  }
0x8: {  	s3 =	simm.s32 $0x0;
	s19 =	smul.u32 $0x9E00, s6;
	s22 =	sshll.u32 s6, $0x6  }
0x9: {  	s14 =	sadd.s32 $0x9C000, s0;
	p0 =	sne.s32 s6, $0x0;
	s6 =	simm.s32 $0x13DC0  }
0xa: {  	s8 =	smul.u32 $0x28000, s7;
	[smem:$0x7FF] =	sst s3;
	s11 =	ssub.s32 $0x2, s7  }
0xb: {  	s7 =	smul.u32 $0x9E000, s7;
	s15 =	sor.u32 $0x1C02, s22;
	s22 =	simm.s32 $0x13EC0  }
0xc: {  	_ =	strace $0x8000005C;
	s10 =	sshrl.u32 s5, $0x3;
	s12 =	sshrl.u32 s19, $0x3  }
0xd: {  	s13 =	sshrl.u32 s11, $0x1;
	s20 =	sadd.s32 s5, s0;
	s23 =	sadd.s32 s19, s2  }
0xe: {  	[dreg:$0x6] =	wrdreg s15;
	s8 =	sadd.s32 s9, s8;
	s10 =	sadd.s32 s10, s1  }
0xf: {  	s12 =	sadd.s32 s12, s1;
	s11 =	ssub.s32 s11, s13;
	s7 =	sadd.s32 s19, s7  }
0x10: {  	s26 =	sshrl.u32 s20, $0x3;
	s13 =	simm.s32 $0x2;
	s19 =	simm.s32 $0x14240  }
0x11: {  	s20 =	simm.s32 $0x1;
	s8 =	sshrl.u32 s8, $0x3;
	s21 =	sadd.s32 $0x2DC00, s10  }
0x12: {  	s7 =	sshrl.u32 s7, $0x3;
	s24 =	sadd.s32 $0x55600, s12;
	[dreg:$0xb] =	wrdreg s26  }
0x13: {  	s25 =	smax.u32 s11, $0x1;
	s12 =	sshrl.u32 s23, $0x3;
	[dreg:$0x5] =	wrdreg s21  }
0x14: {  	s23 =	simm.s32 $0x13B40;
	s26 =	simm.s32 $0x13FC0;
	[dreg:$0x8] =	wrdreg s24  }
0x15: {  	s8 =	sadd.s32 s8, s1;
	s1 =	sadd.s32 $0x41400, s1;
	[dreg:$0xa] =	wrdreg s25  }
0x16: {  	s4 =	sadd.s32 s4, s7;
	s21 =	simm.s32 $0x13AC0;
	[dreg:$0xd] =	wrdreg s12  }
0x17: {  	s24 =	simm.s32 $0x13F40;
	s25 =	simm.s32 $0x13BC0;
	[dreg:$0x7] =	wrdreg s1  }
0x18: {  	s7 =	simm.s32 $0x141C0;
	[dreg:$0x9] =	wrdreg s4;
	s10 =	sadd.s32 $0x4B600, s8  }
0x19: {  	s11 =	sadd.s32 $0x41600, s8;
	s4 =	sshrl.u32 @!p0 s14, $0x3;
	s1 =	simm.s32 $0x13D40  }
0x1a: {  	s8 =	simm.s32 $0x0;
	[dreg:$0xc] =	wrdreg s4;
	s4 =	simm.s32 $0x14140  }
.LBB2_1:
0x1b: {  	s5 =	rddreg [dreg:$0x5]  }
0x1c: {  	s9 =	rddreg [dreg:$0xb]  }
0x1d: {  	[spmem:s9], [sflag:s15] =	dma.local [hbm:s5], $0x1380  }
0x1e: {  	_ =	swait.ge [sflag:s13], $0x1380  }
0x1f: {  	[sflag:s13] =	ssyncset.done $0x0;
	s5 =	rddreg [dreg:$0x7]  }
0x20: {  	s9 =	rddreg [dreg:$0xc];
	[sflag:s13] =	ssyncadd.s32 $0xFFFFEC80  }
0x21: {  	[spmem:s9], [sflag:s15] =	dma.local @!p0 [hbm:s5], $0x80  }
0x22: {  	s9 =	simm.s32 @!p0 $0x2  }
0x23: {  	_ =	swait.ge @!p0 [sflag:s9], $0x80  }
0x24: {  	[sflag:s9] =	ssyncset.done @!p0 $0x0  }
0x25: {  	[sflag:s9] =	ssyncadd.s32 @!p0 $0xFFFFFF80;
	s9 =	rddreg [dreg:$0x8]  }
0x26: {  	[spmem:s12], [sflag:s15] =	dma.local [hbm:s9], $0x13C0  }
0x27: {  	_ =	swait.ge [sflag:s13], $0x13C0  }
0x28: {  	[sflag:s13] =	ssyncset.done $0x0  }
0x29: {  	[sflag:s13] =	ssyncadd.s32 $0xFFFFEC40  }
0x2a: {  	s14 =	sadd.s32 $0x0, s11;
	[bflag:$0x0] =	sbarrier.arrive $0xFFFF  }
0x2b: {  	[tilespmem:s16], [sflag:$0x2] =	stream.linear.gather [hbm4b:s14+s3], $0x400, $0x38;
	[tilespmem:$0x16240] =	vst v63  }
0x2c: {  	_ =	swait.ge [sflag:s13], $0x400  }
0x2d: {  	[sflag:s13] =	ssyncset.done $0x0  }
0x2e: {  	s15 =	sadd.s32 $0x0, s10;
	[sflag:s13] =	ssyncadd.s32 $0xFFFFFC00  }
0x2f: {  	[tilespmem:s17], [sflag:$0x2] =	stream.linear.gather [hbm4b:s15+s3], $0x400, $0x38;
	[tilespmem:$0x16240] =	vst v63  }
0x30: {  	_ =	swait.ge [sflag:s13], $0x400  }
0x31: {  	[sflag:s13] =	ssyncset.done $0x0  }
0x32: {  	[sflag:s13] =	ssyncadd.s32 $0xFFFFFC00  }
0x33: {  	[tilespmem:s19], [sflag:$0x1] =	stream.indirect.gather [spmem:s0], $0x40, s16, s18, $0xb8;
	[tilespmem:$0x16240] =	vst v63  }
0x34: {  	_ =	swait.ge [sflag:s20], $0x2000  }
0x35: {  	[sflag:s20] =	ssyncset.done $0x0  }
0x36: {  	[sflag:s20] =	ssyncadd.s32 $0xFFFFE000  }
0x37: {  	[spmem:s2] =	stream.indirect.scatter.add.f32 [tilespmem:s19], [sflag:$0x2], $0x40, s17, s18, $0xb8;
	[tilespmem:$0x16240] =	vst v63  }
0x38: {  	_ =	swait.ge [sflag:s13], $0x2000  }
0x39: {  	[sflag:s13] =	ssyncset.done $0x0  }
0x3a: {  	[sflag:s13] =	ssyncadd.s32 $0xFFFFE000  }
0x3b: {  	[tilespmem:s19], [sflag:$0x1] =	stream.indirect.gather [spmem:s0], $0x40, s21, s18, $0xb8;
	[tilespmem:$0x16240] =	vst v63  }
0x3c: {  	_ =	swait.ge [sflag:s20], $0x2000  }
0x3d: {  	[sflag:s20] =	ssyncset.done $0x0  }
0x3e: {  	[sflag:s20] =	ssyncadd.s32 $0xFFFFE000  }
0x3f: {  	[spmem:s2] =	stream.indirect.scatter.add.f32 [tilespmem:s19], [sflag:$0x2], $0x40, s22, s18, $0xb8;
	[tilespmem:$0x16240] =	vst v63  }
0x40: {  	_ =	swait.ge [sflag:s13], $0x2000  }
0x41: {  	[sflag:s13] =	ssyncset.done $0x0  }
0x42: {  	[sflag:s13] =	ssyncadd.s32 $0xFFFFE000  }
0x43: {  	[tilespmem:s19], [sflag:$0x1] =	stream.indirect.gather [spmem:s0], $0x40, s23, s18, $0xb8;
	[tilespmem:$0x16240] =	vst v63  }
0x44: {  	_ =	swait.ge [sflag:s20], $0x2000  }
0x45: {  	[sflag:s20] =	ssyncset.done $0x0  }
0x46: {  	[sflag:s20] =	ssyncadd.s32 $0xFFFFE000  }
0x47: {  	[spmem:s2] =	stream.indirect.scatter.add.f32 [tilespmem:s19], [sflag:$0x2], $0x40, s24, s18, $0xb8;
	[tilespmem:$0x16240] =	vst v63  }
0x48: {  	_ =	swait.ge [sflag:s13], $0x2000  }
0x49: {  	[sflag:s13] =	ssyncset.done $0x0  }
0x4a: {  	[sflag:s13] =	ssyncadd.s32 $0xFFFFE000  }
0x4b: {  	[tilespmem:s19], [sflag:$0x1] =	stream.indirect.gather [spmem:s0], $0x40, s25, s18, $0xb8;
	[tilespmem:$0x16240] =	vst v63  }
0x4c: {  	_ =	swait.ge [sflag:s20], $0x2000  }
0x4d: {  	[sflag:s20] =	ssyncset.done $0x0  }
0x4e: {  	[sflag:s20] =	ssyncadd.s32 $0xFFFFE000  }
0x4f: {  	[spmem:s2] =	stream.indirect.scatter.add.f32 [tilespmem:s19], [sflag:$0x2], $0x40, s26, s18, $0xb8;
	[tilespmem:$0x16240] =	vst v63  }
0x50: {  	_ =	swait.ge [sflag:s13], $0x2000  }
0x51: {  	[sflag:s13] =	ssyncset.done $0x0  }
0x52: {  	[sflag:s13] =	ssyncadd.s32 $0xFFFFE000  }
0x53: {  	[tilespmem:s19], [sflag:$0x1] =	stream.indirect.gather [spmem:s0], $0x40, s28, s18, $0xb8;
	[tilespmem:$0x16240] =	vst v63  }
0x54: {  	_ =	swait.ge [sflag:s20], $0x2000  }
0x55: {  	[sflag:s20] =	ssyncset.done $0x0  }
0x56: {  	[sflag:s20] =	ssyncadd.s32 $0xFFFFE000  }
0x57: {  	[spmem:s2] =	stream.indirect.scatter.add.f32 [tilespmem:s19], [sflag:$0x2], $0x40, s29, s18, $0xb8;
	[tilespmem:$0x16240] =	vst v63  }
0x58: {  	_ =	swait.ge [sflag:s13], $0x2000  }
0x59: {  	[sflag:s13] =	ssyncset.done $0x0  }
0x5a: {  	[sflag:s13] =	ssyncadd.s32 $0xFFFFE000  }
0x5b: {  	[tilespmem:s19], [sflag:$0x1] =	stream.indirect.gather [spmem:s0], $0x40, s30, s18, $0xb8;
	[tilespmem:$0x16240] =	vst v63  }
0x5c: {  	_ =	swait.ge [sflag:s20], $0x2000  }
0x5d: {  	[sflag:s20] =	ssyncset.done $0x0  }
0x5e: {  	[sflag:s20] =	ssyncadd.s32 $0xFFFFE000  }
0x5f: {  	[spmem:s2] =	stream.indirect.scatter.add.f32 [tilespmem:s19], [sflag:$0x2], $0x40, s31, s18, $0xb8;
	[tilespmem:$0x16240] =	vst v63  }
0x60: {  	_ =	swait.ge [sflag:s13], $0x2000  }
0x61: {  	[sflag:s13] =	ssyncset.done $0x0  }
0x62: {  	[sflag:s13] =	ssyncadd.s32 $0xFFFFE000  }
0x63: {  	[tilespmem:s19], [sflag:$0x1] =	stream.indirect.gather [spmem:s0], $0x40, s1, s18, $0xb8;
	[tilespmem:$0x16240] =	vst v63  }
0x64: {  	_ =	swait.ge [sflag:s20], $0x2000  }
0x65: {  	[sflag:s20] =	ssyncset.done $0x0  }
0x66: {  	[sflag:s20] =	ssyncadd.s32 $0xFFFFE000  }
0x67: {  	[spmem:s2] =	stream.indirect.scatter.add.f32 [tilespmem:s19], [sflag:$0x2], $0x40, s4, s18, $0xb8;
	[tilespmem:$0x16240] =	vst v63  }
0x68: {  	_ =	swait.ge [sflag:s13], $0x2000  }
0x69: {  	[sflag:s13] =	ssyncset.done $0x0  }
0x6a: {  	[sflag:s13] =	ssyncadd.s32 $0xFFFFE000  }
0x6b: {  	[tilespmem:s19], [sflag:$0x1] =	stream.indirect.gather [spmem:s0], $0x40, s6, s18, $0xb8;
	[tilespmem:$0x16240] =	vst v63  }
0x6c: {  	_ =	swait.ge [sflag:s20], $0x2000  }
0x6d: {  	[sflag:s20] =	ssyncset.done $0x0  }
0x6e: {  	[sflag:s20] =	ssyncadd.s32 $0xFFFFE000  }
0x6f: {  	[spmem:s2] =	stream.indirect.scatter.add.f32 [tilespmem:s19], [sflag:$0x2], $0x40, s7, s18, $0xb8;
	[tilespmem:$0x16240] =	vst v63  }
0x70: {  	_ =	swait.ge [sflag:s13], $0x2000  }
0x71: {  	s9 =	simm.s32 $0x80;
	s12 =	simm.s32 $0x100;
	[sflag:s13] =	ssyncset.done $0x0  }
.LBB2_2:
0x72: {  	s15 =	sadd.s32 s9, s11  }
0x73: {  	[sflag:s13] =	ssyncadd.s32 $0xFFFFE000;
	s5 =	smov.u32 s12;
	s14 =	sadd.s32 $0x80, s12  }
0x74: {  	[tilespmem:s16], [sflag:$0x2] =	stream.linear.gather [hbm4b:s15+s3], $0x400, $0x38;
	[tilespmem:$0x16240] =	vst v63  }
0x75: {  	p1 =	sne.s32 s12, $0x480;
	_ =	swait.ge [sflag:s13], $0x400  }
0x76: {  	[sflag:s13] =	ssyncset.done $0x0  }
0x77: {  	s12 =	sadd.s32 s9, s10;
	s9 =	smov.u32 s5;
	[sflag:s13] =	ssyncadd.s32 $0xFFFFFC00  }
0x78: {  	[tilespmem:s17], [sflag:$0x2] =	stream.linear.gather [hbm4b:s12+s3], $0x400, $0x38;
	[tilespmem:$0x16240] =	vst v63  }
0x79: {  	_ =	swait.ge [sflag:s13], $0x400  }
0x7a: {  	[sflag:s13] =	ssyncset.done $0x0  }
0x7b: {  	[sflag:s13] =	ssyncadd.s32 $0xFFFFFC00  }
0x7c: {  	[tilespmem:s19], [sflag:$0x1] =	stream.indirect.gather [spmem:s0], $0x40, s16, s18, $0xb8;
	[tilespmem:$0x16240] =	vst v63  }
0x7d: {  	_ =	swait.ge [sflag:s20], $0x2000  }
0x7e: {  	[sflag:s20] =	ssyncset.done $0x0  }
0x7f: {  	[sflag:s20] =	ssyncadd.s32 $0xFFFFE000  }
0x80: {  	[spmem:s2] =	stream.indirect.scatter.add.f32 [tilespmem:s19], [sflag:$0x2], $0x40, s17, s18, $0xb8;
	[tilespmem:$0x16240] =	vst v63  }
0x81: {  	_ =	swait.ge [sflag:s13], $0x2000  }
0x82: {  	[sflag:s13] =	ssyncset.done $0x0  }
0x83: {  	[sflag:s13] =	ssyncadd.s32 $0xFFFFE000  }
0x84: {  	[tilespmem:s19], [sflag:$0x1] =	stream.indirect.gather [spmem:s0], $0x40, s21, s18, $0xb8;
	[tilespmem:$0x16240] =	vst v63  }
0x85: {  	_ =	swait.ge [sflag:s20], $0x2000  }
0x86: {  	[sflag:s20] =	ssyncset.done $0x0  }
0x87: {  	[sflag:s20] =	ssyncadd.s32 $0xFFFFE000  }
0x88: {  	[spmem:s2] =	stream.indirect.scatter.add.f32 [tilespmem:s19], [sflag:$0x2], $0x40, s22, s18, $0xb8;
	[tilespmem:$0x16240] =	vst v63  }
0x89: {  	_ =	swait.ge [sflag:s13], $0x2000  }
0x8a: {  	[sflag:s13] =	ssyncset.done $0x0  }
0x8b: {  	[sflag:s13] =	ssyncadd.s32 $0xFFFFE000  }
0x8c: {  	[tilespmem:s19], [sflag:$0x1] =	stream.indirect.gather [spmem:s0], $0x40, s23, s18, $0xb8;
	[tilespmem:$0x16240] =	vst v63  }
0x8d: {  	_ =	swait.ge [sflag:s20], $0x2000  }
0x8e: {  	[sflag:s20] =	ssyncset.done $0x0  }
0x8f: {  	[sflag:s20] =	ssyncadd.s32 $0xFFFFE000  }
0x90: {  	[spmem:s2] =	stream.indirect.scatter.add.f32 [tilespmem:s19], [sflag:$0x2], $0x40, s24, s18, $0xb8;
	[tilespmem:$0x16240] =	vst v63  }
0x91: {  	_ =	swait.ge [sflag:s13], $0x2000  }
0x92: {  	[sflag:s13] =	ssyncset.done $0x0  }
0x93: {  	[sflag:s13] =	ssyncadd.s32 $0xFFFFE000  }
0x94: {  	[tilespmem:s19], [sflag:$0x1] =	stream.indirect.gather [spmem:s0], $0x40, s25, s18, $0xb8;
	[tilespmem:$0x16240] =	vst v63  }
0x95: {  	_ =	swait.ge [sflag:s20], $0x2000  }
0x96: {  	[sflag:s20] =	ssyncset.done $0x0  }
0x97: {  	[sflag:s20] =	ssyncadd.s32 $0xFFFFE000  }
0x98: {  	[spmem:s2] =	stream.indirect.scatter.add.f32 [tilespmem:s19], [sflag:$0x2], $0x40, s26, s18, $0xb8;
	[tilespmem:$0x16240] =	vst v63  }
0x99: {  	_ =	swait.ge [sflag:s13], $0x2000  }
0x9a: {  	[sflag:s13] =	ssyncset.done $0x0  }
0x9b: {  	[sflag:s13] =	ssyncadd.s32 $0xFFFFE000  }
0x9c: {  	[tilespmem:s19], [sflag:$0x1] =	stream.indirect.gather [spmem:s0], $0x40, s28, s18, $0xb8;
	[tilespmem:$0x16240] =	vst v63  }
0x9d: {  	_ =	swait.ge [sflag:s20], $0x2000  }
0x9e: {  	[sflag:s20] =	ssyncset.done $0x0  }
0x9f: {  	[sflag:s20] =	ssyncadd.s32 $0xFFFFE000  }
0xa0: {  	[spmem:s2] =	stream.indirect.scatter.add.f32 [tilespmem:s19], [sflag:$0x2], $0x40, s29, s18, $0xb8;
	[tilespmem:$0x16240] =	vst v63  }
0xa1: {  	_ =	swait.ge [sflag:s13], $0x2000  }
0xa2: {  	[sflag:s13] =	ssyncset.done $0x0  }
0xa3: {  	[sflag:s13] =	ssyncadd.s32 $0xFFFFE000  }
0xa4: {  	[tilespmem:s19], [sflag:$0x1] =	stream.indirect.gather [spmem:s0], $0x40, s30, s18, $0xb8;
	[tilespmem:$0x16240] =	vst v63  }
0xa5: {  	_ =	swait.ge [sflag:s20], $0x2000  }
0xa6: {  	[sflag:s20] =	ssyncset.done $0x0  }
0xa7: {  	[sflag:s20] =	ssyncadd.s32 $0xFFFFE000  }
0xa8: {  	[spmem:s2] =	stream.indirect.scatter.add.f32 [tilespmem:s19], [sflag:$0x2], $0x40, s31, s18, $0xb8;
	[tilespmem:$0x16240] =	vst v63  }
0xa9: {  	_ =	swait.ge [sflag:s13], $0x2000  }
0xaa: {  	[sflag:s13] =	ssyncset.done $0x0  }
0xab: {  	[sflag:s13] =	ssyncadd.s32 $0xFFFFE000  }
0xac: {  	[tilespmem:s19], [sflag:$0x1] =	stream.indirect.gather [spmem:s0], $0x40, s1, s18, $0xb8;
	[tilespmem:$0x16240] =	vst v63  }
0xad: {  	_ =	swait.ge [sflag:s20], $0x2000  }
0xae: {  	[sflag:s20] =	ssyncset.done $0x0  }
0xaf: {  	[sflag:s20] =	ssyncadd.s32 $0xFFFFE000  }
0xb0: {  	[spmem:s2] =	stream.indirect.scatter.add.f32 [tilespmem:s19], [sflag:$0x2], $0x40, s4, s18, $0xb8;
	[tilespmem:$0x16240] =	vst v63  }
0xb1: {  	_ =	swait.ge [sflag:s13], $0x2000  }
0xb2: {  	[sflag:s13] =	ssyncset.done $0x0  }
0xb3: {  	[sflag:s13] =	ssyncadd.s32 $0xFFFFE000  }
0xb4: {  	[tilespmem:s19], [sflag:$0x1] =	stream.indirect.gather [spmem:s0], $0x40, s6, s18, $0xb8;
	[tilespmem:$0x16240] =	vst v63  }
0xb5: {  	_ =	swait.ge [sflag:s20], $0x2000  }
.Ltmp0:
0xb6: {  	[sflag:s20] =	ssyncset.done $0x0;
	(pc) =	sbr.rel @p1 .LBB2_2-.Ltmp0, $4  }
0xb7: {  	[sflag:s20] =	ssyncadd.s32 $0xFFFFE000  }
0xb8: {  	[spmem:s2] =	stream.indirect.scatter.add.f32 [tilespmem:s19], [sflag:$0x2], $0x40, s7, s18, $0xb8;
	[tilespmem:$0x16240] =	vst v63  }
0xb9: {  	_ =	swait.ge [sflag:s13], $0x2000  }
0xba: {  	s12 =	smov.u32 s14;
	[sflag:s13] =	ssyncset.done $0x0  }
0xbb: {  	s5 =	sadd.s32 s9, s11;
	[sflag:s13] =	ssyncadd.s32 $0xFFFFE000  }
0xbc: {  	[tilespmem:s16], [sflag:$0x2] =	stream.linear.gather [hbm4b:s5+s3], $0x400, $0x38;
	[tilespmem:$0x16240] =	vst v63  }
0xbd: {  	_ =	swait.ge [sflag:s13], $0x400  }
0xbe: {  	[sflag:s13] =	ssyncset.done $0x0  }
0xbf: {  	s15 =	sadd.s32 s9, s10;
	[sflag:s13] =	ssyncadd.s32 $0xFFFFFC00  }
0xc0: {  	[tilespmem:s17], [sflag:$0x2] =	stream.linear.gather [hbm4b:s15+s3], $0x400, $0x38;
	[tilespmem:$0x16240] =	vst v63  }
0xc1: {  	_ =	swait.ge [sflag:s13], $0x400  }
0xc2: {  	[sflag:s13] =	ssyncset.done $0x0  }
0xc3: {  	[sflag:s13] =	ssyncadd.s32 $0xFFFFFC00  }
0xc4: {  	[tilespmem:s19], [sflag:$0x1] =	stream.indirect.gather [spmem:s0], $0x40, s16, s18, $0xb8;
	[tilespmem:$0x16240] =	vst v63  }
0xc5: {  	_ =	swait.ge [sflag:s20], $0x2000  }
0xc6: {  	[sflag:s20] =	ssyncset.done $0x0  }
0xc7: {  	[sflag:s20] =	ssyncadd.s32 $0xFFFFE000  }
0xc8: {  	[spmem:s2] =	stream.indirect.scatter.add.f32 [tilespmem:s19], [sflag:$0x2], $0x40, s17, s18, $0xb8;
	[tilespmem:$0x16240] =	vst v63  }
0xc9: {  	_ =	swait.ge [sflag:s13], $0x2000  }
0xca: {  	[sflag:s13] =	ssyncset.done $0x0  }
0xcb: {  	[sflag:s13] =	ssyncadd.s32 $0xFFFFE000  }
0xcc: {  	[tilespmem:s19], [sflag:$0x1] =	stream.indirect.gather [spmem:s0], $0x40, s21, s18, $0xb8;
	[tilespmem:$0x16240] =	vst v63  }
0xcd: {  	_ =	swait.ge [sflag:s20], $0x2000  }
0xce: {  	[sflag:s20] =	ssyncset.done $0x0  }
0xcf: {  	[sflag:s20] =	ssyncadd.s32 $0xFFFFE000  }
0xd0: {  	[spmem:s2] =	stream.indirect.scatter.add.f32 [tilespmem:s19], [sflag:$0x2], $0x40, s22, s18, $0xb8;
	[tilespmem:$0x16240] =	vst v63  }
0xd1: {  	_ =	swait.ge [sflag:s13], $0x2000  }
0xd2: {  	[sflag:s13] =	ssyncset.done $0x0  }
0xd3: {  	[sflag:s13] =	ssyncadd.s32 $0xFFFFE000  }
0xd4: {  	[tilespmem:s19], [sflag:$0x1] =	stream.indirect.gather [spmem:s0], $0x40, s23, s18, $0xb8;
	[tilespmem:$0x16240] =	vst v63  }
0xd5: {  	_ =	swait.ge [sflag:s20], $0x2000  }
0xd6: {  	[sflag:s20] =	ssyncset.done $0x0  }
0xd7: {  	[sflag:s20] =	ssyncadd.s32 $0xFFFFE000  }
0xd8: {  	[spmem:s2] =	stream.indirect.scatter.add.f32 [tilespmem:s19], [sflag:$0x2], $0x40, s24, s18, $0xb8;
	[tilespmem:$0x16240] =	vst v63  }
0xd9: {  	_ =	swait.ge [sflag:s13], $0x2000  }
0xda: {  	[sflag:s13] =	ssyncset.done $0x0  }
0xdb: {  	[sflag:s13] =	ssyncadd.s32 $0xFFFFE000  }
0xdc: {  	[tilespmem:s19], [sflag:$0x1] =	stream.indirect.gather [spmem:s0], $0x40, s25, s18, $0xb8;
	[tilespmem:$0x16240] =	vst v63  }
0xdd: {  	_ =	swait.ge [sflag:s20], $0x2000  }
0xde: {  	[sflag:s20] =	ssyncset.done $0x0  }
0xdf: {  	[sflag:s20] =	ssyncadd.s32 $0xFFFFE000  }
0xe0: {  	[spmem:s2] =	stream.indirect.scatter.add.f32 [tilespmem:s19], [sflag:$0x2], $0x40, s26, s18, $0xb8;
	[tilespmem:$0x16240] =	vst v63  }
0xe1: {  	_ =	swait.ge [sflag:s13], $0x2000  }
0xe2: {  	[sflag:s13] =	ssyncset.done $0x0  }
0xe3: {  	[sflag:s13] =	ssyncadd.s32 $0xFFFFE000  }
0xe4: {  	[tilespmem:s19], [sflag:$0x1] =	stream.indirect.gather [spmem:s0], $0x40, s28, s18, $0xb8;
	[tilespmem:$0x16240] =	vst v63  }
0xe5: {  	_ =	swait.ge [sflag:s20], $0x2000  }
0xe6: {  	[sflag:s20] =	ssyncset.done $0x0  }
0xe7: {  	[sflag:s20] =	ssyncadd.s32 $0xFFFFE000  }
0xe8: {  	[spmem:s2] =	stream.indirect.scatter.add.f32 [tilespmem:s19], [sflag:$0x2], $0x40, s29, s18, $0xb8;
	[tilespmem:$0x16240] =	vst v63  }
0xe9: {  	_ =	swait.ge [sflag:s13], $0x2000  }
0xea: {  	[sflag:s13] =	ssyncset.done $0x0  }
0xeb: {  	[sflag:s13] =	ssyncadd.s32 $0xFFFFE000  }
0xec: {  	[tilespmem:s19], [sflag:$0x1] =	stream.indirect.gather [spmem:s0], $0x40, s30, s18, $0xb8;
	[tilespmem:$0x16240] =	vst v63  }
0xed: {  	_ =	swait.ge [sflag:s20], $0x2000  }
0xee: {  	[sflag:s20] =	ssyncset.done $0x0  }
0xef: {  	[sflag:s20] =	ssyncadd.s32 $0xFFFFE000  }
0xf0: {  	[spmem:s2] =	stream.indirect.scatter.add.f32 [tilespmem:s19], [sflag:$0x2], $0x40, s31, s18, $0xb8;
	[tilespmem:$0x16240] =	vst v63  }
0xf1: {  	_ =	swait.ge [sflag:s13], $0x2000  }
0xf2: {  	[sflag:s13] =	ssyncset.done $0x0  }
0xf3: {  	[sflag:s13] =	ssyncadd.s32 $0xFFFFE000  }
0xf4: {  	[tilespmem:s19], [sflag:$0x1] =	stream.indirect.gather [spmem:s0], $0x40, s1, s18, $0xb8;
	[tilespmem:$0x16240] =	vst v63  }
0xf5: {  	_ =	swait.ge [sflag:s20], $0x2000  }
0xf6: {  	[sflag:s20] =	ssyncset.done $0x0  }
0xf7: {  	[sflag:s20] =	ssyncadd.s32 $0xFFFFE000  }
0xf8: {  	[spmem:s2] =	stream.indirect.scatter.add.f32 [tilespmem:s19], [sflag:$0x2], $0x40, s4, s18, $0xb8;
	[tilespmem:$0x16240] =	vst v63  }
0xf9: {  	_ =	swait.ge [sflag:s13], $0x2000  }
0xfa: {  	[sflag:s13] =	ssyncset.done $0x0  }
0xfb: {  	[sflag:s13] =	ssyncadd.s32 $0xFFFFE000  }
0xfc: {  	[tilespmem:s19], [sflag:$0x1] =	stream.indirect.gather [spmem:s0], $0x40, s6, s18, $0xb8;
	[tilespmem:$0x16240] =	vst v63  }
0xfd: {  	_ =	swait.ge [sflag:s20], $0x2000  }
0xfe: {  	[sflag:s20] =	ssyncset.done $0x0  }
0xff: {  	[sflag:s20] =	ssyncadd.s32 $0xFFFFE000  }
0x100: {  	[spmem:s2] =	stream.indirect.scatter.add.f32 [tilespmem:s19], [sflag:$0x2], $0x40, s7, s18, $0xb8;
	[tilespmem:$0x16240] =	vst v63  }
0x101: {  	_ =	swait.ge [sflag:s13], $0x2000  }
0x102: {  	[sflag:s13] =	ssyncset.done $0x0  }
0x103: {  	[sflag:s13] =	ssyncadd.s32 $0xFFFFE000  }
0x104: {  	[bflag:$0x0] =	sbarrier.arrive $0xFFFF  }
0x105: {  	s15 =	rddreg [dreg:$0x6]  }
0x106: {  	s9 =	rddreg [dreg:$0x9]  }
0x107: {  	s12 =	rddreg [dreg:$0xd]  }
0x108: {  	[hbm:s9], [sflag:s15] =	dma.local [spmem:s12], $0x13C0  }
0x109: {  	_ =	swait.ge [sflag:s13], $0x13C0  }
0x10a: {  	s8 =	sadd.s32 $0x1, s8;
	s14 =	rddreg [dreg:$0xa]  }
0x10b: {  	p1 =	sne.s32 s8, s14  }
.Ltmp1:
0x10c: {  	_ = 	snop;
	(pc) =	sbr.rel @p1 .LBB2_1-.Ltmp1, $3  }
0x10d: {  	_ =	sdelay $0x1  }
0x10e: {  	[sflag:s13] =	ssyncset.done $0x0  }
0x10f: {  	[sflag:s13] =	ssyncadd.s32 $0xFFFFEC40  }
0x110: {  	_ =	sfence.sel $0x180000  }
0x111: {  	[bflag:$0x0] =	sbarrier.arrive $0xFFFF  }
0x112: {  	_ =	strace $0x9000005C  }
0x113: {  	[bflag:$0x2] =	sbarrier.arrive $0xFFFF  }
0x114: {  	s0 =	rddreg [dreg:$0x4]  }
0x115: {  	s0 =	sadd.s32 @!p0 $0x100000, s0  }
0x116: {  	[sflag:s0] =	ssyncadd.tile.s32 @!p0 $0x1;
	_ =	shalt  }
.Lfunc_end2:
_tile_overlayer_lowered:
.L_overlay_start_2:
0x117: {  	(tag) =	ssettag $0x2  }
0x118: {  	s0 =	rddreg [dreg:$0x0];
	s2 =	stileid.u32  }
0x119: {  	s1 =	rddreg [dreg:$0x1];
	p0 =	sne.s32 s2, $0x0  }
0x11a: {  	s3 =	rddreg [dreg:$0x2];
	[bflag:$0x3] =	sbarrier.arrive $0xFFFF;
	s2 =	simm.s32 @!p0 $0x1C02  }
0x11b: {  	[timem:s3], [sflag:s2] =	dma.local @!p0 [hbm:s0], s1  }
0x11c: {  	s0 =	simm.s32 @!p0 $0x2  }
0x11d: {  	_ =	swait.ge @!p0 [sflag:s0], s1  }
0x11e: {  	s1 =	ssub.s32 @!p0 $0x0, s1;
	[sflag:s0] =	ssyncset.done @!p0 $0x0  }
0x11f: {  	[sflag:s0] =	ssyncadd.s32 @!p0 s1  }
0x120: {  	[bflag:$0x3] =	sbarrier.arrive $0xFFFF  }
0x121: {  	_ =	shalt  }

</sc_bundles>
